<compile_context>
chip_gen: v7x
topology: tpu7x:2x2x1
jax: 0.10.2.dev20260603
libtpu: 0.0.44.dev20260713+nightly
codegen_flags: <defaults>
</compile_context>

<pallas_src>
import numpy as np

import jax
import jax.numpy as jnp
from jax import lax
from jax.experimental import pallas as pl
from jax.experimental.pallas import tpu as pltpu
from jax.experimental.pallas import tpu_sc as plsc

H_HEADS = 8
N_LVL = 3
N_PTS = 4
D_MODEL = 256
HEAD_DIM = 32
HLP = H_HEADS * N_LVL * N_PTS

_B = 2
_LQ = 13125
_NQ = _B * _LQ

_NW = 32
_QW = 824
_NQ_PAD = _QW * _NW
_ROW_BLK = 824
_GRID = _NQ_PAD // _ROW_BLK
_G = 8
_NCH = _QW // _G
_TERMS = _G * 4 * HLP
_IDX_ROWS = _TERMS // 128
_WORDS = HEAD_DIM // 2

_VAL_PERM = np.concatenate([
    np.arange(128).reshape(8, 16) // 16 * 32 + np.arange(16)[None, :],
    np.arange(128).reshape(8, 16) // 16 * 32 + 16 + np.arange(16)[None, :],
]).reshape(-1)


def _prep_body(q_ref, vf_ref, rp_ref, wval_ref, bval_ref, woffy_ref, woffx_ref,
               boffy_ref, boffx_ref, wattn_ref, battn_ref, val_ref, idx_ref, wgt_ref):
    i = pl.program_id(0)
    row0 = i * _ROW_BLK
    rowi = row0 + lax.broadcasted_iota(jnp.int32, (_ROW_BLK, 1), 0)
    live = rowi < _NQ
    bf = jnp.minimum(rowi // _LQ, _B - 1).astype(jnp.float32)

    hi = lax.Precision.HIGHEST
    vf = jnp.where(live, vf_ref[...], 0.0)
    val = (jnp.dot(vf, wval_ref[...], preferred_element_type=jnp.float32, precision=hi)
           + bval_ref[...])
    lo_u = lax.bitcast_convert_type(val[:, :128].astype(jnp.bfloat16),
                                    jnp.uint16).astype(jnp.uint32)
    hi_u = lax.bitcast_convert_type(val[:, 128:].astype(jnp.bfloat16),
                                    jnp.uint16).astype(jnp.uint32)
    val_ref[...] = lax.bitcast_convert_type((hi_u << 16) | lo_u, jnp.float32)

    q = jnp.where(live, q_ref[...], 0.0)
    offy = jnp.dot(q, woffy_ref[...], preferred_element_type=jnp.float32, precision=hi) + boffy_ref[...]
    offx = jnp.dot(q, woffx_ref[...], preferred_element_type=jnp.float32, precision=hi) + boffx_ref[...]
    logits = jnp.dot(q, wattn_ref[...], preferred_element_type=jnp.float32, precision=hi) + battn_ref[...]

    colg = lax.broadcasted_iota(jnp.int32, (HLP, HLP), 0) // (N_LVL * N_PTS)
    colg2 = lax.broadcasted_iota(jnp.int32, (HLP, HLP), 1) // (N_LVL * N_PTS)
    grp = (colg == colg2).astype(jnp.float32)
    e = jnp.exp(logits)
    attn = e / jnp.dot(e, grp, preferred_element_type=jnp.float32, precision=hi)

    rp = jnp.where(live, rp_ref[...], 0.0)
    lcb = (lax.broadcasted_iota(jnp.int32, (1, HLP), 1) % (N_LVL * N_PTS)) // N_PTS
    def _sel(col_for_lvl):
        a0 = rp[:, col_for_lvl(0):col_for_lvl(0) + 1]
        a1 = rp[:, col_for_lvl(1):col_for_lvl(1) + 1]
        a2 = rp[:, col_for_lvl(2):col_for_lvl(2) + 1]
        return jnp.where(lcb == 0, a0, jnp.where(lcb == 1, a1, a2))
    rpy = _sel(lambda l: 2 * l)
    rpx = _sel(lambda l: 2 * l + 1)

    col = lax.broadcasted_iota(jnp.int32, (1, HLP), 1)
    lc = (col % (N_LVL * N_PTS)) // N_PTS
    hcf = (col // (N_LVL * N_PTS)).astype(jnp.float32)
    wf = jnp.where(lc == 0, 100.0, jnp.where(lc == 1, 50.0, 25.0)).astype(jnp.float32)
    lsi = jnp.where(lc == 0, 0.0, jnp.where(lc == 1, 10000.0, 12500.0)).astype(jnp.float32)

    x = rpx * wf + offx - 0.5
    y = rpy * wf + offy - 0.5
    x0 = jnp.floor(x)
    y0 = jnp.floor(y)
    fx = x - x0
    fy = y - y0
    wmax = wf - 1.0
    vx0 = ((x0 >= 0.0) & (x0 <= wmax)).astype(jnp.float32)
    vx1 = ((x0 >= -1.0) & (x0 <= wmax - 1.0)).astype(jnp.float32)
    vy0 = ((y0 >= 0.0) & (y0 <= wmax)).astype(jnp.float32)
    vy1 = ((y0 >= -1.0) & (y0 <= wmax - 1.0)).astype(jnp.float32)
    cx0 = jnp.clip(x0, 0.0, wmax)
    cx1 = jnp.clip(x0 + 1.0, 0.0, wmax)
    cy0 = jnp.clip(y0, 0.0, wmax)
    cy1 = jnp.clip(y0 + 1.0, 0.0, wmax)

    base = bf * jnp.float32(_LQ) + lsi
    gx0 = 1.0 - fx
    gy0 = 1.0 - fy
    corners = (
        (cy0, cx0, gy0 * gx0 * vy0 * vx0),
        (cy0, cx1, gy0 * fx * vy0 * vx1),
        (cy1, cx0, fy * gx0 * vy1 * vx0),
        (cy1, cx1, fy * fx * vy1 * vx1),
    )
    for c, (cy, cx, wbi) in enumerate(corners):
        rowf = (base + cy * wf + cx) * jnp.float32(H_HEADS) + hcf
        idx_ref[:, c, :] = rowf.astype(jnp.int32)
        wgt_ref[:, c, :] = attn * wbi


def _prep_call(q2, vf2, rp2, W_val, b_val, W_off, b_off, W_attn, b_attn):
    woffy = W_off[:, 0::2]
    woffx = W_off[:, 1::2]
    boffy = b_off[0::2].reshape(1, HLP)
    boffx = b_off[1::2].reshape(1, HLP)
    W_val_p = W_val[:, _VAL_PERM]
    b_val_p = b_val[_VAL_PERM]
    row_spec = pl.BlockSpec((_ROW_BLK, D_MODEL), lambda i: (i, 0))
    full = lambda shape: pl.BlockSpec(shape, lambda i: tuple(0 for _ in shape))
    return pl.pallas_call(
        _prep_body,
        grid=(_GRID,),
        in_specs=[
            row_spec,
            row_spec,
            pl.BlockSpec((_ROW_BLK, 2 * N_LVL), lambda i: (i, 0)),
            full((D_MODEL, D_MODEL)),
            full((1, D_MODEL)),
            full((D_MODEL, HLP)),
            full((D_MODEL, HLP)),
            full((1, HLP)),
            full((1, HLP)),
            full((D_MODEL, HLP)),
            full((1, HLP)),
        ],
        out_specs=[
            pl.BlockSpec((_ROW_BLK, _WORDS * H_HEADS), lambda i: (i, 0)),
            pl.BlockSpec((_ROW_BLK, 4, HLP), lambda i: (i, 0, 0)),
            pl.BlockSpec((_ROW_BLK, 4, HLP), lambda i: (i, 0, 0)),
        ],
        out_shape=[
            jax.ShapeDtypeStruct((_NQ_PAD, _WORDS * H_HEADS), jnp.float32),
            jax.ShapeDtypeStruct((_NQ_PAD, 4, HLP), jnp.int32),
            jax.ShapeDtypeStruct((_NQ_PAD, 4, HLP), jnp.float32),
        ],
    )(q2, vf2, rp2, W_val_p, b_val_p.reshape(1, D_MODEL), woffy, woffx,
      boffy, boffx, W_attn, b_attn.reshape(1, HLP))


def _sc_body(table_hbm, idx_hbm, w_hbm, out_hbm,
             idx_a, w_a, rows_a, idx_b, w_b, rows_b, out_v, sem_a, sem_b):
    wid = lax.axis_index("s") * 2 + lax.axis_index("c")
    base_q = wid * _QW

    def fire(c, idx_v, w_v, rows_v, sem):
        q0 = base_q + c * _G
        t0 = pl.multiple_of(q0 * (4 * HLP), 1024)
        pltpu.sync_copy(idx_hbm.at[pl.ds(t0, _TERMS)], idx_v)
        pltpu.sync_copy(w_hbm.at[pl.ds(t0, _TERMS)], w_v.at[pl.ds(0, _TERMS)])
        pltpu.async_copy(table_hbm.at[idx_v], rows_v, sem)

    def drain(rows_v, sem):
        pltpu.make_async_copy(table_hbm.at[pl.ds(0, _TERMS)], rows_v, sem).wait()

    mask_hi = jnp.full((16,), 0xFFFF0000, jnp.uint32)

    def compute(c, w_v, rows_v):
        def one_out(o, carry2):
            r = o // H_HEADS
            h = o % H_HEADS
            tb = r * (4 * HLP) + h * (N_LVL * N_PTS)
            acc0 = jnp.zeros((16,), jnp.float32)
            acc1 = jnp.zeros((16,), jnp.float32)
            for cc in range(4):
                w16 = w_v[pl.ds(tb + cc * HLP, 16)]
                for j in range(N_LVL * N_PTS):
                    t = tb + cc * HLP + j
                    wb = w16[j]
                    wu = lax.bitcast_convert_type(rows_v[t, pl.ds(0, _WORDS)],
                                                  jnp.uint32)
                    flo = lax.bitcast_convert_type(wu << 16, jnp.float32)
                    fhi = lax.bitcast_convert_type(wu & mask_hi, jnp.float32)
                    acc0 = acc0 + wb * flo
                    acc1 = acc1 + wb * fhi
            out_v[r, pl.ds(h * HEAD_DIM, 16)] = acc0
            out_v[r, pl.ds(h * HEAD_DIM + 16, 16)] = acc1
            return carry2

        lax.fori_loop(0, _G * H_HEADS, one_out, 0)
        o0 = pl.multiple_of(base_q + c * _G, 8)
        pltpu.sync_copy(out_v, out_hbm.at[pl.ds(o0, _G)])

    fire(0, idx_a, w_a, rows_a, sem_a)

    def pair(p, carry):
        c0 = 2 * p
        fire(c0 + 1, idx_b, w_b, rows_b, sem_b)
        drain(rows_a, sem_a)
        compute(c0, w_a, rows_a)
        fire(c0 + 2, idx_a, w_a, rows_a, sem_a)
        drain(rows_b, sem_b)
        compute(c0 + 1, w_b, rows_b)
        return carry

    lax.fori_loop(0, (_NCH - 1) // 2, pair, 0)
    drain(rows_a, sem_a)
    compute(_NCH - 1, w_a, rows_a)


def _sc_call(table, idx_flat2d, w_flat):
    mesh = plsc.VectorSubcoreMesh(core_axis_name="c", subcore_axis_name="s",
                                  num_cores=2, num_subcores=16)
    f = pl.kernel(
        _sc_body,
        out_type=jax.ShapeDtypeStruct((_NQ_PAD, D_MODEL), jnp.float32),
        mesh=mesh,
        scratch_types=[
            pltpu.VMEM((_TERMS,), jnp.int32),
            pltpu.VMEM((_TERMS + 16,), jnp.float32),
            pltpu.VMEM((_TERMS, _WORDS), jnp.float32),
            pltpu.VMEM((_TERMS,), jnp.int32),
            pltpu.VMEM((_TERMS + 16,), jnp.float32),
            pltpu.VMEM((_TERMS, _WORDS), jnp.float32),
            pltpu.VMEM((_G, D_MODEL), jnp.float32),
            pltpu.SemaphoreType.DMA,
            pltpu.SemaphoreType.DMA,
        ],
        compiler_params=pltpu.CompilerParams(use_tc_tiling_on_sc=False),
    )
    return f(table, idx_flat2d, w_flat)


def _out_body(x_ref, w_ref, b_ref, o_ref):
    o_ref[...] = (
        jnp.dot(x_ref[...], w_ref[...], preferred_element_type=jnp.float32,
                precision=lax.Precision.HIGHEST)
        + b_ref[...])


def _out_call(x2, W_out, b_out):
    row_spec = pl.BlockSpec((_ROW_BLK, D_MODEL), lambda i: (i, 0))
    return pl.pallas_call(
        _out_body,
        grid=(_GRID,),
        in_specs=[
            row_spec,
            pl.BlockSpec((D_MODEL, D_MODEL), lambda i: (0, 0)),
            pl.BlockSpec((1, D_MODEL), lambda i: (0, 0)),
        ],
        out_specs=row_spec,
        out_shape=jax.ShapeDtypeStruct((_NQ, D_MODEL), jnp.float32),
    )(x2, W_out, b_out.reshape(1, D_MODEL))


def kernel(query, reference_points, value_flat, spatial_shapes, level_start_index,
           W_off, b_off, W_attn, b_attn, W_val, b_val, W_out, b_out):
    B, Lq, d_model = query.shape
    q2 = query.reshape(_NQ, D_MODEL)
    vf2 = value_flat.reshape(_NQ, D_MODEL)
    rp2 = reference_points.reshape(_NQ, 2 * N_LVL)

    val, idx, wgt = _prep_call(q2, vf2, rp2, W_val, b_val, W_off, b_off, W_attn, b_attn)

    table = val.reshape(_NQ_PAD * H_HEADS, _WORDS)
    idxflat = idx.reshape(_NQ_PAD * 4 * HLP)
    wflat = wgt.reshape(_NQ_PAD * 4 * HLP)

    sc_out = _sc_call(table, idxflat, wflat)

    out = _out_call(sc_out, W_out, b_out)
    return out.reshape(B, Lq, d_model)

# --- scband reference (transcript-rebuilt; emitter-appended) ---
"""Pipeline reference for scband-msdeform-attn-24859270709854 (READ-ONLY COPY).

The authoritative reference and input builder live on the scoring server;
editing this copy changes nothing except your own understanding.
"""

import jax, jax.numpy as jnp
import numpy as np

N_HEADS, N_LEVELS, N_POINTS = 8, 3, 4
D_MODEL = 256
HEAD_DIM = D_MODEL // N_HEADS

_SPATIAL_SHAPES_STATIC = ((100, 100), (50, 50), (25, 25))


def _grid_sample(im, grid):
    # im: [N, C, H, W]; grid: [N, P, 2] with (x, y) in [-1, 1]
    # bilinear, padding_mode='zeros', align_corners=False (matches F.grid_sample)
    N, C, H, W = im.shape
    x = ((grid[..., 0] + 1.0) * W - 1.0) / 2.0
    y = ((grid[..., 1] + 1.0) * H - 1.0) / 2.0
    x0 = jnp.floor(x); y0 = jnp.floor(y)
    x1 = x0 + 1.0; y1 = y0 + 1.0
    wx1 = x - x0; wx0 = 1.0 - wx1
    wy1 = y - y0; wy0 = 1.0 - wy1
    flat = im.reshape(N, C, H * W)
    def gather(ix, iy):
        valid = ((ix >= 0) & (ix <= W - 1) & (iy >= 0) & (iy <= H - 1)).astype(im.dtype)
        ixc = jnp.clip(ix, 0, W - 1).astype(jnp.int32)
        iyc = jnp.clip(iy, 0, H - 1).astype(jnp.int32)
        idx = iyc * W + ixc
        v = jnp.take_along_axis(flat, idx[:, None, :], axis=2)
        return v * valid[:, None, :]
    out = (gather(x0, y0) * (wx0 * wy0)[:, None, :]
           + gather(x1, y0) * (wx1 * wy0)[:, None, :]
           + gather(x0, y1) * (wx0 * wy1)[:, None, :]
           + gather(x1, y1) * (wx1 * wy1)[:, None, :])
    return out


def setup_inputs(seed: int = 0):
    key = jax.random.key(seed)
    ks = jax.random.split(key, 8)
    B, Lq = 2, 13125
    query = jax.random.normal(ks[0], (B, Lq, D_MODEL), dtype=jnp.float32)
    value_flat = jax.random.normal(ks[1], (B, Lq, D_MODEL), dtype=jnp.float32)
    reference_points = jax.random.uniform(ks[2], (B, Lq, N_LEVELS, 2), dtype=jnp.float32)
    spatial_shapes = jnp.array([[100, 100], [50, 50], [25, 25]], dtype=jnp.int32)
    level_start_index = jnp.array([0, 10000, 12500], dtype=jnp.int32)
    W_off = jax.random.normal(ks[3], (D_MODEL, N_HEADS * N_LEVELS * N_POINTS * 2), dtype=jnp.float32) * 0.01
    b_off = jax.random.normal(ks[4], (N_HEADS * N_LEVELS * N_POINTS * 2,), dtype=jnp.float32) * 0.5
    W_attn = jax.random.normal(ks[5], (D_MODEL, N_HEADS * N_LEVELS * N_POINTS), dtype=jnp.float32) * 0.01
    b_attn = jnp.zeros((N_HEADS * N_LEVELS * N_POINTS,), dtype=jnp.float32)
    W_val = jax.random.normal(ks[6], (D_MODEL, D_MODEL), dtype=jnp.float32) * (1.0 / np.sqrt(D_MODEL))
    b_val = jnp.zeros((D_MODEL,), dtype=jnp.float32)
    W_out = jax.random.normal(ks[7], (D_MODEL, D_MODEL), dtype=jnp.float32) * (1.0 / np.sqrt(D_MODEL))
    b_out = jnp.zeros((D_MODEL,), dtype=jnp.float32)
    return {'query': query, 'reference_points': reference_points, 'value_flat': value_flat,
            'spatial_shapes': spatial_shapes, 'level_start_index': level_start_index,
            'W_off': W_off, 'b_off': b_off, 'W_attn': W_attn, 'b_attn': b_attn,
            'W_val': W_val, 'b_val': b_val, 'W_out': W_out, 'b_out': b_out}


def reference(query, reference_points, value_flat, spatial_shapes, level_start_index,
              W_off, b_off, W_attn, b_attn, W_val, b_val, W_out, b_out):
    B, Lq, d_model = query.shape
    value = value_flat @ W_val + b_val
    value = value.reshape(B, -1, N_HEADS, HEAD_DIM)
    offsets = (query @ W_off + b_off).reshape(B, Lq, N_HEADS, N_LEVELS, N_POINTS, 2)
    attn = (query @ W_attn + b_attn).reshape(B, Lq, N_HEADS, N_LEVELS * N_POINTS)
    attn = jax.nn.softmax(attn, axis=-1).reshape(B, Lq, N_HEADS, N_LEVELS, N_POINTS)
    shp = spatial_shapes.astype(jnp.float32)
    norm_off = offsets / shp[None, None, None, :, None, :]
    ref_exp = reference_points[:, :, None, :, None, :]
    locs = ref_exp + norm_off
    locs = locs[..., ::-1]
    locs = 2.0 * locs - 1.0
    output = jnp.zeros((B, Lq, N_HEADS, HEAD_DIM), dtype=query.dtype)
    for l in range(N_LEVELS):
        H_l, W_l = _SPATIAL_SHAPES_STATIC[l]
        s = level_start_index[l]
        val_l = jax.lax.dynamic_slice_in_dim(value, s, H_l * W_l, axis=1)
        val_l = val_l.reshape(B, H_l, W_l, N_HEADS, HEAD_DIM)
        val_l = jnp.transpose(val_l, (0, 3, 4, 1, 2)).reshape(B * N_HEADS, HEAD_DIM, H_l, W_l)
        sl = locs[:, :, :, l, :, :]
        sl = jnp.transpose(sl, (0, 2, 1, 3, 4)).reshape(B * N_HEADS, Lq * N_POINTS, 2)
        sampled = _grid_sample(val_l, sl)
        sampled = sampled.reshape(B, N_HEADS, HEAD_DIM, Lq, N_POINTS)
        sampled = jnp.transpose(sampled, (0, 3, 1, 4, 2))
        w = attn[:, :, :, l, :][..., None]
        output = output + (sampled * w).sum(axis=3)
    return output.reshape(B, Lq, d_model) @ W_out + b_out

if __name__ == "__main__":
    import jax
    _d = setup_inputs()
    print(jax.jit(kernel)(*tuple(_d.values())))

</pallas_src>

<mosaic_0001>
#map = affine_map<(d0, d1) -> (0, 0)>
#map1 = affine_map<(d0, d1) -> (0)>
module attributes {stable_mosaic.version = 14 : i64} {
  func.func @_sc_body(%arg0: i32, %arg1: i32, %arg2: memref<210944x16xf32, #tpu.memory_space<hbm>>, %arg3: memref<10125312xi32, #tpu.memory_space<hbm>>, %arg4: memref<10125312xf32, #tpu.memory_space<hbm>>, %arg5: memref<26368x256xf32, #tpu.memory_space<hbm>>, %arg6: memref<3072xi32, #tpu.memory_space<vmem>>, %arg7: memref<3088xf32, #tpu.memory_space<vmem>>, %arg8: memref<3072x16xf32, #tpu.memory_space<vmem>>, %arg9: memref<3072xi32, #tpu.memory_space<vmem>>, %arg10: memref<3088xf32, #tpu.memory_space<vmem>>, %arg11: memref<3072x16xf32, #tpu.memory_space<vmem>>, %arg12: memref<8x256xf32, #tpu.memory_space<vmem>>, %arg13: memref<!tpu.dma_semaphore, #tpu.memory_space<semaphore_mem>>, %arg14: memref<!tpu.dma_semaphore, #tpu.memory_space<semaphore_mem>>) attributes {dimension_semantics = [#tpu.dimension_semantics<core_parallel>, #tpu.dimension_semantics<subcore_parallel>], iteration_bounds = array<i64: 2, 16>, scalar_prefetch = 0 : i64, scratch_operands = 9 : i64, tpu.core_type = #tpu.core_type<sc_vector_subcore>, window_params = [{transform_indices = #map}, {transform_indices = #map1}, {transform_indices = #map1}, {transform_indices = #map}]} {
    %mul3A = arith.constant 2 : i32
    %mul3A_0 = arith.muli %arg1, %mul3A : i32
    %add3A = arith.addi %mul3A_0, %arg0 : i32
    %mul3A_1 = arith.constant 824 : i32
    %mul3A_2 = arith.muli %add3A, %mul3A_1 : i32
    %broadcast_in_dim3A = arith.constant -65536 : i32
    %broadcast_in_dim3A_3 = vector.broadcast %broadcast_in_dim3A : i32 to vector<16xi32>
    %add3A_4 = arith.constant 0 : i32
    %add3A_5 = arith.addi %mul3A_2, %add3A_4 : i32
    %mul3A_6 = arith.constant 384 : i32
    %mul3A_7 = arith.muli %add3A_5, %mul3A_6 : i32
    %multiple_of3A = tpu.assume_multiple %mul3A_7, 1024 : i32
    "tpu.region"() ({
      %run_scoped3A = tpu.sem_alloc : memref<!tpu.dma_semaphore, #tpu.memory_space<semaphore_mem>>
      %dma_start3A_29 = tpu.memref_slice %arg3[%multiple_of3A] : memref<10125312xi32, #tpu.memory_space<hbm>> -> memref<3072xi32, #tpu.memory_space<hbm>>
      %dma_start3A_30 = tpu.memref_slice %arg3[%multiple_of3A] : memref<10125312xi32, #tpu.memory_space<hbm>> -> memref<3072xi32, #tpu.memory_space<hbm>>
      tpu.enqueue_dma source(%dma_start3A_30 : memref<3072xi32, #tpu.memory_space<hbm>>) target(%arg6 : memref<3072xi32, #tpu.memory_space<vmem>>) target_semaphore(%run_scoped3A : memref<!tpu.dma_semaphore, #tpu.memory_space<semaphore_mem>>)
      %dma_wait3A_31 = tpu.memref_slice %arg3[%multiple_of3A] : memref<10125312xi32, #tpu.memory_space<hbm>> -> memref<3072xi32, #tpu.memory_space<hbm>>
      %dma_wait3A_32 = tpu.memref_slice %arg3[%multiple_of3A] : memref<10125312xi32, #tpu.memory_space<hbm>> -> memref<3072xi32, #tpu.memory_space<hbm>>
      tpu.wait_dma2 semaphore(%run_scoped3A : memref<!tpu.dma_semaphore, #tpu.memory_space<semaphore_mem>>) src(%dma_wait3A_32 : memref<3072xi32, #tpu.memory_space<hbm>>) dst(%arg6 : memref<3072xi32, #tpu.memory_space<vmem>>)
      tpu.yield
    }) : () -> ()
    "tpu.region"() ({
      %run_scoped3A = tpu.sem_alloc : memref<!tpu.dma_semaphore, #tpu.memory_space<semaphore_mem>>
      %dma_start3A_29 = arith.constant 0 : i32
      %dma_start3A_30 = tpu.memref_slice %arg7[%dma_start3A_29] : memref<3088xf32, #tpu.memory_space<vmem>> -> memref<3072xf32, #tpu.memory_space<vmem>>
      %dma_start3A_31 = tpu.memref_slice %arg4[%multiple_of3A] : memref<10125312xf32, #tpu.memory_space<hbm>> -> memref<3072xf32, #tpu.memory_space<hbm>>
      %dma_start3A_32 = arith.constant 0 : i32
      %dma_start3A_33 = tpu.memref_slice %arg7[%dma_start3A_32] : memref<3088xf32, #tpu.memory_space<vmem>> -> memref<3072xf32, #tpu.memory_space<vmem>>
      %dma_start3A_34 = tpu.memref_slice %arg4[%multiple_of3A] : memref<10125312xf32, #tpu.memory_space<hbm>> -> memref<3072xf32, #tpu.memory_space<hbm>>
      tpu.enqueue_dma source(%dma_start3A_34 : memref<3072xf32, #tpu.memory_space<hbm>>) target(%dma_start3A_33 : memref<3072xf32, #tpu.memory_space<vmem>>) target_semaphore(%run_scoped3A : memref<!tpu.dma_semaphore, #tpu.memory_space<semaphore_mem>>)
      %dma_wait3A_35 = arith.constant 0 : i32
      %dma_wait3A_36 = tpu.memref_slice %arg7[%dma_wait3A_35] : memref<3088xf32, #tpu.memory_space<vmem>> -> memref<3072xf32, #tpu.memory_space<vmem>>
      %dma_wait3A_37 = tpu.memref_slice %arg4[%multiple_of3A] : memref<10125312xf32, #tpu.memory_space<hbm>> -> memref<3072xf32, #tpu.memory_space<hbm>>
      %dma_wait3A_38 = arith.constant 0 : i32
      %dma_wait3A_39 = tpu.memref_slice %arg7[%dma_wait3A_38] : memref<3088xf32, #tpu.memory_space<vmem>> -> memref<3072xf32, #tpu.memory_space<vmem>>
      %dma_wait3A_40 = tpu.memref_slice %arg4[%multiple_of3A] : memref<10125312xf32, #tpu.memory_space<hbm>> -> memref<3072xf32, #tpu.memory_space<hbm>>
      tpu.wait_dma2 semaphore(%run_scoped3A : memref<!tpu.dma_semaphore, #tpu.memory_space<semaphore_mem>>) src(%dma_wait3A_40 : memref<3072xf32, #tpu.memory_space<hbm>>) dst(%dma_wait3A_39 : memref<3072xf32, #tpu.memory_space<vmem>>)
      tpu.yield
    }) : () -> ()
    %dma_start3A = arith.constant 0 : i32
    %dma_start3A_8 = arith.constant 0 : i32
    %dma_start3A_9 = tpu.memref_slice %arg2[%dma_start3A, %dma_start3A_8] : memref<210944x16xf32, #tpu.memory_space<hbm>> -> memref<210944x16xf32, #tpu.memory_space<hbm>>
    tpu.enqueue_indirect_dma source(%dma_start3A_9 : memref<210944x16xf32, #tpu.memory_space<hbm>>) target(%arg8 : memref<3072x16xf32, #tpu.memory_space<vmem>>) offsets(%arg6 : memref<3072xi32, #tpu.memory_space<vmem>>) semaphore(%arg13 : memref<!tpu.dma_semaphore, #tpu.memory_space<semaphore_mem>>)
    %scan3A = arith.constant 0 : i32
    %scan3A_10 = arith.constant 0 : i32
    %scan3A_11 = arith.constant 51 : i32
    %scan3A_12 = arith.addi %scan3A_10, %scan3A_11 : i32
    %scan3A_13 = arith.constant 1 : i32
    scf.for %scan3A_29 = %scan3A_10 to %scan3A_12 step %scan3A_13  : i32 {
      %mul3A_30 = arith.constant 2 : i32
      %mul3A_31 = arith.muli %mul3A_30, %scan3A_29 : i32
      %add3A_32 = arith.constant 1 : i32
      %add3A_33 = arith.addi %mul3A_31, %add3A_32 : i32
      %mul3A_34 = arith.constant 8 : i32
      %mul3A_35 = arith.muli %add3A_33, %mul3A_34 : i32
      %add3A_36 = arith.addi %mul3A_2, %mul3A_35 : i32
      %mul3A_37 = arith.constant 384 : i32
      %mul3A_38 = arith.muli %add3A_36, %mul3A_37 : i32
      %multiple_of3A_39 = tpu.assume_multiple %mul3A_38, 1024 : i32
      "tpu.region"() ({
        %run_scoped3A = tpu.sem_alloc : memref<!tpu.dma_semaphore, #tpu.memory_space<semaphore_mem>>
        %dma_start3A_88 = tpu.memref_slice %arg3[%multiple_of3A_39] : memref<10125312xi32, #tpu.memory_space<hbm>> -> memref<3072xi32, #tpu.memory_space<hbm>>
        %dma_start3A_89 = tpu.memref_slice %arg3[%multiple_of3A_39] : memref<10125312xi32, #tpu.memory_space<hbm>> -> memref<3072xi32, #tpu.memory_space<hbm>>
        tpu.enqueue_dma source(%dma_start3A_89 : memref<3072xi32, #tpu.memory_space<hbm>>) target(%arg9 : memref<3072xi32, #tpu.memory_space<vmem>>) target_semaphore(%run_scoped3A : memref<!tpu.dma_semaphore, #tpu.memory_space<semaphore_mem>>)
        %dma_wait3A_90 = tpu.memref_slice %arg3[%multiple_of3A_39] : memref<10125312xi32, #tpu.memory_space<hbm>> -> memref<3072xi32, #tpu.memory_space<hbm>>
        %dma_wait3A_91 = tpu.memref_slice %arg3[%multiple_of3A_39] : memref<10125312xi32, #tpu.memory_space<hbm>> -> memref<3072xi32, #tpu.memory_space<hbm>>
        tpu.wait_dma2 semaphore(%run_scoped3A : memref<!tpu.dma_semaphore, #tpu.memory_space<semaphore_mem>>) src(%dma_wait3A_91 : memref<3072xi32, #tpu.memory_space<hbm>>) dst(%arg9 : memref<3072xi32, #tpu.memory_space<vmem>>)
        tpu.yield
      }) : () -> ()
      "tpu.region"() ({
        %run_scoped3A = tpu.sem_alloc : memref<!tpu.dma_semaphore, #tpu.memory_space<semaphore_mem>>
        %dma_start3A_88 = arith.constant 0 : i32
        %dma_start3A_89 = tpu.memref_slice %arg10[%dma_start3A_88] : memref<3088xf32, #tpu.memory_space<vmem>> -> memref<3072xf32, #tpu.memory_space<vmem>>
        %dma_start3A_90 = tpu.memref_slice %arg4[%multiple_of3A_39] : memref<10125312xf32, #tpu.memory_space<hbm>> -> memref<3072xf32, #tpu.memory_space<hbm>>
        %dma_start3A_91 = arith.constant 0 : i32
        %dma_start3A_92 = tpu.memref_slice %arg10[%dma_start3A_91] : memref<3088xf32, #tpu.memory_space<vmem>> -> memref<3072xf32, #tpu.memory_space<vmem>>
        %dma_start3A_93 = tpu.memref_slice %arg4[%multiple_of3A_39] : memref<10125312xf32, #tpu.memory_space<hbm>> -> memref<3072xf32, #tpu.memory_space<hbm>>
        tpu.enqueue_dma source(%dma_start3A_93 : memref<3072xf32, #tpu.memory_space<hbm>>) target(%dma_start3A_92 : memref<3072xf32, #tpu.memory_space<vmem>>) target_semaphore(%run_scoped3A : memref<!tpu.dma_semaphore, #tpu.memory_space<semaphore_mem>>)
        %dma_wait3A_94 = arith.constant 0 : i32
        %dma_wait3A_95 = tpu.memref_slice %arg10[%dma_wait3A_94] : memref<3088xf32, #tpu.memory_space<vmem>> -> memref<3072xf32, #tpu.memory_space<vmem>>
        %dma_wait3A_96 = tpu.memref_slice %arg4[%multiple_of3A_39] : memref<10125312xf32, #tpu.memory_space<hbm>> -> memref<3072xf32, #tpu.memory_space<hbm>>
        %dma_wait3A_97 = arith.constant 0 : i32
        %dma_wait3A_98 = tpu.memref_slice %arg10[%dma_wait3A_97] : memref<3088xf32, #tpu.memory_space<vmem>> -> memref<3072xf32, #tpu.memory_space<vmem>>
        %dma_wait3A_99 = tpu.memref_slice %arg4[%multiple_of3A_39] : memref<10125312xf32, #tpu.memory_space<hbm>> -> memref<3072xf32, #tpu.memory_space<hbm>>
        tpu.wait_dma2 semaphore(%run_scoped3A : memref<!tpu.dma_semaphore, #tpu.memory_space<semaphore_mem>>) src(%dma_wait3A_99 : memref<3072xf32, #tpu.memory_space<hbm>>) dst(%dma_wait3A_98 : memref<3072xf32, #tpu.memory_space<vmem>>)
        tpu.yield
      }) : () -> ()
      %dma_start3A_40 = arith.constant 0 : i32
      %dma_start3A_41 = arith.constant 0 : i32
      %dma_start3A_42 = tpu.memref_slice %arg2[%dma_start3A_40, %dma_start3A_41] : memref<210944x16xf32, #tpu.memory_space<hbm>> -> memref<210944x16xf32, #tpu.memory_space<hbm>>
      tpu.enqueue_indirect_dma source(%dma_start3A_42 : memref<210944x16xf32, #tpu.memory_space<hbm>>) target(%arg11 : memref<3072x16xf32, #tpu.memory_space<vmem>>) offsets(%arg9 : memref<3072xi32, #tpu.memory_space<vmem>>) semaphore(%arg14 : memref<!tpu.dma_semaphore, #tpu.memory_space<semaphore_mem>>)
      %dma_wait3A_43 = arith.constant 0 : i32
      %dma_wait3A_44 = arith.constant 0 : i32
      %dma_wait3A_45 = tpu.memref_slice %arg2[%dma_wait3A_43, %dma_wait3A_44] : memref<210944x16xf32, #tpu.memory_space<hbm>> -> memref<3072x16xf32, #tpu.memory_space<hbm>>
      %dma_wait3A_46 = arith.constant 0 : i32
      %dma_wait3A_47 = arith.constant 0 : i32
      %dma_wait3A_48 = tpu.memref_slice %arg2[%dma_wait3A_46, %dma_wait3A_47] : memref<210944x16xf32, #tpu.memory_space<hbm>> -> memref<3072x16xf32, #tpu.memory_space<hbm>>
      tpu.wait_dma2 semaphore(%arg13 : memref<!tpu.dma_semaphore, #tpu.memory_space<semaphore_mem>>) src(%dma_wait3A_48 : memref<3072x16xf32, #tpu.memory_space<hbm>>) dst(%arg8 : memref<3072x16xf32, #tpu.memory_space<vmem>>)
      %scan3A_49 = arith.constant 0 : i32
      %scan3A_50 = arith.constant 0 : i32
      %scan3A_51 = arith.constant 64 : i32
      %scan3A_52 = arith.addi %scan3A_50, %scan3A_51 : i32
      %scan3A_53 = arith.constant 1 : i32
      scf.for %scan3A_88 = %scan3A_50 to %scan3A_52 step %scan3A_53  : i32 {
        %jit3A = arith.constant 8 : i32
        %div3A = arith.divsi %scan3A_88, %jit3A : i32
        %sign3A = arith.constant 0 : i32
        %sign3A_89 = arith.cmpi sgt, %scan3A_88, %sign3A : i32
        %sign3A_90 = arith.extui %sign3A_89 : i1 to i32
        %sign3A_91 = arith.constant 0 : i32
        %sign3A_92 = arith.cmpi slt, %scan3A_88, %sign3A_91 : i32
        %sign3A_93 = arith.extui %sign3A_92 : i1 to i32
        %sign3A_94 = arith.subi %sign3A_90, %sign3A_93 : i32
        %sign3A_95 = arith.constant 0 : i32
        %sign3A_96 = arith.cmpi sgt, %jit3A, %sign3A_95 : i32
        %sign3A_97 = arith.extui %sign3A_96 : i1 to i32
        %sign3A_98 = arith.constant 0 : i32
        %sign3A_99 = arith.cmpi slt, %jit3A, %sign3A_98 : i32
        %sign3A_100 = arith.extui %sign3A_99 : i1 to i32
        %sign3A_101 = arith.subi %sign3A_97, %sign3A_100 : i32
        %ne3A = arith.cmpi ne, %sign3A_94, %sign3A_101 : i32
        %rem3A = arith.remsi %scan3A_88, %jit3A : i32
        %ne3A_102 = arith.constant 0 : i32
        %ne3A_103 = arith.cmpi ne, %rem3A, %ne3A_102 : i32
        %and3A = arith.andi %ne3A, %ne3A_103 : i1
        %sub3A = arith.constant 1 : i32
        %sub3A_104 = arith.subi %div3A, %sub3A : i32
        %select_n3A = arith.select %and3A, %sub3A_104, %div3A : i32
        %jit3A_105 = arith.constant 8 : i32
        %eq3A = arith.constant 0 : i32
        %eq3A_106 = arith.cmpi eq, %jit3A_105, %eq3A : i32
        %jit3A_107 = arith.constant 1 : i32
        %select_n3A_108 = arith.select %eq3A_106, %jit3A_107, %jit3A_105 : i32
        %rem3A_109 = arith.remsi %scan3A_88, %select_n3A_108 : i32
        %ne3A_110 = arith.constant 0 : i32
        %ne3A_111 = arith.cmpi ne, %rem3A_109, %ne3A_110 : i32
        %lt3A = arith.constant 0 : i32
        %lt3A_112 = arith.cmpi slt, %rem3A_109, %lt3A : i32
        %lt3A_113 = arith.constant 0 : i32
        %lt3A_114 = arith.cmpi slt, %select_n3A_108, %lt3A_113 : i32
        %ne3A_115 = arith.xori %lt3A_112, %lt3A_114 : i1
        %and3A_116 = arith.andi %ne3A_115, %ne3A_111 : i1
        %add3A_117 = arith.addi %rem3A_109, %select_n3A_108 : i32
        %select_n3A_118 = arith.select %and3A_116, %add3A_117, %rem3A_109 : i32
        %mul3A_119 = arith.constant 384 : i32
        %mul3A_120 = arith.muli %select_n3A, %mul3A_119 : i32
        %mul3A_121 = arith.constant 12 : i32
        %mul3A_122 = arith.muli %select_n3A_118, %mul3A_121 : i32
        %add3A_123 = arith.addi %mul3A_120, %mul3A_122 : i32
        %broadcast_in_dim3A_124 = arith.constant 0.000000e+00 : f32
        %broadcast_in_dim3A_125 = vector.broadcast %broadcast_in_dim3A_124 : f32 to vector<16xf32>
        %broadcast_in_dim3A_126 = arith.constant 0.000000e+00 : f32
        %broadcast_in_dim3A_127 = vector.broadcast %broadcast_in_dim3A_126 : f32 to vector<16xf32>
        %add3A_128 = arith.constant 0 : i32
        %add3A_129 = arith.addi %add3A_123, %add3A_128 : i32
        %get3A = arith.index_cast %add3A_129 : i32 to index
        %get3A_130 = tpu.vector_load %arg7[%get3A] {strides = array<i32>} : memref<3088xf32, #tpu.memory_space<vmem>>, vector<16xf32>,
        %get3A_131 = vector.shape_cast %get3A_130 : vector<16xf32> to vector<16xf32>
        %add3A_132 = arith.constant 0 : i32
        %add3A_133 = arith.addi %add3A_123, %add3A_132 : i32
        %add3A_134 = arith.constant 0 : i32
        %add3A_135 = arith.addi %add3A_133, %add3A_134 : i32
        %slice3A = vector.extract_strided_slice %get3A_131 {offsets = [0], sizes = [1], strides = [1]} : vector<16xf32> to vector<1xf32>
        %squeeze3A = vector.extract %slice3A[0] : f32 from vector<1xf32>
        %get3A_136 = arith.index_cast %add3A_135 : i32 to index
        %get3A_137 = arith.constant 0 : index
        %get3A_138 = tpu.vector_load %arg8[%get3A_136, %get3A_137] {strides = array<i32>} : memref<3072x16xf32, #tpu.memory_space<vmem>>, vector<1x16xf32>,
        %get3A_139 = vector.shape_cast %get3A_138 : vector<1x16xf32> to vector<16xf32>
        %bitcast_convert_type3A = tpu.bitcast %get3A_139 : vector<16xf32> -> vector<16xi32>
        %shift_left3A = arith.constant 16 : i32
        %shift_left3A_140 = vector.broadcast %shift_left3A : i32 to vector<16xi32>
        %shift_left3A_141 = arith.shli %bitcast_convert_type3A, %shift_left3A_140 : vector<16xi32>
        %bitcast_convert_type3A_142 = tpu.bitcast %shift_left3A_141 : vector<16xi32> -> vector<16xf32>
        %and3A_143 = arith.andi %bitcast_convert_type3A, %broadcast_in_dim3A_3 : vector<16xi32>
        %bitcast_convert_type3A_144 = tpu.bitcast %and3A_143 : vector<16xi32> -> vector<16xf32>
        %mul3A_145 = vector.broadcast %squeeze3A : f32 to vector<16xf32>
        %mul3A_146 = arith.mulf %mul3A_145, %bitcast_convert_type3A_142 : vector<16xf32>
        %add3A_147 = arith.addf %broadcast_in_dim3A_125, %mul3A_146 : vector<16xf32>
        %mul3A_148 = vector.broadcast %squeeze3A : f32 to vector<16xf32>
        %mul3A_149 = arith.mulf %mul3A_148, %bitcast_convert_type3A_144 : vector<16xf32>
        %add3A_150 = arith.addf %broadcast_in_dim3A_127, %mul3A_149 : vector<16xf32>
        %add3A_151 = arith.constant 0 : i32
        %add3A_152 = arith.addi %add3A_123, %add3A_151 : i32
        %add3A_153 = arith.constant 1 : i32
        %add3A_154 = arith.addi %add3A_152, %add3A_153 : i32
        %slice3A_155 = vector.extract_strided_slice %get3A_131 {offsets = [1], sizes = [1], strides = [1]} : vector<16xf32> to vector<1xf32>
        %squeeze3A_156 = vector.extract %slice3A_155[0] : f32 from vector<1xf32>
        %get3A_157 = arith.index_cast %add3A_154 : i32 to index
        %get3A_158 = arith.constant 0 : index
        %get3A_159 = tpu.vector_load %arg8[%get3A_157, %get3A_158] {strides = array<i32>} : memref<3072x16xf32, #tpu.memory_space<vmem>>, vector<1x16xf32>,
        %get3A_160 = vector.shape_cast %get3A_159 : vector<1x16xf32> to vector<16xf32>
        %bitcast_convert_type3A_161 = tpu.bitcast %get3A_160 : vector<16xf32> -> vector<16xi32>
        %shift_left3A_162 = arith.constant 16 : i32
        %shift_left3A_163 = vector.broadcast %shift_left3A_162 : i32 to vector<16xi32>
        %shift_left3A_164 = arith.shli %bitcast_convert_type3A_161, %shift_left3A_163 : vector<16xi32>
        %bitcast_convert_type3A_165 = tpu.bitcast %shift_left3A_164 : vector<16xi32> -> vector<16xf32>
        %and3A_166 = arith.andi %bitcast_convert_type3A_161, %broadcast_in_dim3A_3 : vector<16xi32>
        %bitcast_convert_type3A_167 = tpu.bitcast %and3A_166 : vector<16xi32> -> vector<16xf32>
        %mul3A_168 = vector.broadcast %squeeze3A_156 : f32 to vector<16xf32>
        %mul3A_169 = arith.mulf %mul3A_168, %bitcast_convert_type3A_165 : vector<16xf32>
        %add3A_170 = arith.addf %add3A_147, %mul3A_169 : vector<16xf32>
        %mul3A_171 = vector.broadcast %squeeze3A_156 : f32 to vector<16xf32>
        %mul3A_172 = arith.mulf %mul3A_171, %bitcast_convert_type3A_167 : vector<16xf32>
        %add3A_173 = arith.addf %add3A_150, %mul3A_172 : vector<16xf32>
        %add3A_174 = arith.constant 0 : i32
        %add3A_175 = arith.addi %add3A_123, %add3A_174 : i32
        %add3A_176 = arith.constant 2 : i32
        %add3A_177 = arith.addi %add3A_175, %add3A_176 : i32
        %slice3A_178 = vector.extract_strided_slice %get3A_131 {offsets = [2], sizes = [1], strides = [1]} : vector<16xf32> to vector<1xf32>
        %squeeze3A_179 = vector.extract %slice3A_178[0] : f32 from vector<1xf32>
        %get3A_180 = arith.index_cast %add3A_177 : i32 to index
        %get3A_181 = arith.constant 0 : index
        %get3A_182 = tpu.vector_load %arg8[%get3A_180, %get3A_181] {strides = array<i32>} : memref<3072x16xf32, #tpu.memory_space<vmem>>, vector<1x16xf32>,
        %get3A_183 = vector.shape_cast %get3A_182 : vector<1x16xf32> to vector<16xf32>
        %bitcast_convert_type3A_184 = tpu.bitcast %get3A_183 : vector<16xf32> -> vector<16xi32>
        %shift_left3A_185 = arith.constant 16 : i32
        %shift_left3A_186 = vector.broadcast %shift_left3A_185 : i32 to vector<16xi32>
        %shift_left3A_187 = arith.shli %bitcast_convert_type3A_184, %shift_left3A_186 : vector<16xi32>
        %bitcast_convert_type3A_188 = tpu.bitcast %shift_left3A_187 : vector<16xi32> -> vector<16xf32>
        %and3A_189 = arith.andi %bitcast_convert_type3A_184, %broadcast_in_dim3A_3 : vector<16xi32>
        %bitcast_convert_type3A_190 = tpu.bitcast %and3A_189 : vector<16xi32> -> vector<16xf32>
        %mul3A_191 = vector.broadcast %squeeze3A_179 : f32 to vector<16xf32>
        %mul3A_192 = arith.mulf %mul3A_191, %bitcast_convert_type3A_188 : vector<16xf32>
        %add3A_193 = arith.addf %add3A_170, %mul3A_192 : vector<16xf32>
        %mul3A_194 = vector.broadcast %squeeze3A_179 : f32 to vector<16xf32>
        %mul3A_195 = arith.mulf %mul3A_194, %bitcast_convert_type3A_190 : vector<16xf32>
        %add3A_196 = arith.addf %add3A_173, %mul3A_195 : vector<16xf32>
        %add3A_197 = arith.constant 0 : i32
        %add3A_198 = arith.addi %add3A_123, %add3A_197 : i32
        %add3A_199 = arith.constant 3 : i32
        %add3A_200 = arith.addi %add3A_198, %add3A_199 : i32
        %slice3A_201 = vector.extract_strided_slice %get3A_131 {offsets = [3], sizes = [1], strides = [1]} : vector<16xf32> to vector<1xf32>
        %squeeze3A_202 = vector.extract %slice3A_201[0] : f32 from vector<1xf32>
        %get3A_203 = arith.index_cast %add3A_200 : i32 to index
        %get3A_204 = arith.constant 0 : index
        %get3A_205 = tpu.vector_load %arg8[%get3A_203, %get3A_204] {strides = array<i32>} : memref<3072x16xf32, #tpu.memory_space<vmem>>, vector<1x16xf32>,
        %get3A_206 = vector.shape_cast %get3A_205 : vector<1x16xf32> to vector<16xf32>
        %bitcast_convert_type3A_207 = tpu.bitcast %get3A_206 : vector<16xf32> -> vector<16xi32>
        %shift_left3A_208 = arith.constant 16 : i32
        %shift_left3A_209 = vector.broadcast %shift_left3A_208 : i32 to vector<16xi32>
        %shift_left3A_210 = arith.shli %bitcast_convert_type3A_207, %shift_left3A_209 : vector<16xi32>
        %bitcast_convert_type3A_211 = tpu.bitcast %shift_left3A_210 : vector<16xi32> -> vector<16xf32>
        %and3A_212 = arith.andi %bitcast_convert_type3A_207, %broadcast_in_dim3A_3 : vector<16xi32>
        %bitcast_convert_type3A_213 = tpu.bitcast %and3A_212 : vector<16xi32> -> vector<16xf32>
        %mul3A_214 = vector.broadcast %squeeze3A_202 : f32 to vector<16xf32>
        %mul3A_215 = arith.mulf %mul3A_214, %bitcast_convert_type3A_211 : vector<16xf32>
        %add3A_216 = arith.addf %add3A_193, %mul3A_215 : vector<16xf32>
        %mul3A_217 = vector.broadcast %squeeze3A_202 : f32 to vector<16xf32>
        %mul3A_218 = arith.mulf %mul3A_217, %bitcast_convert_type3A_213 : vector<16xf32>
        %add3A_219 = arith.addf %add3A_196, %mul3A_218 : vector<16xf32>
        %add3A_220 = arith.constant 0 : i32
        %add3A_221 = arith.addi %add3A_123, %add3A_220 : i32
        %add3A_222 = arith.constant 4 : i32
        %add3A_223 = arith.addi %add3A_221, %add3A_222 : i32
        %slice3A_224 = vector.extract_strided_slice %get3A_131 {offsets = [4], sizes = [1], strides = [1]} : vector<16xf32> to vector<1xf32>
        %squeeze3A_225 = vector.extract %slice3A_224[0] : f32 from vector<1xf32>
        %get3A_226 = arith.index_cast %add3A_223 : i32 to index
        %get3A_227 = arith.constant 0 : index
        %get3A_228 = tpu.vector_load %arg8[%get3A_226, %get3A_227] {strides = array<i32>} : memref<3072x16xf32, #tpu.memory_space<vmem>>, vector<1x16xf32>,
        %get3A_229 = vector.shape_cast %get3A_228 : vector<1x16xf32> to vector<16xf32>
        %bitcast_convert_type3A_230 = tpu.bitcast %get3A_229 : vector<16xf32> -> vector<16xi32>
        %shift_left3A_231 = arith.constant 16 : i32
        %shift_left3A_232 = vector.broadcast %shift_left3A_231 : i32 to vector<16xi32>
        %shift_left3A_233 = arith.shli %bitcast_convert_type3A_230, %shift_left3A_232 : vector<16xi32>
        %bitcast_convert_type3A_234 = tpu.bitcast %shift_left3A_233 : vector<16xi32> -> vector<16xf32>
        %and3A_235 = arith.andi %bitcast_convert_type3A_230, %broadcast_in_dim3A_3 : vector<16xi32>
        %bitcast_convert_type3A_236 = tpu.bitcast %and3A_235 : vector<16xi32> -> vector<16xf32>
        %mul3A_237 = vector.broadcast %squeeze3A_225 : f32 to vector<16xf32>
        %mul3A_238 = arith.mulf %mul3A_237, %bitcast_convert_type3A_234 : vector<16xf32>
        %add3A_239 = arith.addf %add3A_216, %mul3A_238 : vector<16xf32>
        %mul3A_240 = vector.broadcast %squeeze3A_225 : f32 to vector<16xf32>
        %mul3A_241 = arith.mulf %mul3A_240, %bitcast_convert_type3A_236 : vector<16xf32>
        %add3A_242 = arith.addf %add3A_219, %mul3A_241 : vector<16xf32>
        %add3A_243 = arith.constant 0 : i32
        %add3A_244 = arith.addi %add3A_123, %add3A_243 : i32
        %add3A_245 = arith.constant 5 : i32
        %add3A_246 = arith.addi %add3A_244, %add3A_245 : i32
        %slice3A_247 = vector.extract_strided_slice %get3A_131 {offsets = [5], sizes = [1], strides = [1]} : vector<16xf32> to vector<1xf32>
        %squeeze3A_248 = vector.extract %slice3A_247[0] : f32 from vector<1xf32>
        %get3A_249 = arith.index_cast %add3A_246 : i32 to index
        %get3A_250 = arith.constant 0 : index
        %get3A_251 = tpu.vector_load %arg8[%get3A_249, %get3A_250] {strides = array<i32>} : memref<3072x16xf32, #tpu.memory_space<vmem>>, vector<1x16xf32>,
        %get3A_252 = vector.shape_cast %get3A_251 : vector<1x16xf32> to vector<16xf32>
        %bitcast_convert_type3A_253 = tpu.bitcast %get3A_252 : vector<16xf32> -> vector<16xi32>
        %shift_left3A_254 = arith.constant 16 : i32
        %shift_left3A_255 = vector.broadcast %shift_left3A_254 : i32 to vector<16xi32>
        %shift_left3A_256 = arith.shli %bitcast_convert_type3A_253, %shift_left3A_255 : vector<16xi32>
        %bitcast_convert_type3A_257 = tpu.bitcast %shift_left3A_256 : vector<16xi32> -> vector<16xf32>
        %and3A_258 = arith.andi %bitcast_convert_type3A_253, %broadcast_in_dim3A_3 : vector<16xi32>
        %bitcast_convert_type3A_259 = tpu.bitcast %and3A_258 : vector<16xi32> -> vector<16xf32>
        %mul3A_260 = vector.broadcast %squeeze3A_248 : f32 to vector<16xf32>
        %mul3A_261 = arith.mulf %mul3A_260, %bitcast_convert_type3A_257 : vector<16xf32>
        %add3A_262 = arith.addf %add3A_239, %mul3A_261 : vector<16xf32>
        %mul3A_263 = vector.broadcast %squeeze3A_248 : f32 to vector<16xf32>
        %mul3A_264 = arith.mulf %mul3A_263, %bitcast_convert_type3A_259 : vector<16xf32>
        %add3A_265 = arith.addf %add3A_242, %mul3A_264 : vector<16xf32>
        %add3A_266 = arith.constant 0 : i32
        %add3A_267 = arith.addi %add3A_123, %add3A_266 : i32
        %add3A_268 = arith.constant 6 : i32
        %add3A_269 = arith.addi %add3A_267, %add3A_268 : i32
        %slice3A_270 = vector.extract_strided_slice %get3A_131 {offsets = [6], sizes = [1], strides = [1]} : vector<16xf32> to vector<1xf32>
        %squeeze3A_271 = vector.extract %slice3A_270[0] : f32 from vector<1xf32>
        %get3A_272 = arith.index_cast %add3A_269 : i32 to index
        %get3A_273 = arith.constant 0 : index
        %get3A_274 = tpu.vector_load %arg8[%get3A_272, %get3A_273] {strides = array<i32>} : memref<3072x16xf32, #tpu.memory_space<vmem>>, vector<1x16xf32>,
        %get3A_275 = vector.shape_cast %get3A_274 : vector<1x16xf32> to vector<16xf32>
        %bitcast_convert_type3A_276 = tpu.bitcast %get3A_275 : vector<16xf32> -> vector<16xi32>
        %shift_left3A_277 = arith.constant 16 : i32
        %shift_left3A_278 = vector.broadcast %shift_left3A_277 : i32 to vector<16xi32>
        %shift_left3A_279 = arith.shli %bitcast_convert_type3A_276, %shift_left3A_278 : vector<16xi32>
        %bitcast_convert_type3A_280 = tpu.bitcast %shift_left3A_279 : vector<16xi32> -> vector<16xf32>
        %and3A_281 = arith.andi %bitcast_convert_type3A_276, %broadcast_in_dim3A_3 : vector<16xi32>
        %bitcast_convert_type3A_282 = tpu.bitcast %and3A_281 : vector<16xi32> -> vector<16xf32>
        %mul3A_283 = vector.broadcast %squeeze3A_271 : f32 to vector<16xf32>
        %mul3A_284 = arith.mulf %mul3A_283, %bitcast_convert_type3A_280 : vector<16xf32>
        %add3A_285 = arith.addf %add3A_262, %mul3A_284 : vector<16xf32>
        %mul3A_286 = vector.broadcast %squeeze3A_271 : f32 to vector<16xf32>
        %mul3A_287 = arith.mulf %mul3A_286, %bitcast_convert_type3A_282 : vector<16xf32>
        %add3A_288 = arith.addf %add3A_265, %mul3A_287 : vector<16xf32>
        %add3A_289 = arith.constant 0 : i32
        %add3A_290 = arith.addi %add3A_123, %add3A_289 : i32
        %add3A_291 = arith.constant 7 : i32
        %add3A_292 = arith.addi %add3A_290, %add3A_291 : i32
        %slice3A_293 = vector.extract_strided_slice %get3A_131 {offsets = [7], sizes = [1], strides = [1]} : vector<16xf32> to vector<1xf32>
        %squeeze3A_294 = vector.extract %slice3A_293[0] : f32 from vector<1xf32>
        %get3A_295 = arith.index_cast %add3A_292 : i32 to index
        %get3A_296 = arith.constant 0 : index
        %get3A_297 = tpu.vector_load %arg8[%get3A_295, %get3A_296] {strides = array<i32>} : memref<3072x16xf32, #tpu.memory_space<vmem>>, vector<1x16xf32>,
        %get3A_298 = vector.shape_cast %get3A_297 : vector<1x16xf32> to vector<16xf32>
        %bitcast_convert_type3A_299 = tpu.bitcast %get3A_298 : vector<16xf32> -> vector<16xi32>
        %shift_left3A_300 = arith.constant 16 : i32
        %shift_left3A_301 = vector.broadcast %shift_left3A_300 : i32 to vector<16xi32>
        %shift_left3A_302 = arith.shli %bitcast_convert_type3A_299, %shift_left3A_301 : vector<16xi32>
        %bitcast_convert_type3A_303 = tpu.bitcast %shift_left3A_302 : vector<16xi32> -> vector<16xf32>
        %and3A_304 = arith.andi %bitcast_convert_type3A_299, %broadcast_in_dim3A_3 : vector<16xi32>
        %bitcast_convert_type3A_305 = tpu.bitcast %and3A_304 : vector<16xi32> -> vector<16xf32>
        %mul3A_306 = vector.broadcast %squeeze3A_294 : f32 to vector<16xf32>
        %mul3A_307 = arith.mulf %mul3A_306, %bitcast_convert_type3A_303 : vector<16xf32>
        %add3A_308 = arith.addf %add3A_285, %mul3A_307 : vector<16xf32>
        %mul3A_309 = vector.broadcast %squeeze3A_294 : f32 to vector<16xf32>
        %mul3A_310 = arith.mulf %mul3A_309, %bitcast_convert_type3A_305 : vector<16xf32>
        %add3A_311 = arith.addf %add3A_288, %mul3A_310 : vector<16xf32>
        %add3A_312 = arith.constant 0 : i32
        %add3A_313 = arith.addi %add3A_123, %add3A_312 : i32
        %add3A_314 = arith.constant 8 : i32
        %add3A_315 = arith.addi %add3A_313, %add3A_314 : i32
        %slice3A_316 = vector.extract_strided_slice %get3A_131 {offsets = [8], sizes = [1], strides = [1]} : vector<16xf32> to vector<1xf32>
        %squeeze3A_317 = vector.extract %slice3A_316[0] : f32 from vector<1xf32>
        %get3A_318 = arith.index_cast %add3A_315 : i32 to index
        %get3A_319 = arith.constant 0 : index
        %get3A_320 = tpu.vector_load %arg8[%get3A_318, %get3A_319] {strides = array<i32>} : memref<3072x16xf32, #tpu.memory_space<vmem>>, vector<1x16xf32>,
        %get3A_321 = vector.shape_cast %get3A_320 : vector<1x16xf32> to vector<16xf32>
        %bitcast_convert_type3A_322 = tpu.bitcast %get3A_321 : vector<16xf32> -> vector<16xi32>
        %shift_left3A_323 = arith.constant 16 : i32
        %shift_left3A_324 = vector.broadcast %shift_left3A_323 : i32 to vector<16xi32>
        %shift_left3A_325 = arith.shli %bitcast_convert_type3A_322, %shift_left3A_324 : vector<16xi32>
        %bitcast_convert_type3A_326 = tpu.bitcast %shift_left3A_325 : vector<16xi32> -> vector<16xf32>
        %and3A_327 = arith.andi %bitcast_convert_type3A_322, %broadcast_in_dim3A_3 : vector<16xi32>
        %bitcast_convert_type3A_328 = tpu.bitcast %and3A_327 : vector<16xi32> -> vector<16xf32>
        %mul3A_329 = vector.broadcast %squeeze3A_317 : f32 to vector<16xf32>
        %mul3A_330 = arith.mulf %mul3A_329, %bitcast_convert_type3A_326 : vector<16xf32>
        %add3A_331 = arith.addf %add3A_308, %mul3A_330 : vector<16xf32>
        %mul3A_332 = vector.broadcast %squeeze3A_317 : f32 to vector<16xf32>
        %mul3A_333 = arith.mulf %mul3A_332, %bitcast_convert_type3A_328 : vector<16xf32>
        %add3A_334 = arith.addf %add3A_311, %mul3A_333 : vector<16xf32>
        %add3A_335 = arith.constant 0 : i32
        %add3A_336 = arith.addi %add3A_123, %add3A_335 : i32
        %add3A_337 = arith.constant 9 : i32
        %add3A_338 = arith.addi %add3A_336, %add3A_337 : i32
        %slice3A_339 = vector.extract_strided_slice %get3A_131 {offsets = [9], sizes = [1], strides = [1]} : vector<16xf32> to vector<1xf32>
        %squeeze3A_340 = vector.extract %slice3A_339[0] : f32 from vector<1xf32>
        %get3A_341 = arith.index_cast %add3A_338 : i32 to index
        %get3A_342 = arith.constant 0 : index
        %get3A_343 = tpu.vector_load %arg8[%get3A_341, %get3A_342] {strides = array<i32>} : memref<3072x16xf32, #tpu.memory_space<vmem>>, vector<1x16xf32>,
        %get3A_344 = vector.shape_cast %get3A_343 : vector<1x16xf32> to vector<16xf32>
        %bitcast_convert_type3A_345 = tpu.bitcast %get3A_344 : vector<16xf32> -> vector<16xi32>
        %shift_left3A_346 = arith.constant 16 : i32
        %shift_left3A_347 = vector.broadcast %shift_left3A_346 : i32 to vector<16xi32>
        %shift_left3A_348 = arith.shli %bitcast_convert_type3A_345, %shift_left3A_347 : vector<16xi32>
        %bitcast_convert_type3A_349 = tpu.bitcast %shift_left3A_348 : vector<16xi32> -> vector<16xf32>
        %and3A_350 = arith.andi %bitcast_convert_type3A_345, %broadcast_in_dim3A_3 : vector<16xi32>
        %bitcast_convert_type3A_351 = tpu.bitcast %and3A_350 : vector<16xi32> -> vector<16xf32>
        %mul3A_352 = vector.broadcast %squeeze3A_340 : f32 to vector<16xf32>
        %mul3A_353 = arith.mulf %mul3A_352, %bitcast_convert_type3A_349 : vector<16xf32>
        %add3A_354 = arith.addf %add3A_331, %mul3A_353 : vector<16xf32>
        %mul3A_355 = vector.broadcast %squeeze3A_340 : f32 to vector<16xf32>
        %mul3A_356 = arith.mulf %mul3A_355, %bitcast_convert_type3A_351 : vector<16xf32>
        %add3A_357 = arith.addf %add3A_334, %mul3A_356 : vector<16xf32>
        %add3A_358 = arith.constant 0 : i32
        %add3A_359 = arith.addi %add3A_123, %add3A_358 : i32
        %add3A_360 = arith.constant 10 : i32
        %add3A_361 = arith.addi %add3A_359, %add3A_360 : i32
        %slice3A_362 = vector.extract_strided_slice %get3A_131 {offsets = [10], sizes = [1], strides = [1]} : vector<16xf32> to vector<1xf32>
        %squeeze3A_363 = vector.extract %slice3A_362[0] : f32 from vector<1xf32>
        %get3A_364 = arith.index_cast %add3A_361 : i32 to index
        %get3A_365 = arith.constant 0 : index
        %get3A_366 = tpu.vector_load %arg8[%get3A_364, %get3A_365] {strides = array<i32>} : memref<3072x16xf32, #tpu.memory_space<vmem>>, vector<1x16xf32>,
        %get3A_367 = vector.shape_cast %get3A_366 : vector<1x16xf32> to vector<16xf32>
        %bitcast_convert_type3A_368 = tpu.bitcast %get3A_367 : vector<16xf32> -> vector<16xi32>
        %shift_left3A_369 = arith.constant 16 : i32
        %shift_left3A_370 = vector.broadcast %shift_left3A_369 : i32 to vector<16xi32>
        %shift_left3A_371 = arith.shli %bitcast_convert_type3A_368, %shift_left3A_370 : vector<16xi32>
        %bitcast_convert_type3A_372 = tpu.bitcast %shift_left3A_371 : vector<16xi32> -> vector<16xf32>
        %and3A_373 = arith.andi %bitcast_convert_type3A_368, %broadcast_in_dim3A_3 : vector<16xi32>
        %bitcast_convert_type3A_374 = tpu.bitcast %and3A_373 : vector<16xi32> -> vector<16xf32>
        %mul3A_375 = vector.broadcast %squeeze3A_363 : f32 to vector<16xf32>
        %mul3A_376 = arith.mulf %mul3A_375, %bitcast_convert_type3A_372 : vector<16xf32>
        %add3A_377 = arith.addf %add3A_354, %mul3A_376 : vector<16xf32>
        %mul3A_378 = vector.broadcast %squeeze3A_363 : f32 to vector<16xf32>
        %mul3A_379 = arith.mulf %mul3A_378, %bitcast_convert_type3A_374 : vector<16xf32>
        %add3A_380 = arith.addf %add3A_357, %mul3A_379 : vector<16xf32>
        %add3A_381 = arith.constant 0 : i32
        %add3A_382 = arith.addi %add3A_123, %add3A_381 : i32
        %add3A_383 = arith.constant 11 : i32
        %add3A_384 = arith.addi %add3A_382, %add3A_383 : i32
        %slice3A_385 = vector.extract_strided_slice %get3A_131 {offsets = [11], sizes = [1], strides = [1]} : vector<16xf32> to vector<1xf32>
        %squeeze3A_386 = vector.extract %slice3A_385[0] : f32 from vector<1xf32>
        %get3A_387 = arith.index_cast %add3A_384 : i32 to index
        %get3A_388 = arith.constant 0 : index
        %get3A_389 = tpu.vector_load %arg8[%get3A_387, %get3A_388] {strides = array<i32>} : memref<3072x16xf32, #tpu.memory_space<vmem>>, vector<1x16xf32>,
        %get3A_390 = vector.shape_cast %get3A_389 : vector<1x16xf32> to vector<16xf32>
        %bitcast_convert_type3A_391 = tpu.bitcast %get3A_390 : vector<16xf32> -> vector<16xi32>
        %shift_left3A_392 = arith.constant 16 : i32
        %shift_left3A_393 = vector.broadcast %shift_left3A_392 : i32 to vector<16xi32>
        %shift_left3A_394 = arith.shli %bitcast_convert_type3A_391, %shift_left3A_393 : vector<16xi32>
        %bitcast_convert_type3A_395 = tpu.bitcast %shift_left3A_394 : vector<16xi32> -> vector<16xf32>
        %and3A_396 = arith.andi %bitcast_convert_type3A_391, %broadcast_in_dim3A_3 : vector<16xi32>
        %bitcast_convert_type3A_397 = tpu.bitcast %and3A_396 : vector<16xi32> -> vector<16xf32>
        %mul3A_398 = vector.broadcast %squeeze3A_386 : f32 to vector<16xf32>
        %mul3A_399 = arith.mulf %mul3A_398, %bitcast_convert_type3A_395 : vector<16xf32>
        %add3A_400 = arith.addf %add3A_377, %mul3A_399 : vector<16xf32>
        %mul3A_401 = vector.broadcast %squeeze3A_386 : f32 to vector<16xf32>
        %mul3A_402 = arith.mulf %mul3A_401, %bitcast_convert_type3A_397 : vector<16xf32>
        %add3A_403 = arith.addf %add3A_380, %mul3A_402 : vector<16xf32>
        %add3A_404 = arith.constant 96 : i32
        %add3A_405 = arith.addi %add3A_123, %add3A_404 : i32
        %get3A_406 = arith.index_cast %add3A_405 : i32 to index
        %get3A_407 = tpu.vector_load %arg7[%get3A_406] {strides = array<i32>} : memref<3088xf32, #tpu.memory_space<vmem>>, vector<16xf32>,
        %get3A_408 = vector.shape_cast %get3A_407 : vector<16xf32> to vector<16xf32>
        %add3A_409 = arith.constant 96 : i32
        %add3A_410 = arith.addi %add3A_123, %add3A_409 : i32
        %add3A_411 = arith.constant 0 : i32
        %add3A_412 = arith.addi %add3A_410, %add3A_411 : i32
        %slice3A_413 = vector.extract_strided_slice %get3A_408 {offsets = [0], sizes = [1], strides = [1]} : vector<16xf32> to vector<1xf32>
        %squeeze3A_414 = vector.extract %slice3A_413[0] : f32 from vector<1xf32>
        %get3A_415 = arith.index_cast %add3A_412 : i32 to index
        %get3A_416 = arith.constant 0 : index
        %get3A_417 = tpu.vector_load %arg8[%get3A_415, %get3A_416] {strides = array<i32>} : memref<3072x16xf32, #tpu.memory_space<vmem>>, vector<1x16xf32>,
        %get3A_418 = vector.shape_cast %get3A_417 : vector<1x16xf32> to vector<16xf32>
        %bitcast_convert_type3A_419 = tpu.bitcast %get3A_418 : vector<16xf32> -> vector<16xi32>
        %shift_left3A_420 = arith.constant 16 : i32
        %shift_left3A_421 = vector.broadcast %shift_left3A_420 : i32 to vector<16xi32>
        %shift_left3A_422 = arith.shli %bitcast_convert_type3A_419, %shift_left3A_421 : vector<16xi32>
        %bitcast_convert_type3A_423 = tpu.bitcast %shift_left3A_422 : vector<16xi32> -> vector<16xf32>
        %and3A_424 = arith.andi %bitcast_convert_type3A_419, %broadcast_in_dim3A_3 : vector<16xi32>
        %bitcast_convert_type3A_425 = tpu.bitcast %and3A_424 : vector<16xi32> -> vector<16xf32>
        %mul3A_426 = vector.broadcast %squeeze3A_414 : f32 to vector<16xf32>
        %mul3A_427 = arith.mulf %mul3A_426, %bitcast_convert_type3A_423 : vector<16xf32>
        %add3A_428 = arith.addf %add3A_400, %mul3A_427 : vector<16xf32>
        %mul3A_429 = vector.broadcast %squeeze3A_414 : f32 to vector<16xf32>
        %mul3A_430 = arith.mulf %mul3A_429, %bitcast_convert_type3A_425 : vector<16xf32>
        %add3A_431 = arith.addf %add3A_403, %mul3A_430 : vector<16xf32>
        %add3A_432 = arith.constant 96 : i32
        %add3A_433 = arith.addi %add3A_123, %add3A_432 : i32
        %add3A_434 = arith.constant 1 : i32
        %add3A_435 = arith.addi %add3A_433, %add3A_434 : i32
        %slice3A_436 = vector.extract_strided_slice %get3A_408 {offsets = [1], sizes = [1], strides = [1]} : vector<16xf32> to vector<1xf32>
        %squeeze3A_437 = vector.extract %slice3A_436[0] : f32 from vector<1xf32>
        %get3A_438 = arith.index_cast %add3A_435 : i32 to index
        %get3A_439 = arith.constant 0 : index
        %get3A_440 = tpu.vector_load %arg8[%get3A_438, %get3A_439] {strides = array<i32>} : memref<3072x16xf32, #tpu.memory_space<vmem>>, vector<1x16xf32>,
        %get3A_441 = vector.shape_cast %get3A_440 : vector<1x16xf32> to vector<16xf32>
        %bitcast_convert_type3A_442 = tpu.bitcast %get3A_441 : vector<16xf32> -> vector<16xi32>
        %shift_left3A_443 = arith.constant 16 : i32
        %shift_left3A_444 = vector.broadcast %shift_left3A_443 : i32 to vector<16xi32>
        %shift_left3A_445 = arith.shli %bitcast_convert_type3A_442, %shift_left3A_444 : vector<16xi32>
        %bitcast_convert_type3A_446 = tpu.bitcast %shift_left3A_445 : vector<16xi32> -> vector<16xf32>
        %and3A_447 = arith.andi %bitcast_convert_type3A_442, %broadcast_in_dim3A_3 : vector<16xi32>
        %bitcast_convert_type3A_448 = tpu.bitcast %and3A_447 : vector<16xi32> -> vector<16xf32>
        %mul3A_449 = vector.broadcast %squeeze3A_437 : f32 to vector<16xf32>
        %mul3A_450 = arith.mulf %mul3A_449, %bitcast_convert_type3A_446 : vector<16xf32>
        %add3A_451 = arith.addf %add3A_428, %mul3A_450 : vector<16xf32>
        %mul3A_452 = vector.broadcast %squeeze3A_437 : f32 to vector<16xf32>
        %mul3A_453 = arith.mulf %mul3A_452, %bitcast_convert_type3A_448 : vector<16xf32>
        %add3A_454 = arith.addf %add3A_431, %mul3A_453 : vector<16xf32>
        %add3A_455 = arith.constant 96 : i32
        %add3A_456 = arith.addi %add3A_123, %add3A_455 : i32
        %add3A_457 = arith.constant 2 : i32
        %add3A_458 = arith.addi %add3A_456, %add3A_457 : i32
        %slice3A_459 = vector.extract_strided_slice %get3A_408 {offsets = [2], sizes = [1], strides = [1]} : vector<16xf32> to vector<1xf32>
        %squeeze3A_460 = vector.extract %slice3A_459[0] : f32 from vector<1xf32>
        %get3A_461 = arith.index_cast %add3A_458 : i32 to index
        %get3A_462 = arith.constant 0 : index
        %get3A_463 = tpu.vector_load %arg8[%get3A_461, %get3A_462] {strides = array<i32>} : memref<3072x16xf32, #tpu.memory_space<vmem>>, vector<1x16xf32>,
        %get3A_464 = vector.shape_cast %get3A_463 : vector<1x16xf32> to vector<16xf32>
        %bitcast_convert_type3A_465 = tpu.bitcast %get3A_464 : vector<16xf32> -> vector<16xi32>
        %shift_left3A_466 = arith.constant 16 : i32
        %shift_left3A_467 = vector.broadcast %shift_left3A_466 : i32 to vector<16xi32>
        %shift_left3A_468 = arith.shli %bitcast_convert_type3A_465, %shift_left3A_467 : vector<16xi32>
        %bitcast_convert_type3A_469 = tpu.bitcast %shift_left3A_468 : vector<16xi32> -> vector<16xf32>
        %and3A_470 = arith.andi %bitcast_convert_type3A_465, %broadcast_in_dim3A_3 : vector<16xi32>
        %bitcast_convert_type3A_471 = tpu.bitcast %and3A_470 : vector<16xi32> -> vector<16xf32>
        %mul3A_472 = vector.broadcast %squeeze3A_460 : f32 to vector<16xf32>
        %mul3A_473 = arith.mulf %mul3A_472, %bitcast_convert_type3A_469 : vector<16xf32>
        %add3A_474 = arith.addf %add3A_451, %mul3A_473 : vector<16xf32>
        %mul3A_475 = vector.broadcast %squeeze3A_460 : f32 to vector<16xf32>
        %mul3A_476 = arith.mulf %mul3A_475, %bitcast_convert_type3A_471 : vector<16xf32>
        %add3A_477 = arith.addf %add3A_454, %mul3A_476 : vector<16xf32>
        %add3A_478 = arith.constant 96 : i32
        %add3A_479 = arith.addi %add3A_123, %add3A_478 : i32
        %add3A_480 = arith.constant 3 : i32
        %add3A_481 = arith.addi %add3A_479, %add3A_480 : i32
        %slice3A_482 = vector.extract_strided_slice %get3A_408 {offsets = [3], sizes = [1], strides = [1]} : vector<16xf32> to vector<1xf32>
        %squeeze3A_483 = vector.extract %slice3A_482[0] : f32 from vector<1xf32>
        %get3A_484 = arith.index_cast %add3A_481 : i32 to index
        %get3A_485 = arith.constant 0 : index
        %get3A_486 = tpu.vector_load %arg8[%get3A_484, %get3A_485] {strides = array<i32>} : memref<3072x16xf32, #tpu.memory_space<vmem>>, vector<1x16xf32>,
        %get3A_487 = vector.shape_cast %get3A_486 : vector<1x16xf32> to vector<16xf32>
        %bitcast_convert_type3A_488 = tpu.bitcast %get3A_487 : vector<16xf32> -> vector<16xi32>
        %shift_left3A_489 = arith.constant 16 : i32
        %shift_left3A_490 = vector.broadcast %shift_left3A_489 : i32 to vector<16xi32>
        %shift_left3A_491 = arith.shli %bitcast_convert_type3A_488, %shift_left3A_490 : vector<16xi32>
        %bitcast_convert_type3A_492 = tpu.bitcast %shift_left3A_491 : vector<16xi32> -> vector<16xf32>
        %and3A_493 = arith.andi %bitcast_convert_type3A_488, %broadcast_in_dim3A_3 : vector<16xi32>
        %bitcast_convert_type3A_494 = tpu.bitcast %and3A_493 : vector<16xi32> -> vector<16xf32>
        %mul3A_495 = vector.broadcast %squeeze3A_483 : f32 to vector<16xf32>
        %mul3A_496 = arith.mulf %mul3A_495, %bitcast_convert_type3A_492 : vector<16xf32>
        %add3A_497 = arith.addf %add3A_474, %mul3A_496 : vector<16xf32>
        %mul3A_498 = vector.broadcast %squeeze3A_483 : f32 to vector<16xf32>
        %mul3A_499 = arith.mulf %mul3A_498, %bitcast_convert_type3A_494 : vector<16xf32>
        %add3A_500 = arith.addf %add3A_477, %mul3A_499 : vector<16xf32>
        %add3A_501 = arith.constant 96 : i32
        %add3A_502 = arith.addi %add3A_123, %add3A_501 : i32
        %add3A_503 = arith.constant 4 : i32
        %add3A_504 = arith.addi %add3A_502, %add3A_503 : i32
        %slice3A_505 = vector.extract_strided_slice %get3A_408 {offsets = [4], sizes = [1], strides = [1]} : vector<16xf32> to vector<1xf32>
        %squeeze3A_506 = vector.extract %slice3A_505[0] : f32 from vector<1xf32>
        %get3A_507 = arith.index_cast %add3A_504 : i32 to index
        %get3A_508 = arith.constant 0 : index
        %get3A_509 = tpu.vector_load %arg8[%get3A_507, %get3A_508] {strides = array<i32>} : memref<3072x16xf32, #tpu.memory_space<vmem>>, vector<1x16xf32>,
        %get3A_510 = vector.shape_cast %get3A_509 : vector<1x16xf32> to vector<16xf32>
        %bitcast_convert_type3A_511 = tpu.bitcast %get3A_510 : vector<16xf32> -> vector<16xi32>
        %shift_left3A_512 = arith.constant 16 : i32
        %shift_left3A_513 = vector.broadcast %shift_left3A_512 : i32 to vector<16xi32>
        %shift_left3A_514 = arith.shli %bitcast_convert_type3A_511, %shift_left3A_513 : vector<16xi32>
        %bitcast_convert_type3A_515 = tpu.bitcast %shift_left3A_514 : vector<16xi32> -> vector<16xf32>
        %and3A_516 = arith.andi %bitcast_convert_type3A_511, %broadcast_in_dim3A_3 : vector<16xi32>
        %bitcast_convert_type3A_517 = tpu.bitcast %and3A_516 : vector<16xi32> -> vector<16xf32>
        %mul3A_518 = vector.broadcast %squeeze3A_506 : f32 to vector<16xf32>
        %mul3A_519 = arith.mulf %mul3A_518, %bitcast_convert_type3A_515 : vector<16xf32>
        %add3A_520 = arith.addf %add3A_497, %mul3A_519 : vector<16xf32>
        %mul3A_521 = vector.broadcast %squeeze3A_506 : f32 to vector<16xf32>
        %mul3A_522 = arith.mulf %mul3A_521, %bitcast_convert_type3A_517 : vector<16xf32>
        %add3A_523 = arith.addf %add3A_500, %mul3A_522 : vector<16xf32>
        %add3A_524 = arith.constant 96 : i32
        %add3A_525 = arith.addi %add3A_123, %add3A_524 : i32
        %add3A_526 = arith.constant 5 : i32
        %add3A_527 = arith.addi %add3A_525, %add3A_526 : i32
        %slice3A_528 = vector.extract_strided_slice %get3A_408 {offsets = [5], sizes = [1], strides = [1]} : vector<16xf32> to vector<1xf32>
        %squeeze3A_529 = vector.extract %slice3A_528[0] : f32 from vector<1xf32>
        %get3A_530 = arith.index_cast %add3A_527 : i32 to index
        %get3A_531 = arith.constant 0 : index
        %get3A_532 = tpu.vector_load %arg8[%get3A_530, %get3A_531] {strides = array<i32>} : memref<3072x16xf32, #tpu.memory_space<vmem>>, vector<1x16xf32>,
        %get3A_533 = vector.shape_cast %get3A_532 : vector<1x16xf32> to vector<16xf32>
        %bitcast_convert_type3A_534 = tpu.bitcast %get3A_533 : vector<16xf32> -> vector<16xi32>
        %shift_left3A_535 = arith.constant 16 : i32
        %shift_left3A_536 = vector.broadcast %shift_left3A_535 : i32 to vector<16xi32>
        %shift_left3A_537 = arith.shli %bitcast_convert_type3A_534, %shift_left3A_536 : vector<16xi32>
        %bitcast_convert_type3A_538 = tpu.bitcast %shift_left3A_537 : vector<16xi32> -> vector<16xf32>
        %and3A_539 = arith.andi %bitcast_convert_type3A_534, %broadcast_in_dim3A_3 : vector<16xi32>
        %bitcast_convert_type3A_540 = tpu.bitcast %and3A_539 : vector<16xi32> -> vector<16xf32>
        %mul3A_541 = vector.broadcast %squeeze3A_529 : f32 to vector<16xf32>
        %mul3A_542 = arith.mulf %mul3A_541, %bitcast_convert_type3A_538 : vector<16xf32>
        %add3A_543 = arith.addf %add3A_520, %mul3A_542 : vector<16xf32>
        %mul3A_544 = vector.broadcast %squeeze3A_529 : f32 to vector<16xf32>
        %mul3A_545 = arith.mulf %mul3A_544, %bitcast_convert_type3A_540 : vector<16xf32>
        %add3A_546 = arith.addf %add3A_523, %mul3A_545 : vector<16xf32>
        %add3A_547 = arith.constant 96 : i32
        %add3A_548 = arith.addi %add3A_123, %add3A_547 : i32
        %add3A_549 = arith.constant 6 : i32
        %add3A_550 = arith.addi %add3A_548, %add3A_549 : i32
        %slice3A_551 = vector.extract_strided_slice %get3A_408 {offsets = [6], sizes = [1], strides = [1]} : vector<16xf32> to vector<1xf32>
        %squeeze3A_552 = vector.extract %slice3A_551[0] : f32 from vector<1xf32>
        %get3A_553 = arith.index_cast %add3A_550 : i32 to index
        %get3A_554 = arith.constant 0 : index
        %get3A_555 = tpu.vector_load %arg8[%get3A_553, %get3A_554] {strides = array<i32>} : memref<3072x16xf32, #tpu.memory_space<vmem>>, vector<1x16xf32>,
        %get3A_556 = vector.shape_cast %get3A_555 : vector<1x16xf32> to vector<16xf32>
        %bitcast_convert_type3A_557 = tpu.bitcast %get3A_556 : vector<16xf32> -> vector<16xi32>
        %shift_left3A_558 = arith.constant 16 : i32
        %shift_left3A_559 = vector.broadcast %shift_left3A_558 : i32 to vector<16xi32>
        %shift_left3A_560 = arith.shli %bitcast_convert_type3A_557, %shift_left3A_559 : vector<16xi32>
        %bitcast_convert_type3A_561 = tpu.bitcast %shift_left3A_560 : vector<16xi32> -> vector<16xf32>
        %and3A_562 = arith.andi %bitcast_convert_type3A_557, %broadcast_in_dim3A_3 : vector<16xi32>
        %bitcast_convert_type3A_563 = tpu.bitcast %and3A_562 : vector<16xi32> -> vector<16xf32>
        %mul3A_564 = vector.broadcast %squeeze3A_552 : f32 to vector<16xf32>
        %mul3A_565 = arith.mulf %mul3A_564, %bitcast_convert_type3A_561 : vector<16xf32>
        %add3A_566 = arith.addf %add3A_543, %mul3A_565 : vector<16xf32>
        %mul3A_567 = vector.broadcast %squeeze3A_552 : f32 to vector<16xf32>
        %mul3A_568 = arith.mulf %mul3A_567, %bitcast_convert_type3A_563 : vector<16xf32>
        %add3A_569 = arith.addf %add3A_546, %mul3A_568 : vector<16xf32>
        %add3A_570 = arith.constant 96 : i32
        %add3A_571 = arith.addi %add3A_123, %add3A_570 : i32
        %add3A_572 = arith.constant 7 : i32
        %add3A_573 = arith.addi %add3A_571, %add3A_572 : i32
        %slice3A_574 = vector.extract_strided_slice %get3A_408 {offsets = [7], sizes = [1], strides = [1]} : vector<16xf32> to vector<1xf32>
        %squeeze3A_575 = vector.extract %slice3A_574[0] : f32 from vector<1xf32>
        %get3A_576 = arith.index_cast %add3A_573 : i32 to index
        %get3A_577 = arith.constant 0 : index
        %get3A_578 = tpu.vector_load %arg8[%get3A_576, %get3A_577] {strides = array<i32>} : memref<3072x16xf32, #tpu.memory_space<vmem>>, vector<1x16xf32>,
        %get3A_579 = vector.shape_cast %get3A_578 : vector<1x16xf32> to vector<16xf32>
        %bitcast_convert_type3A_580 = tpu.bitcast %get3A_579 : vector<16xf32> -> vector<16xi32>
        %shift_left3A_581 = arith.constant 16 : i32
        %shift_left3A_582 = vector.broadcast %shift_left3A_581 : i32 to vector<16xi32>
        %shift_left3A_583 = arith.shli %bitcast_convert_type3A_580, %shift_left3A_582 : vector<16xi32>
        %bitcast_convert_type3A_584 = tpu.bitcast %shift_left3A_583 : vector<16xi32> -> vector<16xf32>
        %and3A_585 = arith.andi %bitcast_convert_type3A_580, %broadcast_in_dim3A_3 : vector<16xi32>
        %bitcast_convert_type3A_586 = tpu.bitcast %and3A_585 : vector<16xi32> -> vector<16xf32>
        %mul3A_587 = vector.broadcast %squeeze3A_575 : f32 to vector<16xf32>
        %mul3A_588 = arith.mulf %mul3A_587, %bitcast_convert_type3A_584 : vector<16xf32>
        %add3A_589 = arith.addf %add3A_566, %mul3A_588 : vector<16xf32>
        %mul3A_590 = vector.broadcast %squeeze3A_575 : f32 to vector<16xf32>
        %mul3A_591 = arith.mulf %mul3A_590, %bitcast_convert_type3A_586 : vector<16xf32>
        %add3A_592 = arith.addf %add3A_569, %mul3A_591 : vector<16xf32>
        %add3A_593 = arith.constant 96 : i32
        %add3A_594 = arith.addi %add3A_123, %add3A_593 : i32
        %add3A_595 = arith.constant 8 : i32
        %add3A_596 = arith.addi %add3A_594, %add3A_595 : i32
        %slice3A_597 = vector.extract_strided_slice %get3A_408 {offsets = [8], sizes = [1], strides = [1]} : vector<16xf32> to vector<1xf32>
        %squeeze3A_598 = vector.extract %slice3A_597[0] : f32 from vector<1xf32>
        %get3A_599 = arith.index_cast %add3A_596 : i32 to index
        %get3A_600 = arith.constant 0 : index
        %get3A_601 = tpu.vector_load %arg8[%get3A_599, %get3A_600] {strides = array<i32>} : memref<3072x16xf32, #tpu.memory_space<vmem>>, vector<1x16xf32>,
        %get3A_602 = vector.shape_cast %get3A_601 : vector<1x16xf32> to vector<16xf32>
        %bitcast_convert_type3A_603 = tpu.bitcast %get3A_602 : vector<16xf32> -> vector<16xi32>
        %shift_left3A_604 = arith.constant 16 : i32
        %shift_left3A_605 = vector.broadcast %shift_left3A_604 : i32 to vector<16xi32>
        %shift_left3A_606 = arith.shli %bitcast_convert_type3A_603, %shift_left3A_605 : vector<16xi32>
        %bitcast_convert_type3A_607 = tpu.bitcast %shift_left3A_606 : vector<16xi32> -> vector<16xf32>
        %and3A_608 = arith.andi %bitcast_convert_type3A_603, %broadcast_in_dim3A_3 : vector<16xi32>
        %bitcast_convert_type3A_609 = tpu.bitcast %and3A_608 : vector<16xi32> -> vector<16xf32>
        %mul3A_610 = vector.broadcast %squeeze3A_598 : f32 to vector<16xf32>
        %mul3A_611 = arith.mulf %mul3A_610, %bitcast_convert_type3A_607 : vector<16xf32>
        %add3A_612 = arith.addf %add3A_589, %mul3A_611 : vector<16xf32>
        %mul3A_613 = vector.broadcast %squeeze3A_598 : f32 to vector<16xf32>
        %mul3A_614 = arith.mulf %mul3A_613, %bitcast_convert_type3A_609 : vector<16xf32>
        %add3A_615 = arith.addf %add3A_592, %mul3A_614 : vector<16xf32>
        %add3A_616 = arith.constant 96 : i32
        %add3A_617 = arith.addi %add3A_123, %add3A_616 : i32
        %add3A_618 = arith.constant 9 : i32
        %add3A_619 = arith.addi %add3A_617, %add3A_618 : i32
        %slice3A_620 = vector.extract_strided_slice %get3A_408 {offsets = [9], sizes = [1], strides = [1]} : vector<16xf32> to vector<1xf32>
        %squeeze3A_621 = vector.extract %slice3A_620[0] : f32 from vector<1xf32>
        %get3A_622 = arith.index_cast %add3A_619 : i32 to index
        %get3A_623 = arith.constant 0 : index
        %get3A_624 = tpu.vector_load %arg8[%get3A_622, %get3A_623] {strides = array<i32>} : memref<3072x16xf32, #tpu.memory_space<vmem>>, vector<1x16xf32>,
        %get3A_625 = vector.shape_cast %get3A_624 : vector<1x16xf32> to vector<16xf32>
        %bitcast_convert_type3A_626 = tpu.bitcast %get3A_625 : vector<16xf32> -> vector<16xi32>
        %shift_left3A_627 = arith.constant 16 : i32
        %shift_left3A_628 = vector.broadcast %shift_left3A_627 : i32 to vector<16xi32>
        %shift_left3A_629 = arith.shli %bitcast_convert_type3A_626, %shift_left3A_628 : vector<16xi32>
        %bitcast_convert_type3A_630 = tpu.bitcast %shift_left3A_629 : vector<16xi32> -> vector<16xf32>
        %and3A_631 = arith.andi %bitcast_convert_type3A_626, %broadcast_in_dim3A_3 : vector<16xi32>
        %bitcast_convert_type3A_632 = tpu.bitcast %and3A_631 : vector<16xi32> -> vector<16xf32>
        %mul3A_633 = vector.broadcast %squeeze3A_621 : f32 to vector<16xf32>
        %mul3A_634 = arith.mulf %mul3A_633, %bitcast_convert_type3A_630 : vector<16xf32>
        %add3A_635 = arith.addf %add3A_612, %mul3A_634 : vector<16xf32>
        %mul3A_636 = vector.broadcast %squeeze3A_621 : f32 to vector<16xf32>
        %mul3A_637 = arith.mulf %mul3A_636, %bitcast_convert_type3A_632 : vector<16xf32>
        %add3A_638 = arith.addf %add3A_615, %mul3A_637 : vector<16xf32>
        %add3A_639 = arith.constant 96 : i32
        %add3A_640 = arith.addi %add3A_123, %add3A_639 : i32
        %add3A_641 = arith.constant 10 : i32
        %add3A_642 = arith.addi %add3A_640, %add3A_641 : i32
        %slice3A_643 = vector.extract_strided_slice %get3A_408 {offsets = [10], sizes = [1], strides = [1]} : vector<16xf32> to vector<1xf32>
        %squeeze3A_644 = vector.extract %slice3A_643[0] : f32 from vector<1xf32>
        %get3A_645 = arith.index_cast %add3A_642 : i32 to index
        %get3A_646 = arith.constant 0 : index
        %get3A_647 = tpu.vector_load %arg8[%get3A_645, %get3A_646] {strides = array<i32>} : memref<3072x16xf32, #tpu.memory_space<vmem>>, vector<1x16xf32>,
        %get3A_648 = vector.shape_cast %get3A_647 : vector<1x16xf32> to vector<16xf32>
        %bitcast_convert_type3A_649 = tpu.bitcast %get3A_648 : vector<16xf32> -> vector<16xi32>
        %shift_left3A_650 = arith.constant 16 : i32
        %shift_left3A_651 = vector.broadcast %shift_left3A_650 : i32 to vector<16xi32>
        %shift_left3A_652 = arith.shli %bitcast_convert_type3A_649, %shift_left3A_651 : vector<16xi32>
        %bitcast_convert_type3A_653 = tpu.bitcast %shift_left3A_652 : vector<16xi32> -> vector<16xf32>
        %and3A_654 = arith.andi %bitcast_convert_type3A_649, %broadcast_in_dim3A_3 : vector<16xi32>
        %bitcast_convert_type3A_655 = tpu.bitcast %and3A_654 : vector<16xi32> -> vector<16xf32>
        %mul3A_656 = vector.broadcast %squeeze3A_644 : f32 to vector<16xf32>
        %mul3A_657 = arith.mulf %mul3A_656, %bitcast_convert_type3A_653 : vector<16xf32>
        %add3A_658 = arith.addf %add3A_635, %mul3A_657 : vector<16xf32>
        %mul3A_659 = vector.broadcast %squeeze3A_644 : f32 to vector<16xf32>
        %mul3A_660 = arith.mulf %mul3A_659, %bitcast_convert_type3A_655 : vector<16xf32>
        %add3A_661 = arith.addf %add3A_638, %mul3A_660 : vector<16xf32>
        %add3A_662 = arith.constant 96 : i32
        %add3A_663 = arith.addi %add3A_123, %add3A_662 : i32
        %add3A_664 = arith.constant 11 : i32
        %add3A_665 = arith.addi %add3A_663, %add3A_664 : i32
        %slice3A_666 = vector.extract_strided_slice %get3A_408 {offsets = [11], sizes = [1], strides = [1]} : vector<16xf32> to vector<1xf32>
        %squeeze3A_667 = vector.extract %slice3A_666[0] : f32 from vector<1xf32>
        %get3A_668 = arith.index_cast %add3A_665 : i32 to index
        %get3A_669 = arith.constant 0 : index
        %get3A_670 = tpu.vector_load %arg8[%get3A_668, %get3A_669] {strides = array<i32>} : memref<3072x16xf32, #tpu.memory_space<vmem>>, vector<1x16xf32>,
        %get3A_671 = vector.shape_cast %get3A_670 : vector<1x16xf32> to vector<16xf32>
        %bitcast_convert_type3A_672 = tpu.bitcast %get3A_671 : vector<16xf32> -> vector<16xi32>
        %shift_left3A_673 = arith.constant 16 : i32
        %shift_left3A_674 = vector.broadcast %shift_left3A_673 : i32 to vector<16xi32>
        %shift_left3A_675 = arith.shli %bitcast_convert_type3A_672, %shift_left3A_674 : vector<16xi32>
        %bitcast_convert_type3A_676 = tpu.bitcast %shift_left3A_675 : vector<16xi32> -> vector<16xf32>
        %and3A_677 = arith.andi %bitcast_convert_type3A_672, %broadcast_in_dim3A_3 : vector<16xi32>
        %bitcast_convert_type3A_678 = tpu.bitcast %and3A_677 : vector<16xi32> -> vector<16xf32>
        %mul3A_679 = vector.broadcast %squeeze3A_667 : f32 to vector<16xf32>
        %mul3A_680 = arith.mulf %mul3A_679, %bitcast_convert_type3A_676 : vector<16xf32>
        %add3A_681 = arith.addf %add3A_658, %mul3A_680 : vector<16xf32>
        %mul3A_682 = vector.broadcast %squeeze3A_667 : f32 to vector<16xf32>
        %mul3A_683 = arith.mulf %mul3A_682, %bitcast_convert_type3A_678 : vector<16xf32>
        %add3A_684 = arith.addf %add3A_661, %mul3A_683 : vector<16xf32>
        %add3A_685 = arith.constant 192 : i32
        %add3A_686 = arith.addi %add3A_123, %add3A_685 : i32
        %get3A_687 = arith.index_cast %add3A_686 : i32 to index
        %get3A_688 = tpu.vector_load %arg7[%get3A_687] {strides = array<i32>} : memref<3088xf32, #tpu.memory_space<vmem>>, vector<16xf32>,
        %get3A_689 = vector.shape_cast %get3A_688 : vector<16xf32> to vector<16xf32>
        %add3A_690 = arith.constant 192 : i32
        %add3A_691 = arith.addi %add3A_123, %add3A_690 : i32
        %add3A_692 = arith.constant 0 : i32
        %add3A_693 = arith.addi %add3A_691, %add3A_692 : i32
        %slice3A_694 = vector.extract_strided_slice %get3A_689 {offsets = [0], sizes = [1], strides = [1]} : vector<16xf32> to vector<1xf32>
        %squeeze3A_695 = vector.extract %slice3A_694[0] : f32 from vector<1xf32>
        %get3A_696 = arith.index_cast %add3A_693 : i32 to index
        %get3A_697 = arith.constant 0 : index
        %get3A_698 = tpu.vector_load %arg8[%get3A_696, %get3A_697] {strides = array<i32>} : memref<3072x16xf32, #tpu.memory_space<vmem>>, vector<1x16xf32>,
        %get3A_699 = vector.shape_cast %get3A_698 : vector<1x16xf32> to vector<16xf32>
        %bitcast_convert_type3A_700 = tpu.bitcast %get3A_699 : vector<16xf32> -> vector<16xi32>
        %shift_left3A_701 = arith.constant 16 : i32
        %shift_left3A_702 = vector.broadcast %shift_left3A_701 : i32 to vector<16xi32>
        %shift_left3A_703 = arith.shli %bitcast_convert_type3A_700, %shift_left3A_702 : vector<16xi32>
        %bitcast_convert_type3A_704 = tpu.bitcast %shift_left3A_703 : vector<16xi32> -> vector<16xf32>
        %and3A_705 = arith.andi %bitcast_convert_type3A_700, %broadcast_in_dim3A_3 : vector<16xi32>
        %bitcast_convert_type3A_706 = tpu.bitcast %and3A_705 : vector<16xi32> -> vector<16xf32>
        %mul3A_707 = vector.broadcast %squeeze3A_695 : f32 to vector<16xf32>
        %mul3A_708 = arith.mulf %mul3A_707, %bitcast_convert_type3A_704 : vector<16xf32>
        %add3A_709 = arith.addf %add3A_681, %mul3A_708 : vector<16xf32>
        %mul3A_710 = vector.broadcast %squeeze3A_695 : f32 to vector<16xf32>
        %mul3A_711 = arith.mulf %mul3A_710, %bitcast_convert_type3A_706 : vector<16xf32>
        %add3A_712 = arith.addf %add3A_684, %mul3A_711 : vector<16xf32>
        %add3A_713 = arith.constant 192 : i32
        %add3A_714 = arith.addi %add3A_123, %add3A_713 : i32
        %add3A_715 = arith.constant 1 : i32
        %add3A_716 = arith.addi %add3A_714, %add3A_715 : i32
        %slice3A_717 = vector.extract_strided_slice %get3A_689 {offsets = [1], sizes = [1], strides = [1]} : vector<16xf32> to vector<1xf32>
        %squeeze3A_718 = vector.extract %slice3A_717[0] : f32 from vector<1xf32>
        %get3A_719 = arith.index_cast %add3A_716 : i32 to index
        %get3A_720 = arith.constant 0 : index
        %get3A_721 = tpu.vector_load %arg8[%get3A_719, %get3A_720] {strides = array<i32>} : memref<3072x16xf32, #tpu.memory_space<vmem>>, vector<1x16xf32>,
        %get3A_722 = vector.shape_cast %get3A_721 : vector<1x16xf32> to vector<16xf32>
        %bitcast_convert_type3A_723 = tpu.bitcast %get3A_722 : vector<16xf32> -> vector<16xi32>
        %shift_left3A_724 = arith.constant 16 : i32
        %shift_left3A_725 = vector.broadcast %shift_left3A_724 : i32 to vector<16xi32>
        %shift_left3A_726 = arith.shli %bitcast_convert_type3A_723, %shift_left3A_725 : vector<16xi32>
        %bitcast_convert_type3A_727 = tpu.bitcast %shift_left3A_726 : vector<16xi32> -> vector<16xf32>
        %and3A_728 = arith.andi %bitcast_convert_type3A_723, %broadcast_in_dim3A_3 : vector<16xi32>
        %bitcast_convert_type3A_729 = tpu.bitcast %and3A_728 : vector<16xi32> -> vector<16xf32>
        %mul3A_730 = vector.broadcast %squeeze3A_718 : f32 to vector<16xf32>
        %mul3A_731 = arith.mulf %mul3A_730, %bitcast_convert_type3A_727 : vector<16xf32>
        %add3A_732 = arith.addf %add3A_709, %mul3A_731 : vector<16xf32>
        %mul3A_733 = vector.broadcast %squeeze3A_718 : f32 to vector<16xf32>
        %mul3A_734 = arith.mulf %mul3A_733, %bitcast_convert_type3A_729 : vector<16xf32>
        %add3A_735 = arith.addf %add3A_712, %mul3A_734 : vector<16xf32>
        %add3A_736 = arith.constant 192 : i32
        %add3A_737 = arith.addi %add3A_123, %add3A_736 : i32
        %add3A_738 = arith.constant 2 : i32
        %add3A_739 = arith.addi %add3A_737, %add3A_738 : i32
        %slice3A_740 = vector.extract_strided_slice %get3A_689 {offsets = [2], sizes = [1], strides = [1]} : vector<16xf32> to vector<1xf32>
        %squeeze3A_741 = vector.extract %slice3A_740[0] : f32 from vector<1xf32>
        %get3A_742 = arith.index_cast %add3A_739 : i32 to index
        %get3A_743 = arith.constant 0 : index
        %get3A_744 = tpu.vector_load %arg8[%get3A_742, %get3A_743] {strides = array<i32>} : memref<3072x16xf32, #tpu.memory_space<vmem>>, vector<1x16xf32>,
        %get3A_745 = vector.shape_cast %get3A_744 : vector<1x16xf32> to vector<16xf32>
        %bitcast_convert_type3A_746 = tpu.bitcast %get3A_745 : vector<16xf32> -> vector<16xi32>
        %shift_left3A_747 = arith.constant 16 : i32
        %shift_left3A_748 = vector.broadcast %shift_left3A_747 : i32 to vector<16xi32>
        %shift_left3A_749 = arith.shli %bitcast_convert_type3A_746, %shift_left3A_748 : vector<16xi32>
        %bitcast_convert_type3A_750 = tpu.bitcast %shift_left3A_749 : vector<16xi32> -> vector<16xf32>
        %and3A_751 = arith.andi %bitcast_convert_type3A_746, %broadcast_in_dim3A_3 : vector<16xi32>
        %bitcast_convert_type3A_752 = tpu.bitcast %and3A_751 : vector<16xi32> -> vector<16xf32>
        %mul3A_753 = vector.broadcast %squeeze3A_741 : f32 to vector<16xf32>
        %mul3A_754 = arith.mulf %mul3A_753, %bitcast_convert_type3A_750 : vector<16xf32>
        %add3A_755 = arith.addf %add3A_732, %mul3A_754 : vector<16xf32>
        %mul3A_756 = vector.broadcast %squeeze3A_741 : f32 to vector<16xf32>
        %mul3A_757 = arith.mulf %mul3A_756, %bitcast_convert_type3A_752 : vector<16xf32>
        %add3A_758 = arith.addf %add3A_735, %mul3A_757 : vector<16xf32>
        %add3A_759 = arith.constant 192 : i32
        %add3A_760 = arith.addi %add3A_123, %add3A_759 : i32
        %add3A_761 = arith.constant 3 : i32
        %add3A_762 = arith.addi %add3A_760, %add3A_761 : i32
        %slice3A_763 = vector.extract_strided_slice %get3A_689 {offsets = [3], sizes = [1], strides = [1]} : vector<16xf32> to vector<1xf32>
        %squeeze3A_764 = vector.extract %slice3A_763[0] : f32 from vector<1xf32>
        %get3A_765 = arith.index_cast %add3A_762 : i32 to index
        %get3A_766 = arith.constant 0 : index
        %get3A_767 = tpu.vector_load %arg8[%get3A_765, %get3A_766] {strides = array<i32>} : memref<3072x16xf32, #tpu.memory_space<vmem>>, vector<1x16xf32>,
        %get3A_768 = vector.shape_cast %get3A_767 : vector<1x16xf32> to vector<16xf32>
        %bitcast_convert_type3A_769 = tpu.bitcast %get3A_768 : vector<16xf32> -> vector<16xi32>
        %shift_left3A_770 = arith.constant 16 : i32
        %shift_left3A_771 = vector.broadcast %shift_left3A_770 : i32 to vector<16xi32>
        %shift_left3A_772 = arith.shli %bitcast_convert_type3A_769, %shift_left3A_771 : vector<16xi32>
        %bitcast_convert_type3A_773 = tpu.bitcast %shift_left3A_772 : vector<16xi32> -> vector<16xf32>
        %and3A_774 = arith.andi %bitcast_convert_type3A_769, %broadcast_in_dim3A_3 : vector<16xi32>
        %bitcast_convert_type3A_775 = tpu.bitcast %and3A_774 : vector<16xi32> -> vector<16xf32>
        %mul3A_776 = vector.broadcast %squeeze3A_764 : f32 to vector<16xf32>
        %mul3A_777 = arith.mulf %mul3A_776, %bitcast_convert_type3A_773 : vector<16xf32>
        %add3A_778 = arith.addf %add3A_755, %mul3A_777 : vector<16xf32>
        %mul3A_779 = vector.broadcast %squeeze3A_764 : f32 to vector<16xf32>
        %mul3A_780 = arith.mulf %mul3A_779, %bitcast_convert_type3A_775 : vector<16xf32>
        %add3A_781 = arith.addf %add3A_758, %mul3A_780 : vector<16xf32>
        %add3A_782 = arith.constant 192 : i32
        %add3A_783 = arith.addi %add3A_123, %add3A_782 : i32
        %add3A_784 = arith.constant 4 : i32
        %add3A_785 = arith.addi %add3A_783, %add3A_784 : i32
        %slice3A_786 = vector.extract_strided_slice %get3A_689 {offsets = [4], sizes = [1], strides = [1]} : vector<16xf32> to vector<1xf32>
        %squeeze3A_787 = vector.extract %slice3A_786[0] : f32 from vector<1xf32>
        %get3A_788 = arith.index_cast %add3A_785 : i32 to index
        %get3A_789 = arith.constant 0 : index
        %get3A_790 = tpu.vector_load %arg8[%get3A_788, %get3A_789] {strides = array<i32>} : memref<3072x16xf32, #tpu.memory_space<vmem>>, vector<1x16xf32>,
        %get3A_791 = vector.shape_cast %get3A_790 : vector<1x16xf32> to vector<16xf32>
        %bitcast_convert_type3A_792 = tpu.bitcast %get3A_791 : vector<16xf32> -> vector<16xi32>
        %shift_left3A_793 = arith.constant 16 : i32
        %shift_left3A_794 = vector.broadcast %shift_left3A_793 : i32 to vector<16xi32>
        %shift_left3A_795 = arith.shli %bitcast_convert_type3A_792, %shift_left3A_794 : vector<16xi32>
        %bitcast_convert_type3A_796 = tpu.bitcast %shift_left3A_795 : vector<16xi32> -> vector<16xf32>
        %and3A_797 = arith.andi %bitcast_convert_type3A_792, %broadcast_in_dim3A_3 : vector<16xi32>
        %bitcast_convert_type3A_798 = tpu.bitcast %and3A_797 : vector<16xi32> -> vector<16xf32>
        %mul3A_799 = vector.broadcast %squeeze3A_787 : f32 to vector<16xf32>
        %mul3A_800 = arith.mulf %mul3A_799, %bitcast_convert_type3A_796 : vector<16xf32>
        %add3A_801 = arith.addf %add3A_778, %mul3A_800 : vector<16xf32>
        %mul3A_802 = vector.broadcast %squeeze3A_787 : f32 to vector<16xf32>
        %mul3A_803 = arith.mulf %mul3A_802, %bitcast_convert_type3A_798 : vector<16xf32>
        %add3A_804 = arith.addf %add3A_781, %mul3A_803 : vector<16xf32>
        %add3A_805 = arith.constant 192 : i32
        %add3A_806 = arith.addi %add3A_123, %add3A_805 : i32
        %add3A_807 = arith.constant 5 : i32
        %add3A_808 = arith.addi %add3A_806, %add3A_807 : i32
        %slice3A_809 = vector.extract_strided_slice %get3A_689 {offsets = [5], sizes = [1], strides = [1]} : vector<16xf32> to vector<1xf32>
        %squeeze3A_810 = vector.extract %slice3A_809[0] : f32 from vector<1xf32>
        %get3A_811 = arith.index_cast %add3A_808 : i32 to index
        %get3A_812 = arith.constant 0 : index
        %get3A_813 = tpu.vector_load %arg8[%get3A_811, %get3A_812] {strides = array<i32>} : memref<3072x16xf32, #tpu.memory_space<vmem>>, vector<1x16xf32>,
        %get3A_814 = vector.shape_cast %get3A_813 : vector<1x16xf32> to vector<16xf32>
        %bitcast_convert_type3A_815 = tpu.bitcast %get3A_814 : vector<16xf32> -> vector<16xi32>
        %shift_left3A_816 = arith.constant 16 : i32
        %shift_left3A_817 = vector.broadcast %shift_left3A_816 : i32 to vector<16xi32>
        %shift_left3A_818 = arith.shli %bitcast_convert_type3A_815, %shift_left3A_817 : vector<16xi32>
        %bitcast_convert_type3A_819 = tpu.bitcast %shift_left3A_818 : vector<16xi32> -> vector<16xf32>
        %and3A_820 = arith.andi %bitcast_convert_type3A_815, %broadcast_in_dim3A_3 : vector<16xi32>
        %bitcast_convert_type3A_821 = tpu.bitcast %and3A_820 : vector<16xi32> -> vector<16xf32>
        %mul3A_822 = vector.broadcast %squeeze3A_810 : f32 to vector<16xf32>
        %mul3A_823 = arith.mulf %mul3A_822, %bitcast_convert_type3A_819 : vector<16xf32>
        %add3A_824 = arith.addf %add3A_801, %mul3A_823 : vector<16xf32>
        %mul3A_825 = vector.broadcast %squeeze3A_810 : f32 to vector<16xf32>
        %mul3A_826 = arith.mulf %mul3A_825, %bitcast_convert_type3A_821 : vector<16xf32>
        %add3A_827 = arith.addf %add3A_804, %mul3A_826 : vector<16xf32>
        %add3A_828 = arith.constant 192 : i32
        %add3A_829 = arith.addi %add3A_123, %add3A_828 : i32
        %add3A_830 = arith.constant 6 : i32
        %add3A_831 = arith.addi %add3A_829, %add3A_830 : i32
        %slice3A_832 = vector.extract_strided_slice %get3A_689 {offsets = [6], sizes = [1], strides = [1]} : vector<16xf32> to vector<1xf32>
        %squeeze3A_833 = vector.extract %slice3A_832[0] : f32 from vector<1xf32>
        %get3A_834 = arith.index_cast %add3A_831 : i32 to index
        %get3A_835 = arith.constant 0 : index
        %get3A_836 = tpu.vector_load %arg8[%get3A_834, %get3A_835] {strides = array<i32>} : memref<3072x16xf32, #tpu.memory_space<vmem>>, vector<1x16xf32>,
        %get3A_837 = vector.shape_cast %get3A_836 : vector<1x16xf32> to vector<16xf32>
        %bitcast_convert_type3A_838 = tpu.bitcast %get3A_837 : vector<16xf32> -> vector<16xi32>
        %shift_left3A_839 = arith.constant 16 : i32
        %shift_left3A_840 = vector.broadcast %shift_left3A_839 : i32 to vector<16xi32>
        %shift_left3A_841 = arith.shli %bitcast_convert_type3A_838, %shift_left3A_840 : vector<16xi32>
        %bitcast_convert_type3A_842 = tpu.bitcast %shift_left3A_841 : vector<16xi32> -> vector<16xf32>
        %and3A_843 = arith.andi %bitcast_convert_type3A_838, %broadcast_in_dim3A_3 : vector<16xi32>
        %bitcast_convert_type3A_844 = tpu.bitcast %and3A_843 : vector<16xi32> -> vector<16xf32>
        %mul3A_845 = vector.broadcast %squeeze3A_833 : f32 to vector<16xf32>
        %mul3A_846 = arith.mulf %mul3A_845, %bitcast_convert_type3A_842 : vector<16xf32>
        %add3A_847 = arith.addf %add3A_824, %mul3A_846 : vector<16xf32>
        %mul3A_848 = vector.broadcast %squeeze3A_833 : f32 to vector<16xf32>
        %mul3A_849 = arith.mulf %mul3A_848, %bitcast_convert_type3A_844 : vector<16xf32>
        %add3A_850 = arith.addf %add3A_827, %mul3A_849 : vector<16xf32>
        %add3A_851 = arith.constant 192 : i32
        %add3A_852 = arith.addi %add3A_123, %add3A_851 : i32
        %add3A_853 = arith.constant 7 : i32
        %add3A_854 = arith.addi %add3A_852, %add3A_853 : i32
        %slice3A_855 = vector.extract_strided_slice %get3A_689 {offsets = [7], sizes = [1], strides = [1]} : vector<16xf32> to vector<1xf32>
        %squeeze3A_856 = vector.extract %slice3A_855[0] : f32 from vector<1xf32>
        %get3A_857 = arith.index_cast %add3A_854 : i32 to index
        %get3A_858 = arith.constant 0 : index
        %get3A_859 = tpu.vector_load %arg8[%get3A_857, %get3A_858] {strides = array<i32>} : memref<3072x16xf32, #tpu.memory_space<vmem>>, vector<1x16xf32>,
        %get3A_860 = vector.shape_cast %get3A_859 : vector<1x16xf32> to vector<16xf32>
        %bitcast_convert_type3A_861 = tpu.bitcast %get3A_860 : vector<16xf32> -> vector<16xi32>
        %shift_left3A_862 = arith.constant 16 : i32
        %shift_left3A_863 = vector.broadcast %shift_left3A_862 : i32 to vector<16xi32>
        %shift_left3A_864 = arith.shli %bitcast_convert_type3A_861, %shift_left3A_863 : vector<16xi32>
        %bitcast_convert_type3A_865 = tpu.bitcast %shift_left3A_864 : vector<16xi32> -> vector<16xf32>
        %and3A_866 = arith.andi %bitcast_convert_type3A_861, %broadcast_in_dim3A_3 : vector<16xi32>
        %bitcast_convert_type3A_867 = tpu.bitcast %and3A_866 : vector<16xi32> -> vector<16xf32>
        %mul3A_868 = vector.broadcast %squeeze3A_856 : f32 to vector<16xf32>
        %mul3A_869 = arith.mulf %mul3A_868, %bitcast_convert_type3A_865 : vector<16xf32>
        %add3A_870 = arith.addf %add3A_847, %mul3A_869 : vector<16xf32>
        %mul3A_871 = vector.broadcast %squeeze3A_856 : f32 to vector<16xf32>
        %mul3A_872 = arith.mulf %mul3A_871, %bitcast_convert_type3A_867 : vector<16xf32>
        %add3A_873 = arith.addf %add3A_850, %mul3A_872 : vector<16xf32>
        %add3A_874 = arith.constant 192 : i32
        %add3A_875 = arith.addi %add3A_123, %add3A_874 : i32
        %add3A_876 = arith.constant 8 : i32
        %add3A_877 = arith.addi %add3A_875, %add3A_876 : i32
        %slice3A_878 = vector.extract_strided_slice %get3A_689 {offsets = [8], sizes = [1], strides = [1]} : vector<16xf32> to vector<1xf32>
        %squeeze3A_879 = vector.extract %slice3A_878[0] : f32 from vector<1xf32>
        %get3A_880 = arith.index_cast %add3A_877 : i32 to index
        %get3A_881 = arith.constant 0 : index
        %get3A_882 = tpu.vector_load %arg8[%get3A_880, %get3A_881] {strides = array<i32>} : memref<3072x16xf32, #tpu.memory_space<vmem>>, vector<1x16xf32>,
        %get3A_883 = vector.shape_cast %get3A_882 : vector<1x16xf32> to vector<16xf32>
        %bitcast_convert_type3A_884 = tpu.bitcast %get3A_883 : vector<16xf32> -> vector<16xi32>
        %shift_left3A_885 = arith.constant 16 : i32
        %shift_left3A_886 = vector.broadcast %shift_left3A_885 : i32 to vector<16xi32>
        %shift_left3A_887 = arith.shli %bitcast_convert_type3A_884, %shift_left3A_886 : vector<16xi32>
        %bitcast_convert_type3A_888 = tpu.bitcast %shift_left3A_887 : vector<16xi32> -> vector<16xf32>
        %and3A_889 = arith.andi %bitcast_convert_type3A_884, %broadcast_in_dim3A_3 : vector<16xi32>
        %bitcast_convert_type3A_890 = tpu.bitcast %and3A_889 : vector<16xi32> -> vector<16xf32>
        %mul3A_891 = vector.broadcast %squeeze3A_879 : f32 to vector<16xf32>
        %mul3A_892 = arith.mulf %mul3A_891, %bitcast_convert_type3A_888 : vector<16xf32>
        %add3A_893 = arith.addf %add3A_870, %mul3A_892 : vector<16xf32>
        %mul3A_894 = vector.broadcast %squeeze3A_879 : f32 to vector<16xf32>
        %mul3A_895 = arith.mulf %mul3A_894, %bitcast_convert_type3A_890 : vector<16xf32>
        %add3A_896 = arith.addf %add3A_873, %mul3A_895 : vector<16xf32>
        %add3A_897 = arith.constant 192 : i32
        %add3A_898 = arith.addi %add3A_123, %add3A_897 : i32
        %add3A_899 = arith.constant 9 : i32
        %add3A_900 = arith.addi %add3A_898, %add3A_899 : i32
        %slice3A_901 = vector.extract_strided_slice %get3A_689 {offsets = [9], sizes = [1], strides = [1]} : vector<16xf32> to vector<1xf32>
        %squeeze3A_902 = vector.extract %slice3A_901[0] : f32 from vector<1xf32>
        %get3A_903 = arith.index_cast %add3A_900 : i32 to index
        %get3A_904 = arith.constant 0 : index
        %get3A_905 = tpu.vector_load %arg8[%get3A_903, %get3A_904] {strides = array<i32>} : memref<3072x16xf32, #tpu.memory_space<vmem>>, vector<1x16xf32>,
        %get3A_906 = vector.shape_cast %get3A_905 : vector<1x16xf32> to vector<16xf32>
        %bitcast_convert_type3A_907 = tpu.bitcast %get3A_906 : vector<16xf32> -> vector<16xi32>
        %shift_left3A_908 = arith.constant 16 : i32
        %shift_left3A_909 = vector.broadcast %shift_left3A_908 : i32 to vector<16xi32>
        %shift_left3A_910 = arith.shli %bitcast_convert_type3A_907, %shift_left3A_909 : vector<16xi32>
        %bitcast_convert_type3A_911 = tpu.bitcast %shift_left3A_910 : vector<16xi32> -> vector<16xf32>
        %and3A_912 = arith.andi %bitcast_convert_type3A_907, %broadcast_in_dim3A_3 : vector<16xi32>
        %bitcast_convert_type3A_913 = tpu.bitcast %and3A_912 : vector<16xi32> -> vector<16xf32>
        %mul3A_914 = vector.broadcast %squeeze3A_902 : f32 to vector<16xf32>
        %mul3A_915 = arith.mulf %mul3A_914, %bitcast_convert_type3A_911 : vector<16xf32>
        %add3A_916 = arith.addf %add3A_893, %mul3A_915 : vector<16xf32>
        %mul3A_917 = vector.broadcast %squeeze3A_902 : f32 to vector<16xf32>
        %mul3A_918 = arith.mulf %mul3A_917, %bitcast_convert_type3A_913 : vector<16xf32>
        %add3A_919 = arith.addf %add3A_896, %mul3A_918 : vector<16xf32>
        %add3A_920 = arith.constant 192 : i32
        %add3A_921 = arith.addi %add3A_123, %add3A_920 : i32
        %add3A_922 = arith.constant 10 : i32
        %add3A_923 = arith.addi %add3A_921, %add3A_922 : i32
        %slice3A_924 = vector.extract_strided_slice %get3A_689 {offsets = [10], sizes = [1], strides = [1]} : vector<16xf32> to vector<1xf32>
        %squeeze3A_925 = vector.extract %slice3A_924[0] : f32 from vector<1xf32>
        %get3A_926 = arith.index_cast %add3A_923 : i32 to index
        %get3A_927 = arith.constant 0 : index
        %get3A_928 = tpu.vector_load %arg8[%get3A_926, %get3A_927] {strides = array<i32>} : memref<3072x16xf32, #tpu.memory_space<vmem>>, vector<1x16xf32>,
        %get3A_929 = vector.shape_cast %get3A_928 : vector<1x16xf32> to vector<16xf32>
        %bitcast_convert_type3A_930 = tpu.bitcast %get3A_929 : vector<16xf32> -> vector<16xi32>
        %shift_left3A_931 = arith.constant 16 : i32
        %shift_left3A_932 = vector.broadcast %shift_left3A_931 : i32 to vector<16xi32>
        %shift_left3A_933 = arith.shli %bitcast_convert_type3A_930, %shift_left3A_932 : vector<16xi32>
        %bitcast_convert_type3A_934 = tpu.bitcast %shift_left3A_933 : vector<16xi32> -> vector<16xf32>
        %and3A_935 = arith.andi %bitcast_convert_type3A_930, %broadcast_in_dim3A_3 : vector<16xi32>
        %bitcast_convert_type3A_936 = tpu.bitcast %and3A_935 : vector<16xi32> -> vector<16xf32>
        %mul3A_937 = vector.broadcast %squeeze3A_925 : f32 to vector<16xf32>
        %mul3A_938 = arith.mulf %mul3A_937, %bitcast_convert_type3A_934 : vector<16xf32>
        %add3A_939 = arith.addf %add3A_916, %mul3A_938 : vector<16xf32>
        %mul3A_940 = vector.broadcast %squeeze3A_925 : f32 to vector<16xf32>
        %mul3A_941 = arith.mulf %mul3A_940, %bitcast_convert_type3A_936 : vector<16xf32>
        %add3A_942 = arith.addf %add3A_919, %mul3A_941 : vector<16xf32>
        %add3A_943 = arith.constant 192 : i32
        %add3A_944 = arith.addi %add3A_123, %add3A_943 : i32
        %add3A_945 = arith.constant 11 : i32
        %add3A_946 = arith.addi %add3A_944, %add3A_945 : i32
        %slice3A_947 = vector.extract_strided_slice %get3A_689 {offsets = [11], sizes = [1], strides = [1]} : vector<16xf32> to vector<1xf32>
        %squeeze3A_948 = vector.extract %slice3A_947[0] : f32 from vector<1xf32>
        %get3A_949 = arith.index_cast %add3A_946 : i32 to index
        %get3A_950 = arith.constant 0 : index
        %get3A_951 = tpu.vector_load %arg8[%get3A_949, %get3A_950] {strides = array<i32>} : memref<3072x16xf32, #tpu.memory_space<vmem>>, vector<1x16xf32>,
        %get3A_952 = vector.shape_cast %get3A_951 : vector<1x16xf32> to vector<16xf32>
        %bitcast_convert_type3A_953 = tpu.bitcast %get3A_952 : vector<16xf32> -> vector<16xi32>
        %shift_left3A_954 = arith.constant 16 : i32
        %shift_left3A_955 = vector.broadcast %shift_left3A_954 : i32 to vector<16xi32>
        %shift_left3A_956 = arith.shli %bitcast_convert_type3A_953, %shift_left3A_955 : vector<16xi32>
        %bitcast_convert_type3A_957 = tpu.bitcast %shift_left3A_956 : vector<16xi32> -> vector<16xf32>
        %and3A_958 = arith.andi %bitcast_convert_type3A_953, %broadcast_in_dim3A_3 : vector<16xi32>
        %bitcast_convert_type3A_959 = tpu.bitcast %and3A_958 : vector<16xi32> -> vector<16xf32>
        %mul3A_960 = vector.broadcast %squeeze3A_948 : f32 to vector<16xf32>
        %mul3A_961 = arith.mulf %mul3A_960, %bitcast_convert_type3A_957 : vector<16xf32>
        %add3A_962 = arith.addf %add3A_939, %mul3A_961 : vector<16xf32>
        %mul3A_963 = vector.broadcast %squeeze3A_948 : f32 to vector<16xf32>
        %mul3A_964 = arith.mulf %mul3A_963, %bitcast_convert_type3A_959 : vector<16xf32>
        %add3A_965 = arith.addf %add3A_942, %mul3A_964 : vector<16xf32>
        %add3A_966 = arith.constant 288 : i32
        %add3A_967 = arith.addi %add3A_123, %add3A_966 : i32
        %get3A_968 = arith.index_cast %add3A_967 : i32 to index
        %get3A_969 = tpu.vector_load %arg7[%get3A_968] {strides = array<i32>} : memref<3088xf32, #tpu.memory_space<vmem>>, vector<16xf32>,
        %get3A_970 = vector.shape_cast %get3A_969 : vector<16xf32> to vector<16xf32>
        %add3A_971 = arith.constant 288 : i32
        %add3A_972 = arith.addi %add3A_123, %add3A_971 : i32
        %add3A_973 = arith.constant 0 : i32
        %add3A_974 = arith.addi %add3A_972, %add3A_973 : i32
        %slice3A_975 = vector.extract_strided_slice %get3A_970 {offsets = [0], sizes = [1], strides = [1]} : vector<16xf32> to vector<1xf32>
        %squeeze3A_976 = vector.extract %slice3A_975[0] : f32 from vector<1xf32>
        %get3A_977 = arith.index_cast %add3A_974 : i32 to index
        %get3A_978 = arith.constant 0 : index
        %get3A_979 = tpu.vector_load %arg8[%get3A_977, %get3A_978] {strides = array<i32>} : memref<3072x16xf32, #tpu.memory_space<vmem>>, vector<1x16xf32>,
        %get3A_980 = vector.shape_cast %get3A_979 : vector<1x16xf32> to vector<16xf32>
        %bitcast_convert_type3A_981 = tpu.bitcast %get3A_980 : vector<16xf32> -> vector<16xi32>
        %shift_left3A_982 = arith.constant 16 : i32
        %shift_left3A_983 = vector.broadcast %shift_left3A_982 : i32 to vector<16xi32>
        %shift_left3A_984 = arith.shli %bitcast_convert_type3A_981, %shift_left3A_983 : vector<16xi32>
        %bitcast_convert_type3A_985 = tpu.bitcast %shift_left3A_984 : vector<16xi32> -> vector<16xf32>
        %and3A_986 = arith.andi %bitcast_convert_type3A_981, %broadcast_in_dim3A_3 : vector<16xi32>
        %bitcast_convert_type3A_987 = tpu.bitcast %and3A_986 : vector<16xi32> -> vector<16xf32>
        %mul3A_988 = vector.broadcast %squeeze3A_976 : f32 to vector<16xf32>
        %mul3A_989 = arith.mulf %mul3A_988, %bitcast_convert_type3A_985 : vector<16xf32>
        %add3A_990 = arith.addf %add3A_962, %mul3A_989 : vector<16xf32>
        %mul3A_991 = vector.broadcast %squeeze3A_976 : f32 to vector<16xf32>
        %mul3A_992 = arith.mulf %mul3A_991, %bitcast_convert_type3A_987 : vector<16xf32>
        %add3A_993 = arith.addf %add3A_965, %mul3A_992 : vector<16xf32>
        %add3A_994 = arith.constant 288 : i32
        %add3A_995 = arith.addi %add3A_123, %add3A_994 : i32
        %add3A_996 = arith.constant 1 : i32
        %add3A_997 = arith.addi %add3A_995, %add3A_996 : i32
        %slice3A_998 = vector.extract_strided_slice %get3A_970 {offsets = [1], sizes = [1], strides = [1]} : vector<16xf32> to vector<1xf32>
        %squeeze3A_999 = vector.extract %slice3A_998[0] : f32 from vector<1xf32>
        %get3A_1000 = arith.index_cast %add3A_997 : i32 to index
        %get3A_1001 = arith.constant 0 : index
        %get3A_1002 = tpu.vector_load %arg8[%get3A_1000, %get3A_1001] {strides = array<i32>} : memref<3072x16xf32, #tpu.memory_space<vmem>>, vector<1x16xf32>,
        %get3A_1003 = vector.shape_cast %get3A_1002 : vector<1x16xf32> to vector<16xf32>
        %bitcast_convert_type3A_1004 = tpu.bitcast %get3A_1003 : vector<16xf32> -> vector<16xi32>
        %shift_left3A_1005 = arith.constant 16 : i32
        %shift_left3A_1006 = vector.broadcast %shift_left3A_1005 : i32 to vector<16xi32>
        %shift_left3A_1007 = arith.shli %bitcast_convert_type3A_1004, %shift_left3A_1006 : vector<16xi32>
        %bitcast_convert_type3A_1008 = tpu.bitcast %shift_left3A_1007 : vector<16xi32> -> vector<16xf32>
        %and3A_1009 = arith.andi %bitcast_convert_type3A_1004, %broadcast_in_dim3A_3 : vector<16xi32>
        %bitcast_convert_type3A_1010 = tpu.bitcast %and3A_1009 : vector<16xi32> -> vector<16xf32>
        %mul3A_1011 = vector.broadcast %squeeze3A_999 : f32 to vector<16xf32>
        %mul3A_1012 = arith.mulf %mul3A_1011, %bitcast_convert_type3A_1008 : vector<16xf32>
        %add3A_1013 = arith.addf %add3A_990, %mul3A_1012 : vector<16xf32>
        %mul3A_1014 = vector.broadcast %squeeze3A_999 : f32 to vector<16xf32>
        %mul3A_1015 = arith.mulf %mul3A_1014, %bitcast_convert_type3A_1010 : vector<16xf32>
        %add3A_1016 = arith.addf %add3A_993, %mul3A_1015 : vector<16xf32>
        %add3A_1017 = arith.constant 288 : i32
        %add3A_1018 = arith.addi %add3A_123, %add3A_1017 : i32
        %add3A_1019 = arith.constant 2 : i32
        %add3A_1020 = arith.addi %add3A_1018, %add3A_1019 : i32
        %slice3A_1021 = vector.extract_strided_slice %get3A_970 {offsets = [2], sizes = [1], strides = [1]} : vector<16xf32> to vector<1xf32>
        %squeeze3A_1022 = vector.extract %slice3A_1021[0] : f32 from vector<1xf32>
        %get3A_1023 = arith.index_cast %add3A_1020 : i32 to index
        %get3A_1024 = arith.constant 0 : index
        %get3A_1025 = tpu.vector_load %arg8[%get3A_1023, %get3A_1024] {strides = array<i32>} : memref<3072x16xf32, #tpu.memory_space<vmem>>, vector<1x16xf32>,
        %get3A_1026 = vector.shape_cast %get3A_1025 : vector<1x16xf32> to vector<16xf32>
        %bitcast_convert_type3A_1027 = tpu.bitcast %get3A_1026 : vector<16xf32> -> vector<16xi32>
        %shift_left3A_1028 = arith.constant 16 : i32
        %shift_left3A_1029 = vector.broadcast %shift_left3A_1028 : i32 to vector<16xi32>
        %shift_left3A_1030 = arith.shli %bitcast_convert_type3A_1027, %shift_left3A_1029 : vector<16xi32>
        %bitcast_convert_type3A_1031 = tpu.bitcast %shift_left3A_1030 : vector<16xi32> -> vector<16xf32>
        %and3A_1032 = arith.andi %bitcast_convert_type3A_1027, %broadcast_in_dim3A_3 : vector<16xi32>
        %bitcast_convert_type3A_1033 = tpu.bitcast %and3A_1032 : vector<16xi32> -> vector<16xf32>
        %mul3A_1034 = vector.broadcast %squeeze3A_1022 : f32 to vector<16xf32>
        %mul3A_1035 = arith.mulf %mul3A_1034, %bitcast_convert_type3A_1031 : vector<16xf32>
        %add3A_1036 = arith.addf %add3A_1013, %mul3A_1035 : vector<16xf32>
        %mul3A_1037 = vector.broadcast %squeeze3A_1022 : f32 to vector<16xf32>
        %mul3A_1038 = arith.mulf %mul3A_1037, %bitcast_convert_type3A_1033 : vector<16xf32>
        %add3A_1039 = arith.addf %add3A_1016, %mul3A_1038 : vector<16xf32>
        %add3A_1040 = arith.constant 288 : i32
        %add3A_1041 = arith.addi %add3A_123, %add3A_1040 : i32
        %add3A_1042 = arith.constant 3 : i32
        %add3A_1043 = arith.addi %add3A_1041, %add3A_1042 : i32
        %slice3A_1044 = vector.extract_strided_slice %get3A_970 {offsets = [3], sizes = [1], strides = [1]} : vector<16xf32> to vector<1xf32>
        %squeeze3A_1045 = vector.extract %slice3A_1044[0] : f32 from vector<1xf32>
        %get3A_1046 = arith.index_cast %add3A_1043 : i32 to index
        %get3A_1047 = arith.constant 0 : index
        %get3A_1048 = tpu.vector_load %arg8[%get3A_1046, %get3A_1047] {strides = array<i32>} : memref<3072x16xf32, #tpu.memory_space<vmem>>, vector<1x16xf32>,
        %get3A_1049 = vector.shape_cast %get3A_1048 : vector<1x16xf32> to vector<16xf32>
        %bitcast_convert_type3A_1050 = tpu.bitcast %get3A_1049 : vector<16xf32> -> vector<16xi32>
        %shift_left3A_1051 = arith.constant 16 : i32
        %shift_left3A_1052 = vector.broadcast %shift_left3A_1051 : i32 to vector<16xi32>
        %shift_left3A_1053 = arith.shli %bitcast_convert_type3A_1050, %shift_left3A_1052 : vector<16xi32>
        %bitcast_convert_type3A_1054 = tpu.bitcast %shift_left3A_1053 : vector<16xi32> -> vector<16xf32>
        %and3A_1055 = arith.andi %bitcast_convert_type3A_1050, %broadcast_in_dim3A_3 : vector<16xi32>
        %bitcast_convert_type3A_1056 = tpu.bitcast %and3A_1055 : vector<16xi32> -> vector<16xf32>
        %mul3A_1057 = vector.broadcast %squeeze3A_1045 : f32 to vector<16xf32>
        %mul3A_1058 = arith.mulf %mul3A_1057, %bitcast_convert_type3A_1054 : vector<16xf32>
        %add3A_1059 = arith.addf %add3A_1036, %mul3A_1058 : vector<16xf32>
        %mul3A_1060 = vector.broadcast %squeeze3A_1045 : f32 to vector<16xf32>
        %mul3A_1061 = arith.mulf %mul3A_1060, %bitcast_convert_type3A_1056 : vector<16xf32>
        %add3A_1062 = arith.addf %add3A_1039, %mul3A_1061 : vector<16xf32>
        %add3A_1063 = arith.constant 288 : i32
        %add3A_1064 = arith.addi %add3A_123, %add3A_1063 : i32
        %add3A_1065 = arith.constant 4 : i32
        %add3A_1066 = arith.addi %add3A_1064, %add3A_1065 : i32
        %slice3A_1067 = vector.extract_strided_slice %get3A_970 {offsets = [4], sizes = [1], strides = [1]} : vector<16xf32> to vector<1xf32>
        %squeeze3A_1068 = vector.extract %slice3A_1067[0] : f32 from vector<1xf32>
        %get3A_1069 = arith.index_cast %add3A_1066 : i32 to index
        %get3A_1070 = arith.constant 0 : index
        %get3A_1071 = tpu.vector_load %arg8[%get3A_1069, %get3A_1070] {strides = array<i32>} : memref<3072x16xf32, #tpu.memory_space<vmem>>, vector<1x16xf32>,
        %get3A_1072 = vector.shape_cast %get3A_1071 : vector<1x16xf32> to vector<16xf32>
        %bitcast_convert_type3A_1073 = tpu.bitcast %get3A_1072 : vector<16xf32> -> vector<16xi32>
        %shift_left3A_1074 = arith.constant 16 : i32
        %shift_left3A_1075 = vector.broadcast %shift_left3A_1074 : i32 to vector<16xi32>
        %shift_left3A_1076 = arith.shli %bitcast_convert_type3A_1073, %shift_left3A_1075 : vector<16xi32>
        %bitcast_convert_type3A_1077 = tpu.bitcast %shift_left3A_1076 : vector<16xi32> -> vector<16xf32>
        %and3A_1078 = arith.andi %bitcast_convert_type3A_1073, %broadcast_in_dim3A_3 : vector<16xi32>
        %bitcast_convert_type3A_1079 = tpu.bitcast %and3A_1078 : vector<16xi32> -> vector<16xf32>
        %mul3A_1080 = vector.broadcast %squeeze3A_1068 : f32 to vector<16xf32>
        %mul3A_1081 = arith.mulf %mul3A_1080, %bitcast_convert_type3A_1077 : vector<16xf32>
        %add3A_1082 = arith.addf %add3A_1059, %mul3A_1081 : vector<16xf32>
        %mul3A_1083 = vector.broadcast %squeeze3A_1068 : f32 to vector<16xf32>
        %mul3A_1084 = arith.mulf %mul3A_1083, %bitcast_convert_type3A_1079 : vector<16xf32>
        %add3A_1085 = arith.addf %add3A_1062, %mul3A_1084 : vector<16xf32>
        %add3A_1086 = arith.constant 288 : i32
        %add3A_1087 = arith.addi %add3A_123, %add3A_1086 : i32
        %add3A_1088 = arith.constant 5 : i32
        %add3A_1089 = arith.addi %add3A_1087, %add3A_1088 : i32
        %slice3A_1090 = vector.extract_strided_slice %get3A_970 {offsets = [5], sizes = [1], strides = [1]} : vector<16xf32> to vector<1xf32>
        %squeeze3A_1091 = vector.extract %slice3A_1090[0] : f32 from vector<1xf32>
        %get3A_1092 = arith.index_cast %add3A_1089 : i32 to index
        %get3A_1093 = arith.constant 0 : index
        %get3A_1094 = tpu.vector_load %arg8[%get3A_1092, %get3A_1093] {strides = array<i32>} : memref<3072x16xf32, #tpu.memory_space<vmem>>, vector<1x16xf32>,
        %get3A_1095 = vector.shape_cast %get3A_1094 : vector<1x16xf32> to vector<16xf32>
        %bitcast_convert_type3A_1096 = tpu.bitcast %get3A_1095 : vector<16xf32> -> vector<16xi32>
        %shift_left3A_1097 = arith.constant 16 : i32
        %shift_left3A_1098 = vector.broadcast %shift_left3A_1097 : i32 to vector<16xi32>
        %shift_left3A_1099 = arith.shli %bitcast_convert_type3A_1096, %shift_left3A_1098 : vector<16xi32>
        %bitcast_convert_type3A_1100 = tpu.bitcast %shift_left3A_1099 : vector<16xi32> -> vector<16xf32>
        %and3A_1101 = arith.andi %bitcast_convert_type3A_1096, %broadcast_in_dim3A_3 : vector<16xi32>
        %bitcast_convert_type3A_1102 = tpu.bitcast %and3A_1101 : vector<16xi32> -> vector<16xf32>
        %mul3A_1103 = vector.broadcast %squeeze3A_1091 : f32 to vector<16xf32>
        %mul3A_1104 = arith.mulf %mul3A_1103, %bitcast_convert_type3A_1100 : vector<16xf32>
        %add3A_1105 = arith.addf %add3A_1082, %mul3A_1104 : vector<16xf32>
        %mul3A_1106 = vector.broadcast %squeeze3A_1091 : f32 to vector<16xf32>
        %mul3A_1107 = arith.mulf %mul3A_1106, %bitcast_convert_type3A_1102 : vector<16xf32>
        %add3A_1108 = arith.addf %add3A_1085, %mul3A_1107 : vector<16xf32>
        %add3A_1109 = arith.constant 288 : i32
        %add3A_1110 = arith.addi %add3A_123, %add3A_1109 : i32
        %add3A_1111 = arith.constant 6 : i32
        %add3A_1112 = arith.addi %add3A_1110, %add3A_1111 : i32
        %slice3A_1113 = vector.extract_strided_slice %get3A_970 {offsets = [6], sizes = [1], strides = [1]} : vector<16xf32> to vector<1xf32>
        %squeeze3A_1114 = vector.extract %slice3A_1113[0] : f32 from vector<1xf32>
        %get3A_1115 = arith.index_cast %add3A_1112 : i32 to index
        %get3A_1116 = arith.constant 0 : index
        %get3A_1117 = tpu.vector_load %arg8[%get3A_1115, %get3A_1116] {strides = array<i32>} : memref<3072x16xf32, #tpu.memory_space<vmem>>, vector<1x16xf32>,
        %get3A_1118 = vector.shape_cast %get3A_1117 : vector<1x16xf32> to vector<16xf32>
        %bitcast_convert_type3A_1119 = tpu.bitcast %get3A_1118 : vector<16xf32> -> vector<16xi32>
        %shift_left3A_1120 = arith.constant 16 : i32
        %shift_left3A_1121 = vector.broadcast %shift_left3A_1120 : i32 to vector<16xi32>
        %shift_left3A_1122 = arith.shli %bitcast_convert_type3A_1119, %shift_left3A_1121 : vector<16xi32>
        %bitcast_convert_type3A_1123 = tpu.bitcast %shift_left3A_1122 : vector<16xi32> -> vector<16xf32>
        %and3A_1124 = arith.andi %bitcast_convert_type3A_1119, %broadcast_in_dim3A_3 : vector<16xi32>
        %bitcast_convert_type3A_1125 = tpu.bitcast %and3A_1124 : vector<16xi32> -> vector<16xf32>
        %mul3A_1126 = vector.broadcast %squeeze3A_1114 : f32 to vector<16xf32>
        %mul3A_1127 = arith.mulf %mul3A_1126, %bitcast_convert_type3A_1123 : vector<16xf32>
        %add3A_1128 = arith.addf %add3A_1105, %mul3A_1127 : vector<16xf32>
        %mul3A_1129 = vector.broadcast %squeeze3A_1114 : f32 to vector<16xf32>
        %mul3A_1130 = arith.mulf %mul3A_1129, %bitcast_convert_type3A_1125 : vector<16xf32>
        %add3A_1131 = arith.addf %add3A_1108, %mul3A_1130 : vector<16xf32>
        %add3A_1132 = arith.constant 288 : i32
        %add3A_1133 = arith.addi %add3A_123, %add3A_1132 : i32
        %add3A_1134 = arith.constant 7 : i32
        %add3A_1135 = arith.addi %add3A_1133, %add3A_1134 : i32
        %slice3A_1136 = vector.extract_strided_slice %get3A_970 {offsets = [7], sizes = [1], strides = [1]} : vector<16xf32> to vector<1xf32>
        %squeeze3A_1137 = vector.extract %slice3A_1136[0] : f32 from vector<1xf32>
        %get3A_1138 = arith.index_cast %add3A_1135 : i32 to index
        %get3A_1139 = arith.constant 0 : index
        %get3A_1140 = tpu.vector_load %arg8[%get3A_1138, %get3A_1139] {strides = array<i32>} : memref<3072x16xf32, #tpu.memory_space<vmem>>, vector<1x16xf32>,
        %get3A_1141 = vector.shape_cast %get3A_1140 : vector<1x16xf32> to vector<16xf32>
        %bitcast_convert_type3A_1142 = tpu.bitcast %get3A_1141 : vector<16xf32> -> vector<16xi32>
        %shift_left3A_1143 = arith.constant 16 : i32
        %shift_left3A_1144 = vector.broadcast %shift_left3A_1143 : i32 to vector<16xi32>
        %shift_left3A_1145 = arith.shli %bitcast_convert_type3A_1142, %shift_left3A_1144 : vector<16xi32>
        %bitcast_convert_type3A_1146 = tpu.bitcast %shift_left3A_1145 : vector<16xi32> -> vector<16xf32>
        %and3A_1147 = arith.andi %bitcast_convert_type3A_1142, %broadcast_in_dim3A_3 : vector<16xi32>
        %bitcast_convert_type3A_1148 = tpu.bitcast %and3A_1147 : vector<16xi32> -> vector<16xf32>
        %mul3A_1149 = vector.broadcast %squeeze3A_1137 : f32 to vector<16xf32>
        %mul3A_1150 = arith.mulf %mul3A_1149, %bitcast_convert_type3A_1146 : vector<16xf32>
        %add3A_1151 = arith.addf %add3A_1128, %mul3A_1150 : vector<16xf32>
        %mul3A_1152 = vector.broadcast %squeeze3A_1137 : f32 to vector<16xf32>
        %mul3A_1153 = arith.mulf %mul3A_1152, %bitcast_convert_type3A_1148 : vector<16xf32>
        %add3A_1154 = arith.addf %add3A_1131, %mul3A_1153 : vector<16xf32>
        %add3A_1155 = arith.constant 288 : i32
        %add3A_1156 = arith.addi %add3A_123, %add3A_1155 : i32
        %add3A_1157 = arith.constant 8 : i32
        %add3A_1158 = arith.addi %add3A_1156, %add3A_1157 : i32
        %slice3A_1159 = vector.extract_strided_slice %get3A_970 {offsets = [8], sizes = [1], strides = [1]} : vector<16xf32> to vector<1xf32>
        %squeeze3A_1160 = vector.extract %slice3A_1159[0] : f32 from vector<1xf32>
        %get3A_1161 = arith.index_cast %add3A_1158 : i32 to index
        %get3A_1162 = arith.constant 0 : index
        %get3A_1163 = tpu.vector_load %arg8[%get3A_1161, %get3A_1162] {strides = array<i32>} : memref<3072x16xf32, #tpu.memory_space<vmem>>, vector<1x16xf32>,
        %get3A_1164 = vector.shape_cast %get3A_1163 : vector<1x16xf32> to vector<16xf32>
        %bitcast_convert_type3A_1165 = tpu.bitcast %get3A_1164 : vector<16xf32> -> vector<16xi32>
        %shift_left3A_1166 = arith.constant 16 : i32
        %shift_left3A_1167 = vector.broadcast %shift_left3A_1166 : i32 to vector<16xi32>
        %shift_left3A_1168 = arith.shli %bitcast_convert_type3A_1165, %shift_left3A_1167 : vector<16xi32>
        %bitcast_convert_type3A_1169 = tpu.bitcast %shift_left3A_1168 : vector<16xi32> -> vector<16xf32>
        %and3A_1170 = arith.andi %bitcast_convert_type3A_1165, %broadcast_in_dim3A_3 : vector<16xi32>
        %bitcast_convert_type3A_1171 = tpu.bitcast %and3A_1170 : vector<16xi32> -> vector<16xf32>
        %mul3A_1172 = vector.broadcast %squeeze3A_1160 : f32 to vector<16xf32>
        %mul3A_1173 = arith.mulf %mul3A_1172, %bitcast_convert_type3A_1169 : vector<16xf32>
        %add3A_1174 = arith.addf %add3A_1151, %mul3A_1173 : vector<16xf32>
        %mul3A_1175 = vector.broadcast %squeeze3A_1160 : f32 to vector<16xf32>
        %mul3A_1176 = arith.mulf %mul3A_1175, %bitcast_convert_type3A_1171 : vector<16xf32>
        %add3A_1177 = arith.addf %add3A_1154, %mul3A_1176 : vector<16xf32>
        %add3A_1178 = arith.constant 288 : i32
        %add3A_1179 = arith.addi %add3A_123, %add3A_1178 : i32
        %add3A_1180 = arith.constant 9 : i32
        %add3A_1181 = arith.addi %add3A_1179, %add3A_1180 : i32
        %slice3A_1182 = vector.extract_strided_slice %get3A_970 {offsets = [9], sizes = [1], strides = [1]} : vector<16xf32> to vector<1xf32>
        %squeeze3A_1183 = vector.extract %slice3A_1182[0] : f32 from vector<1xf32>
        %get3A_1184 = arith.index_cast %add3A_1181 : i32 to index
        %get3A_1185 = arith.constant 0 : index
        %get3A_1186 = tpu.vector_load %arg8[%get3A_1184, %get3A_1185] {strides = array<i32>} : memref<3072x16xf32, #tpu.memory_space<vmem>>, vector<1x16xf32>,
        %get3A_1187 = vector.shape_cast %get3A_1186 : vector<1x16xf32> to vector<16xf32>
        %bitcast_convert_type3A_1188 = tpu.bitcast %get3A_1187 : vector<16xf32> -> vector<16xi32>
        %shift_left3A_1189 = arith.constant 16 : i32
        %shift_left3A_1190 = vector.broadcast %shift_left3A_1189 : i32 to vector<16xi32>
        %shift_left3A_1191 = arith.shli %bitcast_convert_type3A_1188, %shift_left3A_1190 : vector<16xi32>
        %bitcast_convert_type3A_1192 = tpu.bitcast %shift_left3A_1191 : vector<16xi32> -> vector<16xf32>
        %and3A_1193 = arith.andi %bitcast_convert_type3A_1188, %broadcast_in_dim3A_3 : vector<16xi32>
        %bitcast_convert_type3A_1194 = tpu.bitcast %and3A_1193 : vector<16xi32> -> vector<16xf32>
        %mul3A_1195 = vector.broadcast %squeeze3A_1183 : f32 to vector<16xf32>
        %mul3A_1196 = arith.mulf %mul3A_1195, %bitcast_convert_type3A_1192 : vector<16xf32>
        %add3A_1197 = arith.addf %add3A_1174, %mul3A_1196 : vector<16xf32>
        %mul3A_1198 = vector.broadcast %squeeze3A_1183 : f32 to vector<16xf32>
        %mul3A_1199 = arith.mulf %mul3A_1198, %bitcast_convert_type3A_1194 : vector<16xf32>
        %add3A_1200 = arith.addf %add3A_1177, %mul3A_1199 : vector<16xf32>
        %add3A_1201 = arith.constant 288 : i32
        %add3A_1202 = arith.addi %add3A_123, %add3A_1201 : i32
        %add3A_1203 = arith.constant 10 : i32
        %add3A_1204 = arith.addi %add3A_1202, %add3A_1203 : i32
        %slice3A_1205 = vector.extract_strided_slice %get3A_970 {offsets = [10], sizes = [1], strides = [1]} : vector<16xf32> to vector<1xf32>
        %squeeze3A_1206 = vector.extract %slice3A_1205[0] : f32 from vector<1xf32>
        %get3A_1207 = arith.index_cast %add3A_1204 : i32 to index
        %get3A_1208 = arith.constant 0 : index
        %get3A_1209 = tpu.vector_load %arg8[%get3A_1207, %get3A_1208] {strides = array<i32>} : memref<3072x16xf32, #tpu.memory_space<vmem>>, vector<1x16xf32>,
        %get3A_1210 = vector.shape_cast %get3A_1209 : vector<1x16xf32> to vector<16xf32>
        %bitcast_convert_type3A_1211 = tpu.bitcast %get3A_1210 : vector<16xf32> -> vector<16xi32>
        %shift_left3A_1212 = arith.constant 16 : i32
        %shift_left3A_1213 = vector.broadcast %shift_left3A_1212 : i32 to vector<16xi32>
        %shift_left3A_1214 = arith.shli %bitcast_convert_type3A_1211, %shift_left3A_1213 : vector<16xi32>
        %bitcast_convert_type3A_1215 = tpu.bitcast %shift_left3A_1214 : vector<16xi32> -> vector<16xf32>
        %and3A_1216 = arith.andi %bitcast_convert_type3A_1211, %broadcast_in_dim3A_3 : vector<16xi32>
        %bitcast_convert_type3A_1217 = tpu.bitcast %and3A_1216 : vector<16xi32> -> vector<16xf32>
        %mul3A_1218 = vector.broadcast %squeeze3A_1206 : f32 to vector<16xf32>
        %mul3A_1219 = arith.mulf %mul3A_1218, %bitcast_convert_type3A_1215 : vector<16xf32>
        %add3A_1220 = arith.addf %add3A_1197, %mul3A_1219 : vector<16xf32>
        %mul3A_1221 = vector.broadcast %squeeze3A_1206 : f32 to vector<16xf32>
        %mul3A_1222 = arith.mulf %mul3A_1221, %bitcast_convert_type3A_1217 : vector<16xf32>
        %add3A_1223 = arith.addf %add3A_1200, %mul3A_1222 : vector<16xf32>
        %add3A_1224 = arith.constant 288 : i32
        %add3A_1225 = arith.addi %add3A_123, %add3A_1224 : i32
        %add3A_1226 = arith.constant 11 : i32
        %add3A_1227 = arith.addi %add3A_1225, %add3A_1226 : i32
        %slice3A_1228 = vector.extract_strided_slice %get3A_970 {offsets = [11], sizes = [1], strides = [1]} : vector<16xf32> to vector<1xf32>
        %squeeze3A_1229 = vector.extract %slice3A_1228[0] : f32 from vector<1xf32>
        %get3A_1230 = arith.index_cast %add3A_1227 : i32 to index
        %get3A_1231 = arith.constant 0 : index
        %get3A_1232 = tpu.vector_load %arg8[%get3A_1230, %get3A_1231] {strides = array<i32>} : memref<3072x16xf32, #tpu.memory_space<vmem>>, vector<1x16xf32>,
        %get3A_1233 = vector.shape_cast %get3A_1232 : vector<1x16xf32> to vector<16xf32>
        %bitcast_convert_type3A_1234 = tpu.bitcast %get3A_1233 : vector<16xf32> -> vector<16xi32>
        %shift_left3A_1235 = arith.constant 16 : i32
        %shift_left3A_1236 = vector.broadcast %shift_left3A_1235 : i32 to vector<16xi32>
        %shift_left3A_1237 = arith.shli %bitcast_convert_type3A_1234, %shift_left3A_1236 : vector<16xi32>
        %bitcast_convert_type3A_1238 = tpu.bitcast %shift_left3A_1237 : vector<16xi32> -> vector<16xf32>
        %and3A_1239 = arith.andi %bitcast_convert_type3A_1234, %broadcast_in_dim3A_3 : vector<16xi32>
        %bitcast_convert_type3A_1240 = tpu.bitcast %and3A_1239 : vector<16xi32> -> vector<16xf32>
        %mul3A_1241 = vector.broadcast %squeeze3A_1229 : f32 to vector<16xf32>
        %mul3A_1242 = arith.mulf %mul3A_1241, %bitcast_convert_type3A_1238 : vector<16xf32>
        %add3A_1243 = arith.addf %add3A_1220, %mul3A_1242 : vector<16xf32>
        %mul3A_1244 = vector.broadcast %squeeze3A_1229 : f32 to vector<16xf32>
        %mul3A_1245 = arith.mulf %mul3A_1244, %bitcast_convert_type3A_1240 : vector<16xf32>
        %add3A_1246 = arith.addf %add3A_1223, %mul3A_1245 : vector<16xf32>
        %mul3A_1247 = arith.constant 32 : i32
        %mul3A_1248 = arith.muli %select_n3A_118, %mul3A_1247 : i32
        %swap3A = arith.index_cast %select_n3A : i32 to index
        %swap3A_1249 = arith.index_cast %mul3A_1248 : i32 to index
        %swap3A_1250 = tpu.vector_load %arg12[%swap3A, %swap3A_1249] {strides = array<i32>} : memref<8x256xf32, #tpu.memory_space<vmem>>, vector<1x16xf32>,
        %swap3A_1251 = vector.shape_cast %swap3A_1250 : vector<1x16xf32> to vector<16xf32>
        %swap3A_1252 = vector.shape_cast %add3A_1243 : vector<16xf32> to vector<1x16xf32>
        tpu.vector_store %arg12[%swap3A, %swap3A_1249], %swap3A_1252 {strides = array<i32>} : memref<8x256xf32, #tpu.memory_space<vmem>>, vector<1x16xf32>,
        %mul3A_1253 = arith.constant 32 : i32
        %mul3A_1254 = arith.muli %select_n3A_118, %mul3A_1253 : i32
        %add3A_1255 = arith.constant 16 : i32
        %add3A_1256 = arith.addi %mul3A_1254, %add3A_1255 : i32
        %swap3A_1257 = arith.index_cast %select_n3A : i32 to index
        %swap3A_1258 = arith.index_cast %add3A_1256 : i32 to index
        %swap3A_1259 = tpu.vector_load %arg12[%swap3A_1257, %swap3A_1258] {strides = array<i32>} : memref<8x256xf32, #tpu.memory_space<vmem>>, vector<1x16xf32>,
        %swap3A_1260 = vector.shape_cast %swap3A_1259 : vector<1x16xf32> to vector<16xf32>
        %swap3A_1261 = vector.shape_cast %add3A_1246 : vector<16xf32> to vector<1x16xf32>
        tpu.vector_store %arg12[%swap3A_1257, %swap3A_1258], %swap3A_1261 {strides = array<i32>} : memref<8x256xf32, #tpu.memory_space<vmem>>, vector<1x16xf32>,
      }
      %scan3A_54 = arith.constant 64 : i32
      %mul3A_55 = arith.constant 8 : i32
      %mul3A_56 = arith.muli %mul3A_31, %mul3A_55 : i32
      %add3A_57 = arith.addi %mul3A_2, %mul3A_56 : i32
      %multiple_of3A_58 = tpu.assume_multiple %add3A_57, 8 : i32
      "tpu.region"() ({
        %run_scoped3A = tpu.sem_alloc : memref<!tpu.dma_semaphore, #tpu.memory_space<semaphore_mem>>
        %dma_start3A_88 = arith.constant 0 : i32
        %dma_start3A_89 = tpu.memref_slice %arg5[%multiple_of3A_58, %dma_start3A_88] : memref<26368x256xf32, #tpu.memory_space<hbm>> -> memref<8x256xf32, #tpu.memory_space<hbm>>
        %dma_start3A_90 = arith.constant 0 : i32
        %dma_start3A_91 = tpu.memref_slice %arg5[%multiple_of3A_58, %dma_start3A_90] : memref<26368x256xf32, #tpu.memory_space<hbm>> -> memref<8x256xf32, #tpu.memory_space<hbm>>
        tpu.enqueue_dma source(%arg12 : memref<8x256xf32, #tpu.memory_space<vmem>>) target(%dma_start3A_91 : memref<8x256xf32, #tpu.memory_space<hbm>>) target_semaphore(%run_scoped3A : memref<!tpu.dma_semaphore, #tpu.memory_space<semaphore_mem>>)
        %dma_wait3A_92 = arith.constant 0 : i32
        %dma_wait3A_93 = tpu.memref_slice %arg5[%multiple_of3A_58, %dma_wait3A_92] : memref<26368x256xf32, #tpu.memory_space<hbm>> -> memref<8x256xf32, #tpu.memory_space<hbm>>
        %dma_wait3A_94 = arith.constant 0 : i32
        %dma_wait3A_95 = tpu.memref_slice %arg5[%multiple_of3A_58, %dma_wait3A_94] : memref<26368x256xf32, #tpu.memory_space<hbm>> -> memref<8x256xf32, #tpu.memory_space<hbm>>
        tpu.wait_dma2 semaphore(%run_scoped3A : memref<!tpu.dma_semaphore, #tpu.memory_space<semaphore_mem>>) src(%arg12 : memref<8x256xf32, #tpu.memory_space<vmem>>) dst(%dma_wait3A_95 : memref<8x256xf32, #tpu.memory_space<hbm>>)
        tpu.yield
      }) : () -> ()
      %add3A_59 = arith.constant 2 : i32
      %add3A_60 = arith.addi %mul3A_31, %add3A_59 : i32
      %mul3A_61 = arith.constant 8 : i32
      %mul3A_62 = arith.muli %add3A_60, %mul3A_61 : i32
      %add3A_63 = arith.addi %mul3A_2, %mul3A_62 : i32
      %mul3A_64 = arith.constant 384 : i32
      %mul3A_65 = arith.muli %add3A_63, %mul3A_64 : i32
      %multiple_of3A_66 = tpu.assume_multiple %mul3A_65, 1024 : i32
      "tpu.region"() ({
        %run_scoped3A = tpu.sem_alloc : memref<!tpu.dma_semaphore, #tpu.memory_space<semaphore_mem>>
        %dma_start3A_88 = tpu.memref_slice %arg3[%multiple_of3A_66] : memref<10125312xi32, #tpu.memory_space<hbm>> -> memref<3072xi32, #tpu.memory_space<hbm>>
        %dma_start3A_89 = tpu.memref_slice %arg3[%multiple_of3A_66] : memref<10125312xi32, #tpu.memory_space<hbm>> -> memref<3072xi32, #tpu.memory_space<hbm>>
        tpu.enqueue_dma source(%dma_start3A_89 : memref<3072xi32, #tpu.memory_space<hbm>>) target(%arg6 : memref<3072xi32, #tpu.memory_space<vmem>>) target_semaphore(%run_scoped3A : memref<!tpu.dma_semaphore, #tpu.memory_space<semaphore_mem>>)
        %dma_wait3A_90 = tpu.memref_slice %arg3[%multiple_of3A_66] : memref<10125312xi32, #tpu.memory_space<hbm>> -> memref<3072xi32, #tpu.memory_space<hbm>>
        %dma_wait3A_91 = tpu.memref_slice %arg3[%multiple_of3A_66] : memref<10125312xi32, #tpu.memory_space<hbm>> -> memref<3072xi32, #tpu.memory_space<hbm>>
        tpu.wait_dma2 semaphore(%run_scoped3A : memref<!tpu.dma_semaphore, #tpu.memory_space<semaphore_mem>>) src(%dma_wait3A_91 : memref<3072xi32, #tpu.memory_space<hbm>>) dst(%arg6 : memref<3072xi32, #tpu.memory_space<vmem>>)
        tpu.yield
      }) : () -> ()
      "tpu.region"() ({
        %run_scoped3A = tpu.sem_alloc : memref<!tpu.dma_semaphore, #tpu.memory_space<semaphore_mem>>
        %dma_start3A_88 = arith.constant 0 : i32
        %dma_start3A_89 = tpu.memref_slice %arg7[%dma_start3A_88] : memref<3088xf32, #tpu.memory_space<vmem>> -> memref<3072xf32, #tpu.memory_space<vmem>>
        %dma_start3A_90 = tpu.memref_slice %arg4[%multiple_of3A_66] : memref<10125312xf32, #tpu.memory_space<hbm>> -> memref<3072xf32, #tpu.memory_space<hbm>>
        %dma_start3A_91 = arith.constant 0 : i32
        %dma_start3A_92 = tpu.memref_slice %arg7[%dma_start3A_91] : memref<3088xf32, #tpu.memory_space<vmem>> -> memref<3072xf32, #tpu.memory_space<vmem>>
        %dma_start3A_93 = tpu.memref_slice %arg4[%multiple_of3A_66] : memref<10125312xf32, #tpu.memory_space<hbm>> -> memref<3072xf32, #tpu.memory_space<hbm>>
        tpu.enqueue_dma source(%dma_start3A_93 : memref<3072xf32, #tpu.memory_space<hbm>>) target(%dma_start3A_92 : memref<3072xf32, #tpu.memory_space<vmem>>) target_semaphore(%run_scoped3A : memref<!tpu.dma_semaphore, #tpu.memory_space<semaphore_mem>>)
        %dma_wait3A_94 = arith.constant 0 : i32
        %dma_wait3A_95 = tpu.memref_slice %arg7[%dma_wait3A_94] : memref<3088xf32, #tpu.memory_space<vmem>> -> memref<3072xf32, #tpu.memory_space<vmem>>
        %dma_wait3A_96 = tpu.memref_slice %arg4[%multiple_of3A_66] : memref<10125312xf32, #tpu.memory_space<hbm>> -> memref<3072xf32, #tpu.memory_space<hbm>>
        %dma_wait3A_97 = arith.constant 0 : i32
        %dma_wait3A_98 = tpu.memref_slice %arg7[%dma_wait3A_97] : memref<3088xf32, #tpu.memory_space<vmem>> -> memref<3072xf32, #tpu.memory_space<vmem>>
        %dma_wait3A_99 = tpu.memref_slice %arg4[%multiple_of3A_66] : memref<10125312xf32, #tpu.memory_space<hbm>> -> memref<3072xf32, #tpu.memory_space<hbm>>
        tpu.wait_dma2 semaphore(%run_scoped3A : memref<!tpu.dma_semaphore, #tpu.memory_space<semaphore_mem>>) src(%dma_wait3A_99 : memref<3072xf32, #tpu.memory_space<hbm>>) dst(%dma_wait3A_98 : memref<3072xf32, #tpu.memory_space<vmem>>)
        tpu.yield
      }) : () -> ()
      %dma_start3A_67 = arith.constant 0 : i32
      %dma_start3A_68 = arith.constant 0 : i32
      %dma_start3A_69 = tpu.memref_slice %arg2[%dma_start3A_67, %dma_start3A_68] : memref<210944x16xf32, #tpu.memory_space<hbm>> -> memref<210944x16xf32, #tpu.memory_space<hbm>>
      tpu.enqueue_indirect_dma source(%dma_start3A_69 : memref<210944x16xf32, #tpu.memory_space<hbm>>) target(%arg8 : memref<3072x16xf32, #tpu.memory_space<vmem>>) offsets(%arg6 : memref<3072xi32, #tpu.memory_space<vmem>>) semaphore(%arg13 : memref<!tpu.dma_semaphore, #tpu.memory_space<semaphore_mem>>)
      %dma_wait3A_70 = arith.constant 0 : i32
      %dma_wait3A_71 = arith.constant 0 : i32
      %dma_wait3A_72 = tpu.memref_slice %arg2[%dma_wait3A_70, %dma_wait3A_71] : memref<210944x16xf32, #tpu.memory_space<hbm>> -> memref<3072x16xf32, #tpu.memory_space<hbm>>
      %dma_wait3A_73 = arith.constant 0 : i32
      %dma_wait3A_74 = arith.constant 0 : i32
      %dma_wait3A_75 = tpu.memref_slice %arg2[%dma_wait3A_73, %dma_wait3A_74] : memref<210944x16xf32, #tpu.memory_space<hbm>> -> memref<3072x16xf32, #tpu.memory_space<hbm>>
      tpu.wait_dma2 semaphore(%arg14 : memref<!tpu.dma_semaphore, #tpu.memory_space<semaphore_mem>>) src(%dma_wait3A_75 : memref<3072x16xf32, #tpu.memory_space<hbm>>) dst(%arg11 : memref<3072x16xf32, #tpu.memory_space<vmem>>)
      %add3A_76 = arith.constant 1 : i32
      %add3A_77 = arith.addi %mul3A_31, %add3A_76 : i32
      %scan3A_78 = arith.constant 0 : i32
      %scan3A_79 = arith.constant 0 : i32
      %scan3A_80 = arith.constant 64 : i32
      %scan3A_81 = arith.addi %scan3A_79, %scan3A_80 : i32
      %scan3A_82 = arith.constant 1 : i32
      scf.for %scan3A_88 = %scan3A_79 to %scan3A_81 step %scan3A_82  : i32 {
        %jit3A = arith.constant 8 : i32
        %div3A = arith.divsi %scan3A_88, %jit3A : i32
        %sign3A = arith.constant 0 : i32
        %sign3A_89 = arith.cmpi sgt, %scan3A_88, %sign3A : i32
        %sign3A_90 = arith.extui %sign3A_89 : i1 to i32
        %sign3A_91 = arith.constant 0 : i32
        %sign3A_92 = arith.cmpi slt, %scan3A_88, %sign3A_91 : i32
        %sign3A_93 = arith.extui %sign3A_92 : i1 to i32
        %sign3A_94 = arith.subi %sign3A_90, %sign3A_93 : i32
        %sign3A_95 = arith.constant 0 : i32
        %sign3A_96 = arith.cmpi sgt, %jit3A, %sign3A_95 : i32
        %sign3A_97 = arith.extui %sign3A_96 : i1 to i32
        %sign3A_98 = arith.constant 0 : i32
        %sign3A_99 = arith.cmpi slt, %jit3A, %sign3A_98 : i32
        %sign3A_100 = arith.extui %sign3A_99 : i1 to i32
        %sign3A_101 = arith.subi %sign3A_97, %sign3A_100 : i32
        %ne3A = arith.cmpi ne, %sign3A_94, %sign3A_101 : i32
        %rem3A = arith.remsi %scan3A_88, %jit3A : i32
        %ne3A_102 = arith.constant 0 : i32
        %ne3A_103 = arith.cmpi ne, %rem3A, %ne3A_102 : i32
        %and3A = arith.andi %ne3A, %ne3A_103 : i1
        %sub3A = arith.constant 1 : i32
        %sub3A_104 = arith.subi %div3A, %sub3A : i32
        %select_n3A = arith.select %and3A, %sub3A_104, %div3A : i32
        %jit3A_105 = arith.constant 8 : i32
        %eq3A = arith.constant 0 : i32
        %eq3A_106 = arith.cmpi eq, %jit3A_105, %eq3A : i32
        %jit3A_107 = arith.constant 1 : i32
        %select_n3A_108 = arith.select %eq3A_106, %jit3A_107, %jit3A_105 : i32
        %rem3A_109 = arith.remsi %scan3A_88, %select_n3A_108 : i32
        %ne3A_110 = arith.constant 0 : i32
        %ne3A_111 = arith.cmpi ne, %rem3A_109, %ne3A_110 : i32
        %lt3A = arith.constant 0 : i32
        %lt3A_112 = arith.cmpi slt, %rem3A_109, %lt3A : i32
        %lt3A_113 = arith.constant 0 : i32
        %lt3A_114 = arith.cmpi slt, %select_n3A_108, %lt3A_113 : i32
        %ne3A_115 = arith.xori %lt3A_112, %lt3A_114 : i1
        %and3A_116 = arith.andi %ne3A_115, %ne3A_111 : i1
        %add3A_117 = arith.addi %rem3A_109, %select_n3A_108 : i32
        %select_n3A_118 = arith.select %and3A_116, %add3A_117, %rem3A_109 : i32
        %mul3A_119 = arith.constant 384 : i32
        %mul3A_120 = arith.muli %select_n3A, %mul3A_119 : i32
        %mul3A_121 = arith.constant 12 : i32
        %mul3A_122 = arith.muli %select_n3A_118, %mul3A_121 : i32
        %add3A_123 = arith.addi %mul3A_120, %mul3A_122 : i32
        %broadcast_in_dim3A_124 = arith.constant 0.000000e+00 : f32
        %broadcast_in_dim3A_125 = vector.broadcast %broadcast_in_dim3A_124 : f32 to vector<16xf32>
        %broadcast_in_dim3A_126 = arith.constant 0.000000e+00 : f32
        %broadcast_in_dim3A_127 = vector.broadcast %broadcast_in_dim3A_126 : f32 to vector<16xf32>
        %add3A_128 = arith.constant 0 : i32
        %add3A_129 = arith.addi %add3A_123, %add3A_128 : i32
        %get3A = arith.index_cast %add3A_129 : i32 to index
        %get3A_130 = tpu.vector_load %arg10[%get3A] {strides = array<i32>} : memref<3088xf32, #tpu.memory_space<vmem>>, vector<16xf32>,
        %get3A_131 = vector.shape_cast %get3A_130 : vector<16xf32> to vector<16xf32>
        %add3A_132 = arith.constant 0 : i32
        %add3A_133 = arith.addi %add3A_123, %add3A_132 : i32
        %add3A_134 = arith.constant 0 : i32
        %add3A_135 = arith.addi %add3A_133, %add3A_134 : i32
        %slice3A = vector.extract_strided_slice %get3A_131 {offsets = [0], sizes = [1], strides = [1]} : vector<16xf32> to vector<1xf32>
        %squeeze3A = vector.extract %slice3A[0] : f32 from vector<1xf32>
        %get3A_136 = arith.index_cast %add3A_135 : i32 to index
        %get3A_137 = arith.constant 0 : index
        %get3A_138 = tpu.vector_load %arg11[%get3A_136, %get3A_137] {strides = array<i32>} : memref<3072x16xf32, #tpu.memory_space<vmem>>, vector<1x16xf32>,
        %get3A_139 = vector.shape_cast %get3A_138 : vector<1x16xf32> to vector<16xf32>
        %bitcast_convert_type3A = tpu.bitcast %get3A_139 : vector<16xf32> -> vector<16xi32>
        %shift_left3A = arith.constant 16 : i32
        %shift_left3A_140 = vector.broadcast %shift_left3A : i32 to vector<16xi32>
        %shift_left3A_141 = arith.shli %bitcast_convert_type3A, %shift_left3A_140 : vector<16xi32>
        %bitcast_convert_type3A_142 = tpu.bitcast %shift_left3A_141 : vector<16xi32> -> vector<16xf32>
        %and3A_143 = arith.andi %bitcast_convert_type3A, %broadcast_in_dim3A_3 : vector<16xi32>
        %bitcast_convert_type3A_144 = tpu.bitcast %and3A_143 : vector<16xi32> -> vector<16xf32>
        %mul3A_145 = vector.broadcast %squeeze3A : f32 to vector<16xf32>
        %mul3A_146 = arith.mulf %mul3A_145, %bitcast_convert_type3A_142 : vector<16xf32>
        %add3A_147 = arith.addf %broadcast_in_dim3A_125, %mul3A_146 : vector<16xf32>
        %mul3A_148 = vector.broadcast %squeeze3A : f32 to vector<16xf32>
        %mul3A_149 = arith.mulf %mul3A_148, %bitcast_convert_type3A_144 : vector<16xf32>
        %add3A_150 = arith.addf %broadcast_in_dim3A_127, %mul3A_149 : vector<16xf32>
        %add3A_151 = arith.constant 0 : i32
        %add3A_152 = arith.addi %add3A_123, %add3A_151 : i32
        %add3A_153 = arith.constant 1 : i32
        %add3A_154 = arith.addi %add3A_152, %add3A_153 : i32
        %slice3A_155 = vector.extract_strided_slice %get3A_131 {offsets = [1], sizes = [1], strides = [1]} : vector<16xf32> to vector<1xf32>
        %squeeze3A_156 = vector.extract %slice3A_155[0] : f32 from vector<1xf32>
        %get3A_157 = arith.index_cast %add3A_154 : i32 to index
        %get3A_158 = arith.constant 0 : index
        %get3A_159 = tpu.vector_load %arg11[%get3A_157, %get3A_158] {strides = array<i32>} : memref<3072x16xf32, #tpu.memory_space<vmem>>, vector<1x16xf32>,
        %get3A_160 = vector.shape_cast %get3A_159 : vector<1x16xf32> to vector<16xf32>
        %bitcast_convert_type3A_161 = tpu.bitcast %get3A_160 : vector<16xf32> -> vector<16xi32>
        %shift_left3A_162 = arith.constant 16 : i32
        %shift_left3A_163 = vector.broadcast %shift_left3A_162 : i32 to vector<16xi32>
        %shift_left3A_164 = arith.shli %bitcast_convert_type3A_161, %shift_left3A_163 : vector<16xi32>
        %bitcast_convert_type3A_165 = tpu.bitcast %shift_left3A_164 : vector<16xi32> -> vector<16xf32>
        %and3A_166 = arith.andi %bitcast_convert_type3A_161, %broadcast_in_dim3A_3 : vector<16xi32>
        %bitcast_convert_type3A_167 = tpu.bitcast %and3A_166 : vector<16xi32> -> vector<16xf32>
        %mul3A_168 = vector.broadcast %squeeze3A_156 : f32 to vector<16xf32>
        %mul3A_169 = arith.mulf %mul3A_168, %bitcast_convert_type3A_165 : vector<16xf32>
        %add3A_170 = arith.addf %add3A_147, %mul3A_169 : vector<16xf32>
        %mul3A_171 = vector.broadcast %squeeze3A_156 : f32 to vector<16xf32>
        %mul3A_172 = arith.mulf %mul3A_171, %bitcast_convert_type3A_167 : vector<16xf32>
        %add3A_173 = arith.addf %add3A_150, %mul3A_172 : vector<16xf32>
        %add3A_174 = arith.constant 0 : i32
        %add3A_175 = arith.addi %add3A_123, %add3A_174 : i32
        %add3A_176 = arith.constant 2 : i32
        %add3A_177 = arith.addi %add3A_175, %add3A_176 : i32
        %slice3A_178 = vector.extract_strided_slice %get3A_131 {offsets = [2], sizes = [1], strides = [1]} : vector<16xf32> to vector<1xf32>
        %squeeze3A_179 = vector.extract %slice3A_178[0] : f32 from vector<1xf32>
        %get3A_180 = arith.index_cast %add3A_177 : i32 to index
        %get3A_181 = arith.constant 0 : index
        %get3A_182 = tpu.vector_load %arg11[%get3A_180, %get3A_181] {strides = array<i32>} : memref<3072x16xf32, #tpu.memory_space<vmem>>, vector<1x16xf32>,
        %get3A_183 = vector.shape_cast %get3A_182 : vector<1x16xf32> to vector<16xf32>
        %bitcast_convert_type3A_184 = tpu.bitcast %get3A_183 : vector<16xf32> -> vector<16xi32>
        %shift_left3A_185 = arith.constant 16 : i32
        %shift_left3A_186 = vector.broadcast %shift_left3A_185 : i32 to vector<16xi32>
        %shift_left3A_187 = arith.shli %bitcast_convert_type3A_184, %shift_left3A_186 : vector<16xi32>
        %bitcast_convert_type3A_188 = tpu.bitcast %shift_left3A_187 : vector<16xi32> -> vector<16xf32>
        %and3A_189 = arith.andi %bitcast_convert_type3A_184, %broadcast_in_dim3A_3 : vector<16xi32>
        %bitcast_convert_type3A_190 = tpu.bitcast %and3A_189 : vector<16xi32> -> vector<16xf32>
        %mul3A_191 = vector.broadcast %squeeze3A_179 : f32 to vector<16xf32>
        %mul3A_192 = arith.mulf %mul3A_191, %bitcast_convert_type3A_188 : vector<16xf32>
        %add3A_193 = arith.addf %add3A_170, %mul3A_192 : vector<16xf32>
        %mul3A_194 = vector.broadcast %squeeze3A_179 : f32 to vector<16xf32>
        %mul3A_195 = arith.mulf %mul3A_194, %bitcast_convert_type3A_190 : vector<16xf32>
        %add3A_196 = arith.addf %add3A_173, %mul3A_195 : vector<16xf32>
        %add3A_197 = arith.constant 0 : i32
        %add3A_198 = arith.addi %add3A_123, %add3A_197 : i32
        %add3A_199 = arith.constant 3 : i32
        %add3A_200 = arith.addi %add3A_198, %add3A_199 : i32
        %slice3A_201 = vector.extract_strided_slice %get3A_131 {offsets = [3], sizes = [1], strides = [1]} : vector<16xf32> to vector<1xf32>
        %squeeze3A_202 = vector.extract %slice3A_201[0] : f32 from vector<1xf32>
        %get3A_203 = arith.index_cast %add3A_200 : i32 to index
        %get3A_204 = arith.constant 0 : index
        %get3A_205 = tpu.vector_load %arg11[%get3A_203, %get3A_204] {strides = array<i32>} : memref<3072x16xf32, #tpu.memory_space<vmem>>, vector<1x16xf32>,
        %get3A_206 = vector.shape_cast %get3A_205 : vector<1x16xf32> to vector<16xf32>
        %bitcast_convert_type3A_207 = tpu.bitcast %get3A_206 : vector<16xf32> -> vector<16xi32>
        %shift_left3A_208 = arith.constant 16 : i32
        %shift_left3A_209 = vector.broadcast %shift_left3A_208 : i32 to vector<16xi32>
        %shift_left3A_210 = arith.shli %bitcast_convert_type3A_207, %shift_left3A_209 : vector<16xi32>
        %bitcast_convert_type3A_211 = tpu.bitcast %shift_left3A_210 : vector<16xi32> -> vector<16xf32>
        %and3A_212 = arith.andi %bitcast_convert_type3A_207, %broadcast_in_dim3A_3 : vector<16xi32>
        %bitcast_convert_type3A_213 = tpu.bitcast %and3A_212 : vector<16xi32> -> vector<16xf32>
        %mul3A_214 = vector.broadcast %squeeze3A_202 : f32 to vector<16xf32>
        %mul3A_215 = arith.mulf %mul3A_214, %bitcast_convert_type3A_211 : vector<16xf32>
        %add3A_216 = arith.addf %add3A_193, %mul3A_215 : vector<16xf32>
        %mul3A_217 = vector.broadcast %squeeze3A_202 : f32 to vector<16xf32>
        %mul3A_218 = arith.mulf %mul3A_217, %bitcast_convert_type3A_213 : vector<16xf32>
        %add3A_219 = arith.addf %add3A_196, %mul3A_218 : vector<16xf32>
        %add3A_220 = arith.constant 0 : i32
        %add3A_221 = arith.addi %add3A_123, %add3A_220 : i32
        %add3A_222 = arith.constant 4 : i32
        %add3A_223 = arith.addi %add3A_221, %add3A_222 : i32
        %slice3A_224 = vector.extract_strided_slice %get3A_131 {offsets = [4], sizes = [1], strides = [1]} : vector<16xf32> to vector<1xf32>
        %squeeze3A_225 = vector.extract %slice3A_224[0] : f32 from vector<1xf32>
        %get3A_226 = arith.index_cast %add3A_223 : i32 to index
        %get3A_227 = arith.constant 0 : index
        %get3A_228 = tpu.vector_load %arg11[%get3A_226, %get3A_227] {strides = array<i32>} : memref<3072x16xf32, #tpu.memory_space<vmem>>, vector<1x16xf32>,
        %get3A_229 = vector.shape_cast %get3A_228 : vector<1x16xf32> to vector<16xf32>
        %bitcast_convert_type3A_230 = tpu.bitcast %get3A_229 : vector<16xf32> -> vector<16xi32>
        %shift_left3A_231 = arith.constant 16 : i32
        %shift_left3A_232 = vector.broadcast %shift_left3A_231 : i32 to vector<16xi32>
        %shift_left3A_233 = arith.shli %bitcast_convert_type3A_230, %shift_left3A_232 : vector<16xi32>
        %bitcast_convert_type3A_234 = tpu.bitcast %shift_left3A_233 : vector<16xi32> -> vector<16xf32>
        %and3A_235 = arith.andi %bitcast_convert_type3A_230, %broadcast_in_dim3A_3 : vector<16xi32>
        %bitcast_convert_type3A_236 = tpu.bitcast %and3A_235 : vector<16xi32> -> vector<16xf32>
        %mul3A_237 = vector.broadcast %squeeze3A_225 : f32 to vector<16xf32>
        %mul3A_238 = arith.mulf %mul3A_237, %bitcast_convert_type3A_234 : vector<16xf32>
        %add3A_239 = arith.addf %add3A_216, %mul3A_238 : vector<16xf32>
        %mul3A_240 = vector.broadcast %squeeze3A_225 : f32 to vector<16xf32>
        %mul3A_241 = arith.mulf %mul3A_240, %bitcast_convert_type3A_236 : vector<16xf32>
        %add3A_242 = arith.addf %add3A_219, %mul3A_241 : vector<16xf32>
        %add3A_243 = arith.constant 0 : i32
        %add3A_244 = arith.addi %add3A_123, %add3A_243 : i32
        %add3A_245 = arith.constant 5 : i32
        %add3A_246 = arith.addi %add3A_244, %add3A_245 : i32
        %slice3A_247 = vector.extract_strided_slice %get3A_131 {offsets = [5], sizes = [1], strides = [1]} : vector<16xf32> to vector<1xf32>
        %squeeze3A_248 = vector.extract %slice3A_247[0] : f32 from vector<1xf32>
        %get3A_249 = arith.index_cast %add3A_246 : i32 to index
        %get3A_250 = arith.constant 0 : index
        %get3A_251 = tpu.vector_load %arg11[%get3A_249, %get3A_250] {strides = array<i32>} : memref<3072x16xf32, #tpu.memory_space<vmem>>, vector<1x16xf32>,
        %get3A_252 = vector.shape_cast %get3A_251 : vector<1x16xf32> to vector<16xf32>
        %bitcast_convert_type3A_253 = tpu.bitcast %get3A_252 : vector<16xf32> -> vector<16xi32>
        %shift_left3A_254 = arith.constant 16 : i32
        %shift_left3A_255 = vector.broadcast %shift_left3A_254 : i32 to vector<16xi32>
        %shift_left3A_256 = arith.shli %bitcast_convert_type3A_253, %shift_left3A_255 : vector<16xi32>
        %bitcast_convert_type3A_257 = tpu.bitcast %shift_left3A_256 : vector<16xi32> -> vector<16xf32>
        %and3A_258 = arith.andi %bitcast_convert_type3A_253, %broadcast_in_dim3A_3 : vector<16xi32>
        %bitcast_convert_type3A_259 = tpu.bitcast %and3A_258 : vector<16xi32> -> vector<16xf32>
        %mul3A_260 = vector.broadcast %squeeze3A_248 : f32 to vector<16xf32>
        %mul3A_261 = arith.mulf %mul3A_260, %bitcast_convert_type3A_257 : vector<16xf32>
        %add3A_262 = arith.addf %add3A_239, %mul3A_261 : vector<16xf32>
        %mul3A_263 = vector.broadcast %squeeze3A_248 : f32 to vector<16xf32>
        %mul3A_264 = arith.mulf %mul3A_263, %bitcast_convert_type3A_259 : vector<16xf32>
        %add3A_265 = arith.addf %add3A_242, %mul3A_264 : vector<16xf32>
        %add3A_266 = arith.constant 0 : i32
        %add3A_267 = arith.addi %add3A_123, %add3A_266 : i32
        %add3A_268 = arith.constant 6 : i32
        %add3A_269 = arith.addi %add3A_267, %add3A_268 : i32
        %slice3A_270 = vector.extract_strided_slice %get3A_131 {offsets = [6], sizes = [1], strides = [1]} : vector<16xf32> to vector<1xf32>
        %squeeze3A_271 = vector.extract %slice3A_270[0] : f32 from vector<1xf32>
        %get3A_272 = arith.index_cast %add3A_269 : i32 to index
        %get3A_273 = arith.constant 0 : index
        %get3A_274 = tpu.vector_load %arg11[%get3A_272, %get3A_273] {strides = array<i32>} : memref<3072x16xf32, #tpu.memory_space<vmem>>, vector<1x16xf32>,
        %get3A_275 = vector.shape_cast %get3A_274 : vector<1x16xf32> to vector<16xf32>
        %bitcast_convert_type3A_276 = tpu.bitcast %get3A_275 : vector<16xf32> -> vector<16xi32>
        %shift_left3A_277 = arith.constant 16 : i32
        %shift_left3A_278 = vector.broadcast %shift_left3A_277 : i32 to vector<16xi32>
        %shift_left3A_279 = arith.shli %bitcast_convert_type3A_276, %shift_left3A_278 : vector<16xi32>
        %bitcast_convert_type3A_280 = tpu.bitcast %shift_left3A_279 : vector<16xi32> -> vector<16xf32>
        %and3A_281 = arith.andi %bitcast_convert_type3A_276, %broadcast_in_dim3A_3 : vector<16xi32>
        %bitcast_convert_type3A_282 = tpu.bitcast %and3A_281 : vector<16xi32> -> vector<16xf32>
        %mul3A_283 = vector.broadcast %squeeze3A_271 : f32 to vector<16xf32>
        %mul3A_284 = arith.mulf %mul3A_283, %bitcast_convert_type3A_280 : vector<16xf32>
        %add3A_285 = arith.addf %add3A_262, %mul3A_284 : vector<16xf32>
        %mul3A_286 = vector.broadcast %squeeze3A_271 : f32 to vector<16xf32>
        %mul3A_287 = arith.mulf %mul3A_286, %bitcast_convert_type3A_282 : vector<16xf32>
        %add3A_288 = arith.addf %add3A_265, %mul3A_287 : vector<16xf32>
        %add3A_289 = arith.constant 0 : i32
        %add3A_290 = arith.addi %add3A_123, %add3A_289 : i32
        %add3A_291 = arith.constant 7 : i32
        %add3A_292 = arith.addi %add3A_290, %add3A_291 : i32
        %slice3A_293 = vector.extract_strided_slice %get3A_131 {offsets = [7], sizes = [1], strides = [1]} : vector<16xf32> to vector<1xf32>
        %squeeze3A_294 = vector.extract %slice3A_293[0] : f32 from vector<1xf32>
        %get3A_295 = arith.index_cast %add3A_292 : i32 to index
        %get3A_296 = arith.constant 0 : index
        %get3A_297 = tpu.vector_load %arg11[%get3A_295, %get3A_296] {strides = array<i32>} : memref<3072x16xf32, #tpu.memory_space<vmem>>, vector<1x16xf32>,
        %get3A_298 = vector.shape_cast %get3A_297 : vector<1x16xf32> to vector<16xf32>
        %bitcast_convert_type3A_299 = tpu.bitcast %get3A_298 : vector<16xf32> -> vector<16xi32>
        %shift_left3A_300 = arith.constant 16 : i32
        %shift_left3A_301 = vector.broadcast %shift_left3A_300 : i32 to vector<16xi32>
        %shift_left3A_302 = arith.shli %bitcast_convert_type3A_299, %shift_left3A_301 : vector<16xi32>
        %bitcast_convert_type3A_303 = tpu.bitcast %shift_left3A_302 : vector<16xi32> -> vector<16xf32>
        %and3A_304 = arith.andi %bitcast_convert_type3A_299, %broadcast_in_dim3A_3 : vector<16xi32>
        %bitcast_convert_type3A_305 = tpu.bitcast %and3A_304 : vector<16xi32> -> vector<16xf32>
        %mul3A_306 = vector.broadcast %squeeze3A_294 : f32 to vector<16xf32>
        %mul3A_307 = arith.mulf %mul3A_306, %bitcast_convert_type3A_303 : vector<16xf32>
        %add3A_308 = arith.addf %add3A_285, %mul3A_307 : vector<16xf32>
        %mul3A_309 = vector.broadcast %squeeze3A_294 : f32 to vector<16xf32>
        %mul3A_310 = arith.mulf %mul3A_309, %bitcast_convert_type3A_305 : vector<16xf32>
        %add3A_311 = arith.addf %add3A_288, %mul3A_310 : vector<16xf32>
        %add3A_312 = arith.constant 0 : i32
        %add3A_313 = arith.addi %add3A_123, %add3A_312 : i32
        %add3A_314 = arith.constant 8 : i32
        %add3A_315 = arith.addi %add3A_313, %add3A_314 : i32
        %slice3A_316 = vector.extract_strided_slice %get3A_131 {offsets = [8], sizes = [1], strides = [1]} : vector<16xf32> to vector<1xf32>
        %squeeze3A_317 = vector.extract %slice3A_316[0] : f32 from vector<1xf32>
        %get3A_318 = arith.index_cast %add3A_315 : i32 to index
        %get3A_319 = arith.constant 0 : index
        %get3A_320 = tpu.vector_load %arg11[%get3A_318, %get3A_319] {strides = array<i32>} : memref<3072x16xf32, #tpu.memory_space<vmem>>, vector<1x16xf32>,
        %get3A_321 = vector.shape_cast %get3A_320 : vector<1x16xf32> to vector<16xf32>
        %bitcast_convert_type3A_322 = tpu.bitcast %get3A_321 : vector<16xf32> -> vector<16xi32>
        %shift_left3A_323 = arith.constant 16 : i32
        %shift_left3A_324 = vector.broadcast %shift_left3A_323 : i32 to vector<16xi32>
        %shift_left3A_325 = arith.shli %bitcast_convert_type3A_322, %shift_left3A_324 : vector<16xi32>
        %bitcast_convert_type3A_326 = tpu.bitcast %shift_left3A_325 : vector<16xi32> -> vector<16xf32>
        %and3A_327 = arith.andi %bitcast_convert_type3A_322, %broadcast_in_dim3A_3 : vector<16xi32>
        %bitcast_convert_type3A_328 = tpu.bitcast %and3A_327 : vector<16xi32> -> vector<16xf32>
        %mul3A_329 = vector.broadcast %squeeze3A_317 : f32 to vector<16xf32>
        %mul3A_330 = arith.mulf %mul3A_329, %bitcast_convert_type3A_326 : vector<16xf32>
        %add3A_331 = arith.addf %add3A_308, %mul3A_330 : vector<16xf32>
        %mul3A_332 = vector.broadcast %squeeze3A_317 : f32 to vector<16xf32>
        %mul3A_333 = arith.mulf %mul3A_332, %bitcast_convert_type3A_328 : vector<16xf32>
        %add3A_334 = arith.addf %add3A_311, %mul3A_333 : vector<16xf32>
        %add3A_335 = arith.constant 0 : i32
        %add3A_336 = arith.addi %add3A_123, %add3A_335 : i32
        %add3A_337 = arith.constant 9 : i32
        %add3A_338 = arith.addi %add3A_336, %add3A_337 : i32
        %slice3A_339 = vector.extract_strided_slice %get3A_131 {offsets = [9], sizes = [1], strides = [1]} : vector<16xf32> to vector<1xf32>
        %squeeze3A_340 = vector.extract %slice3A_339[0] : f32 from vector<1xf32>
        %get3A_341 = arith.index_cast %add3A_338 : i32 to index
        %get3A_342 = arith.constant 0 : index
        %get3A_343 = tpu.vector_load %arg11[%get3A_341, %get3A_342] {strides = array<i32>} : memref<3072x16xf32, #tpu.memory_space<vmem>>, vector<1x16xf32>,
        %get3A_344 = vector.shape_cast %get3A_343 : vector<1x16xf32> to vector<16xf32>
        %bitcast_convert_type3A_345 = tpu.bitcast %get3A_344 : vector<16xf32> -> vector<16xi32>
        %shift_left3A_346 = arith.constant 16 : i32
        %shift_left3A_347 = vector.broadcast %shift_left3A_346 : i32 to vector<16xi32>
        %shift_left3A_348 = arith.shli %bitcast_convert_type3A_345, %shift_left3A_347 : vector<16xi32>
        %bitcast_convert_type3A_349 = tpu.bitcast %shift_left3A_348 : vector<16xi32> -> vector<16xf32>
        %and3A_350 = arith.andi %bitcast_convert_type3A_345, %broadcast_in_dim3A_3 : vector<16xi32>
        %bitcast_convert_type3A_351 = tpu.bitcast %and3A_350 : vector<16xi32> -> vector<16xf32>
        %mul3A_352 = vector.broadcast %squeeze3A_340 : f32 to vector<16xf32>
        %mul3A_353 = arith.mulf %mul3A_352, %bitcast_convert_type3A_349 : vector<16xf32>
        %add3A_354 = arith.addf %add3A_331, %mul3A_353 : vector<16xf32>
        %mul3A_355 = vector.broadcast %squeeze3A_340 : f32 to vector<16xf32>
        %mul3A_356 = arith.mulf %mul3A_355, %bitcast_convert_type3A_351 : vector<16xf32>
        %add3A_357 = arith.addf %add3A_334, %mul3A_356 : vector<16xf32>
        %add3A_358 = arith.constant 0 : i32
        %add3A_359 = arith.addi %add3A_123, %add3A_358 : i32
        %add3A_360 = arith.constant 10 : i32
        %add3A_361 = arith.addi %add3A_359, %add3A_360 : i32
        %slice3A_362 = vector.extract_strided_slice %get3A_131 {offsets = [10], sizes = [1], strides = [1]} : vector<16xf32> to vector<1xf32>
        %squeeze3A_363 = vector.extract %slice3A_362[0] : f32 from vector<1xf32>
        %get3A_364 = arith.index_cast %add3A_361 : i32 to index
        %get3A_365 = arith.constant 0 : index
        %get3A_366 = tpu.vector_load %arg11[%get3A_364, %get3A_365] {strides = array<i32>} : memref<3072x16xf32, #tpu.memory_space<vmem>>, vector<1x16xf32>,
        %get3A_367 = vector.shape_cast %get3A_366 : vector<1x16xf32> to vector<16xf32>
        %bitcast_convert_type3A_368 = tpu.bitcast %get3A_367 : vector<16xf32> -> vector<16xi32>
        %shift_left3A_369 = arith.constant 16 : i32
        %shift_left3A_370 = vector.broadcast %shift_left3A_369 : i32 to vector<16xi32>
        %shift_left3A_371 = arith.shli %bitcast_convert_type3A_368, %shift_left3A_370 : vector<16xi32>
        %bitcast_convert_type3A_372 = tpu.bitcast %shift_left3A_371 : vector<16xi32> -> vector<16xf32>
        %and3A_373 = arith.andi %bitcast_convert_type3A_368, %broadcast_in_dim3A_3 : vector<16xi32>
        %bitcast_convert_type3A_374 = tpu.bitcast %and3A_373 : vector<16xi32> -> vector<16xf32>
        %mul3A_375 = vector.broadcast %squeeze3A_363 : f32 to vector<16xf32>
        %mul3A_376 = arith.mulf %mul3A_375, %bitcast_convert_type3A_372 : vector<16xf32>
        %add3A_377 = arith.addf %add3A_354, %mul3A_376 : vector<16xf32>
        %mul3A_378 = vector.broadcast %squeeze3A_363 : f32 to vector<16xf32>
        %mul3A_379 = arith.mulf %mul3A_378, %bitcast_convert_type3A_374 : vector<16xf32>
        %add3A_380 = arith.addf %add3A_357, %mul3A_379 : vector<16xf32>
        %add3A_381 = arith.constant 0 : i32
        %add3A_382 = arith.addi %add3A_123, %add3A_381 : i32
        %add3A_383 = arith.constant 11 : i32
        %add3A_384 = arith.addi %add3A_382, %add3A_383 : i32
        %slice3A_385 = vector.extract_strided_slice %get3A_131 {offsets = [11], sizes = [1], strides = [1]} : vector<16xf32> to vector<1xf32>
        %squeeze3A_386 = vector.extract %slice3A_385[0] : f32 from vector<1xf32>
        %get3A_387 = arith.index_cast %add3A_384 : i32 to index
        %get3A_388 = arith.constant 0 : index
        %get3A_389 = tpu.vector_load %arg11[%get3A_387, %get3A_388] {strides = array<i32>} : memref<3072x16xf32, #tpu.memory_space<vmem>>, vector<1x16xf32>,
        %get3A_390 = vector.shape_cast %get3A_389 : vector<1x16xf32> to vector<16xf32>
        %bitcast_convert_type3A_391 = tpu.bitcast %get3A_390 : vector<16xf32> -> vector<16xi32>
        %shift_left3A_392 = arith.constant 16 : i32
        %shift_left3A_393 = vector.broadcast %shift_left3A_392 : i32 to vector<16xi32>
        %shift_left3A_394 = arith.shli %bitcast_convert_type3A_391, %shift_left3A_393 : vector<16xi32>
        %bitcast_convert_type3A_395 = tpu.bitcast %shift_left3A_394 : vector<16xi32> -> vector<16xf32>
        %and3A_396 = arith.andi %bitcast_convert_type3A_391, %broadcast_in_dim3A_3 : vector<16xi32>
        %bitcast_convert_type3A_397 = tpu.bitcast %and3A_396 : vector<16xi32> -> vector<16xf32>
        %mul3A_398 = vector.broadcast %squeeze3A_386 : f32 to vector<16xf32>
        %mul3A_399 = arith.mulf %mul3A_398, %bitcast_convert_type3A_395 : vector<16xf32>
        %add3A_400 = arith.addf %add3A_377, %mul3A_399 : vector<16xf32>
        %mul3A_401 = vector.broadcast %squeeze3A_386 : f32 to vector<16xf32>
        %mul3A_402 = arith.mulf %mul3A_401, %bitcast_convert_type3A_397 : vector<16xf32>
        %add3A_403 = arith.addf %add3A_380, %mul3A_402 : vector<16xf32>
        %add3A_404 = arith.constant 96 : i32
        %add3A_405 = arith.addi %add3A_123, %add3A_404 : i32
        %get3A_406 = arith.index_cast %add3A_405 : i32 to index
        %get3A_407 = tpu.vector_load %arg10[%get3A_406] {strides = array<i32>} : memref<3088xf32, #tpu.memory_space<vmem>>, vector<16xf32>,
        %get3A_408 = vector.shape_cast %get3A_407 : vector<16xf32> to vector<16xf32>
        %add3A_409 = arith.constant 96 : i32
        %add3A_410 = arith.addi %add3A_123, %add3A_409 : i32
        %add3A_411 = arith.constant 0 : i32
        %add3A_412 = arith.addi %add3A_410, %add3A_411 : i32
        %slice3A_413 = vector.extract_strided_slice %get3A_408 {offsets = [0], sizes = [1], strides = [1]} : vector<16xf32> to vector<1xf32>
        %squeeze3A_414 = vector.extract %slice3A_413[0] : f32 from vector<1xf32>
        %get3A_415 = arith.index_cast %add3A_412 : i32 to index
        %get3A_416 = arith.constant 0 : index
        %get3A_417 = tpu.vector_load %arg11[%get3A_415, %get3A_416] {strides = array<i32>} : memref<3072x16xf32, #tpu.memory_space<vmem>>, vector<1x16xf32>,
        %get3A_418 = vector.shape_cast %get3A_417 : vector<1x16xf32> to vector<16xf32>
        %bitcast_convert_type3A_419 = tpu.bitcast %get3A_418 : vector<16xf32> -> vector<16xi32>
        %shift_left3A_420 = arith.constant 16 : i32
        %shift_left3A_421 = vector.broadcast %shift_left3A_420 : i32 to vector<16xi32>
        %shift_left3A_422 = arith.shli %bitcast_convert_type3A_419, %shift_left3A_421 : vector<16xi32>
        %bitcast_convert_type3A_423 = tpu.bitcast %shift_left3A_422 : vector<16xi32> -> vector<16xf32>
        %and3A_424 = arith.andi %bitcast_convert_type3A_419, %broadcast_in_dim3A_3 : vector<16xi32>
        %bitcast_convert_type3A_425 = tpu.bitcast %and3A_424 : vector<16xi32> -> vector<16xf32>
        %mul3A_426 = vector.broadcast %squeeze3A_414 : f32 to vector<16xf32>
        %mul3A_427 = arith.mulf %mul3A_426, %bitcast_convert_type3A_423 : vector<16xf32>
        %add3A_428 = arith.addf %add3A_400, %mul3A_427 : vector<16xf32>
        %mul3A_429 = vector.broadcast %squeeze3A_414 : f32 to vector<16xf32>
        %mul3A_430 = arith.mulf %mul3A_429, %bitcast_convert_type3A_425 : vector<16xf32>
        %add3A_431 = arith.addf %add3A_403, %mul3A_430 : vector<16xf32>
        %add3A_432 = arith.constant 96 : i32
        %add3A_433 = arith.addi %add3A_123, %add3A_432 : i32
        %add3A_434 = arith.constant 1 : i32
        %add3A_435 = arith.addi %add3A_433, %add3A_434 : i32
        %slice3A_436 = vector.extract_strided_slice %get3A_408 {offsets = [1], sizes = [1], strides = [1]} : vector<16xf32> to vector<1xf32>
        %squeeze3A_437 = vector.extract %slice3A_436[0] : f32 from vector<1xf32>
        %get3A_438 = arith.index_cast %add3A_435 : i32 to index
        %get3A_439 = arith.constant 0 : index
        %get3A_440 = tpu.vector_load %arg11[%get3A_438, %get3A_439] {strides = array<i32>} : memref<3072x16xf32, #tpu.memory_space<vmem>>, vector<1x16xf32>,
        %get3A_441 = vector.shape_cast %get3A_440 : vector<1x16xf32> to vector<16xf32>
        %bitcast_convert_type3A_442 = tpu.bitcast %get3A_441 : vector<16xf32> -> vector<16xi32>
        %shift_left3A_443 = arith.constant 16 : i32
        %shift_left3A_444 = vector.broadcast %shift_left3A_443 : i32 to vector<16xi32>
        %shift_left3A_445 = arith.shli %bitcast_convert_type3A_442, %shift_left3A_444 : vector<16xi32>
        %bitcast_convert_type3A_446 = tpu.bitcast %shift_left3A_445 : vector<16xi32> -> vector<16xf32>
        %and3A_447 = arith.andi %bitcast_convert_type3A_442, %broadcast_in_dim3A_3 : vector<16xi32>
        %bitcast_convert_type3A_448 = tpu.bitcast %and3A_447 : vector<16xi32> -> vector<16xf32>
        %mul3A_449 = vector.broadcast %squeeze3A_437 : f32 to vector<16xf32>
        %mul3A_450 = arith.mulf %mul3A_449, %bitcast_convert_type3A_446 : vector<16xf32>
        %add3A_451 = arith.addf %add3A_428, %mul3A_450 : vector<16xf32>
        %mul3A_452 = vector.broadcast %squeeze3A_437 : f32 to vector<16xf32>
        %mul3A_453 = arith.mulf %mul3A_452, %bitcast_convert_type3A_448 : vector<16xf32>
        %add3A_454 = arith.addf %add3A_431, %mul3A_453 : vector<16xf32>
        %add3A_455 = arith.constant 96 : i32
        %add3A_456 = arith.addi %add3A_123, %add3A_455 : i32
        %add3A_457 = arith.constant 2 : i32
        %add3A_458 = arith.addi %add3A_456, %add3A_457 : i32
        %slice3A_459 = vector.extract_strided_slice %get3A_408 {offsets = [2], sizes = [1], strides = [1]} : vector<16xf32> to vector<1xf32>
        %squeeze3A_460 = vector.extract %slice3A_459[0] : f32 from vector<1xf32>
        %get3A_461 = arith.index_cast %add3A_458 : i32 to index
        %get3A_462 = arith.constant 0 : index
        %get3A_463 = tpu.vector_load %arg11[%get3A_461, %get3A_462] {strides = array<i32>} : memref<3072x16xf32, #tpu.memory_space<vmem>>, vector<1x16xf32>,
        %get3A_464 = vector.shape_cast %get3A_463 : vector<1x16xf32> to vector<16xf32>
        %bitcast_convert_type3A_465 = tpu.bitcast %get3A_464 : vector<16xf32> -> vector<16xi32>
        %shift_left3A_466 = arith.constant 16 : i32
        %shift_left3A_467 = vector.broadcast %shift_left3A_466 : i32 to vector<16xi32>
        %shift_left3A_468 = arith.shli %bitcast_convert_type3A_465, %shift_left3A_467 : vector<16xi32>
        %bitcast_convert_type3A_469 = tpu.bitcast %shift_left3A_468 : vector<16xi32> -> vector<16xf32>
        %and3A_470 = arith.andi %bitcast_convert_type3A_465, %broadcast_in_dim3A_3 : vector<16xi32>
        %bitcast_convert_type3A_471 = tpu.bitcast %and3A_470 : vector<16xi32> -> vector<16xf32>
        %mul3A_472 = vector.broadcast %squeeze3A_460 : f32 to vector<16xf32>
        %mul3A_473 = arith.mulf %mul3A_472, %bitcast_convert_type3A_469 : vector<16xf32>
        %add3A_474 = arith.addf %add3A_451, %mul3A_473 : vector<16xf32>
        %mul3A_475 = vector.broadcast %squeeze3A_460 : f32 to vector<16xf32>
        %mul3A_476 = arith.mulf %mul3A_475, %bitcast_convert_type3A_471 : vector<16xf32>
        %add3A_477 = arith.addf %add3A_454, %mul3A_476 : vector<16xf32>
        %add3A_478 = arith.constant 96 : i32
        %add3A_479 = arith.addi %add3A_123, %add3A_478 : i32
        %add3A_480 = arith.constant 3 : i32
        %add3A_481 = arith.addi %add3A_479, %add3A_480 : i32
        %slice3A_482 = vector.extract_strided_slice %get3A_408 {offsets = [3], sizes = [1], strides = [1]} : vector<16xf32> to vector<1xf32>
        %squeeze3A_483 = vector.extract %slice3A_482[0] : f32 from vector<1xf32>
        %get3A_484 = arith.index_cast %add3A_481 : i32 to index
        %get3A_485 = arith.constant 0 : index
        %get3A_486 = tpu.vector_load %arg11[%get3A_484, %get3A_485] {strides = array<i32>} : memref<3072x16xf32, #tpu.memory_space<vmem>>, vector<1x16xf32>,
        %get3A_487 = vector.shape_cast %get3A_486 : vector<1x16xf32> to vector<16xf32>
        %bitcast_convert_type3A_488 = tpu.bitcast %get3A_487 : vector<16xf32> -> vector<16xi32>
        %shift_left3A_489 = arith.constant 16 : i32
        %shift_left3A_490 = vector.broadcast %shift_left3A_489 : i32 to vector<16xi32>
        %shift_left3A_491 = arith.shli %bitcast_convert_type3A_488, %shift_left3A_490 : vector<16xi32>
        %bitcast_convert_type3A_492 = tpu.bitcast %shift_left3A_491 : vector<16xi32> -> vector<16xf32>
        %and3A_493 = arith.andi %bitcast_convert_type3A_488, %broadcast_in_dim3A_3 : vector<16xi32>
        %bitcast_convert_type3A_494 = tpu.bitcast %and3A_493 : vector<16xi32> -> vector<16xf32>
        %mul3A_495 = vector.broadcast %squeeze3A_483 : f32 to vector<16xf32>
        %mul3A_496 = arith.mulf %mul3A_495, %bitcast_convert_type3A_492 : vector<16xf32>
        %add3A_497 = arith.addf %add3A_474, %mul3A_496 : vector<16xf32>
        %mul3A_498 = vector.broadcast %squeeze3A_483 : f32 to vector<16xf32>
        %mul3A_499 = arith.mulf %mul3A_498, %bitcast_convert_type3A_494 : vector<16xf32>
        %add3A_500 = arith.addf %add3A_477, %mul3A_499 : vector<16xf32>
        %add3A_501 = arith.constant 96 : i32
        %add3A_502 = arith.addi %add3A_123, %add3A_501 : i32
        %add3A_503 = arith.constant 4 : i32
        %add3A_504 = arith.addi %add3A_502, %add3A_503 : i32
        %slice3A_505 = vector.extract_strided_slice %get3A_408 {offsets = [4], sizes = [1], strides = [1]} : vector<16xf32> to vector<1xf32>
        %squeeze3A_506 = vector.extract %slice3A_505[0] : f32 from vector<1xf32>
        %get3A_507 = arith.index_cast %add3A_504 : i32 to index
        %get3A_508 = arith.constant 0 : index
        %get3A_509 = tpu.vector_load %arg11[%get3A_507, %get3A_508] {strides = array<i32>} : memref<3072x16xf32, #tpu.memory_space<vmem>>, vector<1x16xf32>,
        %get3A_510 = vector.shape_cast %get3A_509 : vector<1x16xf32> to vector<16xf32>
        %bitcast_convert_type3A_511 = tpu.bitcast %get3A_510 : vector<16xf32> -> vector<16xi32>
        %shift_left3A_512 = arith.constant 16 : i32
        %shift_left3A_513 = vector.broadcast %shift_left3A_512 : i32 to vector<16xi32>
        %shift_left3A_514 = arith.shli %bitcast_convert_type3A_511, %shift_left3A_513 : vector<16xi32>
        %bitcast_convert_type3A_515 = tpu.bitcast %shift_left3A_514 : vector<16xi32> -> vector<16xf32>
        %and3A_516 = arith.andi %bitcast_convert_type3A_511, %broadcast_in_dim3A_3 : vector<16xi32>
        %bitcast_convert_type3A_517 = tpu.bitcast %and3A_516 : vector<16xi32> -> vector<16xf32>
        %mul3A_518 = vector.broadcast %squeeze3A_506 : f32 to vector<16xf32>
        %mul3A_519 = arith.mulf %mul3A_518, %bitcast_convert_type3A_515 : vector<16xf32>
        %add3A_520 = arith.addf %add3A_497, %mul3A_519 : vector<16xf32>
        %mul3A_521 = vector.broadcast %squeeze3A_506 : f32 to vector<16xf32>
        %mul3A_522 = arith.mulf %mul3A_521, %bitcast_convert_type3A_517 : vector<16xf32>
        %add3A_523 = arith.addf %add3A_500, %mul3A_522 : vector<16xf32>
        %add3A_524 = arith.constant 96 : i32
        %add3A_525 = arith.addi %add3A_123, %add3A_524 : i32
        %add3A_526 = arith.constant 5 : i32
        %add3A_527 = arith.addi %add3A_525, %add3A_526 : i32
        %slice3A_528 = vector.extract_strided_slice %get3A_408 {offsets = [5], sizes = [1], strides = [1]} : vector<16xf32> to vector<1xf32>
        %squeeze3A_529 = vector.extract %slice3A_528[0] : f32 from vector<1xf32>
        %get3A_530 = arith.index_cast %add3A_527 : i32 to index
        %get3A_531 = arith.constant 0 : index
        %get3A_532 = tpu.vector_load %arg11[%get3A_530, %get3A_531] {strides = array<i32>} : memref<3072x16xf32, #tpu.memory_space<vmem>>, vector<1x16xf32>,
        %get3A_533 = vector.shape_cast %get3A_532 : vector<1x16xf32> to vector<16xf32>
        %bitcast_convert_type3A_534 = tpu.bitcast %get3A_533 : vector<16xf32> -> vector<16xi32>
        %shift_left3A_535 = arith.constant 16 : i32
        %shift_left3A_536 = vector.broadcast %shift_left3A_535 : i32 to vector<16xi32>
        %shift_left3A_537 = arith.shli %bitcast_convert_type3A_534, %shift_left3A_536 : vector<16xi32>
        %bitcast_convert_type3A_538 = tpu.bitcast %shift_left3A_537 : vector<16xi32> -> vector<16xf32>
        %and3A_539 = arith.andi %bitcast_convert_type3A_534, %broadcast_in_dim3A_3 : vector<16xi32>
        %bitcast_convert_type3A_540 = tpu.bitcast %and3A_539 : vector<16xi32> -> vector<16xf32>
        %mul3A_541 = vector.broadcast %squeeze3A_529 : f32 to vector<16xf32>
        %mul3A_542 = arith.mulf %mul3A_541, %bitcast_convert_type3A_538 : vector<16xf32>
        %add3A_543 = arith.addf %add3A_520, %mul3A_542 : vector<16xf32>
        %mul3A_544 = vector.broadcast %squeeze3A_529 : f32 to vector<16xf32>
        %mul3A_545 = arith.mulf %mul3A_544, %bitcast_convert_type3A_540 : vector<16xf32>
        %add3A_546 = arith.addf %add3A_523, %mul3A_545 : vector<16xf32>
        %add3A_547 = arith.constant 96 : i32
        %add3A_548 = arith.addi %add3A_123, %add3A_547 : i32
        %add3A_549 = arith.constant 6 : i32
        %add3A_550 = arith.addi %add3A_548, %add3A_549 : i32
        %slice3A_551 = vector.extract_strided_slice %get3A_408 {offsets = [6], sizes = [1], strides = [1]} : vector<16xf32> to vector<1xf32>
        %squeeze3A_552 = vector.extract %slice3A_551[0] : f32 from vector<1xf32>
        %get3A_553 = arith.index_cast %add3A_550 : i32 to index
        %get3A_554 = arith.constant 0 : index
        %get3A_555 = tpu.vector_load %arg11[%get3A_553, %get3A_554] {strides = array<i32>} : memref<3072x16xf32, #tpu.memory_space<vmem>>, vector<1x16xf32>,
        %get3A_556 = vector.shape_cast %get3A_555 : vector<1x16xf32> to vector<16xf32>
        %bitcast_convert_type3A_557 = tpu.bitcast %get3A_556 : vector<16xf32> -> vector<16xi32>
        %shift_left3A_558 = arith.constant 16 : i32
        %shift_left3A_559 = vector.broadcast %shift_left3A_558 : i32 to vector<16xi32>
        %shift_left3A_560 = arith.shli %bitcast_convert_type3A_557, %shift_left3A_559 : vector<16xi32>
        %bitcast_convert_type3A_561 = tpu.bitcast %shift_left3A_560 : vector<16xi32> -> vector<16xf32>
        %and3A_562 = arith.andi %bitcast_convert_type3A_557, %broadcast_in_dim3A_3 : vector<16xi32>
        %bitcast_convert_type3A_563 = tpu.bitcast %and3A_562 : vector<16xi32> -> vector<16xf32>
        %mul3A_564 = vector.broadcast %squeeze3A_552 : f32 to vector<16xf32>
        %mul3A_565 = arith.mulf %mul3A_564, %bitcast_convert_type3A_561 : vector<16xf32>
        %add3A_566 = arith.addf %add3A_543, %mul3A_565 : vector<16xf32>
        %mul3A_567 = vector.broadcast %squeeze3A_552 : f32 to vector<16xf32>
        %mul3A_568 = arith.mulf %mul3A_567, %bitcast_convert_type3A_563 : vector<16xf32>
        %add3A_569 = arith.addf %add3A_546, %mul3A_568 : vector<16xf32>
        %add3A_570 = arith.constant 96 : i32
        %add3A_571 = arith.addi %add3A_123, %add3A_570 : i32
        %add3A_572 = arith.constant 7 : i32
        %add3A_573 = arith.addi %add3A_571, %add3A_572 : i32
        %slice3A_574 = vector.extract_strided_slice %get3A_408 {offsets = [7], sizes = [1], strides = [1]} : vector<16xf32> to vector<1xf32>
        %squeeze3A_575 = vector.extract %slice3A_574[0] : f32 from vector<1xf32>
        %get3A_576 = arith.index_cast %add3A_573 : i32 to index
        %get3A_577 = arith.constant 0 : index
        %get3A_578 = tpu.vector_load %arg11[%get3A_576, %get3A_577] {strides = array<i32>} : memref<3072x16xf32, #tpu.memory_space<vmem>>, vector<1x16xf32>,
        %get3A_579 = vector.shape_cast %get3A_578 : vector<1x16xf32> to vector<16xf32>
        %bitcast_convert_type3A_580 = tpu.bitcast %get3A_579 : vector<16xf32> -> vector<16xi32>
        %shift_left3A_581 = arith.constant 16 : i32
        %shift_left3A_582 = vector.broadcast %shift_left3A_581 : i32 to vector<16xi32>
        %shift_left3A_583 = arith.shli %bitcast_convert_type3A_580, %shift_left3A_582 : vector<16xi32>
        %bitcast_convert_type3A_584 = tpu.bitcast %shift_left3A_583 : vector<16xi32> -> vector<16xf32>
        %and3A_585 = arith.andi %bitcast_convert_type3A_580, %broadcast_in_dim3A_3 : vector<16xi32>
        %bitcast_convert_type3A_586 = tpu.bitcast %and3A_585 : vector<16xi32> -> vector<16xf32>
        %mul3A_587 = vector.broadcast %squeeze3A_575 : f32 to vector<16xf32>
        %mul3A_588 = arith.mulf %mul3A_587, %bitcast_convert_type3A_584 : vector<16xf32>
        %add3A_589 = arith.addf %add3A_566, %mul3A_588 : vector<16xf32>
        %mul3A_590 = vector.broadcast %squeeze3A_575 : f32 to vector<16xf32>
        %mul3A_591 = arith.mulf %mul3A_590, %bitcast_convert_type3A_586 : vector<16xf32>
        %add3A_592 = arith.addf %add3A_569, %mul3A_591 : vector<16xf32>
        %add3A_593 = arith.constant 96 : i32
        %add3A_594 = arith.addi %add3A_123, %add3A_593 : i32
        %add3A_595 = arith.constant 8 : i32
        %add3A_596 = arith.addi %add3A_594, %add3A_595 : i32
        %slice3A_597 = vector.extract_strided_slice %get3A_408 {offsets = [8], sizes = [1], strides = [1]} : vector<16xf32> to vector<1xf32>
        %squeeze3A_598 = vector.extract %slice3A_597[0] : f32 from vector<1xf32>
        %get3A_599 = arith.index_cast %add3A_596 : i32 to index
        %get3A_600 = arith.constant 0 : index
        %get3A_601 = tpu.vector_load %arg11[%get3A_599, %get3A_600] {strides = array<i32>} : memref<3072x16xf32, #tpu.memory_space<vmem>>, vector<1x16xf32>,
        %get3A_602 = vector.shape_cast %get3A_601 : vector<1x16xf32> to vector<16xf32>
        %bitcast_convert_type3A_603 = tpu.bitcast %get3A_602 : vector<16xf32> -> vector<16xi32>
        %shift_left3A_604 = arith.constant 16 : i32
        %shift_left3A_605 = vector.broadcast %shift_left3A_604 : i32 to vector<16xi32>
        %shift_left3A_606 = arith.shli %bitcast_convert_type3A_603, %shift_left3A_605 : vector<16xi32>
        %bitcast_convert_type3A_607 = tpu.bitcast %shift_left3A_606 : vector<16xi32> -> vector<16xf32>
        %and3A_608 = arith.andi %bitcast_convert_type3A_603, %broadcast_in_dim3A_3 : vector<16xi32>
        %bitcast_convert_type3A_609 = tpu.bitcast %and3A_608 : vector<16xi32> -> vector<16xf32>
        %mul3A_610 = vector.broadcast %squeeze3A_598 : f32 to vector<16xf32>
        %mul3A_611 = arith.mulf %mul3A_610, %bitcast_convert_type3A_607 : vector<16xf32>
        %add3A_612 = arith.addf %add3A_589, %mul3A_611 : vector<16xf32>
        %mul3A_613 = vector.broadcast %squeeze3A_598 : f32 to vector<16xf32>
        %mul3A_614 = arith.mulf %mul3A_613, %bitcast_convert_type3A_609 : vector<16xf32>
        %add3A_615 = arith.addf %add3A_592, %mul3A_614 : vector<16xf32>
        %add3A_616 = arith.constant 96 : i32
        %add3A_617 = arith.addi %add3A_123, %add3A_616 : i32
        %add3A_618 = arith.constant 9 : i32
        %add3A_619 = arith.addi %add3A_617, %add3A_618 : i32
        %slice3A_620 = vector.extract_strided_slice %get3A_408 {offsets = [9], sizes = [1], strides = [1]} : vector<16xf32> to vector<1xf32>
        %squeeze3A_621 = vector.extract %slice3A_620[0] : f32 from vector<1xf32>
        %get3A_622 = arith.index_cast %add3A_619 : i32 to index
        %get3A_623 = arith.constant 0 : index
        %get3A_624 = tpu.vector_load %arg11[%get3A_622, %get3A_623] {strides = array<i32>} : memref<3072x16xf32, #tpu.memory_space<vmem>>, vector<1x16xf32>,
        %get3A_625 = vector.shape_cast %get3A_624 : vector<1x16xf32> to vector<16xf32>
        %bitcast_convert_type3A_626 = tpu.bitcast %get3A_625 : vector<16xf32> -> vector<16xi32>
        %shift_left3A_627 = arith.constant 16 : i32
        %shift_left3A_628 = vector.broadcast %shift_left3A_627 : i32 to vector<16xi32>
        %shift_left3A_629 = arith.shli %bitcast_convert_type3A_626, %shift_left3A_628 : vector<16xi32>
        %bitcast_convert_type3A_630 = tpu.bitcast %shift_left3A_629 : vector<16xi32> -> vector<16xf32>
        %and3A_631 = arith.andi %bitcast_convert_type3A_626, %broadcast_in_dim3A_3 : vector<16xi32>
        %bitcast_convert_type3A_632 = tpu.bitcast %and3A_631 : vector<16xi32> -> vector<16xf32>
        %mul3A_633 = vector.broadcast %squeeze3A_621 : f32 to vector<16xf32>
        %mul3A_634 = arith.mulf %mul3A_633, %bitcast_convert_type3A_630 : vector<16xf32>
        %add3A_635 = arith.addf %add3A_612, %mul3A_634 : vector<16xf32>
        %mul3A_636 = vector.broadcast %squeeze3A_621 : f32 to vector<16xf32>
        %mul3A_637 = arith.mulf %mul3A_636, %bitcast_convert_type3A_632 : vector<16xf32>
        %add3A_638 = arith.addf %add3A_615, %mul3A_637 : vector<16xf32>
        %add3A_639 = arith.constant 96 : i32
        %add3A_640 = arith.addi %add3A_123, %add3A_639 : i32
        %add3A_641 = arith.constant 10 : i32
        %add3A_642 = arith.addi %add3A_640, %add3A_641 : i32
        %slice3A_643 = vector.extract_strided_slice %get3A_408 {offsets = [10], sizes = [1], strides = [1]} : vector<16xf32> to vector<1xf32>
        %squeeze3A_644 = vector.extract %slice3A_643[0] : f32 from vector<1xf32>
        %get3A_645 = arith.index_cast %add3A_642 : i32 to index
        %get3A_646 = arith.constant 0 : index
        %get3A_647 = tpu.vector_load %arg11[%get3A_645, %get3A_646] {strides = array<i32>} : memref<3072x16xf32, #tpu.memory_space<vmem>>, vector<1x16xf32>,
        %get3A_648 = vector.shape_cast %get3A_647 : vector<1x16xf32> to vector<16xf32>
        %bitcast_convert_type3A_649 = tpu.bitcast %get3A_648 : vector<16xf32> -> vector<16xi32>
        %shift_left3A_650 = arith.constant 16 : i32
        %shift_left3A_651 = vector.broadcast %shift_left3A_650 : i32 to vector<16xi32>
        %shift_left3A_652 = arith.shli %bitcast_convert_type3A_649, %shift_left3A_651 : vector<16xi32>
        %bitcast_convert_type3A_653 = tpu.bitcast %shift_left3A_652 : vector<16xi32> -> vector<16xf32>
        %and3A_654 = arith.andi %bitcast_convert_type3A_649, %broadcast_in_dim3A_3 : vector<16xi32>
        %bitcast_convert_type3A_655 = tpu.bitcast %and3A_654 : vector<16xi32> -> vector<16xf32>
        %mul3A_656 = vector.broadcast %squeeze3A_644 : f32 to vector<16xf32>
        %mul3A_657 = arith.mulf %mul3A_656, %bitcast_convert_type3A_653 : vector<16xf32>
        %add3A_658 = arith.addf %add3A_635, %mul3A_657 : vector<16xf32>
        %mul3A_659 = vector.broadcast %squeeze3A_644 : f32 to vector<16xf32>
        %mul3A_660 = arith.mulf %mul3A_659, %bitcast_convert_type3A_655 : vector<16xf32>
        %add3A_661 = arith.addf %add3A_638, %mul3A_660 : vector<16xf32>
        %add3A_662 = arith.constant 96 : i32
        %add3A_663 = arith.addi %add3A_123, %add3A_662 : i32
        %add3A_664 = arith.constant 11 : i32
        %add3A_665 = arith.addi %add3A_663, %add3A_664 : i32
        %slice3A_666 = vector.extract_strided_slice %get3A_408 {offsets = [11], sizes = [1], strides = [1]} : vector<16xf32> to vector<1xf32>
        %squeeze3A_667 = vector.extract %slice3A_666[0] : f32 from vector<1xf32>
        %get3A_668 = arith.index_cast %add3A_665 : i32 to index
        %get3A_669 = arith.constant 0 : index
        %get3A_670 = tpu.vector_load %arg11[%get3A_668, %get3A_669] {strides = array<i32>} : memref<3072x16xf32, #tpu.memory_space<vmem>>, vector<1x16xf32>,
        %get3A_671 = vector.shape_cast %get3A_670 : vector<1x16xf32> to vector<16xf32>
        %bitcast_convert_type3A_672 = tpu.bitcast %get3A_671 : vector<16xf32> -> vector<16xi32>
        %shift_left3A_673 = arith.constant 16 : i32
        %shift_left3A_674 = vector.broadcast %shift_left3A_673 : i32 to vector<16xi32>
        %shift_left3A_675 = arith.shli %bitcast_convert_type3A_672, %shift_left3A_674 : vector<16xi32>
        %bitcast_convert_type3A_676 = tpu.bitcast %shift_left3A_675 : vector<16xi32> -> vector<16xf32>
        %and3A_677 = arith.andi %bitcast_convert_type3A_672, %broadcast_in_dim3A_3 : vector<16xi32>
        %bitcast_convert_type3A_678 = tpu.bitcast %and3A_677 : vector<16xi32> -> vector<16xf32>
        %mul3A_679 = vector.broadcast %squeeze3A_667 : f32 to vector<16xf32>
        %mul3A_680 = arith.mulf %mul3A_679, %bitcast_convert_type3A_676 : vector<16xf32>
        %add3A_681 = arith.addf %add3A_658, %mul3A_680 : vector<16xf32>
        %mul3A_682 = vector.broadcast %squeeze3A_667 : f32 to vector<16xf32>
        %mul3A_683 = arith.mulf %mul3A_682, %bitcast_convert_type3A_678 : vector<16xf32>
        %add3A_684 = arith.addf %add3A_661, %mul3A_683 : vector<16xf32>
        %add3A_685 = arith.constant 192 : i32
        %add3A_686 = arith.addi %add3A_123, %add3A_685 : i32
        %get3A_687 = arith.index_cast %add3A_686 : i32 to index
        %get3A_688 = tpu.vector_load %arg10[%get3A_687] {strides = array<i32>} : memref<3088xf32, #tpu.memory_space<vmem>>, vector<16xf32>,
        %get3A_689 = vector.shape_cast %get3A_688 : vector<16xf32> to vector<16xf32>
        %add3A_690 = arith.constant 192 : i32
        %add3A_691 = arith.addi %add3A_123, %add3A_690 : i32
        %add3A_692 = arith.constant 0 : i32
        %add3A_693 = arith.addi %add3A_691, %add3A_692 : i32
        %slice3A_694 = vector.extract_strided_slice %get3A_689 {offsets = [0], sizes = [1], strides = [1]} : vector<16xf32> to vector<1xf32>
        %squeeze3A_695 = vector.extract %slice3A_694[0] : f32 from vector<1xf32>
        %get3A_696 = arith.index_cast %add3A_693 : i32 to index
        %get3A_697 = arith.constant 0 : index
        %get3A_698 = tpu.vector_load %arg11[%get3A_696, %get3A_697] {strides = array<i32>} : memref<3072x16xf32, #tpu.memory_space<vmem>>, vector<1x16xf32>,
        %get3A_699 = vector.shape_cast %get3A_698 : vector<1x16xf32> to vector<16xf32>
        %bitcast_convert_type3A_700 = tpu.bitcast %get3A_699 : vector<16xf32> -> vector<16xi32>
        %shift_left3A_701 = arith.constant 16 : i32
        %shift_left3A_702 = vector.broadcast %shift_left3A_701 : i32 to vector<16xi32>
        %shift_left3A_703 = arith.shli %bitcast_convert_type3A_700, %shift_left3A_702 : vector<16xi32>
        %bitcast_convert_type3A_704 = tpu.bitcast %shift_left3A_703 : vector<16xi32> -> vector<16xf32>
        %and3A_705 = arith.andi %bitcast_convert_type3A_700, %broadcast_in_dim3A_3 : vector<16xi32>
        %bitcast_convert_type3A_706 = tpu.bitcast %and3A_705 : vector<16xi32> -> vector<16xf32>
        %mul3A_707 = vector.broadcast %squeeze3A_695 : f32 to vector<16xf32>
        %mul3A_708 = arith.mulf %mul3A_707, %bitcast_convert_type3A_704 : vector<16xf32>
        %add3A_709 = arith.addf %add3A_681, %mul3A_708 : vector<16xf32>
        %mul3A_710 = vector.broadcast %squeeze3A_695 : f32 to vector<16xf32>
        %mul3A_711 = arith.mulf %mul3A_710, %bitcast_convert_type3A_706 : vector<16xf32>
        %add3A_712 = arith.addf %add3A_684, %mul3A_711 : vector<16xf32>
        %add3A_713 = arith.constant 192 : i32
        %add3A_714 = arith.addi %add3A_123, %add3A_713 : i32
        %add3A_715 = arith.constant 1 : i32
        %add3A_716 = arith.addi %add3A_714, %add3A_715 : i32
        %slice3A_717 = vector.extract_strided_slice %get3A_689 {offsets = [1], sizes = [1], strides = [1]} : vector<16xf32> to vector<1xf32>
        %squeeze3A_718 = vector.extract %slice3A_717[0] : f32 from vector<1xf32>
        %get3A_719 = arith.index_cast %add3A_716 : i32 to index
        %get3A_720 = arith.constant 0 : index
        %get3A_721 = tpu.vector_load %arg11[%get3A_719, %get3A_720] {strides = array<i32>} : memref<3072x16xf32, #tpu.memory_space<vmem>>, vector<1x16xf32>,
        %get3A_722 = vector.shape_cast %get3A_721 : vector<1x16xf32> to vector<16xf32>
        %bitcast_convert_type3A_723 = tpu.bitcast %get3A_722 : vector<16xf32> -> vector<16xi32>
        %shift_left3A_724 = arith.constant 16 : i32
        %shift_left3A_725 = vector.broadcast %shift_left3A_724 : i32 to vector<16xi32>
        %shift_left3A_726 = arith.shli %bitcast_convert_type3A_723, %shift_left3A_725 : vector<16xi32>
        %bitcast_convert_type3A_727 = tpu.bitcast %shift_left3A_726 : vector<16xi32> -> vector<16xf32>
        %and3A_728 = arith.andi %bitcast_convert_type3A_723, %broadcast_in_dim3A_3 : vector<16xi32>
        %bitcast_convert_type3A_729 = tpu.bitcast %and3A_728 : vector<16xi32> -> vector<16xf32>
        %mul3A_730 = vector.broadcast %squeeze3A_718 : f32 to vector<16xf32>
        %mul3A_731 = arith.mulf %mul3A_730, %bitcast_convert_type3A_727 : vector<16xf32>
        %add3A_732 = arith.addf %add3A_709, %mul3A_731 : vector<16xf32>
        %mul3A_733 = vector.broadcast %squeeze3A_718 : f32 to vector<16xf32>
        %mul3A_734 = arith.mulf %mul3A_733, %bitcast_convert_type3A_729 : vector<16xf32>
        %add3A_735 = arith.addf %add3A_712, %mul3A_734 : vector<16xf32>
        %add3A_736 = arith.constant 192 : i32
        %add3A_737 = arith.addi %add3A_123, %add3A_736 : i32
        %add3A_738 = arith.constant 2 : i32
        %add3A_739 = arith.addi %add3A_737, %add3A_738 : i32
        %slice3A_740 = vector.extract_strided_slice %get3A_689 {offsets = [2], sizes = [1], strides = [1]} : vector<16xf32> to vector<1xf32>
        %squeeze3A_741 = vector.extract %slice3A_740[0] : f32 from vector<1xf32>
        %get3A_742 = arith.index_cast %add3A_739 : i32 to index
        %get3A_743 = arith.constant 0 : index
        %get3A_744 = tpu.vector_load %arg11[%get3A_742, %get3A_743] {strides = array<i32>} : memref<3072x16xf32, #tpu.memory_space<vmem>>, vector<1x16xf32>,
        %get3A_745 = vector.shape_cast %get3A_744 : vector<1x16xf32> to vector<16xf32>
        %bitcast_convert_type3A_746 = tpu.bitcast %get3A_745 : vector<16xf32> -> vector<16xi32>
        %shift_left3A_747 = arith.constant 16 : i32
        %shift_left3A_748 = vector.broadcast %shift_left3A_747 : i32 to vector<16xi32>
        %shift_left3A_749 = arith.shli %bitcast_convert_type3A_746, %shift_left3A_748 : vector<16xi32>
        %bitcast_convert_type3A_750 = tpu.bitcast %shift_left3A_749 : vector<16xi32> -> vector<16xf32>
        %and3A_751 = arith.andi %bitcast_convert_type3A_746, %broadcast_in_dim3A_3 : vector<16xi32>
        %bitcast_convert_type3A_752 = tpu.bitcast %and3A_751 : vector<16xi32> -> vector<16xf32>
        %mul3A_753 = vector.broadcast %squeeze3A_741 : f32 to vector<16xf32>
        %mul3A_754 = arith.mulf %mul3A_753, %bitcast_convert_type3A_750 : vector<16xf32>
        %add3A_755 = arith.addf %add3A_732, %mul3A_754 : vector<16xf32>
        %mul3A_756 = vector.broadcast %squeeze3A_741 : f32 to vector<16xf32>
        %mul3A_757 = arith.mulf %mul3A_756, %bitcast_convert_type3A_752 : vector<16xf32>
        %add3A_758 = arith.addf %add3A_735, %mul3A_757 : vector<16xf32>
        %add3A_759 = arith.constant 192 : i32
        %add3A_760 = arith.addi %add3A_123, %add3A_759 : i32
        %add3A_761 = arith.constant 3 : i32
        %add3A_762 = arith.addi %add3A_760, %add3A_761 : i32
        %slice3A_763 = vector.extract_strided_slice %get3A_689 {offsets = [3], sizes = [1], strides = [1]} : vector<16xf32> to vector<1xf32>
        %squeeze3A_764 = vector.extract %slice3A_763[0] : f32 from vector<1xf32>
        %get3A_765 = arith.index_cast %add3A_762 : i32 to index
        %get3A_766 = arith.constant 0 : index
        %get3A_767 = tpu.vector_load %arg11[%get3A_765, %get3A_766] {strides = array<i32>} : memref<3072x16xf32, #tpu.memory_space<vmem>>, vector<1x16xf32>,
        %get3A_768 = vector.shape_cast %get3A_767 : vector<1x16xf32> to vector<16xf32>
        %bitcast_convert_type3A_769 = tpu.bitcast %get3A_768 : vector<16xf32> -> vector<16xi32>
        %shift_left3A_770 = arith.constant 16 : i32
        %shift_left3A_771 = vector.broadcast %shift_left3A_770 : i32 to vector<16xi32>
        %shift_left3A_772 = arith.shli %bitcast_convert_type3A_769, %shift_left3A_771 : vector<16xi32>
        %bitcast_convert_type3A_773 = tpu.bitcast %shift_left3A_772 : vector<16xi32> -> vector<16xf32>
        %and3A_774 = arith.andi %bitcast_convert_type3A_769, %broadcast_in_dim3A_3 : vector<16xi32>
        %bitcast_convert_type3A_775 = tpu.bitcast %and3A_774 : vector<16xi32> -> vector<16xf32>
        %mul3A_776 = vector.broadcast %squeeze3A_764 : f32 to vector<16xf32>
        %mul3A_777 = arith.mulf %mul3A_776, %bitcast_convert_type3A_773 : vector<16xf32>
        %add3A_778 = arith.addf %add3A_755, %mul3A_777 : vector<16xf32>
        %mul3A_779 = vector.broadcast %squeeze3A_764 : f32 to vector<16xf32>
        %mul3A_780 = arith.mulf %mul3A_779, %bitcast_convert_type3A_775 : vector<16xf32>
        %add3A_781 = arith.addf %add3A_758, %mul3A_780 : vector<16xf32>
        %add3A_782 = arith.constant 192 : i32
        %add3A_783 = arith.addi %add3A_123, %add3A_782 : i32
        %add3A_784 = arith.constant 4 : i32
        %add3A_785 = arith.addi %add3A_783, %add3A_784 : i32
        %slice3A_786 = vector.extract_strided_slice %get3A_689 {offsets = [4], sizes = [1], strides = [1]} : vector<16xf32> to vector<1xf32>
        %squeeze3A_787 = vector.extract %slice3A_786[0] : f32 from vector<1xf32>
        %get3A_788 = arith.index_cast %add3A_785 : i32 to index
        %get3A_789 = arith.constant 0 : index
        %get3A_790 = tpu.vector_load %arg11[%get3A_788, %get3A_789] {strides = array<i32>} : memref<3072x16xf32, #tpu.memory_space<vmem>>, vector<1x16xf32>,
        %get3A_791 = vector.shape_cast %get3A_790 : vector<1x16xf32> to vector<16xf32>
        %bitcast_convert_type3A_792 = tpu.bitcast %get3A_791 : vector<16xf32> -> vector<16xi32>
        %shift_left3A_793 = arith.constant 16 : i32
        %shift_left3A_794 = vector.broadcast %shift_left3A_793 : i32 to vector<16xi32>
        %shift_left3A_795 = arith.shli %bitcast_convert_type3A_792, %shift_left3A_794 : vector<16xi32>
        %bitcast_convert_type3A_796 = tpu.bitcast %shift_left3A_795 : vector<16xi32> -> vector<16xf32>
        %and3A_797 = arith.andi %bitcast_convert_type3A_792, %broadcast_in_dim3A_3 : vector<16xi32>
        %bitcast_convert_type3A_798 = tpu.bitcast %and3A_797 : vector<16xi32> -> vector<16xf32>
        %mul3A_799 = vector.broadcast %squeeze3A_787 : f32 to vector<16xf32>
        %mul3A_800 = arith.mulf %mul3A_799, %bitcast_convert_type3A_796 : vector<16xf32>
        %add3A_801 = arith.addf %add3A_778, %mul3A_800 : vector<16xf32>
        %mul3A_802 = vector.broadcast %squeeze3A_787 : f32 to vector<16xf32>
        %mul3A_803 = arith.mulf %mul3A_802, %bitcast_convert_type3A_798 : vector<16xf32>
        %add3A_804 = arith.addf %add3A_781, %mul3A_803 : vector<16xf32>
        %add3A_805 = arith.constant 192 : i32
        %add3A_806 = arith.addi %add3A_123, %add3A_805 : i32
        %add3A_807 = arith.constant 5 : i32
        %add3A_808 = arith.addi %add3A_806, %add3A_807 : i32
        %slice3A_809 = vector.extract_strided_slice %get3A_689 {offsets = [5], sizes = [1], strides = [1]} : vector<16xf32> to vector<1xf32>
        %squeeze3A_810 = vector.extract %slice3A_809[0] : f32 from vector<1xf32>
        %get3A_811 = arith.index_cast %add3A_808 : i32 to index
        %get3A_812 = arith.constant 0 : index
        %get3A_813 = tpu.vector_load %arg11[%get3A_811, %get3A_812] {strides = array<i32>} : memref<3072x16xf32, #tpu.memory_space<vmem>>, vector<1x16xf32>,
        %get3A_814 = vector.shape_cast %get3A_813 : vector<1x16xf32> to vector<16xf32>
        %bitcast_convert_type3A_815 = tpu.bitcast %get3A_814 : vector<16xf32> -> vector<16xi32>
        %shift_left3A_816 = arith.constant 16 : i32
        %shift_left3A_817 = vector.broadcast %shift_left3A_816 : i32 to vector<16xi32>
        %shift_left3A_818 = arith.shli %bitcast_convert_type3A_815, %shift_left3A_817 : vector<16xi32>
        %bitcast_convert_type3A_819 = tpu.bitcast %shift_left3A_818 : vector<16xi32> -> vector<16xf32>
        %and3A_820 = arith.andi %bitcast_convert_type3A_815, %broadcast_in_dim3A_3 : vector<16xi32>
        %bitcast_convert_type3A_821 = tpu.bitcast %and3A_820 : vector<16xi32> -> vector<16xf32>
        %mul3A_822 = vector.broadcast %squeeze3A_810 : f32 to vector<16xf32>
        %mul3A_823 = arith.mulf %mul3A_822, %bitcast_convert_type3A_819 : vector<16xf32>
        %add3A_824 = arith.addf %add3A_801, %mul3A_823 : vector<16xf32>
        %mul3A_825 = vector.broadcast %squeeze3A_810 : f32 to vector<16xf32>
        %mul3A_826 = arith.mulf %mul3A_825, %bitcast_convert_type3A_821 : vector<16xf32>
        %add3A_827 = arith.addf %add3A_804, %mul3A_826 : vector<16xf32>
        %add3A_828 = arith.constant 192 : i32
        %add3A_829 = arith.addi %add3A_123, %add3A_828 : i32
        %add3A_830 = arith.constant 6 : i32
        %add3A_831 = arith.addi %add3A_829, %add3A_830 : i32
        %slice3A_832 = vector.extract_strided_slice %get3A_689 {offsets = [6], sizes = [1], strides = [1]} : vector<16xf32> to vector<1xf32>
        %squeeze3A_833 = vector.extract %slice3A_832[0] : f32 from vector<1xf32>
        %get3A_834 = arith.index_cast %add3A_831 : i32 to index
        %get3A_835 = arith.constant 0 : index
        %get3A_836 = tpu.vector_load %arg11[%get3A_834, %get3A_835] {strides = array<i32>} : memref<3072x16xf32, #tpu.memory_space<vmem>>, vector<1x16xf32>,
        %get3A_837 = vector.shape_cast %get3A_836 : vector<1x16xf32> to vector<16xf32>
        %bitcast_convert_type3A_838 = tpu.bitcast %get3A_837 : vector<16xf32> -> vector<16xi32>
        %shift_left3A_839 = arith.constant 16 : i32
        %shift_left3A_840 = vector.broadcast %shift_left3A_839 : i32 to vector<16xi32>
        %shift_left3A_841 = arith.shli %bitcast_convert_type3A_838, %shift_left3A_840 : vector<16xi32>
        %bitcast_convert_type3A_842 = tpu.bitcast %shift_left3A_841 : vector<16xi32> -> vector<16xf32>
        %and3A_843 = arith.andi %bitcast_convert_type3A_838, %broadcast_in_dim3A_3 : vector<16xi32>
        %bitcast_convert_type3A_844 = tpu.bitcast %and3A_843 : vector<16xi32> -> vector<16xf32>
        %mul3A_845 = vector.broadcast %squeeze3A_833 : f32 to vector<16xf32>
        %mul3A_846 = arith.mulf %mul3A_845, %bitcast_convert_type3A_842 : vector<16xf32>
        %add3A_847 = arith.addf %add3A_824, %mul3A_846 : vector<16xf32>
        %mul3A_848 = vector.broadcast %squeeze3A_833 : f32 to vector<16xf32>
        %mul3A_849 = arith.mulf %mul3A_848, %bitcast_convert_type3A_844 : vector<16xf32>
        %add3A_850 = arith.addf %add3A_827, %mul3A_849 : vector<16xf32>
        %add3A_851 = arith.constant 192 : i32
        %add3A_852 = arith.addi %add3A_123, %add3A_851 : i32
        %add3A_853 = arith.constant 7 : i32
        %add3A_854 = arith.addi %add3A_852, %add3A_853 : i32
        %slice3A_855 = vector.extract_strided_slice %get3A_689 {offsets = [7], sizes = [1], strides = [1]} : vector<16xf32> to vector<1xf32>
        %squeeze3A_856 = vector.extract %slice3A_855[0] : f32 from vector<1xf32>
        %get3A_857 = arith.index_cast %add3A_854 : i32 to index
        %get3A_858 = arith.constant 0 : index
        %get3A_859 = tpu.vector_load %arg11[%get3A_857, %get3A_858] {strides = array<i32>} : memref<3072x16xf32, #tpu.memory_space<vmem>>, vector<1x16xf32>,
        %get3A_860 = vector.shape_cast %get3A_859 : vector<1x16xf32> to vector<16xf32>
        %bitcast_convert_type3A_861 = tpu.bitcast %get3A_860 : vector<16xf32> -> vector<16xi32>
        %shift_left3A_862 = arith.constant 16 : i32
        %shift_left3A_863 = vector.broadcast %shift_left3A_862 : i32 to vector<16xi32>
        %shift_left3A_864 = arith.shli %bitcast_convert_type3A_861, %shift_left3A_863 : vector<16xi32>
        %bitcast_convert_type3A_865 = tpu.bitcast %shift_left3A_864 : vector<16xi32> -> vector<16xf32>
        %and3A_866 = arith.andi %bitcast_convert_type3A_861, %broadcast_in_dim3A_3 : vector<16xi32>
        %bitcast_convert_type3A_867 = tpu.bitcast %and3A_866 : vector<16xi32> -> vector<16xf32>
        %mul3A_868 = vector.broadcast %squeeze3A_856 : f32 to vector<16xf32>
        %mul3A_869 = arith.mulf %mul3A_868, %bitcast_convert_type3A_865 : vector<16xf32>
        %add3A_870 = arith.addf %add3A_847, %mul3A_869 : vector<16xf32>
        %mul3A_871 = vector.broadcast %squeeze3A_856 : f32 to vector<16xf32>
        %mul3A_872 = arith.mulf %mul3A_871, %bitcast_convert_type3A_867 : vector<16xf32>
        %add3A_873 = arith.addf %add3A_850, %mul3A_872 : vector<16xf32>
        %add3A_874 = arith.constant 192 : i32
        %add3A_875 = arith.addi %add3A_123, %add3A_874 : i32
        %add3A_876 = arith.constant 8 : i32
        %add3A_877 = arith.addi %add3A_875, %add3A_876 : i32
        %slice3A_878 = vector.extract_strided_slice %get3A_689 {offsets = [8], sizes = [1], strides = [1]} : vector<16xf32> to vector<1xf32>
        %squeeze3A_879 = vector.extract %slice3A_878[0] : f32 from vector<1xf32>
        %get3A_880 = arith.index_cast %add3A_877 : i32 to index
        %get3A_881 = arith.constant 0 : index
        %get3A_882 = tpu.vector_load %arg11[%get3A_880, %get3A_881] {strides = array<i32>} : memref<3072x16xf32, #tpu.memory_space<vmem>>, vector<1x16xf32>,
        %get3A_883 = vector.shape_cast %get3A_882 : vector<1x16xf32> to vector<16xf32>
        %bitcast_convert_type3A_884 = tpu.bitcast %get3A_883 : vector<16xf32> -> vector<16xi32>
        %shift_left3A_885 = arith.constant 16 : i32
        %shift_left3A_886 = vector.broadcast %shift_left3A_885 : i32 to vector<16xi32>
        %shift_left3A_887 = arith.shli %bitcast_convert_type3A_884, %shift_left3A_886 : vector<16xi32>
        %bitcast_convert_type3A_888 = tpu.bitcast %shift_left3A_887 : vector<16xi32> -> vector<16xf32>
        %and3A_889 = arith.andi %bitcast_convert_type3A_884, %broadcast_in_dim3A_3 : vector<16xi32>
        %bitcast_convert_type3A_890 = tpu.bitcast %and3A_889 : vector<16xi32> -> vector<16xf32>
        %mul3A_891 = vector.broadcast %squeeze3A_879 : f32 to vector<16xf32>
        %mul3A_892 = arith.mulf %mul3A_891, %bitcast_convert_type3A_888 : vector<16xf32>
        %add3A_893 = arith.addf %add3A_870, %mul3A_892 : vector<16xf32>
        %mul3A_894 = vector.broadcast %squeeze3A_879 : f32 to vector<16xf32>
        %mul3A_895 = arith.mulf %mul3A_894, %bitcast_convert_type3A_890 : vector<16xf32>
        %add3A_896 = arith.addf %add3A_873, %mul3A_895 : vector<16xf32>
        %add3A_897 = arith.constant 192 : i32
        %add3A_898 = arith.addi %add3A_123, %add3A_897 : i32
        %add3A_899 = arith.constant 9 : i32
        %add3A_900 = arith.addi %add3A_898, %add3A_899 : i32
        %slice3A_901 = vector.extract_strided_slice %get3A_689 {offsets = [9], sizes = [1], strides = [1]} : vector<16xf32> to vector<1xf32>
        %squeeze3A_902 = vector.extract %slice3A_901[0] : f32 from vector<1xf32>
        %get3A_903 = arith.index_cast %add3A_900 : i32 to index
        %get3A_904 = arith.constant 0 : index
        %get3A_905 = tpu.vector_load %arg11[%get3A_903, %get3A_904] {strides = array<i32>} : memref<3072x16xf32, #tpu.memory_space<vmem>>, vector<1x16xf32>,
        %get3A_906 = vector.shape_cast %get3A_905 : vector<1x16xf32> to vector<16xf32>
        %bitcast_convert_type3A_907 = tpu.bitcast %get3A_906 : vector<16xf32> -> vector<16xi32>
        %shift_left3A_908 = arith.constant 16 : i32
        %shift_left3A_909 = vector.broadcast %shift_left3A_908 : i32 to vector<16xi32>
        %shift_left3A_910 = arith.shli %bitcast_convert_type3A_907, %shift_left3A_909 : vector<16xi32>
        %bitcast_convert_type3A_911 = tpu.bitcast %shift_left3A_910 : vector<16xi32> -> vector<16xf32>
        %and3A_912 = arith.andi %bitcast_convert_type3A_907, %broadcast_in_dim3A_3 : vector<16xi32>
        %bitcast_convert_type3A_913 = tpu.bitcast %and3A_912 : vector<16xi32> -> vector<16xf32>
        %mul3A_914 = vector.broadcast %squeeze3A_902 : f32 to vector<16xf32>
        %mul3A_915 = arith.mulf %mul3A_914, %bitcast_convert_type3A_911 : vector<16xf32>
        %add3A_916 = arith.addf %add3A_893, %mul3A_915 : vector<16xf32>
        %mul3A_917 = vector.broadcast %squeeze3A_902 : f32 to vector<16xf32>
        %mul3A_918 = arith.mulf %mul3A_917, %bitcast_convert_type3A_913 : vector<16xf32>
        %add3A_919 = arith.addf %add3A_896, %mul3A_918 : vector<16xf32>
        %add3A_920 = arith.constant 192 : i32
        %add3A_921 = arith.addi %add3A_123, %add3A_920 : i32
        %add3A_922 = arith.constant 10 : i32
        %add3A_923 = arith.addi %add3A_921, %add3A_922 : i32
        %slice3A_924 = vector.extract_strided_slice %get3A_689 {offsets = [10], sizes = [1], strides = [1]} : vector<16xf32> to vector<1xf32>
        %squeeze3A_925 = vector.extract %slice3A_924[0] : f32 from vector<1xf32>
        %get3A_926 = arith.index_cast %add3A_923 : i32 to index
        %get3A_927 = arith.constant 0 : index
        %get3A_928 = tpu.vector_load %arg11[%get3A_926, %get3A_927] {strides = array<i32>} : memref<3072x16xf32, #tpu.memory_space<vmem>>, vector<1x16xf32>,
        %get3A_929 = vector.shape_cast %get3A_928 : vector<1x16xf32> to vector<16xf32>
        %bitcast_convert_type3A_930 = tpu.bitcast %get3A_929 : vector<16xf32> -> vector<16xi32>
        %shift_left3A_931 = arith.constant 16 : i32
        %shift_left3A_932 = vector.broadcast %shift_left3A_931 : i32 to vector<16xi32>
        %shift_left3A_933 = arith.shli %bitcast_convert_type3A_930, %shift_left3A_932 : vector<16xi32>
        %bitcast_convert_type3A_934 = tpu.bitcast %shift_left3A_933 : vector<16xi32> -> vector<16xf32>
        %and3A_935 = arith.andi %bitcast_convert_type3A_930, %broadcast_in_dim3A_3 : vector<16xi32>
        %bitcast_convert_type3A_936 = tpu.bitcast %and3A_935 : vector<16xi32> -> vector<16xf32>
        %mul3A_937 = vector.broadcast %squeeze3A_925 : f32 to vector<16xf32>
        %mul3A_938 = arith.mulf %mul3A_937, %bitcast_convert_type3A_934 : vector<16xf32>
        %add3A_939 = arith.addf %add3A_916, %mul3A_938 : vector<16xf32>
        %mul3A_940 = vector.broadcast %squeeze3A_925 : f32 to vector<16xf32>
        %mul3A_941 = arith.mulf %mul3A_940, %bitcast_convert_type3A_936 : vector<16xf32>
        %add3A_942 = arith.addf %add3A_919, %mul3A_941 : vector<16xf32>
        %add3A_943 = arith.constant 192 : i32
        %add3A_944 = arith.addi %add3A_123, %add3A_943 : i32
        %add3A_945 = arith.constant 11 : i32
        %add3A_946 = arith.addi %add3A_944, %add3A_945 : i32
        %slice3A_947 = vector.extract_strided_slice %get3A_689 {offsets = [11], sizes = [1], strides = [1]} : vector<16xf32> to vector<1xf32>
        %squeeze3A_948 = vector.extract %slice3A_947[0] : f32 from vector<1xf32>
        %get3A_949 = arith.index_cast %add3A_946 : i32 to index
        %get3A_950 = arith.constant 0 : index
        %get3A_951 = tpu.vector_load %arg11[%get3A_949, %get3A_950] {strides = array<i32>} : memref<3072x16xf32, #tpu.memory_space<vmem>>, vector<1x16xf32>,
        %get3A_952 = vector.shape_cast %get3A_951 : vector<1x16xf32> to vector<16xf32>
        %bitcast_convert_type3A_953 = tpu.bitcast %get3A_952 : vector<16xf32> -> vector<16xi32>
        %shift_left3A_954 = arith.constant 16 : i32
        %shift_left3A_955 = vector.broadcast %shift_left3A_954 : i32 to vector<16xi32>
        %shift_left3A_956 = arith.shli %bitcast_convert_type3A_953, %shift_left3A_955 : vector<16xi32>
        %bitcast_convert_type3A_957 = tpu.bitcast %shift_left3A_956 : vector<16xi32> -> vector<16xf32>
        %and3A_958 = arith.andi %bitcast_convert_type3A_953, %broadcast_in_dim3A_3 : vector<16xi32>
        %bitcast_convert_type3A_959 = tpu.bitcast %and3A_958 : vector<16xi32> -> vector<16xf32>
        %mul3A_960 = vector.broadcast %squeeze3A_948 : f32 to vector<16xf32>
        %mul3A_961 = arith.mulf %mul3A_960, %bitcast_convert_type3A_957 : vector<16xf32>
        %add3A_962 = arith.addf %add3A_939, %mul3A_961 : vector<16xf32>
        %mul3A_963 = vector.broadcast %squeeze3A_948 : f32 to vector<16xf32>
        %mul3A_964 = arith.mulf %mul3A_963, %bitcast_convert_type3A_959 : vector<16xf32>
        %add3A_965 = arith.addf %add3A_942, %mul3A_964 : vector<16xf32>
        %add3A_966 = arith.constant 288 : i32
        %add3A_967 = arith.addi %add3A_123, %add3A_966 : i32
        %get3A_968 = arith.index_cast %add3A_967 : i32 to index
        %get3A_969 = tpu.vector_load %arg10[%get3A_968] {strides = array<i32>} : memref<3088xf32, #tpu.memory_space<vmem>>, vector<16xf32>,
        %get3A_970 = vector.shape_cast %get3A_969 : vector<16xf32> to vector<16xf32>
        %add3A_971 = arith.constant 288 : i32
        %add3A_972 = arith.addi %add3A_123, %add3A_971 : i32
        %add3A_973 = arith.constant 0 : i32
        %add3A_974 = arith.addi %add3A_972, %add3A_973 : i32
        %slice3A_975 = vector.extract_strided_slice %get3A_970 {offsets = [0], sizes = [1], strides = [1]} : vector<16xf32> to vector<1xf32>
        %squeeze3A_976 = vector.extract %slice3A_975[0] : f32 from vector<1xf32>
        %get3A_977 = arith.index_cast %add3A_974 : i32 to index
        %get3A_978 = arith.constant 0 : index
        %get3A_979 = tpu.vector_load %arg11[%get3A_977, %get3A_978] {strides = array<i32>} : memref<3072x16xf32, #tpu.memory_space<vmem>>, vector<1x16xf32>,
        %get3A_980 = vector.shape_cast %get3A_979 : vector<1x16xf32> to vector<16xf32>
        %bitcast_convert_type3A_981 = tpu.bitcast %get3A_980 : vector<16xf32> -> vector<16xi32>
        %shift_left3A_982 = arith.constant 16 : i32
        %shift_left3A_983 = vector.broadcast %shift_left3A_982 : i32 to vector<16xi32>
        %shift_left3A_984 = arith.shli %bitcast_convert_type3A_981, %shift_left3A_983 : vector<16xi32>
        %bitcast_convert_type3A_985 = tpu.bitcast %shift_left3A_984 : vector<16xi32> -> vector<16xf32>
        %and3A_986 = arith.andi %bitcast_convert_type3A_981, %broadcast_in_dim3A_3 : vector<16xi32>
        %bitcast_convert_type3A_987 = tpu.bitcast %and3A_986 : vector<16xi32> -> vector<16xf32>
        %mul3A_988 = vector.broadcast %squeeze3A_976 : f32 to vector<16xf32>
        %mul3A_989 = arith.mulf %mul3A_988, %bitcast_convert_type3A_985 : vector<16xf32>
        %add3A_990 = arith.addf %add3A_962, %mul3A_989 : vector<16xf32>
        %mul3A_991 = vector.broadcast %squeeze3A_976 : f32 to vector<16xf32>
        %mul3A_992 = arith.mulf %mul3A_991, %bitcast_convert_type3A_987 : vector<16xf32>
        %add3A_993 = arith.addf %add3A_965, %mul3A_992 : vector<16xf32>
        %add3A_994 = arith.constant 288 : i32
        %add3A_995 = arith.addi %add3A_123, %add3A_994 : i32
        %add3A_996 = arith.constant 1 : i32
        %add3A_997 = arith.addi %add3A_995, %add3A_996 : i32
        %slice3A_998 = vector.extract_strided_slice %get3A_970 {offsets = [1], sizes = [1], strides = [1]} : vector<16xf32> to vector<1xf32>
        %squeeze3A_999 = vector.extract %slice3A_998[0] : f32 from vector<1xf32>
        %get3A_1000 = arith.index_cast %add3A_997 : i32 to index
        %get3A_1001 = arith.constant 0 : index
        %get3A_1002 = tpu.vector_load %arg11[%get3A_1000, %get3A_1001] {strides = array<i32>} : memref<3072x16xf32, #tpu.memory_space<vmem>>, vector<1x16xf32>,
        %get3A_1003 = vector.shape_cast %get3A_1002 : vector<1x16xf32> to vector<16xf32>
        %bitcast_convert_type3A_1004 = tpu.bitcast %get3A_1003 : vector<16xf32> -> vector<16xi32>
        %shift_left3A_1005 = arith.constant 16 : i32
        %shift_left3A_1006 = vector.broadcast %shift_left3A_1005 : i32 to vector<16xi32>
        %shift_left3A_1007 = arith.shli %bitcast_convert_type3A_1004, %shift_left3A_1006 : vector<16xi32>
        %bitcast_convert_type3A_1008 = tpu.bitcast %shift_left3A_1007 : vector<16xi32> -> vector<16xf32>
        %and3A_1009 = arith.andi %bitcast_convert_type3A_1004, %broadcast_in_dim3A_3 : vector<16xi32>
        %bitcast_convert_type3A_1010 = tpu.bitcast %and3A_1009 : vector<16xi32> -> vector<16xf32>
        %mul3A_1011 = vector.broadcast %squeeze3A_999 : f32 to vector<16xf32>
        %mul3A_1012 = arith.mulf %mul3A_1011, %bitcast_convert_type3A_1008 : vector<16xf32>
        %add3A_1013 = arith.addf %add3A_990, %mul3A_1012 : vector<16xf32>
        %mul3A_1014 = vector.broadcast %squeeze3A_999 : f32 to vector<16xf32>
        %mul3A_1015 = arith.mulf %mul3A_1014, %bitcast_convert_type3A_1010 : vector<16xf32>
        %add3A_1016 = arith.addf %add3A_993, %mul3A_1015 : vector<16xf32>
        %add3A_1017 = arith.constant 288 : i32
        %add3A_1018 = arith.addi %add3A_123, %add3A_1017 : i32
        %add3A_1019 = arith.constant 2 : i32
        %add3A_1020 = arith.addi %add3A_1018, %add3A_1019 : i32
        %slice3A_1021 = vector.extract_strided_slice %get3A_970 {offsets = [2], sizes = [1], strides = [1]} : vector<16xf32> to vector<1xf32>
        %squeeze3A_1022 = vector.extract %slice3A_1021[0] : f32 from vector<1xf32>
        %get3A_1023 = arith.index_cast %add3A_1020 : i32 to index
        %get3A_1024 = arith.constant 0 : index
        %get3A_1025 = tpu.vector_load %arg11[%get3A_1023, %get3A_1024] {strides = array<i32>} : memref<3072x16xf32, #tpu.memory_space<vmem>>, vector<1x16xf32>,
        %get3A_1026 = vector.shape_cast %get3A_1025 : vector<1x16xf32> to vector<16xf32>
        %bitcast_convert_type3A_1027 = tpu.bitcast %get3A_1026 : vector<16xf32> -> vector<16xi32>
        %shift_left3A_1028 = arith.constant 16 : i32
        %shift_left3A_1029 = vector.broadcast %shift_left3A_1028 : i32 to vector<16xi32>
        %shift_left3A_1030 = arith.shli %bitcast_convert_type3A_1027, %shift_left3A_1029 : vector<16xi32>
        %bitcast_convert_type3A_1031 = tpu.bitcast %shift_left3A_1030 : vector<16xi32> -> vector<16xf32>
        %and3A_1032 = arith.andi %bitcast_convert_type3A_1027, %broadcast_in_dim3A_3 : vector<16xi32>
        %bitcast_convert_type3A_1033 = tpu.bitcast %and3A_1032 : vector<16xi32> -> vector<16xf32>
        %mul3A_1034 = vector.broadcast %squeeze3A_1022 : f32 to vector<16xf32>
        %mul3A_1035 = arith.mulf %mul3A_1034, %bitcast_convert_type3A_1031 : vector<16xf32>
        %add3A_1036 = arith.addf %add3A_1013, %mul3A_1035 : vector<16xf32>
        %mul3A_1037 = vector.broadcast %squeeze3A_1022 : f32 to vector<16xf32>
        %mul3A_1038 = arith.mulf %mul3A_1037, %bitcast_convert_type3A_1033 : vector<16xf32>
        %add3A_1039 = arith.addf %add3A_1016, %mul3A_1038 : vector<16xf32>
        %add3A_1040 = arith.constant 288 : i32
        %add3A_1041 = arith.addi %add3A_123, %add3A_1040 : i32
        %add3A_1042 = arith.constant 3 : i32
        %add3A_1043 = arith.addi %add3A_1041, %add3A_1042 : i32
        %slice3A_1044 = vector.extract_strided_slice %get3A_970 {offsets = [3], sizes = [1], strides = [1]} : vector<16xf32> to vector<1xf32>
        %squeeze3A_1045 = vector.extract %slice3A_1044[0] : f32 from vector<1xf32>
        %get3A_1046 = arith.index_cast %add3A_1043 : i32 to index
        %get3A_1047 = arith.constant 0 : index
        %get3A_1048 = tpu.vector_load %arg11[%get3A_1046, %get3A_1047] {strides = array<i32>} : memref<3072x16xf32, #tpu.memory_space<vmem>>, vector<1x16xf32>,
        %get3A_1049 = vector.shape_cast %get3A_1048 : vector<1x16xf32> to vector<16xf32>
        %bitcast_convert_type3A_1050 = tpu.bitcast %get3A_1049 : vector<16xf32> -> vector<16xi32>
        %shift_left3A_1051 = arith.constant 16 : i32
        %shift_left3A_1052 = vector.broadcast %shift_left3A_1051 : i32 to vector<16xi32>
        %shift_left3A_1053 = arith.shli %bitcast_convert_type3A_1050, %shift_left3A_1052 : vector<16xi32>
        %bitcast_convert_type3A_1054 = tpu.bitcast %shift_left3A_1053 : vector<16xi32> -> vector<16xf32>
        %and3A_1055 = arith.andi %bitcast_convert_type3A_1050, %broadcast_in_dim3A_3 : vector<16xi32>
        %bitcast_convert_type3A_1056 = tpu.bitcast %and3A_1055 : vector<16xi32> -> vector<16xf32>
        %mul3A_1057 = vector.broadcast %squeeze3A_1045 : f32 to vector<16xf32>
        %mul3A_1058 = arith.mulf %mul3A_1057, %bitcast_convert_type3A_1054 : vector<16xf32>
        %add3A_1059 = arith.addf %add3A_1036, %mul3A_1058 : vector<16xf32>
        %mul3A_1060 = vector.broadcast %squeeze3A_1045 : f32 to vector<16xf32>
        %mul3A_1061 = arith.mulf %mul3A_1060, %bitcast_convert_type3A_1056 : vector<16xf32>
        %add3A_1062 = arith.addf %add3A_1039, %mul3A_1061 : vector<16xf32>
        %add3A_1063 = arith.constant 288 : i32
        %add3A_1064 = arith.addi %add3A_123, %add3A_1063 : i32
        %add3A_1065 = arith.constant 4 : i32
        %add3A_1066 = arith.addi %add3A_1064, %add3A_1065 : i32
        %slice3A_1067 = vector.extract_strided_slice %get3A_970 {offsets = [4], sizes = [1], strides = [1]} : vector<16xf32> to vector<1xf32>
        %squeeze3A_1068 = vector.extract %slice3A_1067[0] : f32 from vector<1xf32>
        %get3A_1069 = arith.index_cast %add3A_1066 : i32 to index
        %get3A_1070 = arith.constant 0 : index
        %get3A_1071 = tpu.vector_load %arg11[%get3A_1069, %get3A_1070] {strides = array<i32>} : memref<3072x16xf32, #tpu.memory_space<vmem>>, vector<1x16xf32>,
        %get3A_1072 = vector.shape_cast %get3A_1071 : vector<1x16xf32> to vector<16xf32>
        %bitcast_convert_type3A_1073 = tpu.bitcast %get3A_1072 : vector<16xf32> -> vector<16xi32>
        %shift_left3A_1074 = arith.constant 16 : i32
        %shift_left3A_1075 = vector.broadcast %shift_left3A_1074 : i32 to vector<16xi32>
        %shift_left3A_1076 = arith.shli %bitcast_convert_type3A_1073, %shift_left3A_1075 : vector<16xi32>
        %bitcast_convert_type3A_1077 = tpu.bitcast %shift_left3A_1076 : vector<16xi32> -> vector<16xf32>
        %and3A_1078 = arith.andi %bitcast_convert_type3A_1073, %broadcast_in_dim3A_3 : vector<16xi32>
        %bitcast_convert_type3A_1079 = tpu.bitcast %and3A_1078 : vector<16xi32> -> vector<16xf32>
        %mul3A_1080 = vector.broadcast %squeeze3A_1068 : f32 to vector<16xf32>
        %mul3A_1081 = arith.mulf %mul3A_1080, %bitcast_convert_type3A_1077 : vector<16xf32>
        %add3A_1082 = arith.addf %add3A_1059, %mul3A_1081 : vector<16xf32>
        %mul3A_1083 = vector.broadcast %squeeze3A_1068 : f32 to vector<16xf32>
        %mul3A_1084 = arith.mulf %mul3A_1083, %bitcast_convert_type3A_1079 : vector<16xf32>
        %add3A_1085 = arith.addf %add3A_1062, %mul3A_1084 : vector<16xf32>
        %add3A_1086 = arith.constant 288 : i32
        %add3A_1087 = arith.addi %add3A_123, %add3A_1086 : i32
        %add3A_1088 = arith.constant 5 : i32
        %add3A_1089 = arith.addi %add3A_1087, %add3A_1088 : i32
        %slice3A_1090 = vector.extract_strided_slice %get3A_970 {offsets = [5], sizes = [1], strides = [1]} : vector<16xf32> to vector<1xf32>
        %squeeze3A_1091 = vector.extract %slice3A_1090[0] : f32 from vector<1xf32>
        %get3A_1092 = arith.index_cast %add3A_1089 : i32 to index
        %get3A_1093 = arith.constant 0 : index
        %get3A_1094 = tpu.vector_load %arg11[%get3A_1092, %get3A_1093] {strides = array<i32>} : memref<3072x16xf32, #tpu.memory_space<vmem>>, vector<1x16xf32>,
        %get3A_1095 = vector.shape_cast %get3A_1094 : vector<1x16xf32> to vector<16xf32>
        %bitcast_convert_type3A_1096 = tpu.bitcast %get3A_1095 : vector<16xf32> -> vector<16xi32>
        %shift_left3A_1097 = arith.constant 16 : i32
        %shift_left3A_1098 = vector.broadcast %shift_left3A_1097 : i32 to vector<16xi32>
        %shift_left3A_1099 = arith.shli %bitcast_convert_type3A_1096, %shift_left3A_1098 : vector<16xi32>
        %bitcast_convert_type3A_1100 = tpu.bitcast %shift_left3A_1099 : vector<16xi32> -> vector<16xf32>
        %and3A_1101 = arith.andi %bitcast_convert_type3A_1096, %broadcast_in_dim3A_3 : vector<16xi32>
        %bitcast_convert_type3A_1102 = tpu.bitcast %and3A_1101 : vector<16xi32> -> vector<16xf32>
        %mul3A_1103 = vector.broadcast %squeeze3A_1091 : f32 to vector<16xf32>
        %mul3A_1104 = arith.mulf %mul3A_1103, %bitcast_convert_type3A_1100 : vector<16xf32>
        %add3A_1105 = arith.addf %add3A_1082, %mul3A_1104 : vector<16xf32>
        %mul3A_1106 = vector.broadcast %squeeze3A_1091 : f32 to vector<16xf32>
        %mul3A_1107 = arith.mulf %mul3A_1106, %bitcast_convert_type3A_1102 : vector<16xf32>
        %add3A_1108 = arith.addf %add3A_1085, %mul3A_1107 : vector<16xf32>
        %add3A_1109 = arith.constant 288 : i32
        %add3A_1110 = arith.addi %add3A_123, %add3A_1109 : i32
        %add3A_1111 = arith.constant 6 : i32
        %add3A_1112 = arith.addi %add3A_1110, %add3A_1111 : i32
        %slice3A_1113 = vector.extract_strided_slice %get3A_970 {offsets = [6], sizes = [1], strides = [1]} : vector<16xf32> to vector<1xf32>
        %squeeze3A_1114 = vector.extract %slice3A_1113[0] : f32 from vector<1xf32>
        %get3A_1115 = arith.index_cast %add3A_1112 : i32 to index
        %get3A_1116 = arith.constant 0 : index
        %get3A_1117 = tpu.vector_load %arg11[%get3A_1115, %get3A_1116] {strides = array<i32>} : memref<3072x16xf32, #tpu.memory_space<vmem>>, vector<1x16xf32>,
        %get3A_1118 = vector.shape_cast %get3A_1117 : vector<1x16xf32> to vector<16xf32>
        %bitcast_convert_type3A_1119 = tpu.bitcast %get3A_1118 : vector<16xf32> -> vector<16xi32>
        %shift_left3A_1120 = arith.constant 16 : i32
        %shift_left3A_1121 = vector.broadcast %shift_left3A_1120 : i32 to vector<16xi32>
        %shift_left3A_1122 = arith.shli %bitcast_convert_type3A_1119, %shift_left3A_1121 : vector<16xi32>
        %bitcast_convert_type3A_1123 = tpu.bitcast %shift_left3A_1122 : vector<16xi32> -> vector<16xf32>
        %and3A_1124 = arith.andi %bitcast_convert_type3A_1119, %broadcast_in_dim3A_3 : vector<16xi32>
        %bitcast_convert_type3A_1125 = tpu.bitcast %and3A_1124 : vector<16xi32> -> vector<16xf32>
        %mul3A_1126 = vector.broadcast %squeeze3A_1114 : f32 to vector<16xf32>
        %mul3A_1127 = arith.mulf %mul3A_1126, %bitcast_convert_type3A_1123 : vector<16xf32>
        %add3A_1128 = arith.addf %add3A_1105, %mul3A_1127 : vector<16xf32>
        %mul3A_1129 = vector.broadcast %squeeze3A_1114 : f32 to vector<16xf32>
        %mul3A_1130 = arith.mulf %mul3A_1129, %bitcast_convert_type3A_1125 : vector<16xf32>
        %add3A_1131 = arith.addf %add3A_1108, %mul3A_1130 : vector<16xf32>
        %add3A_1132 = arith.constant 288 : i32
        %add3A_1133 = arith.addi %add3A_123, %add3A_1132 : i32
        %add3A_1134 = arith.constant 7 : i32
        %add3A_1135 = arith.addi %add3A_1133, %add3A_1134 : i32
        %slice3A_1136 = vector.extract_strided_slice %get3A_970 {offsets = [7], sizes = [1], strides = [1]} : vector<16xf32> to vector<1xf32>
        %squeeze3A_1137 = vector.extract %slice3A_1136[0] : f32 from vector<1xf32>
        %get3A_1138 = arith.index_cast %add3A_1135 : i32 to index
        %get3A_1139 = arith.constant 0 : index
        %get3A_1140 = tpu.vector_load %arg11[%get3A_1138, %get3A_1139] {strides = array<i32>} : memref<3072x16xf32, #tpu.memory_space<vmem>>, vector<1x16xf32>,
        %get3A_1141 = vector.shape_cast %get3A_1140 : vector<1x16xf32> to vector<16xf32>
        %bitcast_convert_type3A_1142 = tpu.bitcast %get3A_1141 : vector<16xf32> -> vector<16xi32>
        %shift_left3A_1143 = arith.constant 16 : i32
        %shift_left3A_1144 = vector.broadcast %shift_left3A_1143 : i32 to vector<16xi32>
        %shift_left3A_1145 = arith.shli %bitcast_convert_type3A_1142, %shift_left3A_1144 : vector<16xi32>
        %bitcast_convert_type3A_1146 = tpu.bitcast %shift_left3A_1145 : vector<16xi32> -> vector<16xf32>
        %and3A_1147 = arith.andi %bitcast_convert_type3A_1142, %broadcast_in_dim3A_3 : vector<16xi32>
        %bitcast_convert_type3A_1148 = tpu.bitcast %and3A_1147 : vector<16xi32> -> vector<16xf32>
        %mul3A_1149 = vector.broadcast %squeeze3A_1137 : f32 to vector<16xf32>
        %mul3A_1150 = arith.mulf %mul3A_1149, %bitcast_convert_type3A_1146 : vector<16xf32>
        %add3A_1151 = arith.addf %add3A_1128, %mul3A_1150 : vector<16xf32>
        %mul3A_1152 = vector.broadcast %squeeze3A_1137 : f32 to vector<16xf32>
        %mul3A_1153 = arith.mulf %mul3A_1152, %bitcast_convert_type3A_1148 : vector<16xf32>
        %add3A_1154 = arith.addf %add3A_1131, %mul3A_1153 : vector<16xf32>
        %add3A_1155 = arith.constant 288 : i32
        %add3A_1156 = arith.addi %add3A_123, %add3A_1155 : i32
        %add3A_1157 = arith.constant 8 : i32
        %add3A_1158 = arith.addi %add3A_1156, %add3A_1157 : i32
        %slice3A_1159 = vector.extract_strided_slice %get3A_970 {offsets = [8], sizes = [1], strides = [1]} : vector<16xf32> to vector<1xf32>
        %squeeze3A_1160 = vector.extract %slice3A_1159[0] : f32 from vector<1xf32>
        %get3A_1161 = arith.index_cast %add3A_1158 : i32 to index
        %get3A_1162 = arith.constant 0 : index
        %get3A_1163 = tpu.vector_load %arg11[%get3A_1161, %get3A_1162] {strides = array<i32>} : memref<3072x16xf32, #tpu.memory_space<vmem>>, vector<1x16xf32>,
        %get3A_1164 = vector.shape_cast %get3A_1163 : vector<1x16xf32> to vector<16xf32>
        %bitcast_convert_type3A_1165 = tpu.bitcast %get3A_1164 : vector<16xf32> -> vector<16xi32>
        %shift_left3A_1166 = arith.constant 16 : i32
        %shift_left3A_1167 = vector.broadcast %shift_left3A_1166 : i32 to vector<16xi32>
        %shift_left3A_1168 = arith.shli %bitcast_convert_type3A_1165, %shift_left3A_1167 : vector<16xi32>
        %bitcast_convert_type3A_1169 = tpu.bitcast %shift_left3A_1168 : vector<16xi32> -> vector<16xf32>
        %and3A_1170 = arith.andi %bitcast_convert_type3A_1165, %broadcast_in_dim3A_3 : vector<16xi32>
        %bitcast_convert_type3A_1171 = tpu.bitcast %and3A_1170 : vector<16xi32> -> vector<16xf32>
        %mul3A_1172 = vector.broadcast %squeeze3A_1160 : f32 to vector<16xf32>
        %mul3A_1173 = arith.mulf %mul3A_1172, %bitcast_convert_type3A_1169 : vector<16xf32>
        %add3A_1174 = arith.addf %add3A_1151, %mul3A_1173 : vector<16xf32>
        %mul3A_1175 = vector.broadcast %squeeze3A_1160 : f32 to vector<16xf32>
        %mul3A_1176 = arith.mulf %mul3A_1175, %bitcast_convert_type3A_1171 : vector<16xf32>
        %add3A_1177 = arith.addf %add3A_1154, %mul3A_1176 : vector<16xf32>
        %add3A_1178 = arith.constant 288 : i32
        %add3A_1179 = arith.addi %add3A_123, %add3A_1178 : i32
        %add3A_1180 = arith.constant 9 : i32
        %add3A_1181 = arith.addi %add3A_1179, %add3A_1180 : i32
        %slice3A_1182 = vector.extract_strided_slice %get3A_970 {offsets = [9], sizes = [1], strides = [1]} : vector<16xf32> to vector<1xf32>
        %squeeze3A_1183 = vector.extract %slice3A_1182[0] : f32 from vector<1xf32>
        %get3A_1184 = arith.index_cast %add3A_1181 : i32 to index
        %get3A_1185 = arith.constant 0 : index
        %get3A_1186 = tpu.vector_load %arg11[%get3A_1184, %get3A_1185] {strides = array<i32>} : memref<3072x16xf32, #tpu.memory_space<vmem>>, vector<1x16xf32>,
        %get3A_1187 = vector.shape_cast %get3A_1186 : vector<1x16xf32> to vector<16xf32>
        %bitcast_convert_type3A_1188 = tpu.bitcast %get3A_1187 : vector<16xf32> -> vector<16xi32>
        %shift_left3A_1189 = arith.constant 16 : i32
        %shift_left3A_1190 = vector.broadcast %shift_left3A_1189 : i32 to vector<16xi32>
        %shift_left3A_1191 = arith.shli %bitcast_convert_type3A_1188, %shift_left3A_1190 : vector<16xi32>
        %bitcast_convert_type3A_1192 = tpu.bitcast %shift_left3A_1191 : vector<16xi32> -> vector<16xf32>
        %and3A_1193 = arith.andi %bitcast_convert_type3A_1188, %broadcast_in_dim3A_3 : vector<16xi32>
        %bitcast_convert_type3A_1194 = tpu.bitcast %and3A_1193 : vector<16xi32> -> vector<16xf32>
        %mul3A_1195 = vector.broadcast %squeeze3A_1183 : f32 to vector<16xf32>
        %mul3A_1196 = arith.mulf %mul3A_1195, %bitcast_convert_type3A_1192 : vector<16xf32>
        %add3A_1197 = arith.addf %add3A_1174, %mul3A_1196 : vector<16xf32>
        %mul3A_1198 = vector.broadcast %squeeze3A_1183 : f32 to vector<16xf32>
        %mul3A_1199 = arith.mulf %mul3A_1198, %bitcast_convert_type3A_1194 : vector<16xf32>
        %add3A_1200 = arith.addf %add3A_1177, %mul3A_1199 : vector<16xf32>
        %add3A_1201 = arith.constant 288 : i32
        %add3A_1202 = arith.addi %add3A_123, %add3A_1201 : i32
        %add3A_1203 = arith.constant 10 : i32
        %add3A_1204 = arith.addi %add3A_1202, %add3A_1203 : i32
        %slice3A_1205 = vector.extract_strided_slice %get3A_970 {offsets = [10], sizes = [1], strides = [1]} : vector<16xf32> to vector<1xf32>
        %squeeze3A_1206 = vector.extract %slice3A_1205[0] : f32 from vector<1xf32>
        %get3A_1207 = arith.index_cast %add3A_1204 : i32 to index
        %get3A_1208 = arith.constant 0 : index
        %get3A_1209 = tpu.vector_load %arg11[%get3A_1207, %get3A_1208] {strides = array<i32>} : memref<3072x16xf32, #tpu.memory_space<vmem>>, vector<1x16xf32>,
        %get3A_1210 = vector.shape_cast %get3A_1209 : vector<1x16xf32> to vector<16xf32>
        %bitcast_convert_type3A_1211 = tpu.bitcast %get3A_1210 : vector<16xf32> -> vector<16xi32>
        %shift_left3A_1212 = arith.constant 16 : i32
        %shift_left3A_1213 = vector.broadcast %shift_left3A_1212 : i32 to vector<16xi32>
        %shift_left3A_1214 = arith.shli %bitcast_convert_type3A_1211, %shift_left3A_1213 : vector<16xi32>
        %bitcast_convert_type3A_1215 = tpu.bitcast %shift_left3A_1214 : vector<16xi32> -> vector<16xf32>
        %and3A_1216 = arith.andi %bitcast_convert_type3A_1211, %broadcast_in_dim3A_3 : vector<16xi32>
        %bitcast_convert_type3A_1217 = tpu.bitcast %and3A_1216 : vector<16xi32> -> vector<16xf32>
        %mul3A_1218 = vector.broadcast %squeeze3A_1206 : f32 to vector<16xf32>
        %mul3A_1219 = arith.mulf %mul3A_1218, %bitcast_convert_type3A_1215 : vector<16xf32>
        %add3A_1220 = arith.addf %add3A_1197, %mul3A_1219 : vector<16xf32>
        %mul3A_1221 = vector.broadcast %squeeze3A_1206 : f32 to vector<16xf32>
        %mul3A_1222 = arith.mulf %mul3A_1221, %bitcast_convert_type3A_1217 : vector<16xf32>
        %add3A_1223 = arith.addf %add3A_1200, %mul3A_1222 : vector<16xf32>
        %add3A_1224 = arith.constant 288 : i32
        %add3A_1225 = arith.addi %add3A_123, %add3A_1224 : i32
        %add3A_1226 = arith.constant 11 : i32
        %add3A_1227 = arith.addi %add3A_1225, %add3A_1226 : i32
        %slice3A_1228 = vector.extract_strided_slice %get3A_970 {offsets = [11], sizes = [1], strides = [1]} : vector<16xf32> to vector<1xf32>
        %squeeze3A_1229 = vector.extract %slice3A_1228[0] : f32 from vector<1xf32>
        %get3A_1230 = arith.index_cast %add3A_1227 : i32 to index
        %get3A_1231 = arith.constant 0 : index
        %get3A_1232 = tpu.vector_load %arg11[%get3A_1230, %get3A_1231] {strides = array<i32>} : memref<3072x16xf32, #tpu.memory_space<vmem>>, vector<1x16xf32>,
        %get3A_1233 = vector.shape_cast %get3A_1232 : vector<1x16xf32> to vector<16xf32>
        %bitcast_convert_type3A_1234 = tpu.bitcast %get3A_1233 : vector<16xf32> -> vector<16xi32>
        %shift_left3A_1235 = arith.constant 16 : i32
        %shift_left3A_1236 = vector.broadcast %shift_left3A_1235 : i32 to vector<16xi32>
        %shift_left3A_1237 = arith.shli %bitcast_convert_type3A_1234, %shift_left3A_1236 : vector<16xi32>
        %bitcast_convert_type3A_1238 = tpu.bitcast %shift_left3A_1237 : vector<16xi32> -> vector<16xf32>
        %and3A_1239 = arith.andi %bitcast_convert_type3A_1234, %broadcast_in_dim3A_3 : vector<16xi32>
        %bitcast_convert_type3A_1240 = tpu.bitcast %and3A_1239 : vector<16xi32> -> vector<16xf32>
        %mul3A_1241 = vector.broadcast %squeeze3A_1229 : f32 to vector<16xf32>
        %mul3A_1242 = arith.mulf %mul3A_1241, %bitcast_convert_type3A_1238 : vector<16xf32>
        %add3A_1243 = arith.addf %add3A_1220, %mul3A_1242 : vector<16xf32>
        %mul3A_1244 = vector.broadcast %squeeze3A_1229 : f32 to vector<16xf32>
        %mul3A_1245 = arith.mulf %mul3A_1244, %bitcast_convert_type3A_1240 : vector<16xf32>
        %add3A_1246 = arith.addf %add3A_1223, %mul3A_1245 : vector<16xf32>
        %mul3A_1247 = arith.constant 32 : i32
        %mul3A_1248 = arith.muli %select_n3A_118, %mul3A_1247 : i32
        %swap3A = arith.index_cast %select_n3A : i32 to index
        %swap3A_1249 = arith.index_cast %mul3A_1248 : i32 to index
        %swap3A_1250 = tpu.vector_load %arg12[%swap3A, %swap3A_1249] {strides = array<i32>} : memref<8x256xf32, #tpu.memory_space<vmem>>, vector<1x16xf32>,
        %swap3A_1251 = vector.shape_cast %swap3A_1250 : vector<1x16xf32> to vector<16xf32>
        %swap3A_1252 = vector.shape_cast %add3A_1243 : vector<16xf32> to vector<1x16xf32>
        tpu.vector_store %arg12[%swap3A, %swap3A_1249], %swap3A_1252 {strides = array<i32>} : memref<8x256xf32, #tpu.memory_space<vmem>>, vector<1x16xf32>,
        %mul3A_1253 = arith.constant 32 : i32
        %mul3A_1254 = arith.muli %select_n3A_118, %mul3A_1253 : i32
        %add3A_1255 = arith.constant 16 : i32
        %add3A_1256 = arith.addi %mul3A_1254, %add3A_1255 : i32
        %swap3A_1257 = arith.index_cast %select_n3A : i32 to index
        %swap3A_1258 = arith.index_cast %add3A_1256 : i32 to index
        %swap3A_1259 = tpu.vector_load %arg12[%swap3A_1257, %swap3A_1258] {strides = array<i32>} : memref<8x256xf32, #tpu.memory_space<vmem>>, vector<1x16xf32>,
        %swap3A_1260 = vector.shape_cast %swap3A_1259 : vector<1x16xf32> to vector<16xf32>
        %swap3A_1261 = vector.shape_cast %add3A_1246 : vector<16xf32> to vector<1x16xf32>
        tpu.vector_store %arg12[%swap3A_1257, %swap3A_1258], %swap3A_1261 {strides = array<i32>} : memref<8x256xf32, #tpu.memory_space<vmem>>, vector<1x16xf32>,
      }
      %scan3A_83 = arith.constant 64 : i32
      %mul3A_84 = arith.constant 8 : i32
      %mul3A_85 = arith.muli %add3A_77, %mul3A_84 : i32
      %add3A_86 = arith.addi %mul3A_2, %mul3A_85 : i32
      %multiple_of3A_87 = tpu.assume_multiple %add3A_86, 8 : i32
      "tpu.region"() ({
        %run_scoped3A = tpu.sem_alloc : memref<!tpu.dma_semaphore, #tpu.memory_space<semaphore_mem>>
        %dma_start3A_88 = arith.constant 0 : i32
        %dma_start3A_89 = tpu.memref_slice %arg5[%multiple_of3A_87, %dma_start3A_88] : memref<26368x256xf32, #tpu.memory_space<hbm>> -> memref<8x256xf32, #tpu.memory_space<hbm>>
        %dma_start3A_90 = arith.constant 0 : i32
        %dma_start3A_91 = tpu.memref_slice %arg5[%multiple_of3A_87, %dma_start3A_90] : memref<26368x256xf32, #tpu.memory_space<hbm>> -> memref<8x256xf32, #tpu.memory_space<hbm>>
        tpu.enqueue_dma source(%arg12 : memref<8x256xf32, #tpu.memory_space<vmem>>) target(%dma_start3A_91 : memref<8x256xf32, #tpu.memory_space<hbm>>) target_semaphore(%run_scoped3A : memref<!tpu.dma_semaphore, #tpu.memory_space<semaphore_mem>>)
        %dma_wait3A_92 = arith.constant 0 : i32
        %dma_wait3A_93 = tpu.memref_slice %arg5[%multiple_of3A_87, %dma_wait3A_92] : memref<26368x256xf32, #tpu.memory_space<hbm>> -> memref<8x256xf32, #tpu.memory_space<hbm>>
        %dma_wait3A_94 = arith.constant 0 : i32
        %dma_wait3A_95 = tpu.memref_slice %arg5[%multiple_of3A_87, %dma_wait3A_94] : memref<26368x256xf32, #tpu.memory_space<hbm>> -> memref<8x256xf32, #tpu.memory_space<hbm>>
        tpu.wait_dma2 semaphore(%run_scoped3A : memref<!tpu.dma_semaphore, #tpu.memory_space<semaphore_mem>>) src(%arg12 : memref<8x256xf32, #tpu.memory_space<vmem>>) dst(%dma_wait3A_95 : memref<8x256xf32, #tpu.memory_space<hbm>>)
        tpu.yield
      }) : () -> ()
    }
    %scan3A_14 = arith.constant 51 : i32
    %dma_wait3A = arith.constant 0 : i32
    %dma_wait3A_15 = arith.constant 0 : i32
    %dma_wait3A_16 = tpu.memref_slice %arg2[%dma_wait3A, %dma_wait3A_15] : memref<210944x16xf32, #tpu.memory_space<hbm>> -> memref<3072x16xf32, #tpu.memory_space<hbm>>
    %dma_wait3A_17 = arith.constant 0 : i32
    %dma_wait3A_18 = arith.constant 0 : i32
    %dma_wait3A_19 = tpu.memref_slice %arg2[%dma_wait3A_17, %dma_wait3A_18] : memref<210944x16xf32, #tpu.memory_space<hbm>> -> memref<3072x16xf32, #tpu.memory_space<hbm>>
    tpu.wait_dma2 semaphore(%arg13 : memref<!tpu.dma_semaphore, #tpu.memory_space<semaphore_mem>>) src(%dma_wait3A_19 : memref<3072x16xf32, #tpu.memory_space<hbm>>) dst(%arg8 : memref<3072x16xf32, #tpu.memory_space<vmem>>)
    %scan3A_20 = arith.constant 0 : i32
    %scan3A_21 = arith.constant 0 : i32
    %scan3A_22 = arith.constant 64 : i32
    %scan3A_23 = arith.addi %scan3A_21, %scan3A_22 : i32
    %scan3A_24 = arith.constant 1 : i32
    scf.for %scan3A_29 = %scan3A_21 to %scan3A_23 step %scan3A_24  : i32 {
      %jit3A = arith.constant 8 : i32
      %div3A = arith.divsi %scan3A_29, %jit3A : i32
      %sign3A = arith.constant 0 : i32
      %sign3A_30 = arith.cmpi sgt, %scan3A_29, %sign3A : i32
      %sign3A_31 = arith.extui %sign3A_30 : i1 to i32
      %sign3A_32 = arith.constant 0 : i32
      %sign3A_33 = arith.cmpi slt, %scan3A_29, %sign3A_32 : i32
      %sign3A_34 = arith.extui %sign3A_33 : i1 to i32
      %sign3A_35 = arith.subi %sign3A_31, %sign3A_34 : i32
      %sign3A_36 = arith.constant 0 : i32
      %sign3A_37 = arith.cmpi sgt, %jit3A, %sign3A_36 : i32
      %sign3A_38 = arith.extui %sign3A_37 : i1 to i32
      %sign3A_39 = arith.constant 0 : i32
      %sign3A_40 = arith.cmpi slt, %jit3A, %sign3A_39 : i32
      %sign3A_41 = arith.extui %sign3A_40 : i1 to i32
      %sign3A_42 = arith.subi %sign3A_38, %sign3A_41 : i32
      %ne3A = arith.cmpi ne, %sign3A_35, %sign3A_42 : i32
      %rem3A = arith.remsi %scan3A_29, %jit3A : i32
      %ne3A_43 = arith.constant 0 : i32
      %ne3A_44 = arith.cmpi ne, %rem3A, %ne3A_43 : i32
      %and3A = arith.andi %ne3A, %ne3A_44 : i1
      %sub3A = arith.constant 1 : i32
      %sub3A_45 = arith.subi %div3A, %sub3A : i32
      %select_n3A = arith.select %and3A, %sub3A_45, %div3A : i32
      %jit3A_46 = arith.constant 8 : i32
      %eq3A = arith.constant 0 : i32
      %eq3A_47 = arith.cmpi eq, %jit3A_46, %eq3A : i32
      %jit3A_48 = arith.constant 1 : i32
      %select_n3A_49 = arith.select %eq3A_47, %jit3A_48, %jit3A_46 : i32
      %rem3A_50 = arith.remsi %scan3A_29, %select_n3A_49 : i32
      %ne3A_51 = arith.constant 0 : i32
      %ne3A_52 = arith.cmpi ne, %rem3A_50, %ne3A_51 : i32
      %lt3A = arith.constant 0 : i32
      %lt3A_53 = arith.cmpi slt, %rem3A_50, %lt3A : i32
      %lt3A_54 = arith.constant 0 : i32
      %lt3A_55 = arith.cmpi slt, %select_n3A_49, %lt3A_54 : i32
      %ne3A_56 = arith.xori %lt3A_53, %lt3A_55 : i1
      %and3A_57 = arith.andi %ne3A_56, %ne3A_52 : i1
      %add3A_58 = arith.addi %rem3A_50, %select_n3A_49 : i32
      %select_n3A_59 = arith.select %and3A_57, %add3A_58, %rem3A_50 : i32
      %mul3A_60 = arith.constant 384 : i32
      %mul3A_61 = arith.muli %select_n3A, %mul3A_60 : i32
      %mul3A_62 = arith.constant 12 : i32
      %mul3A_63 = arith.muli %select_n3A_59, %mul3A_62 : i32
      %add3A_64 = arith.addi %mul3A_61, %mul3A_63 : i32
      %broadcast_in_dim3A_65 = arith.constant 0.000000e+00 : f32
      %broadcast_in_dim3A_66 = vector.broadcast %broadcast_in_dim3A_65 : f32 to vector<16xf32>
      %broadcast_in_dim3A_67 = arith.constant 0.000000e+00 : f32
      %broadcast_in_dim3A_68 = vector.broadcast %broadcast_in_dim3A_67 : f32 to vector<16xf32>
      %add3A_69 = arith.constant 0 : i32
      %add3A_70 = arith.addi %add3A_64, %add3A_69 : i32
      %get3A = arith.index_cast %add3A_70 : i32 to index
      %get3A_71 = tpu.vector_load %arg7[%get3A] {strides = array<i32>} : memref<3088xf32, #tpu.memory_space<vmem>>, vector<16xf32>,
      %get3A_72 = vector.shape_cast %get3A_71 : vector<16xf32> to vector<16xf32>
      %add3A_73 = arith.constant 0 : i32
      %add3A_74 = arith.addi %add3A_64, %add3A_73 : i32
      %add3A_75 = arith.constant 0 : i32
      %add3A_76 = arith.addi %add3A_74, %add3A_75 : i32
      %slice3A = vector.extract_strided_slice %get3A_72 {offsets = [0], sizes = [1], strides = [1]} : vector<16xf32> to vector<1xf32>
      %squeeze3A = vector.extract %slice3A[0] : f32 from vector<1xf32>
      %get3A_77 = arith.index_cast %add3A_76 : i32 to index
      %get3A_78 = arith.constant 0 : index
      %get3A_79 = tpu.vector_load %arg8[%get3A_77, %get3A_78] {strides = array<i32>} : memref<3072x16xf32, #tpu.memory_space<vmem>>, vector<1x16xf32>,
      %get3A_80 = vector.shape_cast %get3A_79 : vector<1x16xf32> to vector<16xf32>
      %bitcast_convert_type3A = tpu.bitcast %get3A_80 : vector<16xf32> -> vector<16xi32>
      %shift_left3A = arith.constant 16 : i32
      %shift_left3A_81 = vector.broadcast %shift_left3A : i32 to vector<16xi32>
      %shift_left3A_82 = arith.shli %bitcast_convert_type3A, %shift_left3A_81 : vector<16xi32>
      %bitcast_convert_type3A_83 = tpu.bitcast %shift_left3A_82 : vector<16xi32> -> vector<16xf32>
      %and3A_84 = arith.andi %bitcast_convert_type3A, %broadcast_in_dim3A_3 : vector<16xi32>
      %bitcast_convert_type3A_85 = tpu.bitcast %and3A_84 : vector<16xi32> -> vector<16xf32>
      %mul3A_86 = vector.broadcast %squeeze3A : f32 to vector<16xf32>
      %mul3A_87 = arith.mulf %mul3A_86, %bitcast_convert_type3A_83 : vector<16xf32>
      %add3A_88 = arith.addf %broadcast_in_dim3A_66, %mul3A_87 : vector<16xf32>
      %mul3A_89 = vector.broadcast %squeeze3A : f32 to vector<16xf32>
      %mul3A_90 = arith.mulf %mul3A_89, %bitcast_convert_type3A_85 : vector<16xf32>
      %add3A_91 = arith.addf %broadcast_in_dim3A_68, %mul3A_90 : vector<16xf32>
      %add3A_92 = arith.constant 0 : i32
      %add3A_93 = arith.addi %add3A_64, %add3A_92 : i32
      %add3A_94 = arith.constant 1 : i32
      %add3A_95 = arith.addi %add3A_93, %add3A_94 : i32
      %slice3A_96 = vector.extract_strided_slice %get3A_72 {offsets = [1], sizes = [1], strides = [1]} : vector<16xf32> to vector<1xf32>
      %squeeze3A_97 = vector.extract %slice3A_96[0] : f32 from vector<1xf32>
      %get3A_98 = arith.index_cast %add3A_95 : i32 to index
      %get3A_99 = arith.constant 0 : index
      %get3A_100 = tpu.vector_load %arg8[%get3A_98, %get3A_99] {strides = array<i32>} : memref<3072x16xf32, #tpu.memory_space<vmem>>, vector<1x16xf32>,
      %get3A_101 = vector.shape_cast %get3A_100 : vector<1x16xf32> to vector<16xf32>
      %bitcast_convert_type3A_102 = tpu.bitcast %get3A_101 : vector<16xf32> -> vector<16xi32>
      %shift_left3A_103 = arith.constant 16 : i32
      %shift_left3A_104 = vector.broadcast %shift_left3A_103 : i32 to vector<16xi32>
      %shift_left3A_105 = arith.shli %bitcast_convert_type3A_102, %shift_left3A_104 : vector<16xi32>
      %bitcast_convert_type3A_106 = tpu.bitcast %shift_left3A_105 : vector<16xi32> -> vector<16xf32>
      %and3A_107 = arith.andi %bitcast_convert_type3A_102, %broadcast_in_dim3A_3 : vector<16xi32>
      %bitcast_convert_type3A_108 = tpu.bitcast %and3A_107 : vector<16xi32> -> vector<16xf32>
      %mul3A_109 = vector.broadcast %squeeze3A_97 : f32 to vector<16xf32>
      %mul3A_110 = arith.mulf %mul3A_109, %bitcast_convert_type3A_106 : vector<16xf32>
      %add3A_111 = arith.addf %add3A_88, %mul3A_110 : vector<16xf32>
      %mul3A_112 = vector.broadcast %squeeze3A_97 : f32 to vector<16xf32>
      %mul3A_113 = arith.mulf %mul3A_112, %bitcast_convert_type3A_108 : vector<16xf32>
      %add3A_114 = arith.addf %add3A_91, %mul3A_113 : vector<16xf32>
      %add3A_115 = arith.constant 0 : i32
      %add3A_116 = arith.addi %add3A_64, %add3A_115 : i32
      %add3A_117 = arith.constant 2 : i32
      %add3A_118 = arith.addi %add3A_116, %add3A_117 : i32
      %slice3A_119 = vector.extract_strided_slice %get3A_72 {offsets = [2], sizes = [1], strides = [1]} : vector<16xf32> to vector<1xf32>
      %squeeze3A_120 = vector.extract %slice3A_119[0] : f32 from vector<1xf32>
      %get3A_121 = arith.index_cast %add3A_118 : i32 to index
      %get3A_122 = arith.constant 0 : index
      %get3A_123 = tpu.vector_load %arg8[%get3A_121, %get3A_122] {strides = array<i32>} : memref<3072x16xf32, #tpu.memory_space<vmem>>, vector<1x16xf32>,
      %get3A_124 = vector.shape_cast %get3A_123 : vector<1x16xf32> to vector<16xf32>
      %bitcast_convert_type3A_125 = tpu.bitcast %get3A_124 : vector<16xf32> -> vector<16xi32>
      %shift_left3A_126 = arith.constant 16 : i32
      %shift_left3A_127 = vector.broadcast %shift_left3A_126 : i32 to vector<16xi32>
      %shift_left3A_128 = arith.shli %bitcast_convert_type3A_125, %shift_left3A_127 : vector<16xi32>
      %bitcast_convert_type3A_129 = tpu.bitcast %shift_left3A_128 : vector<16xi32> -> vector<16xf32>
      %and3A_130 = arith.andi %bitcast_convert_type3A_125, %broadcast_in_dim3A_3 : vector<16xi32>
      %bitcast_convert_type3A_131 = tpu.bitcast %and3A_130 : vector<16xi32> -> vector<16xf32>
      %mul3A_132 = vector.broadcast %squeeze3A_120 : f32 to vector<16xf32>
      %mul3A_133 = arith.mulf %mul3A_132, %bitcast_convert_type3A_129 : vector<16xf32>
      %add3A_134 = arith.addf %add3A_111, %mul3A_133 : vector<16xf32>
      %mul3A_135 = vector.broadcast %squeeze3A_120 : f32 to vector<16xf32>
      %mul3A_136 = arith.mulf %mul3A_135, %bitcast_convert_type3A_131 : vector<16xf32>
      %add3A_137 = arith.addf %add3A_114, %mul3A_136 : vector<16xf32>
      %add3A_138 = arith.constant 0 : i32
      %add3A_139 = arith.addi %add3A_64, %add3A_138 : i32
      %add3A_140 = arith.constant 3 : i32
      %add3A_141 = arith.addi %add3A_139, %add3A_140 : i32
      %slice3A_142 = vector.extract_strided_slice %get3A_72 {offsets = [3], sizes = [1], strides = [1]} : vector<16xf32> to vector<1xf32>
      %squeeze3A_143 = vector.extract %slice3A_142[0] : f32 from vector<1xf32>
      %get3A_144 = arith.index_cast %add3A_141 : i32 to index
      %get3A_145 = arith.constant 0 : index
      %get3A_146 = tpu.vector_load %arg8[%get3A_144, %get3A_145] {strides = array<i32>} : memref<3072x16xf32, #tpu.memory_space<vmem>>, vector<1x16xf32>,
      %get3A_147 = vector.shape_cast %get3A_146 : vector<1x16xf32> to vector<16xf32>
      %bitcast_convert_type3A_148 = tpu.bitcast %get3A_147 : vector<16xf32> -> vector<16xi32>
      %shift_left3A_149 = arith.constant 16 : i32
      %shift_left3A_150 = vector.broadcast %shift_left3A_149 : i32 to vector<16xi32>
      %shift_left3A_151 = arith.shli %bitcast_convert_type3A_148, %shift_left3A_150 : vector<16xi32>
      %bitcast_convert_type3A_152 = tpu.bitcast %shift_left3A_151 : vector<16xi32> -> vector<16xf32>
      %and3A_153 = arith.andi %bitcast_convert_type3A_148, %broadcast_in_dim3A_3 : vector<16xi32>
      %bitcast_convert_type3A_154 = tpu.bitcast %and3A_153 : vector<16xi32> -> vector<16xf32>
      %mul3A_155 = vector.broadcast %squeeze3A_143 : f32 to vector<16xf32>
      %mul3A_156 = arith.mulf %mul3A_155, %bitcast_convert_type3A_152 : vector<16xf32>
      %add3A_157 = arith.addf %add3A_134, %mul3A_156 : vector<16xf32>
      %mul3A_158 = vector.broadcast %squeeze3A_143 : f32 to vector<16xf32>
      %mul3A_159 = arith.mulf %mul3A_158, %bitcast_convert_type3A_154 : vector<16xf32>
      %add3A_160 = arith.addf %add3A_137, %mul3A_159 : vector<16xf32>
      %add3A_161 = arith.constant 0 : i32
      %add3A_162 = arith.addi %add3A_64, %add3A_161 : i32
      %add3A_163 = arith.constant 4 : i32
      %add3A_164 = arith.addi %add3A_162, %add3A_163 : i32
      %slice3A_165 = vector.extract_strided_slice %get3A_72 {offsets = [4], sizes = [1], strides = [1]} : vector<16xf32> to vector<1xf32>
      %squeeze3A_166 = vector.extract %slice3A_165[0] : f32 from vector<1xf32>
      %get3A_167 = arith.index_cast %add3A_164 : i32 to index
      %get3A_168 = arith.constant 0 : index
      %get3A_169 = tpu.vector_load %arg8[%get3A_167, %get3A_168] {strides = array<i32>} : memref<3072x16xf32, #tpu.memory_space<vmem>>, vector<1x16xf32>,
      %get3A_170 = vector.shape_cast %get3A_169 : vector<1x16xf32> to vector<16xf32>
      %bitcast_convert_type3A_171 = tpu.bitcast %get3A_170 : vector<16xf32> -> vector<16xi32>
      %shift_left3A_172 = arith.constant 16 : i32
      %shift_left3A_173 = vector.broadcast %shift_left3A_172 : i32 to vector<16xi32>
      %shift_left3A_174 = arith.shli %bitcast_convert_type3A_171, %shift_left3A_173 : vector<16xi32>
      %bitcast_convert_type3A_175 = tpu.bitcast %shift_left3A_174 : vector<16xi32> -> vector<16xf32>
      %and3A_176 = arith.andi %bitcast_convert_type3A_171, %broadcast_in_dim3A_3 : vector<16xi32>
      %bitcast_convert_type3A_177 = tpu.bitcast %and3A_176 : vector<16xi32> -> vector<16xf32>
      %mul3A_178 = vector.broadcast %squeeze3A_166 : f32 to vector<16xf32>
      %mul3A_179 = arith.mulf %mul3A_178, %bitcast_convert_type3A_175 : vector<16xf32>
      %add3A_180 = arith.addf %add3A_157, %mul3A_179 : vector<16xf32>
      %mul3A_181 = vector.broadcast %squeeze3A_166 : f32 to vector<16xf32>
      %mul3A_182 = arith.mulf %mul3A_181, %bitcast_convert_type3A_177 : vector<16xf32>
      %add3A_183 = arith.addf %add3A_160, %mul3A_182 : vector<16xf32>
      %add3A_184 = arith.constant 0 : i32
      %add3A_185 = arith.addi %add3A_64, %add3A_184 : i32
      %add3A_186 = arith.constant 5 : i32
      %add3A_187 = arith.addi %add3A_185, %add3A_186 : i32
      %slice3A_188 = vector.extract_strided_slice %get3A_72 {offsets = [5], sizes = [1], strides = [1]} : vector<16xf32> to vector<1xf32>
      %squeeze3A_189 = vector.extract %slice3A_188[0] : f32 from vector<1xf32>
      %get3A_190 = arith.index_cast %add3A_187 : i32 to index
      %get3A_191 = arith.constant 0 : index
      %get3A_192 = tpu.vector_load %arg8[%get3A_190, %get3A_191] {strides = array<i32>} : memref<3072x16xf32, #tpu.memory_space<vmem>>, vector<1x16xf32>,
      %get3A_193 = vector.shape_cast %get3A_192 : vector<1x16xf32> to vector<16xf32>
      %bitcast_convert_type3A_194 = tpu.bitcast %get3A_193 : vector<16xf32> -> vector<16xi32>
      %shift_left3A_195 = arith.constant 16 : i32
      %shift_left3A_196 = vector.broadcast %shift_left3A_195 : i32 to vector<16xi32>
      %shift_left3A_197 = arith.shli %bitcast_convert_type3A_194, %shift_left3A_196 : vector<16xi32>
      %bitcast_convert_type3A_198 = tpu.bitcast %shift_left3A_197 : vector<16xi32> -> vector<16xf32>
      %and3A_199 = arith.andi %bitcast_convert_type3A_194, %broadcast_in_dim3A_3 : vector<16xi32>
      %bitcast_convert_type3A_200 = tpu.bitcast %and3A_199 : vector<16xi32> -> vector<16xf32>
      %mul3A_201 = vector.broadcast %squeeze3A_189 : f32 to vector<16xf32>
      %mul3A_202 = arith.mulf %mul3A_201, %bitcast_convert_type3A_198 : vector<16xf32>
      %add3A_203 = arith.addf %add3A_180, %mul3A_202 : vector<16xf32>
      %mul3A_204 = vector.broadcast %squeeze3A_189 : f32 to vector<16xf32>
      %mul3A_205 = arith.mulf %mul3A_204, %bitcast_convert_type3A_200 : vector<16xf32>
      %add3A_206 = arith.addf %add3A_183, %mul3A_205 : vector<16xf32>
      %add3A_207 = arith.constant 0 : i32
      %add3A_208 = arith.addi %add3A_64, %add3A_207 : i32
      %add3A_209 = arith.constant 6 : i32
      %add3A_210 = arith.addi %add3A_208, %add3A_209 : i32
      %slice3A_211 = vector.extract_strided_slice %get3A_72 {offsets = [6], sizes = [1], strides = [1]} : vector<16xf32> to vector<1xf32>
      %squeeze3A_212 = vector.extract %slice3A_211[0] : f32 from vector<1xf32>
      %get3A_213 = arith.index_cast %add3A_210 : i32 to index
      %get3A_214 = arith.constant 0 : index
      %get3A_215 = tpu.vector_load %arg8[%get3A_213, %get3A_214] {strides = array<i32>} : memref<3072x16xf32, #tpu.memory_space<vmem>>, vector<1x16xf32>,
      %get3A_216 = vector.shape_cast %get3A_215 : vector<1x16xf32> to vector<16xf32>
      %bitcast_convert_type3A_217 = tpu.bitcast %get3A_216 : vector<16xf32> -> vector<16xi32>
      %shift_left3A_218 = arith.constant 16 : i32
      %shift_left3A_219 = vector.broadcast %shift_left3A_218 : i32 to vector<16xi32>
      %shift_left3A_220 = arith.shli %bitcast_convert_type3A_217, %shift_left3A_219 : vector<16xi32>
      %bitcast_convert_type3A_221 = tpu.bitcast %shift_left3A_220 : vector<16xi32> -> vector<16xf32>
      %and3A_222 = arith.andi %bitcast_convert_type3A_217, %broadcast_in_dim3A_3 : vector<16xi32>
      %bitcast_convert_type3A_223 = tpu.bitcast %and3A_222 : vector<16xi32> -> vector<16xf32>
      %mul3A_224 = vector.broadcast %squeeze3A_212 : f32 to vector<16xf32>
      %mul3A_225 = arith.mulf %mul3A_224, %bitcast_convert_type3A_221 : vector<16xf32>
      %add3A_226 = arith.addf %add3A_203, %mul3A_225 : vector<16xf32>
      %mul3A_227 = vector.broadcast %squeeze3A_212 : f32 to vector<16xf32>
      %mul3A_228 = arith.mulf %mul3A_227, %bitcast_convert_type3A_223 : vector<16xf32>
      %add3A_229 = arith.addf %add3A_206, %mul3A_228 : vector<16xf32>
      %add3A_230 = arith.constant 0 : i32
      %add3A_231 = arith.addi %add3A_64, %add3A_230 : i32
      %add3A_232 = arith.constant 7 : i32
      %add3A_233 = arith.addi %add3A_231, %add3A_232 : i32
      %slice3A_234 = vector.extract_strided_slice %get3A_72 {offsets = [7], sizes = [1], strides = [1]} : vector<16xf32> to vector<1xf32>
      %squeeze3A_235 = vector.extract %slice3A_234[0] : f32 from vector<1xf32>
      %get3A_236 = arith.index_cast %add3A_233 : i32 to index
      %get3A_237 = arith.constant 0 : index
      %get3A_238 = tpu.vector_load %arg8[%get3A_236, %get3A_237] {strides = array<i32>} : memref<3072x16xf32, #tpu.memory_space<vmem>>, vector<1x16xf32>,
      %get3A_239 = vector.shape_cast %get3A_238 : vector<1x16xf32> to vector<16xf32>
      %bitcast_convert_type3A_240 = tpu.bitcast %get3A_239 : vector<16xf32> -> vector<16xi32>
      %shift_left3A_241 = arith.constant 16 : i32
      %shift_left3A_242 = vector.broadcast %shift_left3A_241 : i32 to vector<16xi32>
      %shift_left3A_243 = arith.shli %bitcast_convert_type3A_240, %shift_left3A_242 : vector<16xi32>
      %bitcast_convert_type3A_244 = tpu.bitcast %shift_left3A_243 : vector<16xi32> -> vector<16xf32>
      %and3A_245 = arith.andi %bitcast_convert_type3A_240, %broadcast_in_dim3A_3 : vector<16xi32>
      %bitcast_convert_type3A_246 = tpu.bitcast %and3A_245 : vector<16xi32> -> vector<16xf32>
      %mul3A_247 = vector.broadcast %squeeze3A_235 : f32 to vector<16xf32>
      %mul3A_248 = arith.mulf %mul3A_247, %bitcast_convert_type3A_244 : vector<16xf32>
      %add3A_249 = arith.addf %add3A_226, %mul3A_248 : vector<16xf32>
      %mul3A_250 = vector.broadcast %squeeze3A_235 : f32 to vector<16xf32>
      %mul3A_251 = arith.mulf %mul3A_250, %bitcast_convert_type3A_246 : vector<16xf32>
      %add3A_252 = arith.addf %add3A_229, %mul3A_251 : vector<16xf32>
      %add3A_253 = arith.constant 0 : i32
      %add3A_254 = arith.addi %add3A_64, %add3A_253 : i32
      %add3A_255 = arith.constant 8 : i32
      %add3A_256 = arith.addi %add3A_254, %add3A_255 : i32
      %slice3A_257 = vector.extract_strided_slice %get3A_72 {offsets = [8], sizes = [1], strides = [1]} : vector<16xf32> to vector<1xf32>
      %squeeze3A_258 = vector.extract %slice3A_257[0] : f32 from vector<1xf32>
      %get3A_259 = arith.index_cast %add3A_256 : i32 to index
      %get3A_260 = arith.constant 0 : index
      %get3A_261 = tpu.vector_load %arg8[%get3A_259, %get3A_260] {strides = array<i32>} : memref<3072x16xf32, #tpu.memory_space<vmem>>, vector<1x16xf32>,
      %get3A_262 = vector.shape_cast %get3A_261 : vector<1x16xf32> to vector<16xf32>
      %bitcast_convert_type3A_263 = tpu.bitcast %get3A_262 : vector<16xf32> -> vector<16xi32>
      %shift_left3A_264 = arith.constant 16 : i32
      %shift_left3A_265 = vector.broadcast %shift_left3A_264 : i32 to vector<16xi32>
      %shift_left3A_266 = arith.shli %bitcast_convert_type3A_263, %shift_left3A_265 : vector<16xi32>
      %bitcast_convert_type3A_267 = tpu.bitcast %shift_left3A_266 : vector<16xi32> -> vector<16xf32>
      %and3A_268 = arith.andi %bitcast_convert_type3A_263, %broadcast_in_dim3A_3 : vector<16xi32>
      %bitcast_convert_type3A_269 = tpu.bitcast %and3A_268 : vector<16xi32> -> vector<16xf32>
      %mul3A_270 = vector.broadcast %squeeze3A_258 : f32 to vector<16xf32>
      %mul3A_271 = arith.mulf %mul3A_270, %bitcast_convert_type3A_267 : vector<16xf32>
      %add3A_272 = arith.addf %add3A_249, %mul3A_271 : vector<16xf32>
      %mul3A_273 = vector.broadcast %squeeze3A_258 : f32 to vector<16xf32>
      %mul3A_274 = arith.mulf %mul3A_273, %bitcast_convert_type3A_269 : vector<16xf32>
      %add3A_275 = arith.addf %add3A_252, %mul3A_274 : vector<16xf32>
      %add3A_276 = arith.constant 0 : i32
      %add3A_277 = arith.addi %add3A_64, %add3A_276 : i32
      %add3A_278 = arith.constant 9 : i32
      %add3A_279 = arith.addi %add3A_277, %add3A_278 : i32
      %slice3A_280 = vector.extract_strided_slice %get3A_72 {offsets = [9], sizes = [1], strides = [1]} : vector<16xf32> to vector<1xf32>
      %squeeze3A_281 = vector.extract %slice3A_280[0] : f32 from vector<1xf32>
      %get3A_282 = arith.index_cast %add3A_279 : i32 to index
      %get3A_283 = arith.constant 0 : index
      %get3A_284 = tpu.vector_load %arg8[%get3A_282, %get3A_283] {strides = array<i32>} : memref<3072x16xf32, #tpu.memory_space<vmem>>, vector<1x16xf32>,
      %get3A_285 = vector.shape_cast %get3A_284 : vector<1x16xf32> to vector<16xf32>
      %bitcast_convert_type3A_286 = tpu.bitcast %get3A_285 : vector<16xf32> -> vector<16xi32>
      %shift_left3A_287 = arith.constant 16 : i32
      %shift_left3A_288 = vector.broadcast %shift_left3A_287 : i32 to vector<16xi32>
      %shift_left3A_289 = arith.shli %bitcast_convert_type3A_286, %shift_left3A_288 : vector<16xi32>
      %bitcast_convert_type3A_290 = tpu.bitcast %shift_left3A_289 : vector<16xi32> -> vector<16xf32>
      %and3A_291 = arith.andi %bitcast_convert_type3A_286, %broadcast_in_dim3A_3 : vector<16xi32>
      %bitcast_convert_type3A_292 = tpu.bitcast %and3A_291 : vector<16xi32> -> vector<16xf32>
      %mul3A_293 = vector.broadcast %squeeze3A_281 : f32 to vector<16xf32>
      %mul3A_294 = arith.mulf %mul3A_293, %bitcast_convert_type3A_290 : vector<16xf32>
      %add3A_295 = arith.addf %add3A_272, %mul3A_294 : vector<16xf32>
      %mul3A_296 = vector.broadcast %squeeze3A_281 : f32 to vector<16xf32>
      %mul3A_297 = arith.mulf %mul3A_296, %bitcast_convert_type3A_292 : vector<16xf32>
      %add3A_298 = arith.addf %add3A_275, %mul3A_297 : vector<16xf32>
      %add3A_299 = arith.constant 0 : i32
      %add3A_300 = arith.addi %add3A_64, %add3A_299 : i32
      %add3A_301 = arith.constant 10 : i32
      %add3A_302 = arith.addi %add3A_300, %add3A_301 : i32
      %slice3A_303 = vector.extract_strided_slice %get3A_72 {offsets = [10], sizes = [1], strides = [1]} : vector<16xf32> to vector<1xf32>
      %squeeze3A_304 = vector.extract %slice3A_303[0] : f32 from vector<1xf32>
      %get3A_305 = arith.index_cast %add3A_302 : i32 to index
      %get3A_306 = arith.constant 0 : index
      %get3A_307 = tpu.vector_load %arg8[%get3A_305, %get3A_306] {strides = array<i32>} : memref<3072x16xf32, #tpu.memory_space<vmem>>, vector<1x16xf32>,
      %get3A_308 = vector.shape_cast %get3A_307 : vector<1x16xf32> to vector<16xf32>
      %bitcast_convert_type3A_309 = tpu.bitcast %get3A_308 : vector<16xf32> -> vector<16xi32>
      %shift_left3A_310 = arith.constant 16 : i32
      %shift_left3A_311 = vector.broadcast %shift_left3A_310 : i32 to vector<16xi32>
      %shift_left3A_312 = arith.shli %bitcast_convert_type3A_309, %shift_left3A_311 : vector<16xi32>
      %bitcast_convert_type3A_313 = tpu.bitcast %shift_left3A_312 : vector<16xi32> -> vector<16xf32>
      %and3A_314 = arith.andi %bitcast_convert_type3A_309, %broadcast_in_dim3A_3 : vector<16xi32>
      %bitcast_convert_type3A_315 = tpu.bitcast %and3A_314 : vector<16xi32> -> vector<16xf32>
      %mul3A_316 = vector.broadcast %squeeze3A_304 : f32 to vector<16xf32>
      %mul3A_317 = arith.mulf %mul3A_316, %bitcast_convert_type3A_313 : vector<16xf32>
      %add3A_318 = arith.addf %add3A_295, %mul3A_317 : vector<16xf32>
      %mul3A_319 = vector.broadcast %squeeze3A_304 : f32 to vector<16xf32>
      %mul3A_320 = arith.mulf %mul3A_319, %bitcast_convert_type3A_315 : vector<16xf32>
      %add3A_321 = arith.addf %add3A_298, %mul3A_320 : vector<16xf32>
      %add3A_322 = arith.constant 0 : i32
      %add3A_323 = arith.addi %add3A_64, %add3A_322 : i32
      %add3A_324 = arith.constant 11 : i32
      %add3A_325 = arith.addi %add3A_323, %add3A_324 : i32
      %slice3A_326 = vector.extract_strided_slice %get3A_72 {offsets = [11], sizes = [1], strides = [1]} : vector<16xf32> to vector<1xf32>
      %squeeze3A_327 = vector.extract %slice3A_326[0] : f32 from vector<1xf32>
      %get3A_328 = arith.index_cast %add3A_325 : i32 to index
      %get3A_329 = arith.constant 0 : index
      %get3A_330 = tpu.vector_load %arg8[%get3A_328, %get3A_329] {strides = array<i32>} : memref<3072x16xf32, #tpu.memory_space<vmem>>, vector<1x16xf32>,
      %get3A_331 = vector.shape_cast %get3A_330 : vector<1x16xf32> to vector<16xf32>
      %bitcast_convert_type3A_332 = tpu.bitcast %get3A_331 : vector<16xf32> -> vector<16xi32>
      %shift_left3A_333 = arith.constant 16 : i32
      %shift_left3A_334 = vector.broadcast %shift_left3A_333 : i32 to vector<16xi32>
      %shift_left3A_335 = arith.shli %bitcast_convert_type3A_332, %shift_left3A_334 : vector<16xi32>
      %bitcast_convert_type3A_336 = tpu.bitcast %shift_left3A_335 : vector<16xi32> -> vector<16xf32>
      %and3A_337 = arith.andi %bitcast_convert_type3A_332, %broadcast_in_dim3A_3 : vector<16xi32>
      %bitcast_convert_type3A_338 = tpu.bitcast %and3A_337 : vector<16xi32> -> vector<16xf32>
      %mul3A_339 = vector.broadcast %squeeze3A_327 : f32 to vector<16xf32>
      %mul3A_340 = arith.mulf %mul3A_339, %bitcast_convert_type3A_336 : vector<16xf32>
      %add3A_341 = arith.addf %add3A_318, %mul3A_340 : vector<16xf32>
      %mul3A_342 = vector.broadcast %squeeze3A_327 : f32 to vector<16xf32>
      %mul3A_343 = arith.mulf %mul3A_342, %bitcast_convert_type3A_338 : vector<16xf32>
      %add3A_344 = arith.addf %add3A_321, %mul3A_343 : vector<16xf32>
      %add3A_345 = arith.constant 96 : i32
      %add3A_346 = arith.addi %add3A_64, %add3A_345 : i32
      %get3A_347 = arith.index_cast %add3A_346 : i32 to index
      %get3A_348 = tpu.vector_load %arg7[%get3A_347] {strides = array<i32>} : memref<3088xf32, #tpu.memory_space<vmem>>, vector<16xf32>,
      %get3A_349 = vector.shape_cast %get3A_348 : vector<16xf32> to vector<16xf32>
      %add3A_350 = arith.constant 96 : i32
      %add3A_351 = arith.addi %add3A_64, %add3A_350 : i32
      %add3A_352 = arith.constant 0 : i32
      %add3A_353 = arith.addi %add3A_351, %add3A_352 : i32
      %slice3A_354 = vector.extract_strided_slice %get3A_349 {offsets = [0], sizes = [1], strides = [1]} : vector<16xf32> to vector<1xf32>
      %squeeze3A_355 = vector.extract %slice3A_354[0] : f32 from vector<1xf32>
      %get3A_356 = arith.index_cast %add3A_353 : i32 to index
      %get3A_357 = arith.constant 0 : index
      %get3A_358 = tpu.vector_load %arg8[%get3A_356, %get3A_357] {strides = array<i32>} : memref<3072x16xf32, #tpu.memory_space<vmem>>, vector<1x16xf32>,
      %get3A_359 = vector.shape_cast %get3A_358 : vector<1x16xf32> to vector<16xf32>
      %bitcast_convert_type3A_360 = tpu.bitcast %get3A_359 : vector<16xf32> -> vector<16xi32>
      %shift_left3A_361 = arith.constant 16 : i32
      %shift_left3A_362 = vector.broadcast %shift_left3A_361 : i32 to vector<16xi32>
      %shift_left3A_363 = arith.shli %bitcast_convert_type3A_360, %shift_left3A_362 : vector<16xi32>
      %bitcast_convert_type3A_364 = tpu.bitcast %shift_left3A_363 : vector<16xi32> -> vector<16xf32>
      %and3A_365 = arith.andi %bitcast_convert_type3A_360, %broadcast_in_dim3A_3 : vector<16xi32>
      %bitcast_convert_type3A_366 = tpu.bitcast %and3A_365 : vector<16xi32> -> vector<16xf32>
      %mul3A_367 = vector.broadcast %squeeze3A_355 : f32 to vector<16xf32>
      %mul3A_368 = arith.mulf %mul3A_367, %bitcast_convert_type3A_364 : vector<16xf32>
      %add3A_369 = arith.addf %add3A_341, %mul3A_368 : vector<16xf32>
      %mul3A_370 = vector.broadcast %squeeze3A_355 : f32 to vector<16xf32>
      %mul3A_371 = arith.mulf %mul3A_370, %bitcast_convert_type3A_366 : vector<16xf32>
      %add3A_372 = arith.addf %add3A_344, %mul3A_371 : vector<16xf32>
      %add3A_373 = arith.constant 96 : i32
      %add3A_374 = arith.addi %add3A_64, %add3A_373 : i32
      %add3A_375 = arith.constant 1 : i32
      %add3A_376 = arith.addi %add3A_374, %add3A_375 : i32
      %slice3A_377 = vector.extract_strided_slice %get3A_349 {offsets = [1], sizes = [1], strides = [1]} : vector<16xf32> to vector<1xf32>
      %squeeze3A_378 = vector.extract %slice3A_377[0] : f32 from vector<1xf32>
      %get3A_379 = arith.index_cast %add3A_376 : i32 to index
      %get3A_380 = arith.constant 0 : index
      %get3A_381 = tpu.vector_load %arg8[%get3A_379, %get3A_380] {strides = array<i32>} : memref<3072x16xf32, #tpu.memory_space<vmem>>, vector<1x16xf32>,
      %get3A_382 = vector.shape_cast %get3A_381 : vector<1x16xf32> to vector<16xf32>
      %bitcast_convert_type3A_383 = tpu.bitcast %get3A_382 : vector<16xf32> -> vector<16xi32>
      %shift_left3A_384 = arith.constant 16 : i32
      %shift_left3A_385 = vector.broadcast %shift_left3A_384 : i32 to vector<16xi32>
      %shift_left3A_386 = arith.shli %bitcast_convert_type3A_383, %shift_left3A_385 : vector<16xi32>
      %bitcast_convert_type3A_387 = tpu.bitcast %shift_left3A_386 : vector<16xi32> -> vector<16xf32>
      %and3A_388 = arith.andi %bitcast_convert_type3A_383, %broadcast_in_dim3A_3 : vector<16xi32>
      %bitcast_convert_type3A_389 = tpu.bitcast %and3A_388 : vector<16xi32> -> vector<16xf32>
      %mul3A_390 = vector.broadcast %squeeze3A_378 : f32 to vector<16xf32>
      %mul3A_391 = arith.mulf %mul3A_390, %bitcast_convert_type3A_387 : vector<16xf32>
      %add3A_392 = arith.addf %add3A_369, %mul3A_391 : vector<16xf32>
      %mul3A_393 = vector.broadcast %squeeze3A_378 : f32 to vector<16xf32>
      %mul3A_394 = arith.mulf %mul3A_393, %bitcast_convert_type3A_389 : vector<16xf32>
      %add3A_395 = arith.addf %add3A_372, %mul3A_394 : vector<16xf32>
      %add3A_396 = arith.constant 96 : i32
      %add3A_397 = arith.addi %add3A_64, %add3A_396 : i32
      %add3A_398 = arith.constant 2 : i32
      %add3A_399 = arith.addi %add3A_397, %add3A_398 : i32
      %slice3A_400 = vector.extract_strided_slice %get3A_349 {offsets = [2], sizes = [1], strides = [1]} : vector<16xf32> to vector<1xf32>
      %squeeze3A_401 = vector.extract %slice3A_400[0] : f32 from vector<1xf32>
      %get3A_402 = arith.index_cast %add3A_399 : i32 to index
      %get3A_403 = arith.constant 0 : index
      %get3A_404 = tpu.vector_load %arg8[%get3A_402, %get3A_403] {strides = array<i32>} : memref<3072x16xf32, #tpu.memory_space<vmem>>, vector<1x16xf32>,
      %get3A_405 = vector.shape_cast %get3A_404 : vector<1x16xf32> to vector<16xf32>
      %bitcast_convert_type3A_406 = tpu.bitcast %get3A_405 : vector<16xf32> -> vector<16xi32>
      %shift_left3A_407 = arith.constant 16 : i32
      %shift_left3A_408 = vector.broadcast %shift_left3A_407 : i32 to vector<16xi32>
      %shift_left3A_409 = arith.shli %bitcast_convert_type3A_406, %shift_left3A_408 : vector<16xi32>
      %bitcast_convert_type3A_410 = tpu.bitcast %shift_left3A_409 : vector<16xi32> -> vector<16xf32>
      %and3A_411 = arith.andi %bitcast_convert_type3A_406, %broadcast_in_dim3A_3 : vector<16xi32>
      %bitcast_convert_type3A_412 = tpu.bitcast %and3A_411 : vector<16xi32> -> vector<16xf32>
      %mul3A_413 = vector.broadcast %squeeze3A_401 : f32 to vector<16xf32>
      %mul3A_414 = arith.mulf %mul3A_413, %bitcast_convert_type3A_410 : vector<16xf32>
      %add3A_415 = arith.addf %add3A_392, %mul3A_414 : vector<16xf32>
      %mul3A_416 = vector.broadcast %squeeze3A_401 : f32 to vector<16xf32>
      %mul3A_417 = arith.mulf %mul3A_416, %bitcast_convert_type3A_412 : vector<16xf32>
      %add3A_418 = arith.addf %add3A_395, %mul3A_417 : vector<16xf32>
      %add3A_419 = arith.constant 96 : i32
      %add3A_420 = arith.addi %add3A_64, %add3A_419 : i32
      %add3A_421 = arith.constant 3 : i32
      %add3A_422 = arith.addi %add3A_420, %add3A_421 : i32
      %slice3A_423 = vector.extract_strided_slice %get3A_349 {offsets = [3], sizes = [1], strides = [1]} : vector<16xf32> to vector<1xf32>
      %squeeze3A_424 = vector.extract %slice3A_423[0] : f32 from vector<1xf32>
      %get3A_425 = arith.index_cast %add3A_422 : i32 to index
      %get3A_426 = arith.constant 0 : index
      %get3A_427 = tpu.vector_load %arg8[%get3A_425, %get3A_426] {strides = array<i32>} : memref<3072x16xf32, #tpu.memory_space<vmem>>, vector<1x16xf32>,
      %get3A_428 = vector.shape_cast %get3A_427 : vector<1x16xf32> to vector<16xf32>
      %bitcast_convert_type3A_429 = tpu.bitcast %get3A_428 : vector<16xf32> -> vector<16xi32>
      %shift_left3A_430 = arith.constant 16 : i32
      %shift_left3A_431 = vector.broadcast %shift_left3A_430 : i32 to vector<16xi32>
      %shift_left3A_432 = arith.shli %bitcast_convert_type3A_429, %shift_left3A_431 : vector<16xi32>
      %bitcast_convert_type3A_433 = tpu.bitcast %shift_left3A_432 : vector<16xi32> -> vector<16xf32>
      %and3A_434 = arith.andi %bitcast_convert_type3A_429, %broadcast_in_dim3A_3 : vector<16xi32>
      %bitcast_convert_type3A_435 = tpu.bitcast %and3A_434 : vector<16xi32> -> vector<16xf32>
      %mul3A_436 = vector.broadcast %squeeze3A_424 : f32 to vector<16xf32>
      %mul3A_437 = arith.mulf %mul3A_436, %bitcast_convert_type3A_433 : vector<16xf32>
      %add3A_438 = arith.addf %add3A_415, %mul3A_437 : vector<16xf32>
      %mul3A_439 = vector.broadcast %squeeze3A_424 : f32 to vector<16xf32>
      %mul3A_440 = arith.mulf %mul3A_439, %bitcast_convert_type3A_435 : vector<16xf32>
      %add3A_441 = arith.addf %add3A_418, %mul3A_440 : vector<16xf32>
      %add3A_442 = arith.constant 96 : i32
      %add3A_443 = arith.addi %add3A_64, %add3A_442 : i32
      %add3A_444 = arith.constant 4 : i32
      %add3A_445 = arith.addi %add3A_443, %add3A_444 : i32
      %slice3A_446 = vector.extract_strided_slice %get3A_349 {offsets = [4], sizes = [1], strides = [1]} : vector<16xf32> to vector<1xf32>
      %squeeze3A_447 = vector.extract %slice3A_446[0] : f32 from vector<1xf32>
      %get3A_448 = arith.index_cast %add3A_445 : i32 to index
      %get3A_449 = arith.constant 0 : index
      %get3A_450 = tpu.vector_load %arg8[%get3A_448, %get3A_449] {strides = array<i32>} : memref<3072x16xf32, #tpu.memory_space<vmem>>, vector<1x16xf32>,
      %get3A_451 = vector.shape_cast %get3A_450 : vector<1x16xf32> to vector<16xf32>
      %bitcast_convert_type3A_452 = tpu.bitcast %get3A_451 : vector<16xf32> -> vector<16xi32>
      %shift_left3A_453 = arith.constant 16 : i32
      %shift_left3A_454 = vector.broadcast %shift_left3A_453 : i32 to vector<16xi32>
      %shift_left3A_455 = arith.shli %bitcast_convert_type3A_452, %shift_left3A_454 : vector<16xi32>
      %bitcast_convert_type3A_456 = tpu.bitcast %shift_left3A_455 : vector<16xi32> -> vector<16xf32>
      %and3A_457 = arith.andi %bitcast_convert_type3A_452, %broadcast_in_dim3A_3 : vector<16xi32>
      %bitcast_convert_type3A_458 = tpu.bitcast %and3A_457 : vector<16xi32> -> vector<16xf32>
      %mul3A_459 = vector.broadcast %squeeze3A_447 : f32 to vector<16xf32>
      %mul3A_460 = arith.mulf %mul3A_459, %bitcast_convert_type3A_456 : vector<16xf32>
      %add3A_461 = arith.addf %add3A_438, %mul3A_460 : vector<16xf32>
      %mul3A_462 = vector.broadcast %squeeze3A_447 : f32 to vector<16xf32>
      %mul3A_463 = arith.mulf %mul3A_462, %bitcast_convert_type3A_458 : vector<16xf32>
      %add3A_464 = arith.addf %add3A_441, %mul3A_463 : vector<16xf32>
      %add3A_465 = arith.constant 96 : i32
      %add3A_466 = arith.addi %add3A_64, %add3A_465 : i32
      %add3A_467 = arith.constant 5 : i32
      %add3A_468 = arith.addi %add3A_466, %add3A_467 : i32
      %slice3A_469 = vector.extract_strided_slice %get3A_349 {offsets = [5], sizes = [1], strides = [1]} : vector<16xf32> to vector<1xf32>
      %squeeze3A_470 = vector.extract %slice3A_469[0] : f32 from vector<1xf32>
      %get3A_471 = arith.index_cast %add3A_468 : i32 to index
      %get3A_472 = arith.constant 0 : index
      %get3A_473 = tpu.vector_load %arg8[%get3A_471, %get3A_472] {strides = array<i32>} : memref<3072x16xf32, #tpu.memory_space<vmem>>, vector<1x16xf32>,
      %get3A_474 = vector.shape_cast %get3A_473 : vector<1x16xf32> to vector<16xf32>
      %bitcast_convert_type3A_475 = tpu.bitcast %get3A_474 : vector<16xf32> -> vector<16xi32>
      %shift_left3A_476 = arith.constant 16 : i32
      %shift_left3A_477 = vector.broadcast %shift_left3A_476 : i32 to vector<16xi32>
      %shift_left3A_478 = arith.shli %bitcast_convert_type3A_475, %shift_left3A_477 : vector<16xi32>
      %bitcast_convert_type3A_479 = tpu.bitcast %shift_left3A_478 : vector<16xi32> -> vector<16xf32>
      %and3A_480 = arith.andi %bitcast_convert_type3A_475, %broadcast_in_dim3A_3 : vector<16xi32>
      %bitcast_convert_type3A_481 = tpu.bitcast %and3A_480 : vector<16xi32> -> vector<16xf32>
      %mul3A_482 = vector.broadcast %squeeze3A_470 : f32 to vector<16xf32>
      %mul3A_483 = arith.mulf %mul3A_482, %bitcast_convert_type3A_479 : vector<16xf32>
      %add3A_484 = arith.addf %add3A_461, %mul3A_483 : vector<16xf32>
      %mul3A_485 = vector.broadcast %squeeze3A_470 : f32 to vector<16xf32>
      %mul3A_486 = arith.mulf %mul3A_485, %bitcast_convert_type3A_481 : vector<16xf32>
      %add3A_487 = arith.addf %add3A_464, %mul3A_486 : vector<16xf32>
      %add3A_488 = arith.constant 96 : i32
      %add3A_489 = arith.addi %add3A_64, %add3A_488 : i32
      %add3A_490 = arith.constant 6 : i32
      %add3A_491 = arith.addi %add3A_489, %add3A_490 : i32
      %slice3A_492 = vector.extract_strided_slice %get3A_349 {offsets = [6], sizes = [1], strides = [1]} : vector<16xf32> to vector<1xf32>
      %squeeze3A_493 = vector.extract %slice3A_492[0] : f32 from vector<1xf32>
      %get3A_494 = arith.index_cast %add3A_491 : i32 to index
      %get3A_495 = arith.constant 0 : index
      %get3A_496 = tpu.vector_load %arg8[%get3A_494, %get3A_495] {strides = array<i32>} : memref<3072x16xf32, #tpu.memory_space<vmem>>, vector<1x16xf32>,
      %get3A_497 = vector.shape_cast %get3A_496 : vector<1x16xf32> to vector<16xf32>
      %bitcast_convert_type3A_498 = tpu.bitcast %get3A_497 : vector<16xf32> -> vector<16xi32>
      %shift_left3A_499 = arith.constant 16 : i32
      %shift_left3A_500 = vector.broadcast %shift_left3A_499 : i32 to vector<16xi32>
      %shift_left3A_501 = arith.shli %bitcast_convert_type3A_498, %shift_left3A_500 : vector<16xi32>
      %bitcast_convert_type3A_502 = tpu.bitcast %shift_left3A_501 : vector<16xi32> -> vector<16xf32>
      %and3A_503 = arith.andi %bitcast_convert_type3A_498, %broadcast_in_dim3A_3 : vector<16xi32>
      %bitcast_convert_type3A_504 = tpu.bitcast %and3A_503 : vector<16xi32> -> vector<16xf32>
      %mul3A_505 = vector.broadcast %squeeze3A_493 : f32 to vector<16xf32>
      %mul3A_506 = arith.mulf %mul3A_505, %bitcast_convert_type3A_502 : vector<16xf32>
      %add3A_507 = arith.addf %add3A_484, %mul3A_506 : vector<16xf32>
      %mul3A_508 = vector.broadcast %squeeze3A_493 : f32 to vector<16xf32>
      %mul3A_509 = arith.mulf %mul3A_508, %bitcast_convert_type3A_504 : vector<16xf32>
      %add3A_510 = arith.addf %add3A_487, %mul3A_509 : vector<16xf32>
      %add3A_511 = arith.constant 96 : i32
      %add3A_512 = arith.addi %add3A_64, %add3A_511 : i32
      %add3A_513 = arith.constant 7 : i32
      %add3A_514 = arith.addi %add3A_512, %add3A_513 : i32
      %slice3A_515 = vector.extract_strided_slice %get3A_349 {offsets = [7], sizes = [1], strides = [1]} : vector<16xf32> to vector<1xf32>
      %squeeze3A_516 = vector.extract %slice3A_515[0] : f32 from vector<1xf32>
      %get3A_517 = arith.index_cast %add3A_514 : i32 to index
      %get3A_518 = arith.constant 0 : index
      %get3A_519 = tpu.vector_load %arg8[%get3A_517, %get3A_518] {strides = array<i32>} : memref<3072x16xf32, #tpu.memory_space<vmem>>, vector<1x16xf32>,
      %get3A_520 = vector.shape_cast %get3A_519 : vector<1x16xf32> to vector<16xf32>
      %bitcast_convert_type3A_521 = tpu.bitcast %get3A_520 : vector<16xf32> -> vector<16xi32>
      %shift_left3A_522 = arith.constant 16 : i32
      %shift_left3A_523 = vector.broadcast %shift_left3A_522 : i32 to vector<16xi32>
      %shift_left3A_524 = arith.shli %bitcast_convert_type3A_521, %shift_left3A_523 : vector<16xi32>
      %bitcast_convert_type3A_525 = tpu.bitcast %shift_left3A_524 : vector<16xi32> -> vector<16xf32>
      %and3A_526 = arith.andi %bitcast_convert_type3A_521, %broadcast_in_dim3A_3 : vector<16xi32>
      %bitcast_convert_type3A_527 = tpu.bitcast %and3A_526 : vector<16xi32> -> vector<16xf32>
      %mul3A_528 = vector.broadcast %squeeze3A_516 : f32 to vector<16xf32>
      %mul3A_529 = arith.mulf %mul3A_528, %bitcast_convert_type3A_525 : vector<16xf32>
      %add3A_530 = arith.addf %add3A_507, %mul3A_529 : vector<16xf32>
      %mul3A_531 = vector.broadcast %squeeze3A_516 : f32 to vector<16xf32>
      %mul3A_532 = arith.mulf %mul3A_531, %bitcast_convert_type3A_527 : vector<16xf32>
      %add3A_533 = arith.addf %add3A_510, %mul3A_532 : vector<16xf32>
      %add3A_534 = arith.constant 96 : i32
      %add3A_535 = arith.addi %add3A_64, %add3A_534 : i32
      %add3A_536 = arith.constant 8 : i32
      %add3A_537 = arith.addi %add3A_535, %add3A_536 : i32
      %slice3A_538 = vector.extract_strided_slice %get3A_349 {offsets = [8], sizes = [1], strides = [1]} : vector<16xf32> to vector<1xf32>
      %squeeze3A_539 = vector.extract %slice3A_538[0] : f32 from vector<1xf32>
      %get3A_540 = arith.index_cast %add3A_537 : i32 to index
      %get3A_541 = arith.constant 0 : index
      %get3A_542 = tpu.vector_load %arg8[%get3A_540, %get3A_541] {strides = array<i32>} : memref<3072x16xf32, #tpu.memory_space<vmem>>, vector<1x16xf32>,
      %get3A_543 = vector.shape_cast %get3A_542 : vector<1x16xf32> to vector<16xf32>
      %bitcast_convert_type3A_544 = tpu.bitcast %get3A_543 : vector<16xf32> -> vector<16xi32>
      %shift_left3A_545 = arith.constant 16 : i32
      %shift_left3A_546 = vector.broadcast %shift_left3A_545 : i32 to vector<16xi32>
      %shift_left3A_547 = arith.shli %bitcast_convert_type3A_544, %shift_left3A_546 : vector<16xi32>
      %bitcast_convert_type3A_548 = tpu.bitcast %shift_left3A_547 : vector<16xi32> -> vector<16xf32>
      %and3A_549 = arith.andi %bitcast_convert_type3A_544, %broadcast_in_dim3A_3 : vector<16xi32>
      %bitcast_convert_type3A_550 = tpu.bitcast %and3A_549 : vector<16xi32> -> vector<16xf32>
      %mul3A_551 = vector.broadcast %squeeze3A_539 : f32 to vector<16xf32>
      %mul3A_552 = arith.mulf %mul3A_551, %bitcast_convert_type3A_548 : vector<16xf32>
      %add3A_553 = arith.addf %add3A_530, %mul3A_552 : vector<16xf32>
      %mul3A_554 = vector.broadcast %squeeze3A_539 : f32 to vector<16xf32>
      %mul3A_555 = arith.mulf %mul3A_554, %bitcast_convert_type3A_550 : vector<16xf32>
      %add3A_556 = arith.addf %add3A_533, %mul3A_555 : vector<16xf32>
      %add3A_557 = arith.constant 96 : i32
      %add3A_558 = arith.addi %add3A_64, %add3A_557 : i32
      %add3A_559 = arith.constant 9 : i32
      %add3A_560 = arith.addi %add3A_558, %add3A_559 : i32
      %slice3A_561 = vector.extract_strided_slice %get3A_349 {offsets = [9], sizes = [1], strides = [1]} : vector<16xf32> to vector<1xf32>
      %squeeze3A_562 = vector.extract %slice3A_561[0] : f32 from vector<1xf32>
      %get3A_563 = arith.index_cast %add3A_560 : i32 to index
      %get3A_564 = arith.constant 0 : index
      %get3A_565 = tpu.vector_load %arg8[%get3A_563, %get3A_564] {strides = array<i32>} : memref<3072x16xf32, #tpu.memory_space<vmem>>, vector<1x16xf32>,
      %get3A_566 = vector.shape_cast %get3A_565 : vector<1x16xf32> to vector<16xf32>
      %bitcast_convert_type3A_567 = tpu.bitcast %get3A_566 : vector<16xf32> -> vector<16xi32>
      %shift_left3A_568 = arith.constant 16 : i32
      %shift_left3A_569 = vector.broadcast %shift_left3A_568 : i32 to vector<16xi32>
      %shift_left3A_570 = arith.shli %bitcast_convert_type3A_567, %shift_left3A_569 : vector<16xi32>
      %bitcast_convert_type3A_571 = tpu.bitcast %shift_left3A_570 : vector<16xi32> -> vector<16xf32>
      %and3A_572 = arith.andi %bitcast_convert_type3A_567, %broadcast_in_dim3A_3 : vector<16xi32>
      %bitcast_convert_type3A_573 = tpu.bitcast %and3A_572 : vector<16xi32> -> vector<16xf32>
      %mul3A_574 = vector.broadcast %squeeze3A_562 : f32 to vector<16xf32>
      %mul3A_575 = arith.mulf %mul3A_574, %bitcast_convert_type3A_571 : vector<16xf32>
      %add3A_576 = arith.addf %add3A_553, %mul3A_575 : vector<16xf32>
      %mul3A_577 = vector.broadcast %squeeze3A_562 : f32 to vector<16xf32>
      %mul3A_578 = arith.mulf %mul3A_577, %bitcast_convert_type3A_573 : vector<16xf32>
      %add3A_579 = arith.addf %add3A_556, %mul3A_578 : vector<16xf32>
      %add3A_580 = arith.constant 96 : i32
      %add3A_581 = arith.addi %add3A_64, %add3A_580 : i32
      %add3A_582 = arith.constant 10 : i32
      %add3A_583 = arith.addi %add3A_581, %add3A_582 : i32
      %slice3A_584 = vector.extract_strided_slice %get3A_349 {offsets = [10], sizes = [1], strides = [1]} : vector<16xf32> to vector<1xf32>
      %squeeze3A_585 = vector.extract %slice3A_584[0] : f32 from vector<1xf32>
      %get3A_586 = arith.index_cast %add3A_583 : i32 to index
      %get3A_587 = arith.constant 0 : index
      %get3A_588 = tpu.vector_load %arg8[%get3A_586, %get3A_587] {strides = array<i32>} : memref<3072x16xf32, #tpu.memory_space<vmem>>, vector<1x16xf32>,
      %get3A_589 = vector.shape_cast %get3A_588 : vector<1x16xf32> to vector<16xf32>
      %bitcast_convert_type3A_590 = tpu.bitcast %get3A_589 : vector<16xf32> -> vector<16xi32>
      %shift_left3A_591 = arith.constant 16 : i32
      %shift_left3A_592 = vector.broadcast %shift_left3A_591 : i32 to vector<16xi32>
      %shift_left3A_593 = arith.shli %bitcast_convert_type3A_590, %shift_left3A_592 : vector<16xi32>
      %bitcast_convert_type3A_594 = tpu.bitcast %shift_left3A_593 : vector<16xi32> -> vector<16xf32>
      %and3A_595 = arith.andi %bitcast_convert_type3A_590, %broadcast_in_dim3A_3 : vector<16xi32>
      %bitcast_convert_type3A_596 = tpu.bitcast %and3A_595 : vector<16xi32> -> vector<16xf32>
      %mul3A_597 = vector.broadcast %squeeze3A_585 : f32 to vector<16xf32>
      %mul3A_598 = arith.mulf %mul3A_597, %bitcast_convert_type3A_594 : vector<16xf32>
      %add3A_599 = arith.addf %add3A_576, %mul3A_598 : vector<16xf32>
      %mul3A_600 = vector.broadcast %squeeze3A_585 : f32 to vector<16xf32>
      %mul3A_601 = arith.mulf %mul3A_600, %bitcast_convert_type3A_596 : vector<16xf32>
      %add3A_602 = arith.addf %add3A_579, %mul3A_601 : vector<16xf32>
      %add3A_603 = arith.constant 96 : i32
      %add3A_604 = arith.addi %add3A_64, %add3A_603 : i32
      %add3A_605 = arith.constant 11 : i32
      %add3A_606 = arith.addi %add3A_604, %add3A_605 : i32
      %slice3A_607 = vector.extract_strided_slice %get3A_349 {offsets = [11], sizes = [1], strides = [1]} : vector<16xf32> to vector<1xf32>
      %squeeze3A_608 = vector.extract %slice3A_607[0] : f32 from vector<1xf32>
      %get3A_609 = arith.index_cast %add3A_606 : i32 to index
      %get3A_610 = arith.constant 0 : index
      %get3A_611 = tpu.vector_load %arg8[%get3A_609, %get3A_610] {strides = array<i32>} : memref<3072x16xf32, #tpu.memory_space<vmem>>, vector<1x16xf32>,
      %get3A_612 = vector.shape_cast %get3A_611 : vector<1x16xf32> to vector<16xf32>
      %bitcast_convert_type3A_613 = tpu.bitcast %get3A_612 : vector<16xf32> -> vector<16xi32>
      %shift_left3A_614 = arith.constant 16 : i32
      %shift_left3A_615 = vector.broadcast %shift_left3A_614 : i32 to vector<16xi32>
      %shift_left3A_616 = arith.shli %bitcast_convert_type3A_613, %shift_left3A_615 : vector<16xi32>
      %bitcast_convert_type3A_617 = tpu.bitcast %shift_left3A_616 : vector<16xi32> -> vector<16xf32>
      %and3A_618 = arith.andi %bitcast_convert_type3A_613, %broadcast_in_dim3A_3 : vector<16xi32>
      %bitcast_convert_type3A_619 = tpu.bitcast %and3A_618 : vector<16xi32> -> vector<16xf32>
      %mul3A_620 = vector.broadcast %squeeze3A_608 : f32 to vector<16xf32>
      %mul3A_621 = arith.mulf %mul3A_620, %bitcast_convert_type3A_617 : vector<16xf32>
      %add3A_622 = arith.addf %add3A_599, %mul3A_621 : vector<16xf32>
      %mul3A_623 = vector.broadcast %squeeze3A_608 : f32 to vector<16xf32>
      %mul3A_624 = arith.mulf %mul3A_623, %bitcast_convert_type3A_619 : vector<16xf32>
      %add3A_625 = arith.addf %add3A_602, %mul3A_624 : vector<16xf32>
      %add3A_626 = arith.constant 192 : i32
      %add3A_627 = arith.addi %add3A_64, %add3A_626 : i32
      %get3A_628 = arith.index_cast %add3A_627 : i32 to index
      %get3A_629 = tpu.vector_load %arg7[%get3A_628] {strides = array<i32>} : memref<3088xf32, #tpu.memory_space<vmem>>, vector<16xf32>,
      %get3A_630 = vector.shape_cast %get3A_629 : vector<16xf32> to vector<16xf32>
      %add3A_631 = arith.constant 192 : i32
      %add3A_632 = arith.addi %add3A_64, %add3A_631 : i32
      %add3A_633 = arith.constant 0 : i32
      %add3A_634 = arith.addi %add3A_632, %add3A_633 : i32
      %slice3A_635 = vector.extract_strided_slice %get3A_630 {offsets = [0], sizes = [1], strides = [1]} : vector<16xf32> to vector<1xf32>
      %squeeze3A_636 = vector.extract %slice3A_635[0] : f32 from vector<1xf32>
      %get3A_637 = arith.index_cast %add3A_634 : i32 to index
      %get3A_638 = arith.constant 0 : index
      %get3A_639 = tpu.vector_load %arg8[%get3A_637, %get3A_638] {strides = array<i32>} : memref<3072x16xf32, #tpu.memory_space<vmem>>, vector<1x16xf32>,
      %get3A_640 = vector.shape_cast %get3A_639 : vector<1x16xf32> to vector<16xf32>
      %bitcast_convert_type3A_641 = tpu.bitcast %get3A_640 : vector<16xf32> -> vector<16xi32>
      %shift_left3A_642 = arith.constant 16 : i32
      %shift_left3A_643 = vector.broadcast %shift_left3A_642 : i32 to vector<16xi32>
      %shift_left3A_644 = arith.shli %bitcast_convert_type3A_641, %shift_left3A_643 : vector<16xi32>
      %bitcast_convert_type3A_645 = tpu.bitcast %shift_left3A_644 : vector<16xi32> -> vector<16xf32>
      %and3A_646 = arith.andi %bitcast_convert_type3A_641, %broadcast_in_dim3A_3 : vector<16xi32>
      %bitcast_convert_type3A_647 = tpu.bitcast %and3A_646 : vector<16xi32> -> vector<16xf32>
      %mul3A_648 = vector.broadcast %squeeze3A_636 : f32 to vector<16xf32>
      %mul3A_649 = arith.mulf %mul3A_648, %bitcast_convert_type3A_645 : vector<16xf32>
      %add3A_650 = arith.addf %add3A_622, %mul3A_649 : vector<16xf32>
      %mul3A_651 = vector.broadcast %squeeze3A_636 : f32 to vector<16xf32>
      %mul3A_652 = arith.mulf %mul3A_651, %bitcast_convert_type3A_647 : vector<16xf32>
      %add3A_653 = arith.addf %add3A_625, %mul3A_652 : vector<16xf32>
      %add3A_654 = arith.constant 192 : i32
      %add3A_655 = arith.addi %add3A_64, %add3A_654 : i32
      %add3A_656 = arith.constant 1 : i32
      %add3A_657 = arith.addi %add3A_655, %add3A_656 : i32
      %slice3A_658 = vector.extract_strided_slice %get3A_630 {offsets = [1], sizes = [1], strides = [1]} : vector<16xf32> to vector<1xf32>
      %squeeze3A_659 = vector.extract %slice3A_658[0] : f32 from vector<1xf32>
      %get3A_660 = arith.index_cast %add3A_657 : i32 to index
      %get3A_661 = arith.constant 0 : index
      %get3A_662 = tpu.vector_load %arg8[%get3A_660, %get3A_661] {strides = array<i32>} : memref<3072x16xf32, #tpu.memory_space<vmem>>, vector<1x16xf32>,
      %get3A_663 = vector.shape_cast %get3A_662 : vector<1x16xf32> to vector<16xf32>
      %bitcast_convert_type3A_664 = tpu.bitcast %get3A_663 : vector<16xf32> -> vector<16xi32>
      %shift_left3A_665 = arith.constant 16 : i32
      %shift_left3A_666 = vector.broadcast %shift_left3A_665 : i32 to vector<16xi32>
      %shift_left3A_667 = arith.shli %bitcast_convert_type3A_664, %shift_left3A_666 : vector<16xi32>
      %bitcast_convert_type3A_668 = tpu.bitcast %shift_left3A_667 : vector<16xi32> -> vector<16xf32>
      %and3A_669 = arith.andi %bitcast_convert_type3A_664, %broadcast_in_dim3A_3 : vector<16xi32>
      %bitcast_convert_type3A_670 = tpu.bitcast %and3A_669 : vector<16xi32> -> vector<16xf32>
      %mul3A_671 = vector.broadcast %squeeze3A_659 : f32 to vector<16xf32>
      %mul3A_672 = arith.mulf %mul3A_671, %bitcast_convert_type3A_668 : vector<16xf32>
      %add3A_673 = arith.addf %add3A_650, %mul3A_672 : vector<16xf32>
      %mul3A_674 = vector.broadcast %squeeze3A_659 : f32 to vector<16xf32>
      %mul3A_675 = arith.mulf %mul3A_674, %bitcast_convert_type3A_670 : vector<16xf32>
      %add3A_676 = arith.addf %add3A_653, %mul3A_675 : vector<16xf32>
      %add3A_677 = arith.constant 192 : i32
      %add3A_678 = arith.addi %add3A_64, %add3A_677 : i32
      %add3A_679 = arith.constant 2 : i32
      %add3A_680 = arith.addi %add3A_678, %add3A_679 : i32
      %slice3A_681 = vector.extract_strided_slice %get3A_630 {offsets = [2], sizes = [1], strides = [1]} : vector<16xf32> to vector<1xf32>
      %squeeze3A_682 = vector.extract %slice3A_681[0] : f32 from vector<1xf32>
      %get3A_683 = arith.index_cast %add3A_680 : i32 to index
      %get3A_684 = arith.constant 0 : index
      %get3A_685 = tpu.vector_load %arg8[%get3A_683, %get3A_684] {strides = array<i32>} : memref<3072x16xf32, #tpu.memory_space<vmem>>, vector<1x16xf32>,
      %get3A_686 = vector.shape_cast %get3A_685 : vector<1x16xf32> to vector<16xf32>
      %bitcast_convert_type3A_687 = tpu.bitcast %get3A_686 : vector<16xf32> -> vector<16xi32>
      %shift_left3A_688 = arith.constant 16 : i32
      %shift_left3A_689 = vector.broadcast %shift_left3A_688 : i32 to vector<16xi32>
      %shift_left3A_690 = arith.shli %bitcast_convert_type3A_687, %shift_left3A_689 : vector<16xi32>
      %bitcast_convert_type3A_691 = tpu.bitcast %shift_left3A_690 : vector<16xi32> -> vector<16xf32>
      %and3A_692 = arith.andi %bitcast_convert_type3A_687, %broadcast_in_dim3A_3 : vector<16xi32>
      %bitcast_convert_type3A_693 = tpu.bitcast %and3A_692 : vector<16xi32> -> vector<16xf32>
      %mul3A_694 = vector.broadcast %squeeze3A_682 : f32 to vector<16xf32>
      %mul3A_695 = arith.mulf %mul3A_694, %bitcast_convert_type3A_691 : vector<16xf32>
      %add3A_696 = arith.addf %add3A_673, %mul3A_695 : vector<16xf32>
      %mul3A_697 = vector.broadcast %squeeze3A_682 : f32 to vector<16xf32>
      %mul3A_698 = arith.mulf %mul3A_697, %bitcast_convert_type3A_693 : vector<16xf32>
      %add3A_699 = arith.addf %add3A_676, %mul3A_698 : vector<16xf32>
      %add3A_700 = arith.constant 192 : i32
      %add3A_701 = arith.addi %add3A_64, %add3A_700 : i32
      %add3A_702 = arith.constant 3 : i32
      %add3A_703 = arith.addi %add3A_701, %add3A_702 : i32
      %slice3A_704 = vector.extract_strided_slice %get3A_630 {offsets = [3], sizes = [1], strides = [1]} : vector<16xf32> to vector<1xf32>
      %squeeze3A_705 = vector.extract %slice3A_704[0] : f32 from vector<1xf32>
      %get3A_706 = arith.index_cast %add3A_703 : i32 to index
      %get3A_707 = arith.constant 0 : index
      %get3A_708 = tpu.vector_load %arg8[%get3A_706, %get3A_707] {strides = array<i32>} : memref<3072x16xf32, #tpu.memory_space<vmem>>, vector<1x16xf32>,
      %get3A_709 = vector.shape_cast %get3A_708 : vector<1x16xf32> to vector<16xf32>
      %bitcast_convert_type3A_710 = tpu.bitcast %get3A_709 : vector<16xf32> -> vector<16xi32>
      %shift_left3A_711 = arith.constant 16 : i32
      %shift_left3A_712 = vector.broadcast %shift_left3A_711 : i32 to vector<16xi32>
      %shift_left3A_713 = arith.shli %bitcast_convert_type3A_710, %shift_left3A_712 : vector<16xi32>
      %bitcast_convert_type3A_714 = tpu.bitcast %shift_left3A_713 : vector<16xi32> -> vector<16xf32>
      %and3A_715 = arith.andi %bitcast_convert_type3A_710, %broadcast_in_dim3A_3 : vector<16xi32>
      %bitcast_convert_type3A_716 = tpu.bitcast %and3A_715 : vector<16xi32> -> vector<16xf32>
      %mul3A_717 = vector.broadcast %squeeze3A_705 : f32 to vector<16xf32>
      %mul3A_718 = arith.mulf %mul3A_717, %bitcast_convert_type3A_714 : vector<16xf32>
      %add3A_719 = arith.addf %add3A_696, %mul3A_718 : vector<16xf32>
      %mul3A_720 = vector.broadcast %squeeze3A_705 : f32 to vector<16xf32>
      %mul3A_721 = arith.mulf %mul3A_720, %bitcast_convert_type3A_716 : vector<16xf32>
      %add3A_722 = arith.addf %add3A_699, %mul3A_721 : vector<16xf32>
      %add3A_723 = arith.constant 192 : i32
      %add3A_724 = arith.addi %add3A_64, %add3A_723 : i32
      %add3A_725 = arith.constant 4 : i32
      %add3A_726 = arith.addi %add3A_724, %add3A_725 : i32
      %slice3A_727 = vector.extract_strided_slice %get3A_630 {offsets = [4], sizes = [1], strides = [1]} : vector<16xf32> to vector<1xf32>
      %squeeze3A_728 = vector.extract %slice3A_727[0] : f32 from vector<1xf32>
      %get3A_729 = arith.index_cast %add3A_726 : i32 to index
      %get3A_730 = arith.constant 0 : index
      %get3A_731 = tpu.vector_load %arg8[%get3A_729, %get3A_730] {strides = array<i32>} : memref<3072x16xf32, #tpu.memory_space<vmem>>, vector<1x16xf32>,
      %get3A_732 = vector.shape_cast %get3A_731 : vector<1x16xf32> to vector<16xf32>
      %bitcast_convert_type3A_733 = tpu.bitcast %get3A_732 : vector<16xf32> -> vector<16xi32>
      %shift_left3A_734 = arith.constant 16 : i32
      %shift_left3A_735 = vector.broadcast %shift_left3A_734 : i32 to vector<16xi32>
      %shift_left3A_736 = arith.shli %bitcast_convert_type3A_733, %shift_left3A_735 : vector<16xi32>
      %bitcast_convert_type3A_737 = tpu.bitcast %shift_left3A_736 : vector<16xi32> -> vector<16xf32>
      %and3A_738 = arith.andi %bitcast_convert_type3A_733, %broadcast_in_dim3A_3 : vector<16xi32>
      %bitcast_convert_type3A_739 = tpu.bitcast %and3A_738 : vector<16xi32> -> vector<16xf32>
      %mul3A_740 = vector.broadcast %squeeze3A_728 : f32 to vector<16xf32>
      %mul3A_741 = arith.mulf %mul3A_740, %bitcast_convert_type3A_737 : vector<16xf32>
      %add3A_742 = arith.addf %add3A_719, %mul3A_741 : vector<16xf32>
      %mul3A_743 = vector.broadcast %squeeze3A_728 : f32 to vector<16xf32>
      %mul3A_744 = arith.mulf %mul3A_743, %bitcast_convert_type3A_739 : vector<16xf32>
      %add3A_745 = arith.addf %add3A_722, %mul3A_744 : vector<16xf32>
      %add3A_746 = arith.constant 192 : i32
      %add3A_747 = arith.addi %add3A_64, %add3A_746 : i32
      %add3A_748 = arith.constant 5 : i32
      %add3A_749 = arith.addi %add3A_747, %add3A_748 : i32
      %slice3A_750 = vector.extract_strided_slice %get3A_630 {offsets = [5], sizes = [1], strides = [1]} : vector<16xf32> to vector<1xf32>
      %squeeze3A_751 = vector.extract %slice3A_750[0] : f32 from vector<1xf32>
      %get3A_752 = arith.index_cast %add3A_749 : i32 to index
      %get3A_753 = arith.constant 0 : index
      %get3A_754 = tpu.vector_load %arg8[%get3A_752, %get3A_753] {strides = array<i32>} : memref<3072x16xf32, #tpu.memory_space<vmem>>, vector<1x16xf32>,
      %get3A_755 = vector.shape_cast %get3A_754 : vector<1x16xf32> to vector<16xf32>
      %bitcast_convert_type3A_756 = tpu.bitcast %get3A_755 : vector<16xf32> -> vector<16xi32>
      %shift_left3A_757 = arith.constant 16 : i32
      %shift_left3A_758 = vector.broadcast %shift_left3A_757 : i32 to vector<16xi32>
      %shift_left3A_759 = arith.shli %bitcast_convert_type3A_756, %shift_left3A_758 : vector<16xi32>
      %bitcast_convert_type3A_760 = tpu.bitcast %shift_left3A_759 : vector<16xi32> -> vector<16xf32>
      %and3A_761 = arith.andi %bitcast_convert_type3A_756, %broadcast_in_dim3A_3 : vector<16xi32>
      %bitcast_convert_type3A_762 = tpu.bitcast %and3A_761 : vector<16xi32> -> vector<16xf32>
      %mul3A_763 = vector.broadcast %squeeze3A_751 : f32 to vector<16xf32>
      %mul3A_764 = arith.mulf %mul3A_763, %bitcast_convert_type3A_760 : vector<16xf32>
      %add3A_765 = arith.addf %add3A_742, %mul3A_764 : vector<16xf32>
      %mul3A_766 = vector.broadcast %squeeze3A_751 : f32 to vector<16xf32>
      %mul3A_767 = arith.mulf %mul3A_766, %bitcast_convert_type3A_762 : vector<16xf32>
      %add3A_768 = arith.addf %add3A_745, %mul3A_767 : vector<16xf32>
      %add3A_769 = arith.constant 192 : i32
      %add3A_770 = arith.addi %add3A_64, %add3A_769 : i32
      %add3A_771 = arith.constant 6 : i32
      %add3A_772 = arith.addi %add3A_770, %add3A_771 : i32
      %slice3A_773 = vector.extract_strided_slice %get3A_630 {offsets = [6], sizes = [1], strides = [1]} : vector<16xf32> to vector<1xf32>
      %squeeze3A_774 = vector.extract %slice3A_773[0] : f32 from vector<1xf32>
      %get3A_775 = arith.index_cast %add3A_772 : i32 to index
      %get3A_776 = arith.constant 0 : index
      %get3A_777 = tpu.vector_load %arg8[%get3A_775, %get3A_776] {strides = array<i32>} : memref<3072x16xf32, #tpu.memory_space<vmem>>, vector<1x16xf32>,
      %get3A_778 = vector.shape_cast %get3A_777 : vector<1x16xf32> to vector<16xf32>
      %bitcast_convert_type3A_779 = tpu.bitcast %get3A_778 : vector<16xf32> -> vector<16xi32>
      %shift_left3A_780 = arith.constant 16 : i32
      %shift_left3A_781 = vector.broadcast %shift_left3A_780 : i32 to vector<16xi32>
      %shift_left3A_782 = arith.shli %bitcast_convert_type3A_779, %shift_left3A_781 : vector<16xi32>
      %bitcast_convert_type3A_783 = tpu.bitcast %shift_left3A_782 : vector<16xi32> -> vector<16xf32>
      %and3A_784 = arith.andi %bitcast_convert_type3A_779, %broadcast_in_dim3A_3 : vector<16xi32>
      %bitcast_convert_type3A_785 = tpu.bitcast %and3A_784 : vector<16xi32> -> vector<16xf32>
      %mul3A_786 = vector.broadcast %squeeze3A_774 : f32 to vector<16xf32>
      %mul3A_787 = arith.mulf %mul3A_786, %bitcast_convert_type3A_783 : vector<16xf32>
      %add3A_788 = arith.addf %add3A_765, %mul3A_787 : vector<16xf32>
      %mul3A_789 = vector.broadcast %squeeze3A_774 : f32 to vector<16xf32>
      %mul3A_790 = arith.mulf %mul3A_789, %bitcast_convert_type3A_785 : vector<16xf32>
      %add3A_791 = arith.addf %add3A_768, %mul3A_790 : vector<16xf32>
      %add3A_792 = arith.constant 192 : i32
      %add3A_793 = arith.addi %add3A_64, %add3A_792 : i32
      %add3A_794 = arith.constant 7 : i32
      %add3A_795 = arith.addi %add3A_793, %add3A_794 : i32
      %slice3A_796 = vector.extract_strided_slice %get3A_630 {offsets = [7], sizes = [1], strides = [1]} : vector<16xf32> to vector<1xf32>
      %squeeze3A_797 = vector.extract %slice3A_796[0] : f32 from vector<1xf32>
      %get3A_798 = arith.index_cast %add3A_795 : i32 to index
      %get3A_799 = arith.constant 0 : index
      %get3A_800 = tpu.vector_load %arg8[%get3A_798, %get3A_799] {strides = array<i32>} : memref<3072x16xf32, #tpu.memory_space<vmem>>, vector<1x16xf32>,
      %get3A_801 = vector.shape_cast %get3A_800 : vector<1x16xf32> to vector<16xf32>
      %bitcast_convert_type3A_802 = tpu.bitcast %get3A_801 : vector<16xf32> -> vector<16xi32>
      %shift_left3A_803 = arith.constant 16 : i32
      %shift_left3A_804 = vector.broadcast %shift_left3A_803 : i32 to vector<16xi32>
      %shift_left3A_805 = arith.shli %bitcast_convert_type3A_802, %shift_left3A_804 : vector<16xi32>
      %bitcast_convert_type3A_806 = tpu.bitcast %shift_left3A_805 : vector<16xi32> -> vector<16xf32>
      %and3A_807 = arith.andi %bitcast_convert_type3A_802, %broadcast_in_dim3A_3 : vector<16xi32>
      %bitcast_convert_type3A_808 = tpu.bitcast %and3A_807 : vector<16xi32> -> vector<16xf32>
      %mul3A_809 = vector.broadcast %squeeze3A_797 : f32 to vector<16xf32>
      %mul3A_810 = arith.mulf %mul3A_809, %bitcast_convert_type3A_806 : vector<16xf32>
      %add3A_811 = arith.addf %add3A_788, %mul3A_810 : vector<16xf32>
      %mul3A_812 = vector.broadcast %squeeze3A_797 : f32 to vector<16xf32>
      %mul3A_813 = arith.mulf %mul3A_812, %bitcast_convert_type3A_808 : vector<16xf32>
      %add3A_814 = arith.addf %add3A_791, %mul3A_813 : vector<16xf32>
      %add3A_815 = arith.constant 192 : i32
      %add3A_816 = arith.addi %add3A_64, %add3A_815 : i32
      %add3A_817 = arith.constant 8 : i32
      %add3A_818 = arith.addi %add3A_816, %add3A_817 : i32
      %slice3A_819 = vector.extract_strided_slice %get3A_630 {offsets = [8], sizes = [1], strides = [1]} : vector<16xf32> to vector<1xf32>
      %squeeze3A_820 = vector.extract %slice3A_819[0] : f32 from vector<1xf32>
      %get3A_821 = arith.index_cast %add3A_818 : i32 to index
      %get3A_822 = arith.constant 0 : index
      %get3A_823 = tpu.vector_load %arg8[%get3A_821, %get3A_822] {strides = array<i32>} : memref<3072x16xf32, #tpu.memory_space<vmem>>, vector<1x16xf32>,
      %get3A_824 = vector.shape_cast %get3A_823 : vector<1x16xf32> to vector<16xf32>
      %bitcast_convert_type3A_825 = tpu.bitcast %get3A_824 : vector<16xf32> -> vector<16xi32>
      %shift_left3A_826 = arith.constant 16 : i32
      %shift_left3A_827 = vector.broadcast %shift_left3A_826 : i32 to vector<16xi32>
      %shift_left3A_828 = arith.shli %bitcast_convert_type3A_825, %shift_left3A_827 : vector<16xi32>
      %bitcast_convert_type3A_829 = tpu.bitcast %shift_left3A_828 : vector<16xi32> -> vector<16xf32>
      %and3A_830 = arith.andi %bitcast_convert_type3A_825, %broadcast_in_dim3A_3 : vector<16xi32>
      %bitcast_convert_type3A_831 = tpu.bitcast %and3A_830 : vector<16xi32> -> vector<16xf32>
      %mul3A_832 = vector.broadcast %squeeze3A_820 : f32 to vector<16xf32>
      %mul3A_833 = arith.mulf %mul3A_832, %bitcast_convert_type3A_829 : vector<16xf32>
      %add3A_834 = arith.addf %add3A_811, %mul3A_833 : vector<16xf32>
      %mul3A_835 = vector.broadcast %squeeze3A_820 : f32 to vector<16xf32>
      %mul3A_836 = arith.mulf %mul3A_835, %bitcast_convert_type3A_831 : vector<16xf32>
      %add3A_837 = arith.addf %add3A_814, %mul3A_836 : vector<16xf32>
      %add3A_838 = arith.constant 192 : i32
      %add3A_839 = arith.addi %add3A_64, %add3A_838 : i32
      %add3A_840 = arith.constant 9 : i32
      %add3A_841 = arith.addi %add3A_839, %add3A_840 : i32
      %slice3A_842 = vector.extract_strided_slice %get3A_630 {offsets = [9], sizes = [1], strides = [1]} : vector<16xf32> to vector<1xf32>
      %squeeze3A_843 = vector.extract %slice3A_842[0] : f32 from vector<1xf32>
      %get3A_844 = arith.index_cast %add3A_841 : i32 to index
      %get3A_845 = arith.constant 0 : index
      %get3A_846 = tpu.vector_load %arg8[%get3A_844, %get3A_845] {strides = array<i32>} : memref<3072x16xf32, #tpu.memory_space<vmem>>, vector<1x16xf32>,
      %get3A_847 = vector.shape_cast %get3A_846 : vector<1x16xf32> to vector<16xf32>
      %bitcast_convert_type3A_848 = tpu.bitcast %get3A_847 : vector<16xf32> -> vector<16xi32>
      %shift_left3A_849 = arith.constant 16 : i32
      %shift_left3A_850 = vector.broadcast %shift_left3A_849 : i32 to vector<16xi32>
      %shift_left3A_851 = arith.shli %bitcast_convert_type3A_848, %shift_left3A_850 : vector<16xi32>
      %bitcast_convert_type3A_852 = tpu.bitcast %shift_left3A_851 : vector<16xi32> -> vector<16xf32>
      %and3A_853 = arith.andi %bitcast_convert_type3A_848, %broadcast_in_dim3A_3 : vector<16xi32>
      %bitcast_convert_type3A_854 = tpu.bitcast %and3A_853 : vector<16xi32> -> vector<16xf32>
      %mul3A_855 = vector.broadcast %squeeze3A_843 : f32 to vector<16xf32>
      %mul3A_856 = arith.mulf %mul3A_855, %bitcast_convert_type3A_852 : vector<16xf32>
      %add3A_857 = arith.addf %add3A_834, %mul3A_856 : vector<16xf32>
      %mul3A_858 = vector.broadcast %squeeze3A_843 : f32 to vector<16xf32>
      %mul3A_859 = arith.mulf %mul3A_858, %bitcast_convert_type3A_854 : vector<16xf32>
      %add3A_860 = arith.addf %add3A_837, %mul3A_859 : vector<16xf32>
      %add3A_861 = arith.constant 192 : i32
      %add3A_862 = arith.addi %add3A_64, %add3A_861 : i32
      %add3A_863 = arith.constant 10 : i32
      %add3A_864 = arith.addi %add3A_862, %add3A_863 : i32
      %slice3A_865 = vector.extract_strided_slice %get3A_630 {offsets = [10], sizes = [1], strides = [1]} : vector<16xf32> to vector<1xf32>
      %squeeze3A_866 = vector.extract %slice3A_865[0] : f32 from vector<1xf32>
      %get3A_867 = arith.index_cast %add3A_864 : i32 to index
      %get3A_868 = arith.constant 0 : index
      %get3A_869 = tpu.vector_load %arg8[%get3A_867, %get3A_868] {strides = array<i32>} : memref<3072x16xf32, #tpu.memory_space<vmem>>, vector<1x16xf32>,
      %get3A_870 = vector.shape_cast %get3A_869 : vector<1x16xf32> to vector<16xf32>
      %bitcast_convert_type3A_871 = tpu.bitcast %get3A_870 : vector<16xf32> -> vector<16xi32>
      %shift_left3A_872 = arith.constant 16 : i32
      %shift_left3A_873 = vector.broadcast %shift_left3A_872 : i32 to vector<16xi32>
      %shift_left3A_874 = arith.shli %bitcast_convert_type3A_871, %shift_left3A_873 : vector<16xi32>
      %bitcast_convert_type3A_875 = tpu.bitcast %shift_left3A_874 : vector<16xi32> -> vector<16xf32>
      %and3A_876 = arith.andi %bitcast_convert_type3A_871, %broadcast_in_dim3A_3 : vector<16xi32>
      %bitcast_convert_type3A_877 = tpu.bitcast %and3A_876 : vector<16xi32> -> vector<16xf32>
      %mul3A_878 = vector.broadcast %squeeze3A_866 : f32 to vector<16xf32>
      %mul3A_879 = arith.mulf %mul3A_878, %bitcast_convert_type3A_875 : vector<16xf32>
      %add3A_880 = arith.addf %add3A_857, %mul3A_879 : vector<16xf32>
      %mul3A_881 = vector.broadcast %squeeze3A_866 : f32 to vector<16xf32>
      %mul3A_882 = arith.mulf %mul3A_881, %bitcast_convert_type3A_877 : vector<16xf32>
      %add3A_883 = arith.addf %add3A_860, %mul3A_882 : vector<16xf32>
      %add3A_884 = arith.constant 192 : i32
      %add3A_885 = arith.addi %add3A_64, %add3A_884 : i32
      %add3A_886 = arith.constant 11 : i32
      %add3A_887 = arith.addi %add3A_885, %add3A_886 : i32
      %slice3A_888 = vector.extract_strided_slice %get3A_630 {offsets = [11], sizes = [1], strides = [1]} : vector<16xf32> to vector<1xf32>
      %squeeze3A_889 = vector.extract %slice3A_888[0] : f32 from vector<1xf32>
      %get3A_890 = arith.index_cast %add3A_887 : i32 to index
      %get3A_891 = arith.constant 0 : index
      %get3A_892 = tpu.vector_load %arg8[%get3A_890, %get3A_891] {strides = array<i32>} : memref<3072x16xf32, #tpu.memory_space<vmem>>, vector<1x16xf32>,
      %get3A_893 = vector.shape_cast %get3A_892 : vector<1x16xf32> to vector<16xf32>
      %bitcast_convert_type3A_894 = tpu.bitcast %get3A_893 : vector<16xf32> -> vector<16xi32>
      %shift_left3A_895 = arith.constant 16 : i32
      %shift_left3A_896 = vector.broadcast %shift_left3A_895 : i32 to vector<16xi32>
      %shift_left3A_897 = arith.shli %bitcast_convert_type3A_894, %shift_left3A_896 : vector<16xi32>
      %bitcast_convert_type3A_898 = tpu.bitcast %shift_left3A_897 : vector<16xi32> -> vector<16xf32>
      %and3A_899 = arith.andi %bitcast_convert_type3A_894, %broadcast_in_dim3A_3 : vector<16xi32>
      %bitcast_convert_type3A_900 = tpu.bitcast %and3A_899 : vector<16xi32> -> vector<16xf32>
      %mul3A_901 = vector.broadcast %squeeze3A_889 : f32 to vector<16xf32>
      %mul3A_902 = arith.mulf %mul3A_901, %bitcast_convert_type3A_898 : vector<16xf32>
      %add3A_903 = arith.addf %add3A_880, %mul3A_902 : vector<16xf32>
      %mul3A_904 = vector.broadcast %squeeze3A_889 : f32 to vector<16xf32>
      %mul3A_905 = arith.mulf %mul3A_904, %bitcast_convert_type3A_900 : vector<16xf32>
      %add3A_906 = arith.addf %add3A_883, %mul3A_905 : vector<16xf32>
      %add3A_907 = arith.constant 288 : i32
      %add3A_908 = arith.addi %add3A_64, %add3A_907 : i32
      %get3A_909 = arith.index_cast %add3A_908 : i32 to index
      %get3A_910 = tpu.vector_load %arg7[%get3A_909] {strides = array<i32>} : memref<3088xf32, #tpu.memory_space<vmem>>, vector<16xf32>,
      %get3A_911 = vector.shape_cast %get3A_910 : vector<16xf32> to vector<16xf32>
      %add3A_912 = arith.constant 288 : i32
      %add3A_913 = arith.addi %add3A_64, %add3A_912 : i32
      %add3A_914 = arith.constant 0 : i32
      %add3A_915 = arith.addi %add3A_913, %add3A_914 : i32
      %slice3A_916 = vector.extract_strided_slice %get3A_911 {offsets = [0], sizes = [1], strides = [1]} : vector<16xf32> to vector<1xf32>
      %squeeze3A_917 = vector.extract %slice3A_916[0] : f32 from vector<1xf32>
      %get3A_918 = arith.index_cast %add3A_915 : i32 to index
      %get3A_919 = arith.constant 0 : index
      %get3A_920 = tpu.vector_load %arg8[%get3A_918, %get3A_919] {strides = array<i32>} : memref<3072x16xf32, #tpu.memory_space<vmem>>, vector<1x16xf32>,
      %get3A_921 = vector.shape_cast %get3A_920 : vector<1x16xf32> to vector<16xf32>
      %bitcast_convert_type3A_922 = tpu.bitcast %get3A_921 : vector<16xf32> -> vector<16xi32>
      %shift_left3A_923 = arith.constant 16 : i32
      %shift_left3A_924 = vector.broadcast %shift_left3A_923 : i32 to vector<16xi32>
      %shift_left3A_925 = arith.shli %bitcast_convert_type3A_922, %shift_left3A_924 : vector<16xi32>
      %bitcast_convert_type3A_926 = tpu.bitcast %shift_left3A_925 : vector<16xi32> -> vector<16xf32>
      %and3A_927 = arith.andi %bitcast_convert_type3A_922, %broadcast_in_dim3A_3 : vector<16xi32>
      %bitcast_convert_type3A_928 = tpu.bitcast %and3A_927 : vector<16xi32> -> vector<16xf32>
      %mul3A_929 = vector.broadcast %squeeze3A_917 : f32 to vector<16xf32>
      %mul3A_930 = arith.mulf %mul3A_929, %bitcast_convert_type3A_926 : vector<16xf32>
      %add3A_931 = arith.addf %add3A_903, %mul3A_930 : vector<16xf32>
      %mul3A_932 = vector.broadcast %squeeze3A_917 : f32 to vector<16xf32>
      %mul3A_933 = arith.mulf %mul3A_932, %bitcast_convert_type3A_928 : vector<16xf32>
      %add3A_934 = arith.addf %add3A_906, %mul3A_933 : vector<16xf32>
      %add3A_935 = arith.constant 288 : i32
      %add3A_936 = arith.addi %add3A_64, %add3A_935 : i32
      %add3A_937 = arith.constant 1 : i32
      %add3A_938 = arith.addi %add3A_936, %add3A_937 : i32
      %slice3A_939 = vector.extract_strided_slice %get3A_911 {offsets = [1], sizes = [1], strides = [1]} : vector<16xf32> to vector<1xf32>
      %squeeze3A_940 = vector.extract %slice3A_939[0] : f32 from vector<1xf32>
      %get3A_941 = arith.index_cast %add3A_938 : i32 to index
      %get3A_942 = arith.constant 0 : index
      %get3A_943 = tpu.vector_load %arg8[%get3A_941, %get3A_942] {strides = array<i32>} : memref<3072x16xf32, #tpu.memory_space<vmem>>, vector<1x16xf32>,
      %get3A_944 = vector.shape_cast %get3A_943 : vector<1x16xf32> to vector<16xf32>
      %bitcast_convert_type3A_945 = tpu.bitcast %get3A_944 : vector<16xf32> -> vector<16xi32>
      %shift_left3A_946 = arith.constant 16 : i32
      %shift_left3A_947 = vector.broadcast %shift_left3A_946 : i32 to vector<16xi32>
      %shift_left3A_948 = arith.shli %bitcast_convert_type3A_945, %shift_left3A_947 : vector<16xi32>
      %bitcast_convert_type3A_949 = tpu.bitcast %shift_left3A_948 : vector<16xi32> -> vector<16xf32>
      %and3A_950 = arith.andi %bitcast_convert_type3A_945, %broadcast_in_dim3A_3 : vector<16xi32>
      %bitcast_convert_type3A_951 = tpu.bitcast %and3A_950 : vector<16xi32> -> vector<16xf32>
      %mul3A_952 = vector.broadcast %squeeze3A_940 : f32 to vector<16xf32>
      %mul3A_953 = arith.mulf %mul3A_952, %bitcast_convert_type3A_949 : vector<16xf32>
      %add3A_954 = arith.addf %add3A_931, %mul3A_953 : vector<16xf32>
      %mul3A_955 = vector.broadcast %squeeze3A_940 : f32 to vector<16xf32>
      %mul3A_956 = arith.mulf %mul3A_955, %bitcast_convert_type3A_951 : vector<16xf32>
      %add3A_957 = arith.addf %add3A_934, %mul3A_956 : vector<16xf32>
      %add3A_958 = arith.constant 288 : i32
      %add3A_959 = arith.addi %add3A_64, %add3A_958 : i32
      %add3A_960 = arith.constant 2 : i32
      %add3A_961 = arith.addi %add3A_959, %add3A_960 : i32
      %slice3A_962 = vector.extract_strided_slice %get3A_911 {offsets = [2], sizes = [1], strides = [1]} : vector<16xf32> to vector<1xf32>
      %squeeze3A_963 = vector.extract %slice3A_962[0] : f32 from vector<1xf32>
      %get3A_964 = arith.index_cast %add3A_961 : i32 to index
      %get3A_965 = arith.constant 0 : index
      %get3A_966 = tpu.vector_load %arg8[%get3A_964, %get3A_965] {strides = array<i32>} : memref<3072x16xf32, #tpu.memory_space<vmem>>, vector<1x16xf32>,
      %get3A_967 = vector.shape_cast %get3A_966 : vector<1x16xf32> to vector<16xf32>
      %bitcast_convert_type3A_968 = tpu.bitcast %get3A_967 : vector<16xf32> -> vector<16xi32>
      %shift_left3A_969 = arith.constant 16 : i32
      %shift_left3A_970 = vector.broadcast %shift_left3A_969 : i32 to vector<16xi32>
      %shift_left3A_971 = arith.shli %bitcast_convert_type3A_968, %shift_left3A_970 : vector<16xi32>
      %bitcast_convert_type3A_972 = tpu.bitcast %shift_left3A_971 : vector<16xi32> -> vector<16xf32>
      %and3A_973 = arith.andi %bitcast_convert_type3A_968, %broadcast_in_dim3A_3 : vector<16xi32>
      %bitcast_convert_type3A_974 = tpu.bitcast %and3A_973 : vector<16xi32> -> vector<16xf32>
      %mul3A_975 = vector.broadcast %squeeze3A_963 : f32 to vector<16xf32>
      %mul3A_976 = arith.mulf %mul3A_975, %bitcast_convert_type3A_972 : vector<16xf32>
      %add3A_977 = arith.addf %add3A_954, %mul3A_976 : vector<16xf32>
      %mul3A_978 = vector.broadcast %squeeze3A_963 : f32 to vector<16xf32>
      %mul3A_979 = arith.mulf %mul3A_978, %bitcast_convert_type3A_974 : vector<16xf32>
      %add3A_980 = arith.addf %add3A_957, %mul3A_979 : vector<16xf32>
      %add3A_981 = arith.constant 288 : i32
      %add3A_982 = arith.addi %add3A_64, %add3A_981 : i32
      %add3A_983 = arith.constant 3 : i32
      %add3A_984 = arith.addi %add3A_982, %add3A_983 : i32
      %slice3A_985 = vector.extract_strided_slice %get3A_911 {offsets = [3], sizes = [1], strides = [1]} : vector<16xf32> to vector<1xf32>
      %squeeze3A_986 = vector.extract %slice3A_985[0] : f32 from vector<1xf32>
      %get3A_987 = arith.index_cast %add3A_984 : i32 to index
      %get3A_988 = arith.constant 0 : index
      %get3A_989 = tpu.vector_load %arg8[%get3A_987, %get3A_988] {strides = array<i32>} : memref<3072x16xf32, #tpu.memory_space<vmem>>, vector<1x16xf32>,
      %get3A_990 = vector.shape_cast %get3A_989 : vector<1x16xf32> to vector<16xf32>
      %bitcast_convert_type3A_991 = tpu.bitcast %get3A_990 : vector<16xf32> -> vector<16xi32>
      %shift_left3A_992 = arith.constant 16 : i32
      %shift_left3A_993 = vector.broadcast %shift_left3A_992 : i32 to vector<16xi32>
      %shift_left3A_994 = arith.shli %bitcast_convert_type3A_991, %shift_left3A_993 : vector<16xi32>
      %bitcast_convert_type3A_995 = tpu.bitcast %shift_left3A_994 : vector<16xi32> -> vector<16xf32>
      %and3A_996 = arith.andi %bitcast_convert_type3A_991, %broadcast_in_dim3A_3 : vector<16xi32>
      %bitcast_convert_type3A_997 = tpu.bitcast %and3A_996 : vector<16xi32> -> vector<16xf32>
      %mul3A_998 = vector.broadcast %squeeze3A_986 : f32 to vector<16xf32>
      %mul3A_999 = arith.mulf %mul3A_998, %bitcast_convert_type3A_995 : vector<16xf32>
      %add3A_1000 = arith.addf %add3A_977, %mul3A_999 : vector<16xf32>
      %mul3A_1001 = vector.broadcast %squeeze3A_986 : f32 to vector<16xf32>
      %mul3A_1002 = arith.mulf %mul3A_1001, %bitcast_convert_type3A_997 : vector<16xf32>
      %add3A_1003 = arith.addf %add3A_980, %mul3A_1002 : vector<16xf32>
      %add3A_1004 = arith.constant 288 : i32
      %add3A_1005 = arith.addi %add3A_64, %add3A_1004 : i32
      %add3A_1006 = arith.constant 4 : i32
      %add3A_1007 = arith.addi %add3A_1005, %add3A_1006 : i32
      %slice3A_1008 = vector.extract_strided_slice %get3A_911 {offsets = [4], sizes = [1], strides = [1]} : vector<16xf32> to vector<1xf32>
      %squeeze3A_1009 = vector.extract %slice3A_1008[0] : f32 from vector<1xf32>
      %get3A_1010 = arith.index_cast %add3A_1007 : i32 to index
      %get3A_1011 = arith.constant 0 : index
      %get3A_1012 = tpu.vector_load %arg8[%get3A_1010, %get3A_1011] {strides = array<i32>} : memref<3072x16xf32, #tpu.memory_space<vmem>>, vector<1x16xf32>,
      %get3A_1013 = vector.shape_cast %get3A_1012 : vector<1x16xf32> to vector<16xf32>
      %bitcast_convert_type3A_1014 = tpu.bitcast %get3A_1013 : vector<16xf32> -> vector<16xi32>
      %shift_left3A_1015 = arith.constant 16 : i32
      %shift_left3A_1016 = vector.broadcast %shift_left3A_1015 : i32 to vector<16xi32>
      %shift_left3A_1017 = arith.shli %bitcast_convert_type3A_1014, %shift_left3A_1016 : vector<16xi32>
      %bitcast_convert_type3A_1018 = tpu.bitcast %shift_left3A_1017 : vector<16xi32> -> vector<16xf32>
      %and3A_1019 = arith.andi %bitcast_convert_type3A_1014, %broadcast_in_dim3A_3 : vector<16xi32>
      %bitcast_convert_type3A_1020 = tpu.bitcast %and3A_1019 : vector<16xi32> -> vector<16xf32>
      %mul3A_1021 = vector.broadcast %squeeze3A_1009 : f32 to vector<16xf32>
      %mul3A_1022 = arith.mulf %mul3A_1021, %bitcast_convert_type3A_1018 : vector<16xf32>
      %add3A_1023 = arith.addf %add3A_1000, %mul3A_1022 : vector<16xf32>
      %mul3A_1024 = vector.broadcast %squeeze3A_1009 : f32 to vector<16xf32>
      %mul3A_1025 = arith.mulf %mul3A_1024, %bitcast_convert_type3A_1020 : vector<16xf32>
      %add3A_1026 = arith.addf %add3A_1003, %mul3A_1025 : vector<16xf32>
      %add3A_1027 = arith.constant 288 : i32
      %add3A_1028 = arith.addi %add3A_64, %add3A_1027 : i32
      %add3A_1029 = arith.constant 5 : i32
      %add3A_1030 = arith.addi %add3A_1028, %add3A_1029 : i32
      %slice3A_1031 = vector.extract_strided_slice %get3A_911 {offsets = [5], sizes = [1], strides = [1]} : vector<16xf32> to vector<1xf32>
      %squeeze3A_1032 = vector.extract %slice3A_1031[0] : f32 from vector<1xf32>
      %get3A_1033 = arith.index_cast %add3A_1030 : i32 to index
      %get3A_1034 = arith.constant 0 : index
      %get3A_1035 = tpu.vector_load %arg8[%get3A_1033, %get3A_1034] {strides = array<i32>} : memref<3072x16xf32, #tpu.memory_space<vmem>>, vector<1x16xf32>,
      %get3A_1036 = vector.shape_cast %get3A_1035 : vector<1x16xf32> to vector<16xf32>
      %bitcast_convert_type3A_1037 = tpu.bitcast %get3A_1036 : vector<16xf32> -> vector<16xi32>
      %shift_left3A_1038 = arith.constant 16 : i32
      %shift_left3A_1039 = vector.broadcast %shift_left3A_1038 : i32 to vector<16xi32>
      %shift_left3A_1040 = arith.shli %bitcast_convert_type3A_1037, %shift_left3A_1039 : vector<16xi32>
      %bitcast_convert_type3A_1041 = tpu.bitcast %shift_left3A_1040 : vector<16xi32> -> vector<16xf32>
      %and3A_1042 = arith.andi %bitcast_convert_type3A_1037, %broadcast_in_dim3A_3 : vector<16xi32>
      %bitcast_convert_type3A_1043 = tpu.bitcast %and3A_1042 : vector<16xi32> -> vector<16xf32>
      %mul3A_1044 = vector.broadcast %squeeze3A_1032 : f32 to vector<16xf32>
      %mul3A_1045 = arith.mulf %mul3A_1044, %bitcast_convert_type3A_1041 : vector<16xf32>
      %add3A_1046 = arith.addf %add3A_1023, %mul3A_1045 : vector<16xf32>
      %mul3A_1047 = vector.broadcast %squeeze3A_1032 : f32 to vector<16xf32>
      %mul3A_1048 = arith.mulf %mul3A_1047, %bitcast_convert_type3A_1043 : vector<16xf32>
      %add3A_1049 = arith.addf %add3A_1026, %mul3A_1048 : vector<16xf32>
      %add3A_1050 = arith.constant 288 : i32
      %add3A_1051 = arith.addi %add3A_64, %add3A_1050 : i32
      %add3A_1052 = arith.constant 6 : i32
      %add3A_1053 = arith.addi %add3A_1051, %add3A_1052 : i32
      %slice3A_1054 = vector.extract_strided_slice %get3A_911 {offsets = [6], sizes = [1], strides = [1]} : vector<16xf32> to vector<1xf32>
      %squeeze3A_1055 = vector.extract %slice3A_1054[0] : f32 from vector<1xf32>
      %get3A_1056 = arith.index_cast %add3A_1053 : i32 to index
      %get3A_1057 = arith.constant 0 : index
      %get3A_1058 = tpu.vector_load %arg8[%get3A_1056, %get3A_1057] {strides = array<i32>} : memref<3072x16xf32, #tpu.memory_space<vmem>>, vector<1x16xf32>,
      %get3A_1059 = vector.shape_cast %get3A_1058 : vector<1x16xf32> to vector<16xf32>
      %bitcast_convert_type3A_1060 = tpu.bitcast %get3A_1059 : vector<16xf32> -> vector<16xi32>
      %shift_left3A_1061 = arith.constant 16 : i32
      %shift_left3A_1062 = vector.broadcast %shift_left3A_1061 : i32 to vector<16xi32>
      %shift_left3A_1063 = arith.shli %bitcast_convert_type3A_1060, %shift_left3A_1062 : vector<16xi32>
      %bitcast_convert_type3A_1064 = tpu.bitcast %shift_left3A_1063 : vector<16xi32> -> vector<16xf32>
      %and3A_1065 = arith.andi %bitcast_convert_type3A_1060, %broadcast_in_dim3A_3 : vector<16xi32>
      %bitcast_convert_type3A_1066 = tpu.bitcast %and3A_1065 : vector<16xi32> -> vector<16xf32>
      %mul3A_1067 = vector.broadcast %squeeze3A_1055 : f32 to vector<16xf32>
      %mul3A_1068 = arith.mulf %mul3A_1067, %bitcast_convert_type3A_1064 : vector<16xf32>
      %add3A_1069 = arith.addf %add3A_1046, %mul3A_1068 : vector<16xf32>
      %mul3A_1070 = vector.broadcast %squeeze3A_1055 : f32 to vector<16xf32>
      %mul3A_1071 = arith.mulf %mul3A_1070, %bitcast_convert_type3A_1066 : vector<16xf32>
      %add3A_1072 = arith.addf %add3A_1049, %mul3A_1071 : vector<16xf32>
      %add3A_1073 = arith.constant 288 : i32
      %add3A_1074 = arith.addi %add3A_64, %add3A_1073 : i32
      %add3A_1075 = arith.constant 7 : i32
      %add3A_1076 = arith.addi %add3A_1074, %add3A_1075 : i32
      %slice3A_1077 = vector.extract_strided_slice %get3A_911 {offsets = [7], sizes = [1], strides = [1]} : vector<16xf32> to vector<1xf32>
      %squeeze3A_1078 = vector.extract %slice3A_1077[0] : f32 from vector<1xf32>
      %get3A_1079 = arith.index_cast %add3A_1076 : i32 to index
      %get3A_1080 = arith.constant 0 : index
      %get3A_1081 = tpu.vector_load %arg8[%get3A_1079, %get3A_1080] {strides = array<i32>} : memref<3072x16xf32, #tpu.memory_space<vmem>>, vector<1x16xf32>,
      %get3A_1082 = vector.shape_cast %get3A_1081 : vector<1x16xf32> to vector<16xf32>
      %bitcast_convert_type3A_1083 = tpu.bitcast %get3A_1082 : vector<16xf32> -> vector<16xi32>
      %shift_left3A_1084 = arith.constant 16 : i32
      %shift_left3A_1085 = vector.broadcast %shift_left3A_1084 : i32 to vector<16xi32>
      %shift_left3A_1086 = arith.shli %bitcast_convert_type3A_1083, %shift_left3A_1085 : vector<16xi32>
      %bitcast_convert_type3A_1087 = tpu.bitcast %shift_left3A_1086 : vector<16xi32> -> vector<16xf32>
      %and3A_1088 = arith.andi %bitcast_convert_type3A_1083, %broadcast_in_dim3A_3 : vector<16xi32>
      %bitcast_convert_type3A_1089 = tpu.bitcast %and3A_1088 : vector<16xi32> -> vector<16xf32>
      %mul3A_1090 = vector.broadcast %squeeze3A_1078 : f32 to vector<16xf32>
      %mul3A_1091 = arith.mulf %mul3A_1090, %bitcast_convert_type3A_1087 : vector<16xf32>
      %add3A_1092 = arith.addf %add3A_1069, %mul3A_1091 : vector<16xf32>
      %mul3A_1093 = vector.broadcast %squeeze3A_1078 : f32 to vector<16xf32>
      %mul3A_1094 = arith.mulf %mul3A_1093, %bitcast_convert_type3A_1089 : vector<16xf32>
      %add3A_1095 = arith.addf %add3A_1072, %mul3A_1094 : vector<16xf32>
      %add3A_1096 = arith.constant 288 : i32
      %add3A_1097 = arith.addi %add3A_64, %add3A_1096 : i32
      %add3A_1098 = arith.constant 8 : i32
      %add3A_1099 = arith.addi %add3A_1097, %add3A_1098 : i32
      %slice3A_1100 = vector.extract_strided_slice %get3A_911 {offsets = [8], sizes = [1], strides = [1]} : vector<16xf32> to vector<1xf32>
      %squeeze3A_1101 = vector.extract %slice3A_1100[0] : f32 from vector<1xf32>
      %get3A_1102 = arith.index_cast %add3A_1099 : i32 to index
      %get3A_1103 = arith.constant 0 : index
      %get3A_1104 = tpu.vector_load %arg8[%get3A_1102, %get3A_1103] {strides = array<i32>} : memref<3072x16xf32, #tpu.memory_space<vmem>>, vector<1x16xf32>,
      %get3A_1105 = vector.shape_cast %get3A_1104 : vector<1x16xf32> to vector<16xf32>
      %bitcast_convert_type3A_1106 = tpu.bitcast %get3A_1105 : vector<16xf32> -> vector<16xi32>
      %shift_left3A_1107 = arith.constant 16 : i32
      %shift_left3A_1108 = vector.broadcast %shift_left3A_1107 : i32 to vector<16xi32>
      %shift_left3A_1109 = arith.shli %bitcast_convert_type3A_1106, %shift_left3A_1108 : vector<16xi32>
      %bitcast_convert_type3A_1110 = tpu.bitcast %shift_left3A_1109 : vector<16xi32> -> vector<16xf32>
      %and3A_1111 = arith.andi %bitcast_convert_type3A_1106, %broadcast_in_dim3A_3 : vector<16xi32>
      %bitcast_convert_type3A_1112 = tpu.bitcast %and3A_1111 : vector<16xi32> -> vector<16xf32>
      %mul3A_1113 = vector.broadcast %squeeze3A_1101 : f32 to vector<16xf32>
      %mul3A_1114 = arith.mulf %mul3A_1113, %bitcast_convert_type3A_1110 : vector<16xf32>
      %add3A_1115 = arith.addf %add3A_1092, %mul3A_1114 : vector<16xf32>
      %mul3A_1116 = vector.broadcast %squeeze3A_1101 : f32 to vector<16xf32>
      %mul3A_1117 = arith.mulf %mul3A_1116, %bitcast_convert_type3A_1112 : vector<16xf32>
      %add3A_1118 = arith.addf %add3A_1095, %mul3A_1117 : vector<16xf32>
      %add3A_1119 = arith.constant 288 : i32
      %add3A_1120 = arith.addi %add3A_64, %add3A_1119 : i32
      %add3A_1121 = arith.constant 9 : i32
      %add3A_1122 = arith.addi %add3A_1120, %add3A_1121 : i32
      %slice3A_1123 = vector.extract_strided_slice %get3A_911 {offsets = [9], sizes = [1], strides = [1]} : vector<16xf32> to vector<1xf32>
      %squeeze3A_1124 = vector.extract %slice3A_1123[0] : f32 from vector<1xf32>
      %get3A_1125 = arith.index_cast %add3A_1122 : i32 to index
      %get3A_1126 = arith.constant 0 : index
      %get3A_1127 = tpu.vector_load %arg8[%get3A_1125, %get3A_1126] {strides = array<i32>} : memref<3072x16xf32, #tpu.memory_space<vmem>>, vector<1x16xf32>,
      %get3A_1128 = vector.shape_cast %get3A_1127 : vector<1x16xf32> to vector<16xf32>
      %bitcast_convert_type3A_1129 = tpu.bitcast %get3A_1128 : vector<16xf32> -> vector<16xi32>
      %shift_left3A_1130 = arith.constant 16 : i32
      %shift_left3A_1131 = vector.broadcast %shift_left3A_1130 : i32 to vector<16xi32>
      %shift_left3A_1132 = arith.shli %bitcast_convert_type3A_1129, %shift_left3A_1131 : vector<16xi32>
      %bitcast_convert_type3A_1133 = tpu.bitcast %shift_left3A_1132 : vector<16xi32> -> vector<16xf32>
      %and3A_1134 = arith.andi %bitcast_convert_type3A_1129, %broadcast_in_dim3A_3 : vector<16xi32>
      %bitcast_convert_type3A_1135 = tpu.bitcast %and3A_1134 : vector<16xi32> -> vector<16xf32>
      %mul3A_1136 = vector.broadcast %squeeze3A_1124 : f32 to vector<16xf32>
      %mul3A_1137 = arith.mulf %mul3A_1136, %bitcast_convert_type3A_1133 : vector<16xf32>
      %add3A_1138 = arith.addf %add3A_1115, %mul3A_1137 : vector<16xf32>
      %mul3A_1139 = vector.broadcast %squeeze3A_1124 : f32 to vector<16xf32>
      %mul3A_1140 = arith.mulf %mul3A_1139, %bitcast_convert_type3A_1135 : vector<16xf32>
      %add3A_1141 = arith.addf %add3A_1118, %mul3A_1140 : vector<16xf32>
      %add3A_1142 = arith.constant 288 : i32
      %add3A_1143 = arith.addi %add3A_64, %add3A_1142 : i32
      %add3A_1144 = arith.constant 10 : i32
      %add3A_1145 = arith.addi %add3A_1143, %add3A_1144 : i32
      %slice3A_1146 = vector.extract_strided_slice %get3A_911 {offsets = [10], sizes = [1], strides = [1]} : vector<16xf32> to vector<1xf32>
      %squeeze3A_1147 = vector.extract %slice3A_1146[0] : f32 from vector<1xf32>
      %get3A_1148 = arith.index_cast %add3A_1145 : i32 to index
      %get3A_1149 = arith.constant 0 : index
      %get3A_1150 = tpu.vector_load %arg8[%get3A_1148, %get3A_1149] {strides = array<i32>} : memref<3072x16xf32, #tpu.memory_space<vmem>>, vector<1x16xf32>,
      %get3A_1151 = vector.shape_cast %get3A_1150 : vector<1x16xf32> to vector<16xf32>
      %bitcast_convert_type3A_1152 = tpu.bitcast %get3A_1151 : vector<16xf32> -> vector<16xi32>
      %shift_left3A_1153 = arith.constant 16 : i32
      %shift_left3A_1154 = vector.broadcast %shift_left3A_1153 : i32 to vector<16xi32>
      %shift_left3A_1155 = arith.shli %bitcast_convert_type3A_1152, %shift_left3A_1154 : vector<16xi32>
      %bitcast_convert_type3A_1156 = tpu.bitcast %shift_left3A_1155 : vector<16xi32> -> vector<16xf32>
      %and3A_1157 = arith.andi %bitcast_convert_type3A_1152, %broadcast_in_dim3A_3 : vector<16xi32>
      %bitcast_convert_type3A_1158 = tpu.bitcast %and3A_1157 : vector<16xi32> -> vector<16xf32>
      %mul3A_1159 = vector.broadcast %squeeze3A_1147 : f32 to vector<16xf32>
      %mul3A_1160 = arith.mulf %mul3A_1159, %bitcast_convert_type3A_1156 : vector<16xf32>
      %add3A_1161 = arith.addf %add3A_1138, %mul3A_1160 : vector<16xf32>
      %mul3A_1162 = vector.broadcast %squeeze3A_1147 : f32 to vector<16xf32>
      %mul3A_1163 = arith.mulf %mul3A_1162, %bitcast_convert_type3A_1158 : vector<16xf32>
      %add3A_1164 = arith.addf %add3A_1141, %mul3A_1163 : vector<16xf32>
      %add3A_1165 = arith.constant 288 : i32
      %add3A_1166 = arith.addi %add3A_64, %add3A_1165 : i32
      %add3A_1167 = arith.constant 11 : i32
      %add3A_1168 = arith.addi %add3A_1166, %add3A_1167 : i32
      %slice3A_1169 = vector.extract_strided_slice %get3A_911 {offsets = [11], sizes = [1], strides = [1]} : vector<16xf32> to vector<1xf32>
      %squeeze3A_1170 = vector.extract %slice3A_1169[0] : f32 from vector<1xf32>
      %get3A_1171 = arith.index_cast %add3A_1168 : i32 to index
      %get3A_1172 = arith.constant 0 : index
      %get3A_1173 = tpu.vector_load %arg8[%get3A_1171, %get3A_1172] {strides = array<i32>} : memref<3072x16xf32, #tpu.memory_space<vmem>>, vector<1x16xf32>,
      %get3A_1174 = vector.shape_cast %get3A_1173 : vector<1x16xf32> to vector<16xf32>
      %bitcast_convert_type3A_1175 = tpu.bitcast %get3A_1174 : vector<16xf32> -> vector<16xi32>
      %shift_left3A_1176 = arith.constant 16 : i32
      %shift_left3A_1177 = vector.broadcast %shift_left3A_1176 : i32 to vector<16xi32>
      %shift_left3A_1178 = arith.shli %bitcast_convert_type3A_1175, %shift_left3A_1177 : vector<16xi32>
      %bitcast_convert_type3A_1179 = tpu.bitcast %shift_left3A_1178 : vector<16xi32> -> vector<16xf32>
      %and3A_1180 = arith.andi %bitcast_convert_type3A_1175, %broadcast_in_dim3A_3 : vector<16xi32>
      %bitcast_convert_type3A_1181 = tpu.bitcast %and3A_1180 : vector<16xi32> -> vector<16xf32>
      %mul3A_1182 = vector.broadcast %squeeze3A_1170 : f32 to vector<16xf32>
      %mul3A_1183 = arith.mulf %mul3A_1182, %bitcast_convert_type3A_1179 : vector<16xf32>
      %add3A_1184 = arith.addf %add3A_1161, %mul3A_1183 : vector<16xf32>
      %mul3A_1185 = vector.broadcast %squeeze3A_1170 : f32 to vector<16xf32>
      %mul3A_1186 = arith.mulf %mul3A_1185, %bitcast_convert_type3A_1181 : vector<16xf32>
      %add3A_1187 = arith.addf %add3A_1164, %mul3A_1186 : vector<16xf32>
      %mul3A_1188 = arith.constant 32 : i32
      %mul3A_1189 = arith.muli %select_n3A_59, %mul3A_1188 : i32
      %swap3A = arith.index_cast %select_n3A : i32 to index
      %swap3A_1190 = arith.index_cast %mul3A_1189 : i32 to index
      %swap3A_1191 = tpu.vector_load %arg12[%swap3A, %swap3A_1190] {strides = array<i32>} : memref<8x256xf32, #tpu.memory_space<vmem>>, vector<1x16xf32>,
      %swap3A_1192 = vector.shape_cast %swap3A_1191 : vector<1x16xf32> to vector<16xf32>
      %swap3A_1193 = vector.shape_cast %add3A_1184 : vector<16xf32> to vector<1x16xf32>
      tpu.vector_store %arg12[%swap3A, %swap3A_1190], %swap3A_1193 {strides = array<i32>} : memref<8x256xf32, #tpu.memory_space<vmem>>, vector<1x16xf32>,
      %mul3A_1194 = arith.constant 32 : i32
      %mul3A_1195 = arith.muli %select_n3A_59, %mul3A_1194 : i32
      %add3A_1196 = arith.constant 16 : i32
      %add3A_1197 = arith.addi %mul3A_1195, %add3A_1196 : i32
      %swap3A_1198 = arith.index_cast %select_n3A : i32 to index
      %swap3A_1199 = arith.index_cast %add3A_1197 : i32 to index
      %swap3A_1200 = tpu.vector_load %arg12[%swap3A_1198, %swap3A_1199] {strides = array<i32>} : memref<8x256xf32, #tpu.memory_space<vmem>>, vector<1x16xf32>,
      %swap3A_1201 = vector.shape_cast %swap3A_1200 : vector<1x16xf32> to vector<16xf32>
      %swap3A_1202 = vector.shape_cast %add3A_1187 : vector<16xf32> to vector<1x16xf32>
      tpu.vector_store %arg12[%swap3A_1198, %swap3A_1199], %swap3A_1202 {strides = array<i32>} : memref<8x256xf32, #tpu.memory_space<vmem>>, vector<1x16xf32>,
    }
    %scan3A_25 = arith.constant 64 : i32
    %add3A_26 = arith.constant 816 : i32
    %add3A_27 = arith.addi %mul3A_2, %add3A_26 : i32
    %multiple_of3A_28 = tpu.assume_multiple %add3A_27, 8 : i32
    "tpu.region"() ({
      %run_scoped3A = tpu.sem_alloc : memref<!tpu.dma_semaphore, #tpu.memory_space<semaphore_mem>>
      %dma_start3A_29 = arith.constant 0 : i32
      %dma_start3A_30 = tpu.memref_slice %arg5[%multiple_of3A_28, %dma_start3A_29] : memref<26368x256xf32, #tpu.memory_space<hbm>> -> memref<8x256xf32, #tpu.memory_space<hbm>>
      %dma_start3A_31 = arith.constant 0 : i32
      %dma_start3A_32 = tpu.memref_slice %arg5[%multiple_of3A_28, %dma_start3A_31] : memref<26368x256xf32, #tpu.memory_space<hbm>> -> memref<8x256xf32, #tpu.memory_space<hbm>>
      tpu.enqueue_dma source(%arg12 : memref<8x256xf32, #tpu.memory_space<vmem>>) target(%dma_start3A_32 : memref<8x256xf32, #tpu.memory_space<hbm>>) target_semaphore(%run_scoped3A : memref<!tpu.dma_semaphore, #tpu.memory_space<semaphore_mem>>)
      %dma_wait3A_33 = arith.constant 0 : i32
      %dma_wait3A_34 = tpu.memref_slice %arg5[%multiple_of3A_28, %dma_wait3A_33] : memref<26368x256xf32, #tpu.memory_space<hbm>> -> memref<8x256xf32, #tpu.memory_space<hbm>>
      %dma_wait3A_35 = arith.constant 0 : i32
      %dma_wait3A_36 = tpu.memref_slice %arg5[%multiple_of3A_28, %dma_wait3A_35] : memref<26368x256xf32, #tpu.memory_space<hbm>> -> memref<8x256xf32, #tpu.memory_space<hbm>>
      tpu.wait_dma2 semaphore(%run_scoped3A : memref<!tpu.dma_semaphore, #tpu.memory_space<semaphore_mem>>) src(%arg12 : memref<8x256xf32, #tpu.memory_space<vmem>>) dst(%dma_wait3A_36 : memref<8x256xf32, #tpu.memory_space<hbm>>)
      tpu.yield
    }) : () -> ()
    return
  }
}

module attributes {stable_mosaic.version = 14 : i64} {
  func.func @_prep_body(%arg0: i32, %arg1: memref<824x256xf32, #tpu.memory_space<vmem>>, %arg2: memref<824x256xf32, #tpu.memory_space<vmem>>, %arg3: memref<824x6xf32, #tpu.memory_space<vmem>>, %arg4: memref<256x256xf32, #tpu.memory_space<vmem>>, %arg5: memref<1x256xf32, #tpu.memory_space<vmem>>, %arg6: memref<256x96xf32, #tpu.memory_space<vmem>>, %arg7: memref<256x96xf32, #tpu.memory_space<vmem>>, %arg8: memref<1x96xf32, #tpu.memory_space<vmem>>, %arg9: memref<1x96xf32, #tpu.memory_space<vmem>>, %arg10: memref<256x96xf32, #tpu.memory_space<vmem>>, %arg11: memref<1x96xf32, #tpu.memory_space<vmem>>, %arg12: memref<824x128xf32, #tpu.memory_space<vmem>>, %arg13: memref<824x4x96xi32, #tpu.memory_space<vmem>>, %arg14: memref<824x4x96xf32, #tpu.memory_space<vmem>>) attributes {dimension_semantics = [#tpu.dimension_semantics<arbitrary>], iteration_bounds = array<i64: 32>, scalar_prefetch = 0 : i64, scratch_operands = 0 : i64, tpu.core_type = #tpu.core_type<tc>, window_params = [{transform_indices = @transform_0, window_bounds = array<i64: 824, 256>}, {transform_indices = @transform_1, window_bounds = array<i64: 824, 256>}, {transform_indices = @transform_2, window_bounds = array<i64: 824, 6>}, {pipeline_mode = #tpu.pipeline_mode<synchronous>, transform_indices = @transform_3, window_bounds = array<i64: 256, 256>}, {pipeline_mode = #tpu.pipeline_mode<synchronous>, transform_indices = @transform_4, window_bounds = array<i64: 1, 256>}, {pipeline_mode = #tpu.pipeline_mode<synchronous>, transform_indices = @transform_5, window_bounds = array<i64: 256, 96>}, {pipeline_mode = #tpu.pipeline_mode<synchronous>, transform_indices = @transform_6, window_bounds = array<i64: 256, 96>}, {pipeline_mode = #tpu.pipeline_mode<synchronous>, transform_indices = @transform_7, window_bounds = array<i64: 1, 96>}, {pipeline_mode = #tpu.pipeline_mode<synchronous>, transform_indices = @transform_8, window_bounds = array<i64: 1, 96>}, {pipeline_mode = #tpu.pipeline_mode<synchronous>, transform_indices = @transform_9, window_bounds = array<i64: 256, 96>}, {pipeline_mode = #tpu.pipeline_mode<synchronous>, transform_indices = @transform_10, window_bounds = array<i64: 1, 96>}, {transform_indices = @transform_11, window_bounds = array<i64: 824, 128>}, {transform_indices = @transform_12, window_bounds = array<i64: 824, 4, 96>}, {transform_indices = @transform_13, window_bounds = array<i64: 824, 4, 96>}]} {
    %mul3A = arith.constant 824 : i32
    %mul3A_0 = arith.muli %arg0, %mul3A : i32
    %iota3A = tpu.iota {dimensions = array<i32: 0>} : vector<824x1xi32>
    %add3A = vector.broadcast %mul3A_0 : i32 to vector<824x1xi32>
    %add3A_1 = arith.addi %add3A, %iota3A : vector<824x1xi32>
    %lt3A = arith.constant 26250 : i32
    %lt3A_2 = vector.broadcast %lt3A : i32 to vector<824x1xi32>
    %lt3A_3 = arith.cmpi slt, %add3A_1, %lt3A_2 : vector<824x1xi32>
    %jit3A = arith.constant 13125 : i32
    %div3A = vector.broadcast %jit3A : i32 to vector<824x1xi32>
    %div3A_4 = arith.divsi %add3A_1, %div3A : vector<824x1xi32>
    %sign3A = arith.constant 0 : i32
    %sign3A_5 = vector.broadcast %sign3A : i32 to vector<824x1xi32>
    %sign3A_6 = arith.cmpi sgt, %add3A_1, %sign3A_5 : vector<824x1xi32>
    %sign3A_7 = arith.extui %sign3A_6 : vector<824x1xi1> to vector<824x1xi32>
    %sign3A_8 = arith.constant 0 : i32
    %sign3A_9 = vector.broadcast %sign3A_8 : i32 to vector<824x1xi32>
    %sign3A_10 = arith.cmpi slt, %add3A_1, %sign3A_9 : vector<824x1xi32>
    %sign3A_11 = arith.extui %sign3A_10 : vector<824x1xi1> to vector<824x1xi32>
    %sign3A_12 = arith.subi %sign3A_7, %sign3A_11 : vector<824x1xi32>
    %sign3A_13 = arith.constant 0 : i32
    %sign3A_14 = arith.cmpi sgt, %jit3A, %sign3A_13 : i32
    %sign3A_15 = arith.extui %sign3A_14 : i1 to i32
    %sign3A_16 = arith.constant 0 : i32
    %sign3A_17 = arith.cmpi slt, %jit3A, %sign3A_16 : i32
    %sign3A_18 = arith.extui %sign3A_17 : i1 to i32
    %sign3A_19 = arith.subi %sign3A_15, %sign3A_18 : i32
    %ne3A = vector.broadcast %sign3A_19 : i32 to vector<824x1xi32>
    %ne3A_20 = arith.cmpi ne, %sign3A_12, %ne3A : vector<824x1xi32>
    %rem3A = vector.broadcast %jit3A : i32 to vector<824x1xi32>
    %rem3A_21 = arith.remsi %add3A_1, %rem3A : vector<824x1xi32>
    %ne3A_22 = arith.constant 0 : i32
    %ne3A_23 = vector.broadcast %ne3A_22 : i32 to vector<824x1xi32>
    %ne3A_24 = arith.cmpi ne, %rem3A_21, %ne3A_23 : vector<824x1xi32>
    %and3A = arith.andi %ne3A_20, %ne3A_24 : vector<824x1xi1>
    %sub3A = arith.constant 1 : i32
    %sub3A_25 = vector.broadcast %sub3A : i32 to vector<824x1xi32>
    %sub3A_26 = arith.subi %div3A_4, %sub3A_25 : vector<824x1xi32>
    %select_n3A = arith.select %and3A, %sub3A_26, %div3A_4 : vector<824x1xi1>, vector<824x1xi32>
    %min3A = arith.constant 1 : i32
    %min3A_27 = vector.broadcast %min3A : i32 to vector<824x1xi32>
    %min3A_28 = arith.minsi %select_n3A, %min3A_27 : vector<824x1xi32>
    %convert_element_type3A = arith.sitofp %min3A_28 : vector<824x1xi32> to vector<824x1xf32>
    %get3A = arith.constant 0 : index
    %get3A_29 = arith.constant 0 : index
    %get3A_30 = vector.load %arg2[%get3A, %get3A_29] : memref<824x256xf32, #tpu.memory_space<vmem>>, vector<824x256xf32>
    %jit3A_31 = arith.constant 0.000000e+00 : f32
    %broadcast_in_dim3A = vector.shape_cast %lt3A_3 : vector<824x1xi1> to vector<824x1xi1>
    %broadcast_in_dim3A_32 = vector.broadcast %broadcast_in_dim3A : vector<824x1xi1> to vector<824x256xi1>
    %broadcast_in_dim3A_33 = vector.broadcast %jit3A_31 : f32 to vector<824x256xf32>
    %select_n3A_34 = arith.select %broadcast_in_dim3A_32, %get3A_30, %broadcast_in_dim3A_33 : vector<824x256xi1>, vector<824x256xf32>
    %get3A_35 = arith.constant 0 : index
    %get3A_36 = arith.constant 0 : index
    %get3A_37 = vector.load %arg4[%get3A_35, %get3A_36] : memref<256x256xf32, #tpu.memory_space<vmem>>, vector<256x256xf32>
    %dot_general3A = arith.constant dense<0.000000e+00> : vector<824x256xf32>
    %dot_general3A_38 = tpu.matmul %select_n3A_34, %get3A_37, %dot_general3A {dimension_numbers = #tpu.dot_dimension_numbers<[1], [0], [0], [1], [0, 0, 1, 1], [], []>, precision = #tpu.contract_precision<fp32>, transpose_lhs_hint = false} : vector<824x256xf32>, vector<256x256xf32>, vector<824x256xf32> -> vector<824x256xf32>
    %get3A_39 = arith.constant 0 : index
    %get3A_40 = arith.constant 0 : index
    %get3A_41 = vector.load %arg5[%get3A_39, %get3A_40] : memref<1x256xf32, #tpu.memory_space<vmem>>, vector<1x256xf32>
    %add3A_42 = vector.broadcast %get3A_41 : vector<1x256xf32> to vector<824x256xf32>
    %add3A_43 = arith.addf %dot_general3A_38, %add3A_42 : vector<824x256xf32>
    %slice3A = vector.extract_strided_slice %add3A_43 {offsets = [0, 0], sizes = [824, 128], strides = [1, 1]} : vector<824x256xf32> to vector<824x128xf32>
    %convert_element_type3A_44 = arith.truncf %slice3A : vector<824x128xf32> to vector<824x128xbf16>
    %bitcast_convert_type3A = tpu.bitcast %convert_element_type3A_44 : vector<824x128xbf16> -> vector<824x128xi16>
    %convert_element_type3A_45 = arith.extui %bitcast_convert_type3A : vector<824x128xi16> to vector<824x128xi32>
    %slice3A_46 = vector.extract_strided_slice %add3A_43 {offsets = [0, 128], sizes = [824, 128], strides = [1, 1]} : vector<824x256xf32> to vector<824x128xf32>
    %convert_element_type3A_47 = arith.truncf %slice3A_46 : vector<824x128xf32> to vector<824x128xbf16>
    %bitcast_convert_type3A_48 = tpu.bitcast %convert_element_type3A_47 : vector<824x128xbf16> -> vector<824x128xi16>
    %convert_element_type3A_49 = arith.extui %bitcast_convert_type3A_48 : vector<824x128xi16> to vector<824x128xi32>
    %shift_left3A = arith.constant 16 : i32
    %shift_left3A_50 = vector.broadcast %shift_left3A : i32 to vector<824x128xi32>
    %shift_left3A_51 = arith.shli %convert_element_type3A_49, %shift_left3A_50 : vector<824x128xi32>
    %or3A = arith.ori %shift_left3A_51, %convert_element_type3A_45 : vector<824x128xi32>
    %bitcast_convert_type3A_52 = tpu.bitcast %or3A : vector<824x128xi32> -> vector<824x128xf32>
    %swap3A = arith.constant 0 : index
    %swap3A_53 = arith.constant 0 : index
    %swap3A_54 = vector.load %arg12[%swap3A, %swap3A_53] : memref<824x128xf32, #tpu.memory_space<vmem>>, vector<824x128xf32>
    tpu.vector_store %arg12[%swap3A, %swap3A_53], %bitcast_convert_type3A_52 {strides = array<i32>} : memref<824x128xf32, #tpu.memory_space<vmem>>, vector<824x128xf32>,
    %get3A_55 = arith.constant 0 : index
    %get3A_56 = arith.constant 0 : index
    %get3A_57 = vector.load %arg1[%get3A_55, %get3A_56] : memref<824x256xf32, #tpu.memory_space<vmem>>, vector<824x256xf32>
    %jit3A_58 = arith.constant 0.000000e+00 : f32
    %broadcast_in_dim3A_59 = vector.shape_cast %lt3A_3 : vector<824x1xi1> to vector<824x1xi1>
    %broadcast_in_dim3A_60 = vector.broadcast %broadcast_in_dim3A_59 : vector<824x1xi1> to vector<824x256xi1>
    %broadcast_in_dim3A_61 = vector.broadcast %jit3A_58 : f32 to vector<824x256xf32>
    %select_n3A_62 = arith.select %broadcast_in_dim3A_60, %get3A_57, %broadcast_in_dim3A_61 : vector<824x256xi1>, vector<824x256xf32>
    %get3A_63 = arith.constant 0 : index
    %get3A_64 = arith.constant 0 : index
    %get3A_65 = vector.load %arg6[%get3A_63, %get3A_64] : memref<256x96xf32, #tpu.memory_space<vmem>>, vector<256x96xf32>
    %dot_general3A_66 = arith.constant dense<0.000000e+00> : vector<824x96xf32>
    %dot_general3A_67 = tpu.matmul %select_n3A_62, %get3A_65, %dot_general3A_66 {dimension_numbers = #tpu.dot_dimension_numbers<[1], [0], [0], [1], [0, 0, 1, 1], [], []>, precision = #tpu.contract_precision<fp32>, transpose_lhs_hint = false} : vector<824x256xf32>, vector<256x96xf32>, vector<824x96xf32> -> vector<824x96xf32>
    %get3A_68 = arith.constant 0 : index
    %get3A_69 = arith.constant 0 : index
    %get3A_70 = vector.load %arg8[%get3A_68, %get3A_69] : memref<1x96xf32, #tpu.memory_space<vmem>>, vector<1x96xf32>
    %add3A_71 = vector.broadcast %get3A_70 : vector<1x96xf32> to vector<824x96xf32>
    %add3A_72 = arith.addf %dot_general3A_67, %add3A_71 : vector<824x96xf32>
    %get3A_73 = arith.constant 0 : index
    %get3A_74 = arith.constant 0 : index
    %get3A_75 = vector.load %arg7[%get3A_73, %get3A_74] : memref<256x96xf32, #tpu.memory_space<vmem>>, vector<256x96xf32>
    %dot_general3A_76 = arith.constant dense<0.000000e+00> : vector<824x96xf32>
    %dot_general3A_77 = tpu.matmul %select_n3A_62, %get3A_75, %dot_general3A_76 {dimension_numbers = #tpu.dot_dimension_numbers<[1], [0], [0], [1], [0, 0, 1, 1], [], []>, precision = #tpu.contract_precision<fp32>, transpose_lhs_hint = false} : vector<824x256xf32>, vector<256x96xf32>, vector<824x96xf32> -> vector<824x96xf32>
    %get3A_78 = arith.constant 0 : index
    %get3A_79 = arith.constant 0 : index
    %get3A_80 = vector.load %arg9[%get3A_78, %get3A_79] : memref<1x96xf32, #tpu.memory_space<vmem>>, vector<1x96xf32>
    %add3A_81 = vector.broadcast %get3A_80 : vector<1x96xf32> to vector<824x96xf32>
    %add3A_82 = arith.addf %dot_general3A_77, %add3A_81 : vector<824x96xf32>
    %get3A_83 = arith.constant 0 : index
    %get3A_84 = arith.constant 0 : index
    %get3A_85 = vector.load %arg10[%get3A_83, %get3A_84] : memref<256x96xf32, #tpu.memory_space<vmem>>, vector<256x96xf32>
    %dot_general3A_86 = arith.constant dense<0.000000e+00> : vector<824x96xf32>
    %dot_general3A_87 = tpu.matmul %select_n3A_62, %get3A_85, %dot_general3A_86 {dimension_numbers = #tpu.dot_dimension_numbers<[1], [0], [0], [1], [0, 0, 1, 1], [], []>, precision = #tpu.contract_precision<fp32>, transpose_lhs_hint = false} : vector<824x256xf32>, vector<256x96xf32>, vector<824x96xf32> -> vector<824x96xf32>
    %get3A_88 = arith.constant 0 : index
    %get3A_89 = arith.constant 0 : index
    %get3A_90 = vector.load %arg11[%get3A_88, %get3A_89] : memref<1x96xf32, #tpu.memory_space<vmem>>, vector<1x96xf32>
    %add3A_91 = vector.broadcast %get3A_90 : vector<1x96xf32> to vector<824x96xf32>
    %add3A_92 = arith.addf %dot_general3A_87, %add3A_91 : vector<824x96xf32>
    %iota3A_93 = tpu.iota {dimensions = array<i32: 0>} : vector<96x96xi32>
    %jit3A_94 = arith.constant 12 : i32
    %div3A_95 = vector.broadcast %jit3A_94 : i32 to vector<96x96xi32>
    %div3A_96 = arith.divsi %iota3A_93, %div3A_95 : vector<96x96xi32>
    %sign3A_97 = arith.constant 0 : i32
    %sign3A_98 = vector.broadcast %sign3A_97 : i32 to vector<96x96xi32>
    %sign3A_99 = arith.cmpi sgt, %iota3A_93, %sign3A_98 : vector<96x96xi32>
    %sign3A_100 = arith.extui %sign3A_99 : vector<96x96xi1> to vector<96x96xi32>
    %sign3A_101 = arith.constant 0 : i32
    %sign3A_102 = vector.broadcast %sign3A_101 : i32 to vector<96x96xi32>
    %sign3A_103 = arith.cmpi slt, %iota3A_93, %sign3A_102 : vector<96x96xi32>
    %sign3A_104 = arith.extui %sign3A_103 : vector<96x96xi1> to vector<96x96xi32>
    %sign3A_105 = arith.subi %sign3A_100, %sign3A_104 : vector<96x96xi32>
    %sign3A_106 = arith.constant 0 : i32
    %sign3A_107 = arith.cmpi sgt, %jit3A_94, %sign3A_106 : i32
    %sign3A_108 = arith.extui %sign3A_107 : i1 to i32
    %sign3A_109 = arith.constant 0 : i32
    %sign3A_110 = arith.cmpi slt, %jit3A_94, %sign3A_109 : i32
    %sign3A_111 = arith.extui %sign3A_110 : i1 to i32
    %sign3A_112 = arith.subi %sign3A_108, %sign3A_111 : i32
    %ne3A_113 = vector.broadcast %sign3A_112 : i32 to vector<96x96xi32>
    %ne3A_114 = arith.cmpi ne, %sign3A_105, %ne3A_113 : vector<96x96xi32>
    %rem3A_115 = vector.broadcast %jit3A_94 : i32 to vector<96x96xi32>
    %rem3A_116 = arith.remsi %iota3A_93, %rem3A_115 : vector<96x96xi32>
    %ne3A_117 = arith.constant 0 : i32
    %ne3A_118 = vector.broadcast %ne3A_117 : i32 to vector<96x96xi32>
    %ne3A_119 = arith.cmpi ne, %rem3A_116, %ne3A_118 : vector<96x96xi32>
    %and3A_120 = arith.andi %ne3A_114, %ne3A_119 : vector<96x96xi1>
    %sub3A_121 = arith.constant 1 : i32
    %sub3A_122 = vector.broadcast %sub3A_121 : i32 to vector<96x96xi32>
    %sub3A_123 = arith.subi %div3A_96, %sub3A_122 : vector<96x96xi32>
    %select_n3A_124 = arith.select %and3A_120, %sub3A_123, %div3A_96 : vector<96x96xi1>, vector<96x96xi32>
    %iota3A_125 = tpu.iota {dimensions = array<i32: 1>} : vector<96x96xi32>
    %jit3A_126 = arith.constant 12 : i32
    %div3A_127 = vector.broadcast %jit3A_126 : i32 to vector<96x96xi32>
    %div3A_128 = arith.divsi %iota3A_125, %div3A_127 : vector<96x96xi32>
    %sign3A_129 = arith.constant 0 : i32
    %sign3A_130 = vector.broadcast %sign3A_129 : i32 to vector<96x96xi32>
    %sign3A_131 = arith.cmpi sgt, %iota3A_125, %sign3A_130 : vector<96x96xi32>
    %sign3A_132 = arith.extui %sign3A_131 : vector<96x96xi1> to vector<96x96xi32>
    %sign3A_133 = arith.constant 0 : i32
    %sign3A_134 = vector.broadcast %sign3A_133 : i32 to vector<96x96xi32>
    %sign3A_135 = arith.cmpi slt, %iota3A_125, %sign3A_134 : vector<96x96xi32>
    %sign3A_136 = arith.extui %sign3A_135 : vector<96x96xi1> to vector<96x96xi32>
    %sign3A_137 = arith.subi %sign3A_132, %sign3A_136 : vector<96x96xi32>
    %sign3A_138 = arith.constant 0 : i32
    %sign3A_139 = arith.cmpi sgt, %jit3A_126, %sign3A_138 : i32
    %sign3A_140 = arith.extui %sign3A_139 : i1 to i32
    %sign3A_141 = arith.constant 0 : i32
    %sign3A_142 = arith.cmpi slt, %jit3A_126, %sign3A_141 : i32
    %sign3A_143 = arith.extui %sign3A_142 : i1 to i32
    %sign3A_144 = arith.subi %sign3A_140, %sign3A_143 : i32
    %ne3A_145 = vector.broadcast %sign3A_144 : i32 to vector<96x96xi32>
    %ne3A_146 = arith.cmpi ne, %sign3A_137, %ne3A_145 : vector<96x96xi32>
    %rem3A_147 = vector.broadcast %jit3A_126 : i32 to vector<96x96xi32>
    %rem3A_148 = arith.remsi %iota3A_125, %rem3A_147 : vector<96x96xi32>
    %ne3A_149 = arith.constant 0 : i32
    %ne3A_150 = vector.broadcast %ne3A_149 : i32 to vector<96x96xi32>
    %ne3A_151 = arith.cmpi ne, %rem3A_148, %ne3A_150 : vector<96x96xi32>
    %and3A_152 = arith.andi %ne3A_146, %ne3A_151 : vector<96x96xi1>
    %sub3A_153 = arith.constant 1 : i32
    %sub3A_154 = vector.broadcast %sub3A_153 : i32 to vector<96x96xi32>
    %sub3A_155 = arith.subi %div3A_128, %sub3A_154 : vector<96x96xi32>
    %select_n3A_156 = arith.select %and3A_152, %sub3A_155, %div3A_128 : vector<96x96xi1>, vector<96x96xi32>
    %eq3A = arith.cmpi eq, %select_n3A_124, %select_n3A_156 : vector<96x96xi32>
    %convert_element_type3A_157 = arith.extui %eq3A : vector<96x96xi1> to vector<96x96xi32>
    %convert_element_type3A_158 = arith.sitofp %convert_element_type3A_157 : vector<96x96xi32> to vector<96x96xf32>
    %exp3A = math.exp %add3A_92 : vector<824x96xf32>
    %dot_general3A_159 = arith.constant dense<0.000000e+00> : vector<824x96xf32>
    %dot_general3A_160 = tpu.matmul %exp3A, %convert_element_type3A_158, %dot_general3A_159 {dimension_numbers = #tpu.dot_dimension_numbers<[1], [0], [0], [1], [0, 0, 1, 1], [], []>, precision = #tpu.contract_precision<fp32>, transpose_lhs_hint = false} : vector<824x96xf32>, vector<96x96xf32>, vector<824x96xf32> -> vector<824x96xf32>
    %div3A_161 = arith.divf %exp3A, %dot_general3A_160 : vector<824x96xf32>
    %get3A_162 = arith.constant 0 : index
    %get3A_163 = arith.constant 0 : index
    %get3A_164 = vector.load %arg3[%get3A_162, %get3A_163] : memref<824x6xf32, #tpu.memory_space<vmem>>, vector<824x6xf32>
    %jit3A_165 = arith.constant 0.000000e+00 : f32
    %broadcast_in_dim3A_166 = vector.shape_cast %lt3A_3 : vector<824x1xi1> to vector<824x1xi1>
    %broadcast_in_dim3A_167 = vector.broadcast %broadcast_in_dim3A_166 : vector<824x1xi1> to vector<824x6xi1>
    %broadcast_in_dim3A_168 = vector.broadcast %jit3A_165 : f32 to vector<824x6xf32>
    %select_n3A_169 = arith.select %broadcast_in_dim3A_167, %get3A_164, %broadcast_in_dim3A_168 : vector<824x6xi1>, vector<824x6xf32>
    %iota3A_170 = tpu.iota {dimensions = array<i32: 1>} : vector<1x96xi32>
    %jit3A_171 = arith.constant 12 : i32
    %eq3A_172 = arith.constant 0 : i32
    %eq3A_173 = arith.cmpi eq, %jit3A_171, %eq3A_172 : i32
    %jit3A_174 = arith.constant 1 : i32
    %select_n3A_175 = arith.select %eq3A_173, %jit3A_174, %jit3A_171 : i32
    %rem3A_176 = vector.broadcast %select_n3A_175 : i32 to vector<1x96xi32>
    %rem3A_177 = arith.remsi %iota3A_170, %rem3A_176 : vector<1x96xi32>
    %ne3A_178 = arith.constant 0 : i32
    %ne3A_179 = vector.broadcast %ne3A_178 : i32 to vector<1x96xi32>
    %ne3A_180 = arith.cmpi ne, %rem3A_177, %ne3A_179 : vector<1x96xi32>
    %lt3A_181 = arith.constant 0 : i32
    %lt3A_182 = vector.broadcast %lt3A_181 : i32 to vector<1x96xi32>
    %lt3A_183 = arith.cmpi slt, %rem3A_177, %lt3A_182 : vector<1x96xi32>
    %lt3A_184 = arith.constant 0 : i32
    %lt3A_185 = arith.cmpi slt, %select_n3A_175, %lt3A_184 : i32
    %ne3A_186 = vector.broadcast %lt3A_185 : i1 to vector<1x96xi1>
    %ne3A_187 = vector.broadcast %ne3A_186 : vector<1x96xi1> to vector<1x96xi1>
    %ne3A_188 = arith.xori %lt3A_183, %ne3A_187 : vector<1x96xi1>
    %and3A_189 = arith.andi %ne3A_188, %ne3A_180 : vector<1x96xi1>
    %add3A_190 = vector.broadcast %select_n3A_175 : i32 to vector<1x96xi32>
    %add3A_191 = arith.addi %rem3A_177, %add3A_190 : vector<1x96xi32>
    %select_n3A_192 = arith.select %and3A_189, %add3A_191, %rem3A_177 : vector<1x96xi1>, vector<1x96xi32>
    %jit3A_193 = arith.constant 4 : i32
    %div3A_194 = vector.broadcast %jit3A_193 : i32 to vector<1x96xi32>
    %div3A_195 = arith.divsi %select_n3A_192, %div3A_194 : vector<1x96xi32>
    %sign3A_196 = arith.constant 0 : i32
    %sign3A_197 = vector.broadcast %sign3A_196 : i32 to vector<1x96xi32>
    %sign3A_198 = arith.cmpi sgt, %select_n3A_192, %sign3A_197 : vector<1x96xi32>
    %sign3A_199 = arith.extui %sign3A_198 : vector<1x96xi1> to vector<1x96xi32>
    %sign3A_200 = arith.constant 0 : i32
    %sign3A_201 = vector.broadcast %sign3A_200 : i32 to vector<1x96xi32>
    %sign3A_202 = arith.cmpi slt, %select_n3A_192, %sign3A_201 : vector<1x96xi32>
    %sign3A_203 = arith.extui %sign3A_202 : vector<1x96xi1> to vector<1x96xi32>
    %sign3A_204 = arith.subi %sign3A_199, %sign3A_203 : vector<1x96xi32>
    %sign3A_205 = arith.constant 0 : i32
    %sign3A_206 = arith.cmpi sgt, %jit3A_193, %sign3A_205 : i32
    %sign3A_207 = arith.extui %sign3A_206 : i1 to i32
    %sign3A_208 = arith.constant 0 : i32
    %sign3A_209 = arith.cmpi slt, %jit3A_193, %sign3A_208 : i32
    %sign3A_210 = arith.extui %sign3A_209 : i1 to i32
    %sign3A_211 = arith.subi %sign3A_207, %sign3A_210 : i32
    %ne3A_212 = vector.broadcast %sign3A_211 : i32 to vector<1x96xi32>
    %ne3A_213 = arith.cmpi ne, %sign3A_204, %ne3A_212 : vector<1x96xi32>
    %rem3A_214 = vector.broadcast %jit3A_193 : i32 to vector<1x96xi32>
    %rem3A_215 = arith.remsi %select_n3A_192, %rem3A_214 : vector<1x96xi32>
    %ne3A_216 = arith.constant 0 : i32
    %ne3A_217 = vector.broadcast %ne3A_216 : i32 to vector<1x96xi32>
    %ne3A_218 = arith.cmpi ne, %rem3A_215, %ne3A_217 : vector<1x96xi32>
    %and3A_219 = arith.andi %ne3A_213, %ne3A_218 : vector<1x96xi1>
    %sub3A_220 = arith.constant 1 : i32
    %sub3A_221 = vector.broadcast %sub3A_220 : i32 to vector<1x96xi32>
    %sub3A_222 = arith.subi %div3A_195, %sub3A_221 : vector<1x96xi32>
    %select_n3A_223 = arith.select %and3A_219, %sub3A_222, %div3A_195 : vector<1x96xi1>, vector<1x96xi32>
    %slice3A_224 = vector.extract_strided_slice %select_n3A_169 {offsets = [0, 0], sizes = [824, 1], strides = [1, 1]} : vector<824x6xf32> to vector<824x1xf32>
    %slice3A_225 = vector.extract_strided_slice %select_n3A_169 {offsets = [0, 2], sizes = [824, 1], strides = [1, 1]} : vector<824x6xf32> to vector<824x1xf32>
    %slice3A_226 = vector.extract_strided_slice %select_n3A_169 {offsets = [0, 4], sizes = [824, 1], strides = [1, 1]} : vector<824x6xf32> to vector<824x1xf32>
    %eq3A_227 = arith.constant 0 : i32
    %eq3A_228 = vector.broadcast %eq3A_227 : i32 to vector<1x96xi32>
    %eq3A_229 = arith.cmpi eq, %select_n3A_223, %eq3A_228 : vector<1x96xi32>
    %eq3A_230 = arith.constant 1 : i32
    %eq3A_231 = vector.broadcast %eq3A_230 : i32 to vector<1x96xi32>
    %eq3A_232 = arith.cmpi eq, %select_n3A_223, %eq3A_231 : vector<1x96xi32>
    %broadcast_in_dim3A_233 = vector.shape_cast %eq3A_232 : vector<1x96xi1> to vector<1x96xi1>
    %broadcast_in_dim3A_234 = vector.broadcast %broadcast_in_dim3A_233 : vector<1x96xi1> to vector<824x96xi1>
    %broadcast_in_dim3A_235 = vector.shape_cast %slice3A_225 : vector<824x1xf32> to vector<824x1xf32>
    %broadcast_in_dim3A_236 = vector.broadcast %broadcast_in_dim3A_235 : vector<824x1xf32> to vector<824x96xf32>
    %broadcast_in_dim3A_237 = vector.shape_cast %slice3A_226 : vector<824x1xf32> to vector<824x1xf32>
    %broadcast_in_dim3A_238 = vector.broadcast %broadcast_in_dim3A_237 : vector<824x1xf32> to vector<824x96xf32>
    %select_n3A_239 = arith.select %broadcast_in_dim3A_234, %broadcast_in_dim3A_236, %broadcast_in_dim3A_238 : vector<824x96xi1>, vector<824x96xf32>
    %broadcast_in_dim3A_240 = vector.shape_cast %eq3A_229 : vector<1x96xi1> to vector<1x96xi1>
    %broadcast_in_dim3A_241 = vector.broadcast %broadcast_in_dim3A_240 : vector<1x96xi1> to vector<824x96xi1>
    %broadcast_in_dim3A_242 = vector.shape_cast %slice3A_224 : vector<824x1xf32> to vector<824x1xf32>
    %broadcast_in_dim3A_243 = vector.broadcast %broadcast_in_dim3A_242 : vector<824x1xf32> to vector<824x96xf32>
    %select_n3A_244 = arith.select %broadcast_in_dim3A_241, %broadcast_in_dim3A_243, %select_n3A_239 : vector<824x96xi1>, vector<824x96xf32>
    %slice3A_245 = vector.extract_strided_slice %select_n3A_169 {offsets = [0, 1], sizes = [824, 1], strides = [1, 1]} : vector<824x6xf32> to vector<824x1xf32>
    %slice3A_246 = vector.extract_strided_slice %select_n3A_169 {offsets = [0, 3], sizes = [824, 1], strides = [1, 1]} : vector<824x6xf32> to vector<824x1xf32>
    %slice3A_247 = vector.extract_strided_slice %select_n3A_169 {offsets = [0, 5], sizes = [824, 1], strides = [1, 1]} : vector<824x6xf32> to vector<824x1xf32>
    %eq3A_248 = arith.constant 0 : i32
    %eq3A_249 = vector.broadcast %eq3A_248 : i32 to vector<1x96xi32>
    %eq3A_250 = arith.cmpi eq, %select_n3A_223, %eq3A_249 : vector<1x96xi32>
    %eq3A_251 = arith.constant 1 : i32
    %eq3A_252 = vector.broadcast %eq3A_251 : i32 to vector<1x96xi32>
    %eq3A_253 = arith.cmpi eq, %select_n3A_223, %eq3A_252 : vector<1x96xi32>
    %broadcast_in_dim3A_254 = vector.shape_cast %eq3A_253 : vector<1x96xi1> to vector<1x96xi1>
    %broadcast_in_dim3A_255 = vector.broadcast %broadcast_in_dim3A_254 : vector<1x96xi1> to vector<824x96xi1>
    %broadcast_in_dim3A_256 = vector.shape_cast %slice3A_246 : vector<824x1xf32> to vector<824x1xf32>
    %broadcast_in_dim3A_257 = vector.broadcast %broadcast_in_dim3A_256 : vector<824x1xf32> to vector<824x96xf32>
    %broadcast_in_dim3A_258 = vector.shape_cast %slice3A_247 : vector<824x1xf32> to vector<824x1xf32>
    %broadcast_in_dim3A_259 = vector.broadcast %broadcast_in_dim3A_258 : vector<824x1xf32> to vector<824x96xf32>
    %select_n3A_260 = arith.select %broadcast_in_dim3A_255, %broadcast_in_dim3A_257, %broadcast_in_dim3A_259 : vector<824x96xi1>, vector<824x96xf32>
    %broadcast_in_dim3A_261 = vector.shape_cast %eq3A_250 : vector<1x96xi1> to vector<1x96xi1>
    %broadcast_in_dim3A_262 = vector.broadcast %broadcast_in_dim3A_261 : vector<1x96xi1> to vector<824x96xi1>
    %broadcast_in_dim3A_263 = vector.shape_cast %slice3A_245 : vector<824x1xf32> to vector<824x1xf32>
    %broadcast_in_dim3A_264 = vector.broadcast %broadcast_in_dim3A_263 : vector<824x1xf32> to vector<824x96xf32>
    %select_n3A_265 = arith.select %broadcast_in_dim3A_262, %broadcast_in_dim3A_264, %select_n3A_260 : vector<824x96xi1>, vector<824x96xf32>
    %iota3A_266 = tpu.iota {dimensions = array<i32: 1>} : vector<1x96xi32>
    %jit3A_267 = arith.constant 12 : i32
    %eq3A_268 = arith.constant 0 : i32
    %eq3A_269 = arith.cmpi eq, %jit3A_267, %eq3A_268 : i32
    %jit3A_270 = arith.constant 1 : i32
    %select_n3A_271 = arith.select %eq3A_269, %jit3A_270, %jit3A_267 : i32
    %rem3A_272 = vector.broadcast %select_n3A_271 : i32 to vector<1x96xi32>
    %rem3A_273 = arith.remsi %iota3A_266, %rem3A_272 : vector<1x96xi32>
    %ne3A_274 = arith.constant 0 : i32
    %ne3A_275 = vector.broadcast %ne3A_274 : i32 to vector<1x96xi32>
    %ne3A_276 = arith.cmpi ne, %rem3A_273, %ne3A_275 : vector<1x96xi32>
    %lt3A_277 = arith.constant 0 : i32
    %lt3A_278 = vector.broadcast %lt3A_277 : i32 to vector<1x96xi32>
    %lt3A_279 = arith.cmpi slt, %rem3A_273, %lt3A_278 : vector<1x96xi32>
    %lt3A_280 = arith.constant 0 : i32
    %lt3A_281 = arith.cmpi slt, %select_n3A_271, %lt3A_280 : i32
    %ne3A_282 = vector.broadcast %lt3A_281 : i1 to vector<1x96xi1>
    %ne3A_283 = vector.broadcast %ne3A_282 : vector<1x96xi1> to vector<1x96xi1>
    %ne3A_284 = arith.xori %lt3A_279, %ne3A_283 : vector<1x96xi1>
    %and3A_285 = arith.andi %ne3A_284, %ne3A_276 : vector<1x96xi1>
    %add3A_286 = vector.broadcast %select_n3A_271 : i32 to vector<1x96xi32>
    %add3A_287 = arith.addi %rem3A_273, %add3A_286 : vector<1x96xi32>
    %select_n3A_288 = arith.select %and3A_285, %add3A_287, %rem3A_273 : vector<1x96xi1>, vector<1x96xi32>
    %jit3A_289 = arith.constant 4 : i32
    %div3A_290 = vector.broadcast %jit3A_289 : i32 to vector<1x96xi32>
    %div3A_291 = arith.divsi %select_n3A_288, %div3A_290 : vector<1x96xi32>
    %sign3A_292 = arith.constant 0 : i32
    %sign3A_293 = vector.broadcast %sign3A_292 : i32 to vector<1x96xi32>
    %sign3A_294 = arith.cmpi sgt, %select_n3A_288, %sign3A_293 : vector<1x96xi32>
    %sign3A_295 = arith.extui %sign3A_294 : vector<1x96xi1> to vector<1x96xi32>
    %sign3A_296 = arith.constant 0 : i32
    %sign3A_297 = vector.broadcast %sign3A_296 : i32 to vector<1x96xi32>
    %sign3A_298 = arith.cmpi slt, %select_n3A_288, %sign3A_297 : vector<1x96xi32>
    %sign3A_299 = arith.extui %sign3A_298 : vector<1x96xi1> to vector<1x96xi32>
    %sign3A_300 = arith.subi %sign3A_295, %sign3A_299 : vector<1x96xi32>
    %sign3A_301 = arith.constant 0 : i32
    %sign3A_302 = arith.cmpi sgt, %jit3A_289, %sign3A_301 : i32
    %sign3A_303 = arith.extui %sign3A_302 : i1 to i32
    %sign3A_304 = arith.constant 0 : i32
    %sign3A_305 = arith.cmpi slt, %jit3A_289, %sign3A_304 : i32
    %sign3A_306 = arith.extui %sign3A_305 : i1 to i32
    %sign3A_307 = arith.subi %sign3A_303, %sign3A_306 : i32
    %ne3A_308 = vector.broadcast %sign3A_307 : i32 to vector<1x96xi32>
    %ne3A_309 = arith.cmpi ne, %sign3A_300, %ne3A_308 : vector<1x96xi32>
    %rem3A_310 = vector.broadcast %jit3A_289 : i32 to vector<1x96xi32>
    %rem3A_311 = arith.remsi %select_n3A_288, %rem3A_310 : vector<1x96xi32>
    %ne3A_312 = arith.constant 0 : i32
    %ne3A_313 = vector.broadcast %ne3A_312 : i32 to vector<1x96xi32>
    %ne3A_314 = arith.cmpi ne, %rem3A_311, %ne3A_313 : vector<1x96xi32>
    %and3A_315 = arith.andi %ne3A_309, %ne3A_314 : vector<1x96xi1>
    %sub3A_316 = arith.constant 1 : i32
    %sub3A_317 = vector.broadcast %sub3A_316 : i32 to vector<1x96xi32>
    %sub3A_318 = arith.subi %div3A_291, %sub3A_317 : vector<1x96xi32>
    %select_n3A_319 = arith.select %and3A_315, %sub3A_318, %div3A_291 : vector<1x96xi1>, vector<1x96xi32>
    %jit3A_320 = arith.constant 12 : i32
    %div3A_321 = vector.broadcast %jit3A_320 : i32 to vector<1x96xi32>
    %div3A_322 = arith.divsi %iota3A_266, %div3A_321 : vector<1x96xi32>
    %sign3A_323 = arith.constant 0 : i32
    %sign3A_324 = vector.broadcast %sign3A_323 : i32 to vector<1x96xi32>
    %sign3A_325 = arith.cmpi sgt, %iota3A_266, %sign3A_324 : vector<1x96xi32>
    %sign3A_326 = arith.extui %sign3A_325 : vector<1x96xi1> to vector<1x96xi32>
    %sign3A_327 = arith.constant 0 : i32
    %sign3A_328 = vector.broadcast %sign3A_327 : i32 to vector<1x96xi32>
    %sign3A_329 = arith.cmpi slt, %iota3A_266, %sign3A_328 : vector<1x96xi32>
    %sign3A_330 = arith.extui %sign3A_329 : vector<1x96xi1> to vector<1x96xi32>
    %sign3A_331 = arith.subi %sign3A_326, %sign3A_330 : vector<1x96xi32>
    %sign3A_332 = arith.constant 0 : i32
    %sign3A_333 = arith.cmpi sgt, %jit3A_320, %sign3A_332 : i32
    %sign3A_334 = arith.extui %sign3A_333 : i1 to i32
    %sign3A_335 = arith.constant 0 : i32
    %sign3A_336 = arith.cmpi slt, %jit3A_320, %sign3A_335 : i32
    %sign3A_337 = arith.extui %sign3A_336 : i1 to i32
    %sign3A_338 = arith.subi %sign3A_334, %sign3A_337 : i32
    %ne3A_339 = vector.broadcast %sign3A_338 : i32 to vector<1x96xi32>
    %ne3A_340 = arith.cmpi ne, %sign3A_331, %ne3A_339 : vector<1x96xi32>
    %rem3A_341 = vector.broadcast %jit3A_320 : i32 to vector<1x96xi32>
    %rem3A_342 = arith.remsi %iota3A_266, %rem3A_341 : vector<1x96xi32>
    %ne3A_343 = arith.constant 0 : i32
    %ne3A_344 = vector.broadcast %ne3A_343 : i32 to vector<1x96xi32>
    %ne3A_345 = arith.cmpi ne, %rem3A_342, %ne3A_344 : vector<1x96xi32>
    %and3A_346 = arith.andi %ne3A_340, %ne3A_345 : vector<1x96xi1>
    %sub3A_347 = arith.constant 1 : i32
    %sub3A_348 = vector.broadcast %sub3A_347 : i32 to vector<1x96xi32>
    %sub3A_349 = arith.subi %div3A_322, %sub3A_348 : vector<1x96xi32>
    %select_n3A_350 = arith.select %and3A_346, %sub3A_349, %div3A_322 : vector<1x96xi1>, vector<1x96xi32>
    %convert_element_type3A_351 = arith.sitofp %select_n3A_350 : vector<1x96xi32> to vector<1x96xf32>
    %eq3A_352 = arith.constant 0 : i32
    %eq3A_353 = vector.broadcast %eq3A_352 : i32 to vector<1x96xi32>
    %eq3A_354 = arith.cmpi eq, %select_n3A_319, %eq3A_353 : vector<1x96xi32>
    %eq3A_355 = arith.constant 1 : i32
    %eq3A_356 = vector.broadcast %eq3A_355 : i32 to vector<1x96xi32>
    %eq3A_357 = arith.cmpi eq, %select_n3A_319, %eq3A_356 : vector<1x96xi32>
    %jit3A_358 = arith.constant 5.000000e+01 : f32
    %jit3A_359 = arith.constant 2.500000e+01 : f32
    %broadcast_in_dim3A_360 = vector.broadcast %jit3A_358 : f32 to vector<1x96xf32>
    %broadcast_in_dim3A_361 = vector.broadcast %jit3A_359 : f32 to vector<1x96xf32>
    %select_n3A_362 = arith.select %eq3A_357, %broadcast_in_dim3A_360, %broadcast_in_dim3A_361 : vector<1x96xi1>, vector<1x96xf32>
    %jit3A_363 = arith.constant 1.000000e+02 : f32
    %broadcast_in_dim3A_364 = vector.broadcast %jit3A_363 : f32 to vector<1x96xf32>
    %select_n3A_365 = arith.select %eq3A_354, %broadcast_in_dim3A_364, %select_n3A_362 : vector<1x96xi1>, vector<1x96xf32>
    %eq3A_366 = arith.constant 0 : i32
    %eq3A_367 = vector.broadcast %eq3A_366 : i32 to vector<1x96xi32>
    %eq3A_368 = arith.cmpi eq, %select_n3A_319, %eq3A_367 : vector<1x96xi32>
    %eq3A_369 = arith.constant 1 : i32
    %eq3A_370 = vector.broadcast %eq3A_369 : i32 to vector<1x96xi32>
    %eq3A_371 = arith.cmpi eq, %select_n3A_319, %eq3A_370 : vector<1x96xi32>
    %jit3A_372 = arith.constant 1.000000e+04 : f32
    %jit3A_373 = arith.constant 1.250000e+04 : f32
    %broadcast_in_dim3A_374 = vector.broadcast %jit3A_372 : f32 to vector<1x96xf32>
    %broadcast_in_dim3A_375 = vector.broadcast %jit3A_373 : f32 to vector<1x96xf32>
    %select_n3A_376 = arith.select %eq3A_371, %broadcast_in_dim3A_374, %broadcast_in_dim3A_375 : vector<1x96xi1>, vector<1x96xf32>
    %jit3A_377 = arith.constant 0.000000e+00 : f32
    %broadcast_in_dim3A_378 = vector.broadcast %jit3A_377 : f32 to vector<1x96xf32>
    %select_n3A_379 = arith.select %eq3A_368, %broadcast_in_dim3A_378, %select_n3A_376 : vector<1x96xi1>, vector<1x96xf32>
    %mul3A_380 = vector.broadcast %select_n3A_365 : vector<1x96xf32> to vector<824x96xf32>
    %mul3A_381 = arith.mulf %select_n3A_265, %mul3A_380 : vector<824x96xf32>
    %add3A_382 = arith.addf %mul3A_381, %add3A_82 : vector<824x96xf32>
    %sub3A_383 = arith.constant 5.000000e-01 : f32
    %sub3A_384 = vector.broadcast %sub3A_383 : f32 to vector<824x96xf32>
    %sub3A_385 = arith.subf %add3A_382, %sub3A_384 : vector<824x96xf32>
    %mul3A_386 = vector.broadcast %select_n3A_365 : vector<1x96xf32> to vector<824x96xf32>
    %mul3A_387 = arith.mulf %select_n3A_244, %mul3A_386 : vector<824x96xf32>
    %add3A_388 = arith.addf %mul3A_387, %add3A_72 : vector<824x96xf32>
    %sub3A_389 = arith.constant 5.000000e-01 : f32
    %sub3A_390 = vector.broadcast %sub3A_389 : f32 to vector<824x96xf32>
    %sub3A_391 = arith.subf %add3A_388, %sub3A_390 : vector<824x96xf32>
    %floor3A = math.floor %sub3A_385 : vector<824x96xf32>
    %floor3A_392 = math.floor %sub3A_391 : vector<824x96xf32>
    %sub3A_393 = arith.subf %sub3A_385, %floor3A : vector<824x96xf32>
    %sub3A_394 = arith.subf %sub3A_391, %floor3A_392 : vector<824x96xf32>
    %sub3A_395 = arith.constant 1.000000e+00 : f32
    %sub3A_396 = vector.broadcast %sub3A_395 : f32 to vector<1x96xf32>
    %sub3A_397 = arith.subf %select_n3A_365, %sub3A_396 : vector<1x96xf32>
    %ge3A = arith.constant 0.000000e+00 : f32
    %ge3A_398 = vector.broadcast %ge3A : f32 to vector<824x96xf32>
    %ge3A_399 = arith.cmpf oge, %floor3A, %ge3A_398 : vector<824x96xf32>
    %le3A = vector.broadcast %sub3A_397 : vector<1x96xf32> to vector<824x96xf32>
    %le3A_400 = arith.cmpf ole, %floor3A, %le3A : vector<824x96xf32>
    %and3A_401 = arith.andi %ge3A_399, %le3A_400 : vector<824x96xi1>
    %convert_element_type3A_402 = arith.extui %and3A_401 : vector<824x96xi1> to vector<824x96xi32>
    %convert_element_type3A_403 = arith.sitofp %convert_element_type3A_402 : vector<824x96xi32> to vector<824x96xf32>
    %ge3A_404 = arith.constant -1.000000e+00 : f32
    %ge3A_405 = vector.broadcast %ge3A_404 : f32 to vector<824x96xf32>
    %ge3A_406 = arith.cmpf oge, %floor3A, %ge3A_405 : vector<824x96xf32>
    %sub3A_407 = arith.constant 1.000000e+00 : f32
    %sub3A_408 = vector.broadcast %sub3A_407 : f32 to vector<1x96xf32>
    %sub3A_409 = arith.subf %sub3A_397, %sub3A_408 : vector<1x96xf32>
    %le3A_410 = vector.broadcast %sub3A_409 : vector<1x96xf32> to vector<824x96xf32>
    %le3A_411 = arith.cmpf ole, %floor3A, %le3A_410 : vector<824x96xf32>
    %and3A_412 = arith.andi %ge3A_406, %le3A_411 : vector<824x96xi1>
    %convert_element_type3A_413 = arith.extui %and3A_412 : vector<824x96xi1> to vector<824x96xi32>
    %convert_element_type3A_414 = arith.sitofp %convert_element_type3A_413 : vector<824x96xi32> to vector<824x96xf32>
    %ge3A_415 = arith.constant 0.000000e+00 : f32
    %ge3A_416 = vector.broadcast %ge3A_415 : f32 to vector<824x96xf32>
    %ge3A_417 = arith.cmpf oge, %floor3A_392, %ge3A_416 : vector<824x96xf32>
    %le3A_418 = vector.broadcast %sub3A_397 : vector<1x96xf32> to vector<824x96xf32>
    %le3A_419 = arith.cmpf ole, %floor3A_392, %le3A_418 : vector<824x96xf32>
    %and3A_420 = arith.andi %ge3A_417, %le3A_419 : vector<824x96xi1>
    %convert_element_type3A_421 = arith.extui %and3A_420 : vector<824x96xi1> to vector<824x96xi32>
    %convert_element_type3A_422 = arith.sitofp %convert_element_type3A_421 : vector<824x96xi32> to vector<824x96xf32>
    %ge3A_423 = arith.constant -1.000000e+00 : f32
    %ge3A_424 = vector.broadcast %ge3A_423 : f32 to vector<824x96xf32>
    %ge3A_425 = arith.cmpf oge, %floor3A_392, %ge3A_424 : vector<824x96xf32>
    %sub3A_426 = arith.constant 1.000000e+00 : f32
    %sub3A_427 = vector.broadcast %sub3A_426 : f32 to vector<1x96xf32>
    %sub3A_428 = arith.subf %sub3A_397, %sub3A_427 : vector<1x96xf32>
    %le3A_429 = vector.broadcast %sub3A_428 : vector<1x96xf32> to vector<824x96xf32>
    %le3A_430 = arith.cmpf ole, %floor3A_392, %le3A_429 : vector<824x96xf32>
    %and3A_431 = arith.andi %ge3A_425, %le3A_430 : vector<824x96xi1>
    %convert_element_type3A_432 = arith.extui %and3A_431 : vector<824x96xi1> to vector<824x96xi32>
    %convert_element_type3A_433 = arith.sitofp %convert_element_type3A_432 : vector<824x96xi32> to vector<824x96xf32>
    %jit3A_434 = arith.constant 0.000000e+00 : f32
    %max3A = vector.broadcast %jit3A_434 : f32 to vector<824x96xf32>
    %max3A_435 = arith.maximumf %max3A, %floor3A : vector<824x96xf32>
    %min3A_436 = vector.broadcast %sub3A_397 : vector<1x96xf32> to vector<824x96xf32>
    %min3A_437 = arith.minimumf %min3A_436, %max3A_435 : vector<824x96xf32>
    %add3A_438 = arith.constant 1.000000e+00 : f32
    %add3A_439 = vector.broadcast %add3A_438 : f32 to vector<824x96xf32>
    %add3A_440 = arith.addf %floor3A, %add3A_439 : vector<824x96xf32>
    %jit3A_441 = arith.constant 0.000000e+00 : f32
    %max3A_442 = vector.broadcast %jit3A_441 : f32 to vector<824x96xf32>
    %max3A_443 = arith.maximumf %max3A_442, %add3A_440 : vector<824x96xf32>
    %min3A_444 = vector.broadcast %sub3A_397 : vector<1x96xf32> to vector<824x96xf32>
    %min3A_445 = arith.minimumf %min3A_444, %max3A_443 : vector<824x96xf32>
    %jit3A_446 = arith.constant 0.000000e+00 : f32
    %max3A_447 = vector.broadcast %jit3A_446 : f32 to vector<824x96xf32>
    %max3A_448 = arith.maximumf %max3A_447, %floor3A_392 : vector<824x96xf32>
    %min3A_449 = vector.broadcast %sub3A_397 : vector<1x96xf32> to vector<824x96xf32>
    %min3A_450 = arith.minimumf %min3A_449, %max3A_448 : vector<824x96xf32>
    %add3A_451 = arith.constant 1.000000e+00 : f32
    %add3A_452 = vector.broadcast %add3A_451 : f32 to vector<824x96xf32>
    %add3A_453 = arith.addf %floor3A_392, %add3A_452 : vector<824x96xf32>
    %jit3A_454 = arith.constant 0.000000e+00 : f32
    %max3A_455 = vector.broadcast %jit3A_454 : f32 to vector<824x96xf32>
    %max3A_456 = arith.maximumf %max3A_455, %add3A_453 : vector<824x96xf32>
    %min3A_457 = vector.broadcast %sub3A_397 : vector<1x96xf32> to vector<824x96xf32>
    %min3A_458 = arith.minimumf %min3A_457, %max3A_456 : vector<824x96xf32>
    %mul3A_459 = arith.constant 1.312500e+04 : f32
    %mul3A_460 = vector.broadcast %mul3A_459 : f32 to vector<824x1xf32>
    %mul3A_461 = arith.mulf %convert_element_type3A, %mul3A_460 : vector<824x1xf32>
    %add3A_462 = vector.broadcast %mul3A_461 : vector<824x1xf32> to vector<824x96xf32>
    %add3A_463 = vector.broadcast %select_n3A_379 : vector<1x96xf32> to vector<824x96xf32>
    %add3A_464 = arith.addf %add3A_462, %add3A_463 : vector<824x96xf32>
    %sub3A_465 = arith.constant 1.000000e+00 : f32
    %sub3A_466 = vector.broadcast %sub3A_465 : f32 to vector<824x96xf32>
    %sub3A_467 = arith.subf %sub3A_466, %sub3A_393 : vector<824x96xf32>
    %sub3A_468 = arith.constant 1.000000e+00 : f32
    %sub3A_469 = vector.broadcast %sub3A_468 : f32 to vector<824x96xf32>
    %sub3A_470 = arith.subf %sub3A_469, %sub3A_394 : vector<824x96xf32>
    %mul3A_471 = arith.mulf %sub3A_470, %sub3A_467 : vector<824x96xf32>
    %mul3A_472 = arith.mulf %mul3A_471, %convert_element_type3A_422 : vector<824x96xf32>
    %mul3A_473 = arith.mulf %mul3A_472, %convert_element_type3A_403 : vector<824x96xf32>
    %mul3A_474 = arith.mulf %sub3A_470, %sub3A_393 : vector<824x96xf32>
    %mul3A_475 = arith.mulf %mul3A_474, %convert_element_type3A_422 : vector<824x96xf32>
    %mul3A_476 = arith.mulf %mul3A_475, %convert_element_type3A_414 : vector<824x96xf32>
    %mul3A_477 = arith.mulf %sub3A_394, %sub3A_467 : vector<824x96xf32>
    %mul3A_478 = arith.mulf %mul3A_477, %convert_element_type3A_433 : vector<824x96xf32>
    %mul3A_479 = arith.mulf %mul3A_478, %convert_element_type3A_403 : vector<824x96xf32>
    %mul3A_480 = arith.mulf %sub3A_394, %sub3A_393 : vector<824x96xf32>
    %mul3A_481 = arith.mulf %mul3A_480, %convert_element_type3A_433 : vector<824x96xf32>
    %mul3A_482 = arith.mulf %mul3A_481, %convert_element_type3A_414 : vector<824x96xf32>
    %mul3A_483 = vector.broadcast %select_n3A_365 : vector<1x96xf32> to vector<824x96xf32>
    %mul3A_484 = arith.mulf %min3A_450, %mul3A_483 : vector<824x96xf32>
    %add3A_485 = arith.addf %add3A_464, %mul3A_484 : vector<824x96xf32>
    %add3A_486 = arith.addf %add3A_485, %min3A_437 : vector<824x96xf32>
    %mul3A_487 = arith.constant 8.000000e+00 : f32
    %mul3A_488 = vector.broadcast %mul3A_487 : f32 to vector<824x96xf32>
    %mul3A_489 = arith.mulf %add3A_486, %mul3A_488 : vector<824x96xf32>
    %add3A_490 = vector.broadcast %convert_element_type3A_351 : vector<1x96xf32> to vector<824x96xf32>
    %add3A_491 = arith.addf %mul3A_489, %add3A_490 : vector<824x96xf32>
    %convert_element_type3A_492 = arith.fptosi %add3A_491 : vector<824x96xf32> to vector<824x96xi32>
    %swap3A_493 = arith.constant 0 : index
    %swap3A_494 = arith.constant 0 : index
    %swap3A_495 = arith.constant 0 : index
    %swap3A_496 = vector.load %arg13[%swap3A_493, %swap3A_494, %swap3A_495] : memref<824x4x96xi32, #tpu.memory_space<vmem>>, vector<824x1x96xi32>
    %swap3A_497 = vector.shape_cast %swap3A_496 : vector<824x1x96xi32> to vector<824x96xi32>
    %swap3A_498 = vector.shape_cast %convert_element_type3A_492 : vector<824x96xi32> to vector<824x1x96xi32>
    tpu.vector_store %arg13[%swap3A_493, %swap3A_494, %swap3A_495], %swap3A_498 {strides = array<i32>} : memref<824x4x96xi32, #tpu.memory_space<vmem>>, vector<824x1x96xi32>,
    %mul3A_499 = arith.mulf %div3A_161, %mul3A_473 : vector<824x96xf32>
    %swap3A_500 = arith.constant 0 : index
    %swap3A_501 = arith.constant 0 : index
    %swap3A_502 = arith.constant 0 : index
    %swap3A_503 = vector.load %arg14[%swap3A_500, %swap3A_501, %swap3A_502] : memref<824x4x96xf32, #tpu.memory_space<vmem>>, vector<824x1x96xf32>
    %swap3A_504 = vector.shape_cast %swap3A_503 : vector<824x1x96xf32> to vector<824x96xf32>
    %swap3A_505 = vector.shape_cast %mul3A_499 : vector<824x96xf32> to vector<824x1x96xf32>
    tpu.vector_store %arg14[%swap3A_500, %swap3A_501, %swap3A_502], %swap3A_505 {strides = array<i32>} : memref<824x4x96xf32, #tpu.memory_space<vmem>>, vector<824x1x96xf32>,
    %mul3A_506 = vector.broadcast %select_n3A_365 : vector<1x96xf32> to vector<824x96xf32>
    %mul3A_507 = arith.mulf %min3A_450, %mul3A_506 : vector<824x96xf32>
    %add3A_508 = arith.addf %add3A_464, %mul3A_507 : vector<824x96xf32>
    %add3A_509 = arith.addf %add3A_508, %min3A_445 : vector<824x96xf32>
    %mul3A_510 = arith.constant 8.000000e+00 : f32
    %mul3A_511 = vector.broadcast %mul3A_510 : f32 to vector<824x96xf32>
    %mul3A_512 = arith.mulf %add3A_509, %mul3A_511 : vector<824x96xf32>
    %add3A_513 = vector.broadcast %convert_element_type3A_351 : vector<1x96xf32> to vector<824x96xf32>
    %add3A_514 = arith.addf %mul3A_512, %add3A_513 : vector<824x96xf32>
    %convert_element_type3A_515 = arith.fptosi %add3A_514 : vector<824x96xf32> to vector<824x96xi32>
    %swap3A_516 = arith.constant 0 : index
    %swap3A_517 = arith.constant 1 : index
    %swap3A_518 = arith.constant 0 : index
    %swap3A_519 = vector.load %arg13[%swap3A_516, %swap3A_517, %swap3A_518] : memref<824x4x96xi32, #tpu.memory_space<vmem>>, vector<824x1x96xi32>
    %swap3A_520 = vector.shape_cast %swap3A_519 : vector<824x1x96xi32> to vector<824x96xi32>
    %swap3A_521 = vector.shape_cast %convert_element_type3A_515 : vector<824x96xi32> to vector<824x1x96xi32>
    tpu.vector_store %arg13[%swap3A_516, %swap3A_517, %swap3A_518], %swap3A_521 {strides = array<i32>} : memref<824x4x96xi32, #tpu.memory_space<vmem>>, vector<824x1x96xi32>,
    %mul3A_522 = arith.mulf %div3A_161, %mul3A_476 : vector<824x96xf32>
    %swap3A_523 = arith.constant 0 : index
    %swap3A_524 = arith.constant 1 : index
    %swap3A_525 = arith.constant 0 : index
    %swap3A_526 = vector.load %arg14[%swap3A_523, %swap3A_524, %swap3A_525] : memref<824x4x96xf32, #tpu.memory_space<vmem>>, vector<824x1x96xf32>
    %swap3A_527 = vector.shape_cast %swap3A_526 : vector<824x1x96xf32> to vector<824x96xf32>
    %swap3A_528 = vector.shape_cast %mul3A_522 : vector<824x96xf32> to vector<824x1x96xf32>
    tpu.vector_store %arg14[%swap3A_523, %swap3A_524, %swap3A_525], %swap3A_528 {strides = array<i32>} : memref<824x4x96xf32, #tpu.memory_space<vmem>>, vector<824x1x96xf32>,
    %mul3A_529 = vector.broadcast %select_n3A_365 : vector<1x96xf32> to vector<824x96xf32>
    %mul3A_530 = arith.mulf %min3A_458, %mul3A_529 : vector<824x96xf32>
    %add3A_531 = arith.addf %add3A_464, %mul3A_530 : vector<824x96xf32>
    %add3A_532 = arith.addf %add3A_531, %min3A_437 : vector<824x96xf32>
    %mul3A_533 = arith.constant 8.000000e+00 : f32
    %mul3A_534 = vector.broadcast %mul3A_533 : f32 to vector<824x96xf32>
    %mul3A_535 = arith.mulf %add3A_532, %mul3A_534 : vector<824x96xf32>
    %add3A_536 = vector.broadcast %convert_element_type3A_351 : vector<1x96xf32> to vector<824x96xf32>
    %add3A_537 = arith.addf %mul3A_535, %add3A_536 : vector<824x96xf32>
    %convert_element_type3A_538 = arith.fptosi %add3A_537 : vector<824x96xf32> to vector<824x96xi32>
    %swap3A_539 = arith.constant 0 : index
    %swap3A_540 = arith.constant 2 : index
    %swap3A_541 = arith.constant 0 : index
    %swap3A_542 = vector.load %arg13[%swap3A_539, %swap3A_540, %swap3A_541] : memref<824x4x96xi32, #tpu.memory_space<vmem>>, vector<824x1x96xi32>
    %swap3A_543 = vector.shape_cast %swap3A_542 : vector<824x1x96xi32> to vector<824x96xi32>
    %swap3A_544 = vector.shape_cast %convert_element_type3A_538 : vector<824x96xi32> to vector<824x1x96xi32>
    tpu.vector_store %arg13[%swap3A_539, %swap3A_540, %swap3A_541], %swap3A_544 {strides = array<i32>} : memref<824x4x96xi32, #tpu.memory_space<vmem>>, vector<824x1x96xi32>,
    %mul3A_545 = arith.mulf %div3A_161, %mul3A_479 : vector<824x96xf32>
    %swap3A_546 = arith.constant 0 : index
    %swap3A_547 = arith.constant 2 : index
    %swap3A_548 = arith.constant 0 : index
    %swap3A_549 = vector.load %arg14[%swap3A_546, %swap3A_547, %swap3A_548] : memref<824x4x96xf32, #tpu.memory_space<vmem>>, vector<824x1x96xf32>
    %swap3A_550 = vector.shape_cast %swap3A_549 : vector<824x1x96xf32> to vector<824x96xf32>
    %swap3A_551 = vector.shape_cast %mul3A_545 : vector<824x96xf32> to vector<824x1x96xf32>
    tpu.vector_store %arg14[%swap3A_546, %swap3A_547, %swap3A_548], %swap3A_551 {strides = array<i32>} : memref<824x4x96xf32, #tpu.memory_space<vmem>>, vector<824x1x96xf32>,
    %mul3A_552 = vector.broadcast %select_n3A_365 : vector<1x96xf32> to vector<824x96xf32>
    %mul3A_553 = arith.mulf %min3A_458, %mul3A_552 : vector<824x96xf32>
    %add3A_554 = arith.addf %add3A_464, %mul3A_553 : vector<824x96xf32>
    %add3A_555 = arith.addf %add3A_554, %min3A_445 : vector<824x96xf32>
    %mul3A_556 = arith.constant 8.000000e+00 : f32
    %mul3A_557 = vector.broadcast %mul3A_556 : f32 to vector<824x96xf32>
    %mul3A_558 = arith.mulf %add3A_555, %mul3A_557 : vector<824x96xf32>
    %add3A_559 = vector.broadcast %convert_element_type3A_351 : vector<1x96xf32> to vector<824x96xf32>
    %add3A_560 = arith.addf %mul3A_558, %add3A_559 : vector<824x96xf32>
    %convert_element_type3A_561 = arith.fptosi %add3A_560 : vector<824x96xf32> to vector<824x96xi32>
    %swap3A_562 = arith.constant 0 : index
    %swap3A_563 = arith.constant 3 : index
    %swap3A_564 = arith.constant 0 : index
    %swap3A_565 = vector.load %arg13[%swap3A_562, %swap3A_563, %swap3A_564] : memref<824x4x96xi32, #tpu.memory_space<vmem>>, vector<824x1x96xi32>
    %swap3A_566 = vector.shape_cast %swap3A_565 : vector<824x1x96xi32> to vector<824x96xi32>
    %swap3A_567 = vector.shape_cast %convert_element_type3A_561 : vector<824x96xi32> to vector<824x1x96xi32>
    tpu.vector_store %arg13[%swap3A_562, %swap3A_563, %swap3A_564], %swap3A_567 {strides = array<i32>} : memref<824x4x96xi32, #tpu.memory_space<vmem>>, vector<824x1x96xi32>,
    %mul3A_568 = arith.mulf %div3A_161, %mul3A_482 : vector<824x96xf32>
    %swap3A_569 = arith.constant 0 : index
    %swap3A_570 = arith.constant 3 : index
    %swap3A_571 = arith.constant 0 : index
    %swap3A_572 = vector.load %arg14[%swap3A_569, %swap3A_570, %swap3A_571] : memref<824x4x96xf32, #tpu.memory_space<vmem>>, vector<824x1x96xf32>
    %swap3A_573 = vector.shape_cast %swap3A_572 : vector<824x1x96xf32> to vector<824x96xf32>
    %swap3A_574 = vector.shape_cast %mul3A_568 : vector<824x96xf32> to vector<824x1x96xf32>
    tpu.vector_store %arg14[%swap3A_569, %swap3A_570, %swap3A_571], %swap3A_574 {strides = array<i32>} : memref<824x4x96xf32, #tpu.memory_space<vmem>>, vector<824x1x96xf32>,
    return
  }
  func.func @transform_0(%arg0: i32) -> (i32, i32) {
    %c0_i32 = arith.constant 0 : i32
    %c0_i32_0 = arith.constant 0 : i32
    return %arg0, %c0_i32 : i32, i32
  }
  func.func @transform_1(%arg0: i32) -> (i32, i32) {
    %c0_i32 = arith.constant 0 : i32
    %c0_i32_0 = arith.constant 0 : i32
    return %arg0, %c0_i32 : i32, i32
  }
  func.func @transform_2(%arg0: i32) -> (i32, i32) {
    %c0_i32 = arith.constant 0 : i32
    %c0_i32_0 = arith.constant 0 : i32
    return %arg0, %c0_i32 : i32, i32
  }
  func.func @transform_3(%arg0: i32) -> (i32, i32) {
    %c0_i32 = arith.constant 0 : i32
    %c0_i32_0 = arith.constant 0 : i32
    %c0_i32_1 = arith.constant 0 : i32
    return %c0_i32, %c0_i32_0 : i32, i32
  }
  func.func @transform_4(%arg0: i32) -> (i32, i32) {
    %c0_i32 = arith.constant 0 : i32
    %c0_i32_0 = arith.constant 0 : i32
    %c0_i32_1 = arith.constant 0 : i32
    return %c0_i32, %c0_i32_0 : i32, i32
  }
  func.func @transform_5(%arg0: i32) -> (i32, i32) {
    %c0_i32 = arith.constant 0 : i32
    %c0_i32_0 = arith.constant 0 : i32
    %c0_i32_1 = arith.constant 0 : i32
    return %c0_i32, %c0_i32_0 : i32, i32
  }
  func.func @transform_6(%arg0: i32) -> (i32, i32) {
    %c0_i32 = arith.constant 0 : i32
    %c0_i32_0 = arith.constant 0 : i32
    %c0_i32_1 = arith.constant 0 : i32
    return %c0_i32, %c0_i32_0 : i32, i32
  }
  func.func @transform_7(%arg0: i32) -> (i32, i32) {
    %c0_i32 = arith.constant 0 : i32
    %c0_i32_0 = arith.constant 0 : i32
    %c0_i32_1 = arith.constant 0 : i32
    return %c0_i32, %c0_i32_0 : i32, i32
  }
  func.func @transform_8(%arg0: i32) -> (i32, i32) {
    %c0_i32 = arith.constant 0 : i32
    %c0_i32_0 = arith.constant 0 : i32
    %c0_i32_1 = arith.constant 0 : i32
    return %c0_i32, %c0_i32_0 : i32, i32
  }
  func.func @transform_9(%arg0: i32) -> (i32, i32) {
    %c0_i32 = arith.constant 0 : i32
    %c0_i32_0 = arith.constant 0 : i32
    %c0_i32_1 = arith.constant 0 : i32
    return %c0_i32, %c0_i32_0 : i32, i32
  }
  func.func @transform_10(%arg0: i32) -> (i32, i32) {
    %c0_i32 = arith.constant 0 : i32
    %c0_i32_0 = arith.constant 0 : i32
    %c0_i32_1 = arith.constant 0 : i32
    return %c0_i32, %c0_i32_0 : i32, i32
  }
  func.func @transform_11(%arg0: i32) -> (i32, i32) {
    %c0_i32 = arith.constant 0 : i32
    %c0_i32_0 = arith.constant 0 : i32
    return %arg0, %c0_i32 : i32, i32
  }
  func.func @transform_12(%arg0: i32) -> (i32, i32, i32) {
    %c0_i32 = arith.constant 0 : i32
    %c0_i32_0 = arith.constant 0 : i32
    %c0_i32_1 = arith.constant 0 : i32
    return %arg0, %c0_i32, %c0_i32_0 : i32, i32, i32
  }
  func.func @transform_13(%arg0: i32) -> (i32, i32, i32) {
    %c0_i32 = arith.constant 0 : i32
    %c0_i32_0 = arith.constant 0 : i32
    %c0_i32_1 = arith.constant 0 : i32
    return %arg0, %c0_i32, %c0_i32_0 : i32, i32, i32
  }
}

module attributes {stable_mosaic.version = 14 : i64} {
  func.func @_out_body(%arg0: i32, %arg1: memref<824x256xf32, #tpu.memory_space<vmem>>, %arg2: memref<256x256xf32, #tpu.memory_space<vmem>>, %arg3: memref<1x256xf32, #tpu.memory_space<vmem>>, %arg4: memref<824x256xf32, #tpu.memory_space<vmem>>) attributes {dimension_semantics = [#tpu.dimension_semantics<arbitrary>], iteration_bounds = array<i64: 32>, scalar_prefetch = 0 : i64, scratch_operands = 0 : i64, tpu.core_type = #tpu.core_type<tc>, window_params = [{transform_indices = @transform_0, window_bounds = array<i64: 824, 256>}, {pipeline_mode = #tpu.pipeline_mode<synchronous>, transform_indices = @transform_1, window_bounds = array<i64: 256, 256>}, {pipeline_mode = #tpu.pipeline_mode<synchronous>, transform_indices = @transform_2, window_bounds = array<i64: 1, 256>}, {transform_indices = @transform_3, window_bounds = array<i64: 824, 256>}]} {
    %get3A = arith.constant 0 : index
    %get3A_0 = arith.constant 0 : index
    %get3A_1 = vector.load %arg1[%get3A, %get3A_0] : memref<824x256xf32, #tpu.memory_space<vmem>>, vector<824x256xf32>
    %get3A_2 = arith.constant 0 : index
    %get3A_3 = arith.constant 0 : index
    %get3A_4 = vector.load %arg2[%get3A_2, %get3A_3] : memref<256x256xf32, #tpu.memory_space<vmem>>, vector<256x256xf32>
    %dot_general3A = arith.constant dense<0.000000e+00> : vector<824x256xf32>
    %dot_general3A_5 = tpu.matmul %get3A_1, %get3A_4, %dot_general3A {dimension_numbers = #tpu.dot_dimension_numbers<[1], [0], [0], [1], [0, 0, 1, 1], [], []>, precision = #tpu.contract_precision<fp32>, transpose_lhs_hint = false} : vector<824x256xf32>, vector<256x256xf32>, vector<824x256xf32> -> vector<824x256xf32>
    %get3A_6 = arith.constant 0 : index
    %get3A_7 = arith.constant 0 : index
    %get3A_8 = vector.load %arg3[%get3A_6, %get3A_7] : memref<1x256xf32, #tpu.memory_space<vmem>>, vector<1x256xf32>
    %add3A = vector.broadcast %get3A_8 : vector<1x256xf32> to vector<824x256xf32>
    %add3A_9 = arith.addf %dot_general3A_5, %add3A : vector<824x256xf32>
    %swap3A = arith.constant 0 : index
    %swap3A_10 = arith.constant 0 : index
    %swap3A_11 = vector.load %arg4[%swap3A, %swap3A_10] : memref<824x256xf32, #tpu.memory_space<vmem>>, vector<824x256xf32>
    tpu.vector_store %arg4[%swap3A, %swap3A_10], %add3A_9 {strides = array<i32>} : memref<824x256xf32, #tpu.memory_space<vmem>>, vector<824x256xf32>,
    return
  }
  func.func @transform_0(%arg0: i32) -> (i32, i32) {
    %c0_i32 = arith.constant 0 : i32
    %c0_i32_0 = arith.constant 0 : i32
    return %arg0, %c0_i32 : i32, i32
  }
  func.func @transform_1(%arg0: i32) -> (i32, i32) {
    %c0_i32 = arith.constant 0 : i32
    %c0_i32_0 = arith.constant 0 : i32
    %c0_i32_1 = arith.constant 0 : i32
    return %c0_i32, %c0_i32_0 : i32, i32
  }
  func.func @transform_2(%arg0: i32) -> (i32, i32) {
    %c0_i32 = arith.constant 0 : i32
    %c0_i32_0 = arith.constant 0 : i32
    %c0_i32_1 = arith.constant 0 : i32
    return %c0_i32, %c0_i32_0 : i32, i32
  }
  func.func @transform_3(%arg0: i32) -> (i32, i32) {
    %c0_i32 = arith.constant 0 : i32
    %c0_i32_0 = arith.constant 0 : i32
    return %arg0, %c0_i32 : i32, i32
  }
}

</mosaic_0001>

<sc_bundles>
// kernel: kernel.5.cloned.1.call-start
scs
__scs_entry_jumppad:
0x0: {  	(pc) =	sbr.rel $0x88, $3  }
0x1: {  	(tag) =	ssettag $0x0;
	lr =	simm.s32 $0x1  }
0x2: {  	[smem:$0x3F96] =	sst lr;
	_ =	strace $0xD0000000  }
0x3: {  	_ = 	snop  }
0x4: {  	_ = 	snop  }
0x5: {  	_ = 	snop  }
0x6: {  	_ = 	snop  }
0x7: {  	_ = 	snop  }
__scs_overlays_trampoline_lowered:
0x8: {  	[smem:$0x3FA5] =	sst s0  }
0x9: {  	[smem:$0x3FA6] =	sst s1  }
0xa: {  	[smem:$0x3FA7] =	sst s2  }
0xb: {  	[smem:$0x3FA8] =	sst s3  }
0xc: {  	[smem:$0x3FA9] =	sst s4  }
0xd: {  	[smem:$0x3FAA] =	sst s5  }
0xe: {  	[smem:$0x3FAB] =	sst s6  }
0xf: {  	[smem:$0x3FAC] =	sst s7  }
0x10: {  	[smem:$0x3FAD] =	sst s8  }
0x11: {  	[smem:$0x3FAE] =	sst s9;
	s0 =	simm.s32 @!p0 $0x0  }
0x12: {  	s1 =	sld [smem:$0x3F94];
	s0 =	simm.s32 @p0 $0x1  }
0x13: {  	[smem:$0x3FAF] =	sst s0;
	s0 =	simm.s32 @!p1 $0x0  }
0x14: {  	s2 =	sld [smem:$0x3F93];
	s0 =	simm.s32 @p1 $0x1  }
0x15: {  	[smem:$0x3FB0] =	sst s0;
	s0 =	simm.s32 @!p2 $0x0  }
0x16: {  	s3 =	sld [smem:$0x3FDB];
	s0 =	simm.s32 @p2 $0x1  }
0x17: {  	s4 =	simm.s32 $0x1BF5;
	[smem:$0x3FB2] =	sst s0  }
0x18: {  	s0 =	sld [smem:$0x3F95];
	_ =	swait.ge [sflag:s4], $0x0  }
0x19: {  	s7 =	sld [smem:$0x3F96]  }
0x1a: {  	s8 =	sadd.s32 $0xFFFFE003, lr  }
0x1b: {  	s9 =	sadd.s32 $0xFFFFFEF7, lr;
	s5 =	simm.s32 $0xFFFFFFFF;
	p2 =	slt.u32 s8, $0xFFFFF086  }
0x1c: {  	p1 =	slt.u32 s9, $0xF7A;
	s5 =	simm.s32 @!p2 $0x0  }
0x1d: {  	s5 =	simm.s32 @p1 $0x1;
	p0 =	seq.s32 s7, s2  }
0x1e: {  	s7 =	smul.u32 @!p0 $0xF7A, s2;
	p2 =	seq.s32 @!p0 s5, $0x0  }
0x1f: {  	s9 =	smul.u32 $0xF7A, s1;
	s8 =	simm.s32 @!p0 $0x1BF5;
	p2 =	por !p2, p0  }
0x20: {  	[sflag:s8] =	ssyncset.s32 @!p0 $0xFFFFF086;
	s6 =	sadd.s32 @!p0 s3, s7;
	s7 =	simm.s32 @!p0 $0x108  }
0x21: {  	s3 =	sadd.s32 s3, s9;
	s6 =	sadd.s32 @!p0 $0x88, s6;
	s7 =	simm.s32 @p2 $0x1082  }
0x22: {  	[simem:s7], [sflag:s8] =	dma.local @!p0 [hbm:s6], $0xF7A  }
0x23: {  	s9 =	sor.u32 $0xD0000000, s2;
	s6 =	simm.s32 $0x108;
	_ =	swait.ge @!p0 [sflag:s8], $0x0  }
0x24: {  	s3 =	sadd.s32 $0x88, s3;
	s6 =	simm.s32 @!p1 $0x1082;
	[sflag:s4] =	ssyncset.s32 $0xFFFFF086  }
0x25: {  	[simem:s6], [sflag:s4] =	dma.local [hbm:s3], $0xF7A  }
0x26: {  	[smem:$0x3F96] =	sst s1;
	(tag) =	ssettag s2;
	_ =	strace s9  }
0x27: {  	s1 =	sld [smem:$0x3FA6]  }
0x28: {  	s2 =	sld [smem:$0x3FA7]  }
0x29: {  	s4 =	sld [smem:$0x3FA9]  }
0x2a: {  	p0 =	seq.s32 s5, $0x0;
	s5 =	sld [smem:$0x3FAA]  }
0x2b: {  	s6 =	sld [smem:$0x3FAB]  }
0x2c: {  	s7 =	sld [smem:$0x3FAC]  }
0x2d: {  	s3 =	simm.s32 $0x108;
	s8 =	sld [smem:$0x3FAD]  }
0x2e: {  	s3 =	simm.s32 @!p0 $0x1082;
	s9 =	sld [smem:$0x3FAE]  }
0x2f: {  	lr =	sadd.s32 s0, s3;
	s0 =	sld [smem:$0x3FA5]  }
0x30: {  	s3 =	sld [smem:$0x3FA8]  }
0x31: {  	[smem:$0x3FB1] =	sst s10  }
0x32: {  	s10 =	sld [smem:$0x3FAF];
	_ =	sdelay $0x3  }
0x33: {  	p0 =	seq.s32 s10, $0x1;
	s10 =	sld [smem:$0x3FB1];
	_ =	sdelay $0x3  }
0x34: {  	[smem:$0x3FB1] =	sst s10  }
0x35: {  	s10 =	sld [smem:$0x3FB0];
	_ =	sdelay $0x3  }
0x36: {  	p1 =	seq.s32 s10, $0x1;
	s10 =	sld [smem:$0x3FB1];
	_ =	sdelay $0x3  }
0x37: {  	[smem:$0x3FB1] =	sst s10  }
0x38: {  	s10 =	sld [smem:$0x3FB2]  }
0x39: {  	_ = 	snop;
	(pc) =	sbr.ind lr, $3  }
0x3a: {  	_ = 	snop  }
0x3b: {  	_ = 	snop  }
0x3c: {  	p2 =	seq.s32 s10, $0x1;
	s10 =	sld [smem:$0x3FB1]  }
0x3d: {  	_ =	shalt  }
0x3e: {  	_ =	shalt  }
0x3f: {  	_ =	shalt  }
0x40: {  	_ =	shalt  }
0x41: {  	_ =	shalt  }
0x42: {  	_ =	shalt  }
0x43: {  	_ =	shalt  }
0x44: {  	_ =	shalt  }
0x45: {  	_ =	shalt  }
0x46: {  	_ =	shalt  }
0x47: {  	_ =	shalt  }
0x48: {  	_ =	shalt  }
0x49: {  	_ =	shalt  }
0x4a: {  	_ =	shalt  }
0x4b: {  	_ =	shalt  }
0x4c: {  	_ =	shalt  }
0x4d: {  	_ =	shalt  }
0x4e: {  	_ =	shalt  }
0x4f: {  	_ =	shalt  }
0x50: {  	_ =	shalt  }
0x51: {  	_ =	shalt  }
0x52: {  	_ =	shalt  }
0x53: {  	_ =	shalt  }
0x54: {  	_ =	shalt  }
0x55: {  	_ =	shalt  }
0x56: {  	_ =	shalt  }
0x57: {  	_ =	shalt  }
0x58: {  	_ =	shalt  }
0x59: {  	_ =	shalt  }
0x5a: {  	_ =	shalt  }
0x5b: {  	_ =	shalt  }
0x5c: {  	_ =	shalt  }
0x5d: {  	_ =	shalt  }
0x5e: {  	_ =	shalt  }
0x5f: {  	_ =	shalt  }
0x60: {  	_ =	shalt  }
0x61: {  	_ =	shalt  }
0x62: {  	_ =	shalt  }
0x63: {  	_ =	shalt  }
0x64: {  	_ =	shalt  }
0x65: {  	_ =	shalt  }
0x66: {  	_ =	shalt  }
0x67: {  	_ =	shalt  }
0x68: {  	_ =	shalt  }
0x69: {  	_ =	shalt  }
0x6a: {  	_ =	shalt  }
0x6b: {  	_ =	shalt  }
0x6c: {  	_ =	shalt  }
0x6d: {  	_ =	shalt  }
0x6e: {  	_ =	shalt  }
0x6f: {  	_ =	shalt  }
0x70: {  	_ =	shalt  }
0x71: {  	_ =	shalt  }
0x72: {  	_ =	shalt  }
0x73: {  	_ =	shalt  }
0x74: {  	_ =	shalt  }
0x75: {  	_ =	shalt  }
0x76: {  	_ =	shalt  }
0x77: {  	_ =	shalt  }
0x78: {  	_ =	shalt  }
0x79: {  	_ =	shalt  }
0x7a: {  	_ =	shalt  }
0x7b: {  	_ =	shalt  }
0x7c: {  	_ =	shalt  }
0x7d: {  	_ =	shalt  }
0x7e: {  	_ =	shalt  }
0x7f: {  	_ =	shalt  }
0x80: {  	_ =	shalt  }
0x81: {  	_ =	shalt  }
0x82: {  	_ =	shalt  }
0x83: {  	_ =	shalt  }
0x84: {  	_ =	shalt  }
0x85: {  	_ =	shalt  }
0x86: {  	_ =	shalt  }
0x87: {  	_ =	shalt  }
.Lfunc_end0:
.L_simem_size_0:
called_computation_lowered:
.L_overlay_start_0:
0x88: {  	s2 =	sld [smem:$0x3FD9]  }
0x89: {  	s3 =	sld [smem:$0x3FFE];
	_ =	sdelay $0x1  }
0x8a: {  	s1 =	srdreg.scid  }
0x8b: {  	s0 =	sand.u32 $0x1, s1  }
0x8c: {  	s17 =	sshll.u32 s0, $0xA;
	s2 =	sadd.s32 s3, s2  }
0x8d: {  	s2 =	sadd.s32 s2, s17  }
0x8e: {  	[smem:$0x3FBD] =	sst s2  }
0x8f: {  	_ = 	snop  }
0x90: {  	s2 =	sld [smem:$0x3FD0];
	(tm) =	ssettm $0x1  }
0x91: {  	s18 =	sld [smem:$0x3FFB];
	_ =	sdelay $0x3  }
0x92: {  	_ =	strace s18  }
0x93: {  	s3 =	sld [smem:$0x3FFC];
	_ =	sdelay $0x3  }
0x94: {  	_ =	strace s3  }
0x95: {  	s3 =	sld [smem:$0x3FFD];
	_ =	sdelay $0x3  }
0x96: {  	_ =	strace s3  }
0x97: {  	_ =	strace $0x8FFFFFFF  }
0x98: {  	s19 =	sld [smem:$0x3FDB];
	_ =	sdelay $0x1  }
0x99: {  	s4 =	simm.s32 $_scs_section_size  }
0x9a: {  	s5 =	simm.s32 $_size__tile_overlayer_lowered;
	s6 =	simm.s32 $_tile_overlayer_lowered  }
0x9b: {  	s22 =	simm.s32 $0x1BFF;
	s21 =	sshll.u32 s6, $0x1;
	s3 =	sadd.s32 s4, s19  }
0x9c: {  	s7 =	simm.s32 $0x0;
	s20 =	sshll.u32 s5, $0x1;
	s5 =	sadd.s32 s21, s3  }
0x9d: {  	[timem:s7], [sflag:s22] =	dma.local [hbm:s5], s20  }
0x9e: {  	_ =	swait.ge [sflag:s22], s20  }
0x9f: {  	s4 =	ssub.s32 $0x0, s20;
	[sflag:s22] =	ssyncset.done $0x0  }
0xa0: {  	[sflag:s22] =	ssyncadd.s32 s4;
	_ =	sdelay $0x1  }
0xa1: {  	s23 =	simm.s32 $0x1B8B  }
0xa2: {  	_ =	swait.ge [sflag:s23], $0x1  }
0xa3: {  	[sflag:s23] =	ssyncset.done $0x0  }
0xa4: {  	s25 =	simm.s32 $0x1B8E;
	s24 =	sld [smem:$0x3FFE];
	[sflag:s23] =	ssyncadd.s32 $0xFFFFFFFF  }
0xa5: {  	s26 =	simm.s32 $execute0_lowered;
	[smem:$0x3FD2] =	sst s25  }
0xa6: {  	s5 =	sshll.u32 s26, $0x1;
	_ =	strace $0x80000046;
	[dreg:$0x1] =	wrdreg $0xFFFFFFFF  }
0xa7: {  	s28 =	simm.s32 $_size_execute0_lowered;
	s3 =	sadd.s32 s3, s5;
	[dreg:$0x0] =	wrdreg $0x0  }
0xa8: {  	s5 =	sshll.u32 s28, $0x1;
	[dreg:$0x2] =	wrdreg s3  }
0xa9: {  	[dreg:$0x3] =	wrdreg s5  }
0xaa: {  	[dreg:$0x4] =	wrdreg $0xC0  }
0xab: {  	_ =	task [dreg:s7], $0x5FFFF  }
0xac: {  	[dreg:$0x1] =	wrdreg $0xFFFFFFFF  }
0xad: {  	[dreg:$0x0] =	wrdreg $0x60  }
0xae: {  	[dreg:$0x2] =	wrdreg s2  }
0xaf: {  	[dreg:$0x3] =	wrdreg s24  }
0xb0: {  	[dreg:$0x4] =	wrdreg $0x9  }
0xb1: {  	_ =	task.clear_ibuf [dreg:s7], $0x5FFFF;
	_ =	strace $0x90000046  }
0xb2: {  	s29 =	simm.s32 $0x9;
	_ =	strace $0x80000048  }
0xb3: {  	_ =	swait.ge [sflag:s29], $0x1  }
0xb4: {  	[sflag:s29] =	ssyncadd.s32 $0xFFFFFFFF  }
0xb5: {  	_ =	strace $0x90000048  }
0xb6: {  	_ =	sfence  }
0xb7: {  	s30 =	sld [smem:$0x0];
	_ =	sdelay $0x2  }
0xb8: {  	s31 =	sshll.u32 s1, $0xD;
	s1 =	sshrl.u32 s1, $0x2  }
0xb9: {  	s3 =	sand.u32 $0x4000, s31;
	s1 =	sadd.s32 s1, s30  }
0xba: {  	s0 =	sor.u32 s3, s0;
	s1 =	sshll.u32 s1, $0x11  }
0xbb: {  	s0 =	sor.u32 s1, s0  }
0xbc: {  	s0 =	sadd.s32 $0x8F2B, s0  }
0xbd: {  	[sflag:s0] =	ssyncadd.remote.s32 $0x1  }
0xbe: {  	_ =	sfence.sel $0xFFFF  }
0xbf: {  	[dreg:$0x0] =	wrdreg $0xFFFFFFFF;
	(pc) =	sbr.abs _section_cstart, $3  }
0xc0: {  	[dreg:$0x1] =	wrdreg $0xFFFFFFFF  }
0xc1: {  	_ =	task.clear_ibuf [dreg:s7], $0x2FFFF;
	_ =	strace $0x9FFFFFFF  }
0xc2: {  	(tm) =	ssettm $0x7FFFFFFF  }
0xc3: {  	_ =	shalt  }
tec
execute0_lowered:
.L_overlay_start_1:
0x0: {  	(tag) =	ssettag $0x1  }
0x1: {  	s2 =	rddreg [dreg:$0x0]  }
0x2: {  	s0 =	rddreg [dreg:$0x1]  }
0x3: {  	s4 =	srdreg.scid;
	s1 =	stileid.u32  }
0x4: {  	s3 =	simm.s32 $0x0;
	s14 =	simm.s32 $0x3;
	s15 =	simm.s32 $0xC00  }
0x5: {  	s16 =	simm.s32 $0x1810;
	s17 =	simm.s32 $0xD810;
	s18 =	simm.s32 $0xE410  }
0x6: {  	s19 =	simm.s32 $0xF020;
	s20 =	simm.s32 $0x1;
	s21 =	simm.s32 $0x1B020  }
0x7: {  	s22 =	simm.s32 $0x2;
	s6 =	sand.u32 $0x1, s4;
	s29 =	sshll.u32 s1, $0x1  }
0x8: {  	s23 =	simm.s32 $0x0;
	[smem:$0x7FF] =	sst s3;
	s8 =	sor.u32 s6, s29  }
0x9: {  	s4 =	sadd.s32 $0x1000, s0;
	s5 =	sadd.s32 $0x136000, s0;
	s10 =	smul.u32 $0x9A80, s8  }
0xa: {  	s7 =	sadd.s32 $0x26B000, s0;
	s9 =	ssub.s32 $0x2, s6;
	s6 =	smul.u32 $0x33800, s8  }
0xb: {  	_ =	strace $0x80000047;
	s30 =	sshrl.u32 s9, $0x1;
	s8 =	smul.u32 $0x338, s8  }
0xc: {  	s0 =	ssub.s32 s9, s30;
	s31 =	sadd.s32 s4, s10;
	s12 =	sshrl.u32 s6, $0x3  }
0xd: {  	s10 =	sadd.s32 s5, s10;
	s11 =	sadd.s32 $0x10, s8;
	s12 =	sadd.s32 s7, s12  }
0xe: {  	s13 =	smax.u32 s0, $0x1;
	[dreg:$0x3] =	wrdreg s31;
	s12 =	sadd.s32 $0x6600, s12  }
.LBB2_1:
0xf: {  	s0 =	rddreg [dreg:$0x3]  }
0x10: {  	[tilespmem:s3], [sflag:$0x3] =	stream.linear.gather [hbm4b:s0+s3], $0xC00, $0x38;
	[tilespmem:$0x1B820] =	vst v63  }
0x11: {  	_ =	swait.ge [sflag:s14], $0xC00  }
0x12: {  	[sflag:s14] =	ssyncset.done $0x0  }
0x13: {  	[sflag:s14] =	ssyncadd.s32 $0xFFFFF400  }
0x14: {  	[tilespmem:s15], [sflag:$0x3] =	stream.linear.gather [hbm4b:s10+s3], $0xC00, $0x38;
	[tilespmem:$0x1B820] =	vst v63  }
0x15: {  	_ =	swait.ge [sflag:s14], $0xC00  }
0x16: {  	[sflag:s14] =	ssyncset.done $0x0  }
0x17: {  	s24 =	simm.s32 $0x0;
	[sflag:s14] =	ssyncadd.s32 $0xFFFFF400  }
0x18: {  	[tilespmem:s16], [sflag:$0x1] =	stream.indirect.gather [hbm4b:s2+s15], $0x10, s3, s15, $0xb8;
	[tilespmem:$0x1B820] =	vst v63  }
.LBB2_2:
0x19: {  	s26 =	sshll.u32 s24, $0x4  }
0x1a: {  	s0 =	sadd.s32 s26, s8  }
0x1b: {  	s25 =	sadd.s32 $0x8, s0  }
0x1c: {  	s0 =	smul.u32 $0x30, s25;
	_ =	sdelay $0x1  }
0x1d: {  	s28 =	simm.s32 $0x0;
	s29 =	sadd.s32 s4, s0  }
0x1e: {  	[tilespmem:s17], [sflag:$0x3] =	stream.linear.gather [hbm4b:s29+s28], $0xC00, $0x38;
	[tilespmem:$0x1B820] =	vst v63  }
0x1f: {  	_ =	swait.ge [sflag:s14], $0xC00  }
0x20: {  	[sflag:s14] =	ssyncset.done $0x0  }
0x21: {  	s0 =	sadd.s32 s5, s0;
	[sflag:s14] =	ssyncadd.s32 $0xFFFFF400  }
0x22: {  	[tilespmem:s18], [sflag:$0x3] =	stream.linear.gather [hbm4b:s0+s28], $0xC00, $0x38;
	[tilespmem:$0x1B820] =	vst v63  }
0x23: {  	_ =	swait.ge [sflag:s14], $0xC00  }
0x24: {  	[sflag:s14] =	ssyncset.done $0x0  }
0x25: {  	[sflag:s14] =	ssyncadd.s32 $0xFFFFF400  }
0x26: {  	[tilespmem:s19], [sflag:$0x2] =	stream.indirect.gather [hbm4b:s2+s15], $0x10, s17, s15, $0xb8;
	[tilespmem:$0x1B820] =	vst v63  }
0x27: {  	_ =	swait.ge [sflag:s20], $0xC000  }
0x28: {  	[sflag:s20] =	ssyncset.done $0x0  }
0x29: {  	[sflag:s20] =	ssyncadd.s32 $0xFFFF4000  }
.LBB2_3:
0x2a: {  	s0 =	sshrl.u32 s28, $0x3  }
0x2b: {  	s29 =	sand.u32 $0x7, s28;
	s30 =	smul.u32 $0x180, s0  }
0x2c: {  	s0 =	smul.u32 $0xC, s29;
	_ =	sdelay $0x1  }
0x2d: {  	s31 =	sor.u32 s0, s30  }
0x2e: {  	s30 =	sshll.u32 s31, $0x4;
	v0 =	vld [tilespmem:s31+$0xC00]  }
0x2f: {  	s30 =	sand.u32 $0x3FFFFFC0, s30  }
0x30: {  	v1 =	vld [tilespmem:s30+$0x1810]  }
0x31: {  	v2 =	vld [tilespmem:s30+$0x1820]  }
0x32: {  	v5 =	vld [tilespmem:s30+$0x1830]  }
0x33: {  	v7 =	vld [tilespmem:s30+$0x1840];
	v3 =	vbroadcast v0, $0x0  }
0x34: {  	v25 =	vld [tilespmem:s30+$0x1850];
	v6 =	vbroadcast v0, $0x1;
	v8 =	vbroadcast v0, $0x2  }
0x35: {  	v28 =	vld [tilespmem:s30+$0x1860];
	v9 =	vbroadcast v0, $0x3;
	v31 =	vbroadcast v0, $0x4  }
0x36: {  	v33 =	vld [tilespmem:s30+$0x1870];
	v34 =	vbroadcast v0, $0x5;
	v40 =	vbroadcast v0, $0x6  }
0x37: {  	v37 =	vld [tilespmem:s30+$0x1880];
	v43 =	vbroadcast v0, $0x7;
	v49 =	vbroadcast v0, $0x8  }
0x38: {  	v42 =	vld [tilespmem:s30+$0x1890];
	v52 =	vbroadcast v0, $0x9;
	v58 =	vbroadcast v0, $0xA  }
0x39: {  	v46 =	vld [tilespmem:s30+$0x18A0];
	v0 =	vbroadcast v0, $0xB;
	v4 =	vshll.u32 v1, $0x10;
	v1 =	vand.u32 $0xFFFF0000, v1  }
0x3a: {  	v51 =	vld [tilespmem:s30+$0x18B0];
	v23 =	vshll.u32 v2, $0x10;
	v2 =	vand.u32 $0xFFFF0000, v2;
	v24 =	vshll.u32 v5, $0x10  }
0x3b: {  	v55 =	vld [tilespmem:s30+$0x18C0];
	v5 =	vand.u32 $0xFFFF0000, v5;
	v27 =	vshll.u32 v7, $0x10;
	v30 =	vand.u32 $0xFFFF0000, v7  }
0x3c: {  	v32 =	vshll.u32 v25, $0x10;
	v36 =	vshll.u32 v28, $0x10;
	v39 =	vand.u32 $0xFFFF0000, v28  }
0x3d: {  	s1 =	sadd.s32 $0x60, s31;
	v63 =	vld [tilespmem:s30+$0x1E20];
	v41 =	vshll.u32 v33, $0x10;
	v7 =	vand.u32 $0xFFFF0000, v33;
	v45 =	vshll.u32 v37, $0x10  }
0x3e: {  	s9 =	sand.u32 $0x1FF8, s1;
	s1 =	sshll.u32 s1, $0x4;
	v48 =	vand.u32 $0xFFFF0000, v37;
	v50 =	vshll.u32 v42, $0x10;
	v54 =	vshll.u32 v46, $0x10  }
0x3f: {  	s1 =	sand.u32 $0x3FFFFFC0, s1;
	v14 =	vld [tilespmem:s30+$0x1E30];
	v57 =	vand.u32 $0xFFFF0000, v46;
	v59 =	vshll.u32 v51, $0x10;
	v4 =	vmul.f32 v4, v3  }
0x40: {  	v60 =	vld [tilespmem:s1+$0x1810];
	v62 =	vshll.u32 v55, $0x10;
	v1 =	vmul.f32 v1, v3;
	v3 =	vmul.f32 v23, v6  }
0x41: {  	v19 =	vld [tilespmem:s30+$0x1E40];
	v11 =	vand.u32 $0xFFFF0000, v55;
	v2 =	vmul.f32 v2, v6;
	v26 =	vmul.f32 v5, v8  }
0x42: {  	v18 =	vshll.u32 v63, $0x10;
	v29 =	vmul.f32 v27, v9;
	v38 =	vmul.f32 v36, v34  }
0x43: {  	v21 =	vand.u32 $0xFFFF0000, v63;
	v28 =	vld [tilespmem:s30+$0x1E60];
	v44 =	vmul.f32 v7, v40;
	v47 =	vmul.f32 v45, v43  }
0x44: {  	v37 =	vld [tilespmem:s30+$0x1E80];
	v6 =	vand.u32 $0xFFFF0000, v25;
	v56 =	vmul.f32 v54, v52;
	v10 =	vmul.f32 v62, v0  }
0x45: {  	v46 =	vld [tilespmem:s30+$0x1EA0];
	v0 =	vmul.f32 v11, v0;
	v13 =	vshll.u32 v60, $0x10;
	v15 =	vand.u32 $0xFFFF0000, v60  }
0x46: {  	s0 =	sand.u32 $0x4, s0;
	v55 =	vld [tilespmem:s30+$0x1EC0];
	v23 =	vshll.u32 v14, $0x10;
	v27 =	vshll.u32 v19, $0x10;
	v4 =	vadd.f32 $0.0e+00, v4  }
0x47: {  	s9 =	sor.u32 s0, s9;
	v35 =	vmul.f32 v6, v31;
	v6 =	vand.u32 $0xFFFF0000, v51;
	v1 =	vadd.f32 $0.0e+00, v1  }
0x48: {  	v7 =	vld [tilespmem:s9+$0xC00];
	v61 =	vmul.f32 v6, v58;
	v3 =	vadd.f32 v3, v4;
	v4 =	vmul.f32 v24, v8  }
0x49: {  	v1 =	vadd.f32 v2, v1;
	v2 =	vmul.f32 v30, v9;
	v8 =	vand.u32 $0xFFFF0000, v42  }
0x4a: {  	s1 =	sadd.s32 $0xC0, s31;
	v33 =	vld [tilespmem:s30+$0x1E70];
	v30 =	vand.u32 $0xFFFF0000, v19;
	v36 =	vshll.u32 v28, $0x10;
	v45 =	vshll.u32 v37, $0x10  }
0x4b: {  	s9 =	sand.u32 $0x1FF8, s1;
	s1 =	sshll.u32 s1, $0x4;
	v54 =	vshll.u32 v46, $0x10;
	v62 =	vshll.u32 v55, $0x10;
	v3 =	vadd.f32 v4, v3  }
0x4c: {  	s1 =	sand.u32 $0x3FFFFFC0, s1;
	v11 =	vand.u32 $0xFFFF0000, v55;
	v53 =	vmul.f32 v8, v49;
	v1 =	vadd.f32 v26, v1  }
0x4d: {  	v60 =	vld [tilespmem:s1+$0x1810];
	v12 =	vbroadcast v7, $0x0;
	v4 =	vmul.f32 v32, v31;
	v3 =	vadd.f32 v29, v3  }
0x4e: {  	v63 =	vld [tilespmem:s30+$0x2420];
	v16 =	vbroadcast v7, $0x1;
	v22 =	vbroadcast v7, $0x2;
	v1 =	vadd.f32 v2, v1  }
0x4f: {  	v25 =	vbroadcast v7, $0x3;
	v8 =	vand.u32 $0xFFFF0000, v33;
	v3 =	vadd.f32 v4, v3  }
0x50: {  	v24 =	vld [tilespmem:s30+$0x1E50];
	v31 =	vbroadcast v7, $0x4;
	v2 =	vmul.f32 v39, v34;
	v1 =	vadd.f32 v35, v1  }
0x51: {  	v42 =	vld [tilespmem:s30+$0x1E90];
	v17 =	vmul.f32 v15, v12;
	v4 =	vmul.f32 v41, v40;
	v3 =	vadd.f32 v38, v3  }
0x52: {  	v19 =	vld [tilespmem:s30+$0x2440];
	v20 =	vmul.f32 v18, v16;
	v15 =	vand.u32 $0xFFFF0000, v60;
	v1 =	vadd.f32 v2, v1  }
0x53: {  	v18 =	vshll.u32 v63, $0x10;
	v29 =	vmul.f32 v27, v25;
	v3 =	vadd.f32 v4, v3  }
0x54: {  	v34 =	vbroadcast v7, $0x5;
	v2 =	vmul.f32 v48, v43;
	v1 =	vadd.f32 v44, v1  }
0x55: {  	v51 =	vld [tilespmem:s30+$0x1EB0];
	v39 =	vand.u32 $0xFFFF0000, v28;
	v4 =	vmul.f32 v50, v49;
	v3 =	vadd.f32 v47, v3  }
0x56: {  	v32 =	vshll.u32 v24, $0x10;
	v6 =	vand.u32 $0xFFFF0000, v24;
	v1 =	vadd.f32 v2, v1  }
0x57: {  	v28 =	vld [tilespmem:s30+$0x2460];
	v5 =	vand.u32 $0xFFFF0000, v42;
	v27 =	vshll.u32 v19, $0x10;
	v3 =	vadd.f32 v4, v3  }
0x58: {  	v35 =	vmul.f32 v6, v31;
	v2 =	vmul.f32 v57, v52;
	v1 =	vadd.f32 v53, v1  }
0x59: {  	v40 =	vbroadcast v7, $0x6;
	v4 =	vmul.f32 v59, v58;
	v3 =	vadd.f32 v56, v3  }
0x5a: {  	v41 =	vshll.u32 v33, $0x10;
	v6 =	vand.u32 $0xFFFF0000, v51;
	v1 =	vadd.f32 v2, v1  }
0x5b: {  	v38 =	vmul.f32 v36, v34;
	v43 =	vbroadcast v7, $0x7;
	v3 =	vadd.f32 v4, v3  }
0x5c: {  	v48 =	vand.u32 $0xFFFF0000, v37;
	v36 =	vshll.u32 v28, $0x10;
	v1 =	vadd.f32 v61, v1  }
0x5d: {  	v37 =	vld [tilespmem:s30+$0x2480];
	v44 =	vmul.f32 v8, v40;
	v2 =	vmul.f32 v13, v12;
	v3 =	vadd.f32 v10, v3  }
0x5e: {  	v49 =	vbroadcast v7, $0x8;
	v50 =	vshll.u32 v42, $0x10;
	v0 =	vadd.f32 v0, v1  }
0x5f: {  	v47 =	vmul.f32 v45, v43;
	v52 =	vbroadcast v7, $0x9;
	v2 =	vadd.f32 v2, v3  }
0x60: {  	s9 =	sor.u32 s0, s9;
	v57 =	vand.u32 $0xFFFF0000, v46;
	v1 =	vmul.f32 v21, v16;
	v0 =	vadd.f32 v17, v0  }
0x61: {  	v8 =	vld [tilespmem:s9+$0xC00];
	v4 =	vand.u32 $0xFFFF0000, v14;
	v3 =	vmul.f32 v23, v22;
	v2 =	vadd.f32 v20, v2  }
0x62: {  	v46 =	vld [tilespmem:s30+$0x24A0];
	v45 =	vshll.u32 v37, $0x10;
	v26 =	vmul.f32 v4, v22;
	v0 =	vadd.f32 v1, v0  }
0x63: {  	v53 =	vmul.f32 v5, v49;
	v58 =	vbroadcast v7, $0xA;
	v2 =	vadd.f32 v3, v2  }
0x64: {  	v24 =	vld [tilespmem:s30+$0x2450];
	v59 =	vshll.u32 v51, $0x10;
	v1 =	vmul.f32 v30, v25;
	v0 =	vadd.f32 v26, v0  }
0x65: {  	s1 =	sadd.s32 $0x120, s31;
	v7 =	vbroadcast v7, $0xB;
	v3 =	vmul.f32 v32, v31;
	v2 =	vadd.f32 v29, v2  }
0x66: {  	s31 =	sand.u32 $0x1FF8, s1;
	s1 =	sshll.u32 s1, $0x4;
	v55 =	vld [tilespmem:s30+$0x24C0];
	v56 =	vmul.f32 v54, v52;
	v12 =	vbroadcast v8, $0x0;
	v0 =	vadd.f32 v1, v0  }
0x67: {  	s9 =	sand.u32 $0x3FFFFFC0, s1;
	v13 =	vshll.u32 v60, $0x10;
	v54 =	vshll.u32 v46, $0x10;
	v2 =	vadd.f32 v3, v2  }
0x68: {  	v60 =	vld [tilespmem:s9+$0x1810];
	v61 =	vmul.f32 v6, v58;
	v1 =	vmul.f32 v39, v34;
	v0 =	vadd.f32 v35, v0  }
0x69: {  	v14 =	vld [tilespmem:s30+$0x2430];
	v6 =	vand.u32 $0xFFFF0000, v24;
	v3 =	vmul.f32 v41, v40;
	v2 =	vadd.f32 v38, v2  }
0x6a: {  	v10 =	vmul.f32 v62, v7;
	v16 =	vbroadcast v8, $0x1;
	v0 =	vadd.f32 v1, v0  }
0x6b: {  	v21 =	vand.u32 $0xFFFF0000, v63;
	v62 =	vshll.u32 v55, $0x10;
	v2 =	vadd.f32 v3, v2  }
0x6c: {  	v17 =	vmul.f32 v15, v12;
	v1 =	vmul.f32 v48, v43;
	v0 =	vadd.f32 v44, v0  }
0x6d: {  	v63 =	vld [tilespmem:s30+$0x2A20];
	v22 =	vbroadcast v8, $0x2;
	v3 =	vmul.f32 v50, v49;
	v2 =	vadd.f32 v47, v2  }
0x6e: {  	v15 =	vand.u32 $0xFFFF0000, v60;
	v23 =	vshll.u32 v14, $0x10;
	v0 =	vadd.f32 v1, v0  }
0x6f: {  	v42 =	vld [tilespmem:s30+$0x2490];
	v5 =	vand.u32 $0xFFFF0000, v14;
	v20 =	vmul.f32 v18, v16;
	v2 =	vadd.f32 v3, v2  }
0x70: {  	v25 =	vbroadcast v8, $0x3;
	v1 =	vmul.f32 v57, v52;
	v0 =	vadd.f32 v53, v0  }
0x71: {  	v30 =	vand.u32 $0xFFFF0000, v19;
	v3 =	vmul.f32 v59, v58;
	v2 =	vadd.f32 v56, v2  }
0x72: {  	v19 =	vld [tilespmem:s30+$0x2A40];
	v18 =	vshll.u32 v63, $0x10;
	v26 =	vmul.f32 v5, v22;
	v0 =	vadd.f32 v1, v0  }
0x73: {  	v31 =	vbroadcast v8, $0x4;
	v32 =	vshll.u32 v24, $0x10;
	v2 =	vadd.f32 v3, v2  }
0x74: {  	v33 =	vld [tilespmem:s30+$0x2470];
	v5 =	vand.u32 $0xFFFF0000, v42;
	v1 =	vmul.f32 v11, v7;
	v0 =	vadd.f32 v61, v0  }
0x75: {  	v51 =	vld [tilespmem:s30+$0x24B0];
	v29 =	vmul.f32 v27, v25;
	v3 =	vmul.f32 v13, v12;
	v2 =	vadd.f32 v10, v2  }
0x76: {  	v34 =	vbroadcast v8, $0x5;
	v39 =	vand.u32 $0xFFFF0000, v28;
	v0 =	vadd.f32 v1, v0  }
0x77: {  	v28 =	vld [tilespmem:s30+$0x2A60];
	v27 =	vshll.u32 v19, $0x10;
	v35 =	vmul.f32 v6, v31;
	v2 =	vadd.f32 v3, v2  }
0x78: {  	v40 =	vbroadcast v8, $0x6;
	v1 =	vmul.f32 v21, v16;
	v0 =	vadd.f32 v17, v0  }
0x79: {  	v41 =	vshll.u32 v33, $0x10;
	v3 =	vmul.f32 v23, v22;
	v2 =	vadd.f32 v20, v2  }
0x7a: {  	v6 =	vand.u32 $0xFFFF0000, v51;
	v38 =	vmul.f32 v36, v34;
	v0 =	vadd.f32 v1, v0  }
0x7b: {  	v43 =	vbroadcast v8, $0x7;
	v48 =	vand.u32 $0xFFFF0000, v37;
	v37 =	vld [tilespmem:s30+$0x2A80];
	v2 =	vadd.f32 v3, v2  }
0x7c: {  	v36 =	vshll.u32 v28, $0x10;
	v1 =	vmul.f32 v30, v25;
	v0 =	vadd.f32 v26, v0  }
0x7d: {  	v49 =	vbroadcast v8, $0x8;
	v3 =	vmul.f32 v32, v31;
	v2 =	vadd.f32 v29, v2  }
0x7e: {  	v50 =	vshll.u32 v42, $0x10;
	v47 =	vmul.f32 v45, v43;
	v0 =	vadd.f32 v1, v0  }
0x7f: {  	v52 =	vbroadcast v8, $0x9;
	v57 =	vand.u32 $0xFFFF0000, v46;
	v2 =	vadd.f32 v3, v2  }
0x80: {  	v14 =	vld [tilespmem:s30+$0x2A30];
	v45 =	vshll.u32 v37, $0x10;
	v1 =	vmul.f32 v39, v34;
	v0 =	vadd.f32 v35, v0  }
0x81: {  	v7 =	vand.u32 $0xFFFF0000, v33;
	v3 =	vmul.f32 v41, v40;
	v2 =	vadd.f32 v38, v2  }
0x82: {  	v46 =	vld [tilespmem:s30+$0x2AA0];
	v53 =	vmul.f32 v5, v49;
	v44 =	vmul.f32 v7, v40;
	v0 =	vadd.f32 v1, v0  }
0x83: {  	v58 =	vbroadcast v8, $0xA;
	v59 =	vshll.u32 v51, $0x10;
	v2 =	vadd.f32 v3, v2  }
0x84: {  	v24 =	vld [tilespmem:s30+$0x2A50];
	v8 =	vbroadcast v8, $0xB;
	v1 =	vmul.f32 v48, v43;
	v0 =	vadd.f32 v44, v0  }
0x85: {  	s0 =	sor.u32 s0, s31;
	v5 =	vand.u32 $0xFFFF0000, v14;
	v3 =	vmul.f32 v50, v49;
	v2 =	vadd.f32 v47, v2  }
0x86: {  	v56 =	vmul.f32 v54, v52;
	v11 =	vand.u32 $0xFFFF0000, v55;
	v7 =	vld [tilespmem:s0+$0xC00];
	v0 =	vadd.f32 v1, v0  }
0x87: {  	v54 =	vshll.u32 v46, $0x10;
	v61 =	vmul.f32 v6, v58;
	v2 =	vadd.f32 v3, v2  }
0x88: {  	v13 =	vshll.u32 v60, $0x10;
	v1 =	vmul.f32 v57, v52;
	v0 =	vadd.f32 v53, v0  }
0x89: {  	v6 =	vand.u32 $0xFFFF0000, v24;
	v3 =	vmul.f32 v59, v58;
	v2 =	vadd.f32 v56, v2  }
0x8a: {  	v10 =	vmul.f32 v62, v8;
	v21 =	vand.u32 $0xFFFF0000, v63;
	v0 =	vadd.f32 v1, v0  }
0x8b: {  	v12 =	vbroadcast v7, $0x0;
	v16 =	vbroadcast v7, $0x1;
	v2 =	vadd.f32 v3, v2  }
0x8c: {  	v22 =	vbroadcast v7, $0x2;
	v1 =	vmul.f32 v11, v8;
	v0 =	vadd.f32 v61, v0  }
0x8d: {  	v42 =	vld [tilespmem:s30+$0x2A90];
	v23 =	vshll.u32 v14, $0x10;
	v3 =	vmul.f32 v13, v12;
	v2 =	vadd.f32 v10, v2  }
0x8e: {  	v17 =	vmul.f32 v15, v12;
	v20 =	vmul.f32 v18, v16;
	v0 =	vadd.f32 v1, v0  }
0x8f: {  	v25 =	vbroadcast v7, $0x3;
	v30 =	vand.u32 $0xFFFF0000, v19;
	v2 =	vadd.f32 v3, v2  }
0x90: {  	v26 =	vmul.f32 v5, v22;
	v1 =	vmul.f32 v21, v16;
	v0 =	vadd.f32 v17, v0  }
0x91: {  	v33 =	vld [tilespmem:s30+$0x2A70];
	v31 =	vbroadcast v7, $0x4;
	v3 =	vmul.f32 v23, v22;
	v2 =	vadd.f32 v20, v2  }
0x92: {  	v51 =	vld [tilespmem:s30+$0x2AB0];
	v32 =	vshll.u32 v24, $0x10;
	v5 =	vand.u32 $0xFFFF0000, v42;
	v0 =	vadd.f32 v1, v0  }
0x93: {  	v29 =	vmul.f32 v27, v25;
	v34 =	vbroadcast v7, $0x5;
	v2 =	vadd.f32 v3, v2  }
0x94: {  	v39 =	vand.u32 $0xFFFF0000, v28;
	v1 =	vmul.f32 v30, v25;
	v0 =	vadd.f32 v26, v0  }
0x95: {  	v35 =	vmul.f32 v6, v31;
	v3 =	vmul.f32 v32, v31;
	v2 =	vadd.f32 v29, v2  }
0x96: {  	v40 =	vbroadcast v7, $0x6;
	v41 =	vshll.u32 v33, $0x10;
	v0 =	vadd.f32 v1, v0  }
0x97: {  	v6 =	vand.u32 $0xFFFF0000, v51;
	v38 =	vmul.f32 v36, v34;
	v2 =	vadd.f32 v3, v2  }
0x98: {  	v43 =	vbroadcast v7, $0x7;
	v1 =	vmul.f32 v39, v34;
	v0 =	vadd.f32 v35, v0  }
0x99: {  	v8 =	vand.u32 $0xFFFF0000, v33;
	v3 =	vmul.f32 v41, v40;
	v2 =	vadd.f32 v38, v2  }
0x9a: {  	v48 =	vand.u32 $0xFFFF0000, v37;
	v44 =	vmul.f32 v8, v40;
	v0 =	vadd.f32 v1, v0  }
0x9b: {  	v49 =	vbroadcast v7, $0x8;
	v47 =	vmul.f32 v45, v43;
	v2 =	vadd.f32 v3, v2  }
0x9c: {  	v50 =	vshll.u32 v42, $0x10;
	v1 =	vmul.f32 v48, v43;
	v0 =	vadd.f32 v44, v0  }
0x9d: {  	v55 =	vld [tilespmem:s30+$0x2AC0];
	v52 =	vbroadcast v7, $0x9;
	v3 =	vmul.f32 v50, v49;
	v2 =	vadd.f32 v47, v2  }
0x9e: {  	v57 =	vand.u32 $0xFFFF0000, v46;
	v53 =	vmul.f32 v5, v49;
	v0 =	vadd.f32 v1, v0  }
0x9f: {  	v58 =	vbroadcast v7, $0xA;
	v56 =	vmul.f32 v54, v52;
	v2 =	vadd.f32 v3, v2  }
0xa0: {  	v59 =	vshll.u32 v51, $0x10;
	v1 =	vmul.f32 v57, v52;
	v0 =	vadd.f32 v53, v0  }
0xa1: {  	v7 =	vbroadcast v7, $0xB;
	v3 =	vmul.f32 v59, v58;
	v2 =	vadd.f32 v56, v2  }
0xa2: {  	v60 =	vmul.f32 v6, v58;
	v61 =	vshll.u32 v55, $0x10;
	v0 =	vadd.f32 v1, v0  }
0xa3: {  	p0 =	sne.s32 s28, $0x3F;
	v62 =	vand.u32 $0xFFFF0000, v55;
	v4 =	vmul.f32 v61, v7;
	v2 =	vadd.f32 v3, v2  }
.Ltmp0:
0xa4: {  	s30 =	sshll.u32 s28, $0x5;
	v63 =	vmul.f32 v62, v7;
	v0 =	vadd.f32 v60, v0;
	(pc) =	sbr.rel @p0 .LBB2_3-.Ltmp0, $4  }
0xa5: {  	s31 =	sshll.u32 s29, $0x5;
	s0 =	sand.u32 $0x3FFFFF00, s30;
	v2 =	vadd.f32 v4, v2  }
0xa6: {  	s0 =	sor.u32 s31, s0;
	v0 =	vadd.f32 v63, v0  }
0xa7: {  	s1 =	sadd.s32 $0x1B020, s0;
	[tilespmem:s0+$0x1B020] =	vst v2  }
0xa8: {  	s28 =	sadd.s32 $0x1, s28;
	[tilespmem:s1+$0x10] =	vst v0  }
0xa9: {  	s0 =	sshll.u32 s24, $0xC  }
0xaa: {  	s0 =	sadd.s32 s6, s0  }
0xab: {  	s0 =	sshrl.u32 s0, $0x3  }
0xac: {  	s28 =	simm.s32 $0x0;
	s31 =	sadd.s32 s26, s11;
	s0 =	sadd.s32 s7, s0  }
0xad: {  	[hbm4b:s0+s28] =	stream.linear.scatter [tilespmem:s21], [sflag:$0x3], $0x800, $0x38;
	[tilespmem:$0x1B820] =	vst v63  }
0xae: {  	s0 =	smul.u32 $0x30, s31;
	_ =	swait.ge [sflag:s14], $0x800  }
0xaf: {  	[sflag:s14] =	ssyncset.done $0x0  }
0xb0: {  	s1 =	sadd.s32 s4, s0;
	[sflag:s14] =	ssyncadd.s32 $0xFFFFF800  }
0xb1: {  	[tilespmem:s28], [sflag:$0x3] =	stream.linear.gather [hbm4b:s1+s28], $0xC00, $0x38;
	[tilespmem:$0x1B820] =	vst v63  }
0xb2: {  	_ =	swait.ge [sflag:s14], $0xC00  }
0xb3: {  	[sflag:s14] =	ssyncset.done $0x0  }
0xb4: {  	s0 =	sadd.s32 s5, s0;
	[sflag:s14] =	ssyncadd.s32 $0xFFFFF400  }
0xb5: {  	[tilespmem:s15], [sflag:$0x3] =	stream.linear.gather [hbm4b:s0+s28], $0xC00, $0x38;
	[tilespmem:$0x1B820] =	vst v63  }
0xb6: {  	_ =	swait.ge [sflag:s14], $0xC00  }
0xb7: {  	[sflag:s14] =	ssyncset.done $0x0  }
0xb8: {  	[sflag:s14] =	ssyncadd.s32 $0xFFFFF400  }
0xb9: {  	[tilespmem:s16], [sflag:$0x1] =	stream.indirect.gather [hbm4b:s2+s15], $0x10, s28, s15, $0xb8;
	[tilespmem:$0x1B820] =	vst v63  }
0xba: {  	_ =	swait.ge [sflag:s22], $0xC000  }
0xbb: {  	[sflag:s22] =	ssyncset.done $0x0  }
0xbc: {  	[sflag:s22] =	ssyncadd.s32 $0xFFFF4000  }
.LBB2_5:
0xbd: {  	s0 =	sshrl.u32 s28, $0x3  }
0xbe: {  	s26 =	sand.u32 $0x7, s28;
	s1 =	smul.u32 $0x180, s0  }
0xbf: {  	s0 =	smul.u32 $0xC, s26;
	_ =	sdelay $0x1  }
0xc0: {  	s30 =	sor.u32 s0, s1  }
0xc1: {  	s1 =	sshll.u32 s30, $0x4;
	v0 =	vld [tilespmem:s30+$0xE410]  }
0xc2: {  	s29 =	sand.u32 $0x3FFFFFC0, s1  }
0xc3: {  	v1 =	vld [tilespmem:s29+$0xF020]  }
0xc4: {  	v2 =	vld [tilespmem:s29+$0xF030]  }
0xc5: {  	v5 =	vld [tilespmem:s29+$0xF040]  }
0xc6: {  	v7 =	vld [tilespmem:s29+$0xF050];
	v3 =	vbroadcast v0, $0x0  }
0xc7: {  	v25 =	vld [tilespmem:s29+$0xF060];
	v6 =	vbroadcast v0, $0x1;
	v8 =	vbroadcast v0, $0x2  }
0xc8: {  	v28 =	vld [tilespmem:s29+$0xF070];
	v9 =	vbroadcast v0, $0x3;
	v31 =	vbroadcast v0, $0x4  }
0xc9: {  	v33 =	vld [tilespmem:s29+$0xF080];
	v34 =	vbroadcast v0, $0x5;
	v40 =	vbroadcast v0, $0x6  }
0xca: {  	v37 =	vld [tilespmem:s29+$0xF090];
	v43 =	vbroadcast v0, $0x7;
	v49 =	vbroadcast v0, $0x8  }
0xcb: {  	v42 =	vld [tilespmem:s29+$0xF0A0];
	v52 =	vbroadcast v0, $0x9;
	v58 =	vbroadcast v0, $0xA  }
0xcc: {  	v46 =	vld [tilespmem:s29+$0xF0B0];
	v0 =	vbroadcast v0, $0xB;
	v4 =	vshll.u32 v1, $0x10;
	v1 =	vand.u32 $0xFFFF0000, v1  }
0xcd: {  	v51 =	vld [tilespmem:s29+$0xF0C0];
	v23 =	vshll.u32 v2, $0x10;
	v2 =	vand.u32 $0xFFFF0000, v2;
	v24 =	vshll.u32 v5, $0x10  }
0xce: {  	v55 =	vld [tilespmem:s29+$0xF0D0];
	v5 =	vand.u32 $0xFFFF0000, v5;
	v27 =	vshll.u32 v7, $0x10;
	v30 =	vand.u32 $0xFFFF0000, v7  }
0xcf: {  	v32 =	vshll.u32 v25, $0x10;
	v36 =	vshll.u32 v28, $0x10;
	v39 =	vand.u32 $0xFFFF0000, v28  }
0xd0: {  	s31 =	sadd.s32 $0x60, s30;
	v63 =	vld [tilespmem:s29+$0xF630];
	v41 =	vshll.u32 v33, $0x10;
	v7 =	vand.u32 $0xFFFF0000, v33;
	v45 =	vshll.u32 v37, $0x10  }
0xd1: {  	s1 =	sshll.u32 s31, $0x4;
	v48 =	vand.u32 $0xFFFF0000, v37;
	v50 =	vshll.u32 v42, $0x10;
	v54 =	vshll.u32 v46, $0x10  }
0xd2: {  	s1 =	sand.u32 $0x3FFFFFC0, s1;
	v14 =	vld [tilespmem:s29+$0xF640];
	v57 =	vand.u32 $0xFFFF0000, v46;
	v59 =	vshll.u32 v51, $0x10;
	v4 =	vmul.f32 v4, v3  }
0xd3: {  	v60 =	vld [tilespmem:s1+$0xF020];
	v62 =	vshll.u32 v55, $0x10;
	v1 =	vmul.f32 v1, v3;
	v3 =	vmul.f32 v23, v6  }
0xd4: {  	v19 =	vld [tilespmem:s29+$0xF650];
	v11 =	vand.u32 $0xFFFF0000, v55;
	v2 =	vmul.f32 v2, v6;
	v26 =	vmul.f32 v5, v8  }
0xd5: {  	v18 =	vshll.u32 v63, $0x10;
	v29 =	vmul.f32 v27, v9;
	v38 =	vmul.f32 v36, v34  }
0xd6: {  	v21 =	vand.u32 $0xFFFF0000, v63;
	v28 =	vld [tilespmem:s29+$0xF670];
	v44 =	vmul.f32 v7, v40;
	v47 =	vmul.f32 v45, v43  }
0xd7: {  	v37 =	vld [tilespmem:s29+$0xF690];
	v6 =	vand.u32 $0xFFFF0000, v25;
	v56 =	vmul.f32 v54, v52;
	v10 =	vmul.f32 v62, v0  }
0xd8: {  	v46 =	vld [tilespmem:s29+$0xF6B0];
	v0 =	vmul.f32 v11, v0;
	v13 =	vshll.u32 v60, $0x10;
	v15 =	vand.u32 $0xFFFF0000, v60  }
0xd9: {  	s0 =	sand.u32 $0x4, s0;
	s9 =	sand.u32 $0x1FF8, s31;
	v55 =	vld [tilespmem:s29+$0xF6D0];
	v23 =	vshll.u32 v14, $0x10;
	v27 =	vshll.u32 v19, $0x10;
	v4 =	vadd.f32 $0.0e+00, v4  }
0xda: {  	s9 =	sor.u32 s0, s9;
	v35 =	vmul.f32 v6, v31;
	v6 =	vand.u32 $0xFFFF0000, v51;
	v1 =	vadd.f32 $0.0e+00, v1  }
0xdb: {  	v7 =	vld [tilespmem:s9+$0xE410];
	v61 =	vmul.f32 v6, v58;
	v3 =	vadd.f32 v3, v4;
	v4 =	vmul.f32 v24, v8  }
0xdc: {  	v1 =	vadd.f32 v2, v1;
	v2 =	vmul.f32 v30, v9;
	v8 =	vand.u32 $0xFFFF0000, v42  }
0xdd: {  	s1 =	sadd.s32 $0xC0, s30;
	v33 =	vld [tilespmem:s29+$0xF680];
	v30 =	vand.u32 $0xFFFF0000, v19;
	v36 =	vshll.u32 v28, $0x10;
	v45 =	vshll.u32 v37, $0x10  }
0xde: {  	s31 =	sand.u32 $0x1FF8, s1;
	s1 =	sshll.u32 s1, $0x4;
	v54 =	vshll.u32 v46, $0x10;
	v62 =	vshll.u32 v55, $0x10;
	v3 =	vadd.f32 v4, v3  }
0xdf: {  	s1 =	sand.u32 $0x3FFFFFC0, s1;
	v11 =	vand.u32 $0xFFFF0000, v55;
	v53 =	vmul.f32 v8, v49;
	v1 =	vadd.f32 v26, v1  }
0xe0: {  	v60 =	vld [tilespmem:s1+$0xF020];
	v12 =	vbroadcast v7, $0x0;
	v4 =	vmul.f32 v32, v31;
	v3 =	vadd.f32 v29, v3  }
0xe1: {  	v63 =	vld [tilespmem:s29+$0xFC30];
	v16 =	vbroadcast v7, $0x1;
	v22 =	vbroadcast v7, $0x2;
	v1 =	vadd.f32 v2, v1  }
0xe2: {  	v25 =	vbroadcast v7, $0x3;
	v8 =	vand.u32 $0xFFFF0000, v33;
	v3 =	vadd.f32 v4, v3  }
0xe3: {  	v24 =	vld [tilespmem:s29+$0xF660];
	v31 =	vbroadcast v7, $0x4;
	v2 =	vmul.f32 v39, v34;
	v1 =	vadd.f32 v35, v1  }
0xe4: {  	v42 =	vld [tilespmem:s29+$0xF6A0];
	v17 =	vmul.f32 v15, v12;
	v4 =	vmul.f32 v41, v40;
	v3 =	vadd.f32 v38, v3  }
0xe5: {  	v19 =	vld [tilespmem:s29+$0xFC50];
	v20 =	vmul.f32 v18, v16;
	v15 =	vand.u32 $0xFFFF0000, v60;
	v1 =	vadd.f32 v2, v1  }
0xe6: {  	v18 =	vshll.u32 v63, $0x10;
	v29 =	vmul.f32 v27, v25;
	v3 =	vadd.f32 v4, v3  }
0xe7: {  	v34 =	vbroadcast v7, $0x5;
	v2 =	vmul.f32 v48, v43;
	v1 =	vadd.f32 v44, v1  }
0xe8: {  	v51 =	vld [tilespmem:s29+$0xF6C0];
	v39 =	vand.u32 $0xFFFF0000, v28;
	v4 =	vmul.f32 v50, v49;
	v3 =	vadd.f32 v47, v3  }
0xe9: {  	v32 =	vshll.u32 v24, $0x10;
	v6 =	vand.u32 $0xFFFF0000, v24;
	v1 =	vadd.f32 v2, v1  }
0xea: {  	v28 =	vld [tilespmem:s29+$0xFC70];
	v5 =	vand.u32 $0xFFFF0000, v42;
	v27 =	vshll.u32 v19, $0x10;
	v3 =	vadd.f32 v4, v3  }
0xeb: {  	v35 =	vmul.f32 v6, v31;
	v2 =	vmul.f32 v57, v52;
	v1 =	vadd.f32 v53, v1  }
0xec: {  	v40 =	vbroadcast v7, $0x6;
	v4 =	vmul.f32 v59, v58;
	v3 =	vadd.f32 v56, v3  }
0xed: {  	v41 =	vshll.u32 v33, $0x10;
	v6 =	vand.u32 $0xFFFF0000, v51;
	v1 =	vadd.f32 v2, v1  }
0xee: {  	v38 =	vmul.f32 v36, v34;
	v43 =	vbroadcast v7, $0x7;
	v3 =	vadd.f32 v4, v3  }
0xef: {  	v48 =	vand.u32 $0xFFFF0000, v37;
	v36 =	vshll.u32 v28, $0x10;
	v1 =	vadd.f32 v61, v1  }
0xf0: {  	v37 =	vld [tilespmem:s29+$0xFC90];
	v44 =	vmul.f32 v8, v40;
	v2 =	vmul.f32 v13, v12;
	v3 =	vadd.f32 v10, v3  }
0xf1: {  	v49 =	vbroadcast v7, $0x8;
	v50 =	vshll.u32 v42, $0x10;
	v0 =	vadd.f32 v0, v1  }
0xf2: {  	v47 =	vmul.f32 v45, v43;
	v52 =	vbroadcast v7, $0x9;
	v2 =	vadd.f32 v2, v3  }
0xf3: {  	s9 =	sor.u32 s0, s31;
	v57 =	vand.u32 $0xFFFF0000, v46;
	v1 =	vmul.f32 v21, v16;
	v0 =	vadd.f32 v17, v0  }
0xf4: {  	v8 =	vld [tilespmem:s9+$0xE410];
	v4 =	vand.u32 $0xFFFF0000, v14;
	v3 =	vmul.f32 v23, v22;
	v2 =	vadd.f32 v20, v2  }
0xf5: {  	v46 =	vld [tilespmem:s29+$0xFCB0];
	v45 =	vshll.u32 v37, $0x10;
	v26 =	vmul.f32 v4, v22;
	v0 =	vadd.f32 v1, v0  }
0xf6: {  	v53 =	vmul.f32 v5, v49;
	v58 =	vbroadcast v7, $0xA;
	v2 =	vadd.f32 v3, v2  }
0xf7: {  	v24 =	vld [tilespmem:s29+$0xFC60];
	v59 =	vshll.u32 v51, $0x10;
	v1 =	vmul.f32 v30, v25;
	v0 =	vadd.f32 v26, v0  }
0xf8: {  	s30 =	sadd.s32 $0x120, s30;
	v7 =	vbroadcast v7, $0xB;
	v3 =	vmul.f32 v32, v31;
	v2 =	vadd.f32 v29, v2  }
0xf9: {  	s1 =	sshll.u32 s30, $0x4;
	v55 =	vld [tilespmem:s29+$0xFCD0];
	v56 =	vmul.f32 v54, v52;
	v12 =	vbroadcast v8, $0x0;
	v0 =	vadd.f32 v1, v0  }
0xfa: {  	s9 =	sand.u32 $0x3FFFFFC0, s1;
	v13 =	vshll.u32 v60, $0x10;
	v54 =	vshll.u32 v46, $0x10;
	v2 =	vadd.f32 v3, v2  }
0xfb: {  	v60 =	vld [tilespmem:s9+$0xF020];
	v61 =	vmul.f32 v6, v58;
	v1 =	vmul.f32 v39, v34;
	v0 =	vadd.f32 v35, v0  }
0xfc: {  	v14 =	vld [tilespmem:s29+$0xFC40];
	v6 =	vand.u32 $0xFFFF0000, v24;
	v3 =	vmul.f32 v41, v40;
	v2 =	vadd.f32 v38, v2  }
0xfd: {  	v10 =	vmul.f32 v62, v7;
	v16 =	vbroadcast v8, $0x1;
	v0 =	vadd.f32 v1, v0  }
0xfe: {  	v21 =	vand.u32 $0xFFFF0000, v63;
	v62 =	vshll.u32 v55, $0x10;
	v2 =	vadd.f32 v3, v2  }
0xff: {  	v17 =	vmul.f32 v15, v12;
	v1 =	vmul.f32 v48, v43;
	v0 =	vadd.f32 v44, v0  }
0x100: {  	v63 =	vld [tilespmem:s29+$0x10230];
	v22 =	vbroadcast v8, $0x2;
	v3 =	vmul.f32 v50, v49;
	v2 =	vadd.f32 v47, v2  }
0x101: {  	v15 =	vand.u32 $0xFFFF0000, v60;
	v23 =	vshll.u32 v14, $0x10;
	v0 =	vadd.f32 v1, v0  }
0x102: {  	v42 =	vld [tilespmem:s29+$0xFCA0];
	v5 =	vand.u32 $0xFFFF0000, v14;
	v20 =	vmul.f32 v18, v16;
	v2 =	vadd.f32 v3, v2  }
0x103: {  	v25 =	vbroadcast v8, $0x3;
	v1 =	vmul.f32 v57, v52;
	v0 =	vadd.f32 v53, v0  }
0x104: {  	v30 =	vand.u32 $0xFFFF0000, v19;
	v3 =	vmul.f32 v59, v58;
	v2 =	vadd.f32 v56, v2  }
0x105: {  	v19 =	vld [tilespmem:s29+$0x10250];
	v18 =	vshll.u32 v63, $0x10;
	v26 =	vmul.f32 v5, v22;
	v0 =	vadd.f32 v1, v0  }
0x106: {  	v31 =	vbroadcast v8, $0x4;
	v32 =	vshll.u32 v24, $0x10;
	v2 =	vadd.f32 v3, v2  }
0x107: {  	v33 =	vld [tilespmem:s29+$0xFC80];
	v5 =	vand.u32 $0xFFFF0000, v42;
	v1 =	vmul.f32 v11, v7;
	v0 =	vadd.f32 v61, v0  }
0x108: {  	v51 =	vld [tilespmem:s29+$0xFCC0];
	v29 =	vmul.f32 v27, v25;
	v3 =	vmul.f32 v13, v12;
	v2 =	vadd.f32 v10, v2  }
0x109: {  	v34 =	vbroadcast v8, $0x5;
	v39 =	vand.u32 $0xFFFF0000, v28;
	v0 =	vadd.f32 v1, v0  }
0x10a: {  	v28 =	vld [tilespmem:s29+$0x10270];
	v27 =	vshll.u32 v19, $0x10;
	v35 =	vmul.f32 v6, v31;
	v2 =	vadd.f32 v3, v2  }
0x10b: {  	v40 =	vbroadcast v8, $0x6;
	v1 =	vmul.f32 v21, v16;
	v0 =	vadd.f32 v17, v0  }
0x10c: {  	v41 =	vshll.u32 v33, $0x10;
	v3 =	vmul.f32 v23, v22;
	v2 =	vadd.f32 v20, v2  }
0x10d: {  	v6 =	vand.u32 $0xFFFF0000, v51;
	v38 =	vmul.f32 v36, v34;
	v0 =	vadd.f32 v1, v0  }
0x10e: {  	v43 =	vbroadcast v8, $0x7;
	v48 =	vand.u32 $0xFFFF0000, v37;
	v37 =	vld [tilespmem:s29+$0x10290];
	v2 =	vadd.f32 v3, v2  }
0x10f: {  	v36 =	vshll.u32 v28, $0x10;
	v1 =	vmul.f32 v30, v25;
	v0 =	vadd.f32 v26, v0  }
0x110: {  	v49 =	vbroadcast v8, $0x8;
	v3 =	vmul.f32 v32, v31;
	v2 =	vadd.f32 v29, v2  }
0x111: {  	v50 =	vshll.u32 v42, $0x10;
	v47 =	vmul.f32 v45, v43;
	v0 =	vadd.f32 v1, v0  }
0x112: {  	v52 =	vbroadcast v8, $0x9;
	v57 =	vand.u32 $0xFFFF0000, v46;
	v2 =	vadd.f32 v3, v2  }
0x113: {  	v14 =	vld [tilespmem:s29+$0x10240];
	v45 =	vshll.u32 v37, $0x10;
	v1 =	vmul.f32 v39, v34;
	v0 =	vadd.f32 v35, v0  }
0x114: {  	v7 =	vand.u32 $0xFFFF0000, v33;
	v3 =	vmul.f32 v41, v40;
	v2 =	vadd.f32 v38, v2  }
0x115: {  	v46 =	vld [tilespmem:s29+$0x102B0];
	v53 =	vmul.f32 v5, v49;
	v44 =	vmul.f32 v7, v40;
	v0 =	vadd.f32 v1, v0  }
0x116: {  	v58 =	vbroadcast v8, $0xA;
	v59 =	vshll.u32 v51, $0x10;
	v2 =	vadd.f32 v3, v2  }
0x117: {  	s31 =	sand.u32 $0x1FF8, s30;
	v24 =	vld [tilespmem:s29+$0x10260];
	v8 =	vbroadcast v8, $0xB;
	v1 =	vmul.f32 v48, v43;
	v0 =	vadd.f32 v44, v0  }
0x118: {  	s0 =	sor.u32 s0, s31;
	v5 =	vand.u32 $0xFFFF0000, v14;
	v3 =	vmul.f32 v50, v49;
	v2 =	vadd.f32 v47, v2  }
0x119: {  	v56 =	vmul.f32 v54, v52;
	v11 =	vand.u32 $0xFFFF0000, v55;
	v7 =	vld [tilespmem:s0+$0xE410];
	v0 =	vadd.f32 v1, v0  }
0x11a: {  	v54 =	vshll.u32 v46, $0x10;
	v61 =	vmul.f32 v6, v58;
	v2 =	vadd.f32 v3, v2  }
0x11b: {  	v13 =	vshll.u32 v60, $0x10;
	v1 =	vmul.f32 v57, v52;
	v0 =	vadd.f32 v53, v0  }
0x11c: {  	v6 =	vand.u32 $0xFFFF0000, v24;
	v3 =	vmul.f32 v59, v58;
	v2 =	vadd.f32 v56, v2  }
0x11d: {  	v10 =	vmul.f32 v62, v8;
	v21 =	vand.u32 $0xFFFF0000, v63;
	v0 =	vadd.f32 v1, v0  }
0x11e: {  	v12 =	vbroadcast v7, $0x0;
	v16 =	vbroadcast v7, $0x1;
	v2 =	vadd.f32 v3, v2  }
0x11f: {  	v22 =	vbroadcast v7, $0x2;
	v1 =	vmul.f32 v11, v8;
	v0 =	vadd.f32 v61, v0  }
0x120: {  	v42 =	vld [tilespmem:s29+$0x102A0];
	v23 =	vshll.u32 v14, $0x10;
	v3 =	vmul.f32 v13, v12;
	v2 =	vadd.f32 v10, v2  }
0x121: {  	v17 =	vmul.f32 v15, v12;
	v20 =	vmul.f32 v18, v16;
	v0 =	vadd.f32 v1, v0  }
0x122: {  	v25 =	vbroadcast v7, $0x3;
	v30 =	vand.u32 $0xFFFF0000, v19;
	v2 =	vadd.f32 v3, v2  }
0x123: {  	v26 =	vmul.f32 v5, v22;
	v1 =	vmul.f32 v21, v16;
	v0 =	vadd.f32 v17, v0  }
0x124: {  	v33 =	vld [tilespmem:s29+$0x10280];
	v31 =	vbroadcast v7, $0x4;
	v3 =	vmul.f32 v23, v22;
	v2 =	vadd.f32 v20, v2  }
0x125: {  	v51 =	vld [tilespmem:s29+$0x102C0];
	v32 =	vshll.u32 v24, $0x10;
	v5 =	vand.u32 $0xFFFF0000, v42;
	v0 =	vadd.f32 v1, v0  }
0x126: {  	v29 =	vmul.f32 v27, v25;
	v34 =	vbroadcast v7, $0x5;
	v2 =	vadd.f32 v3, v2  }
0x127: {  	v39 =	vand.u32 $0xFFFF0000, v28;
	v1 =	vmul.f32 v30, v25;
	v0 =	vadd.f32 v26, v0  }
0x128: {  	v35 =	vmul.f32 v6, v31;
	v3 =	vmul.f32 v32, v31;
	v2 =	vadd.f32 v29, v2  }
0x129: {  	v40 =	vbroadcast v7, $0x6;
	v41 =	vshll.u32 v33, $0x10;
	v0 =	vadd.f32 v1, v0  }
0x12a: {  	v6 =	vand.u32 $0xFFFF0000, v51;
	v38 =	vmul.f32 v36, v34;
	v2 =	vadd.f32 v3, v2  }
0x12b: {  	v43 =	vbroadcast v7, $0x7;
	v1 =	vmul.f32 v39, v34;
	v0 =	vadd.f32 v35, v0  }
0x12c: {  	v8 =	vand.u32 $0xFFFF0000, v33;
	v3 =	vmul.f32 v41, v40;
	v2 =	vadd.f32 v38, v2  }
0x12d: {  	v48 =	vand.u32 $0xFFFF0000, v37;
	v44 =	vmul.f32 v8, v40;
	v0 =	vadd.f32 v1, v0  }
0x12e: {  	v49 =	vbroadcast v7, $0x8;
	v47 =	vmul.f32 v45, v43;
	v2 =	vadd.f32 v3, v2  }
0x12f: {  	v50 =	vshll.u32 v42, $0x10;
	v1 =	vmul.f32 v48, v43;
	v0 =	vadd.f32 v44, v0  }
0x130: {  	v55 =	vld [tilespmem:s29+$0x102D0];
	v52 =	vbroadcast v7, $0x9;
	v3 =	vmul.f32 v50, v49;
	v2 =	vadd.f32 v47, v2  }
0x131: {  	v57 =	vand.u32 $0xFFFF0000, v46;
	v53 =	vmul.f32 v5, v49;
	v0 =	vadd.f32 v1, v0  }
0x132: {  	v58 =	vbroadcast v7, $0xA;
	v56 =	vmul.f32 v54, v52;
	v2 =	vadd.f32 v3, v2  }
0x133: {  	v59 =	vshll.u32 v51, $0x10;
	v1 =	vmul.f32 v57, v52;
	v0 =	vadd.f32 v53, v0  }
0x134: {  	v7 =	vbroadcast v7, $0xB;
	v3 =	vmul.f32 v59, v58;
	v2 =	vadd.f32 v56, v2  }
0x135: {  	v60 =	vmul.f32 v6, v58;
	v61 =	vshll.u32 v55, $0x10;
	v0 =	vadd.f32 v1, v0  }
0x136: {  	p0 =	sne.s32 s28, $0x3F;
	v62 =	vand.u32 $0xFFFF0000, v55;
	v4 =	vmul.f32 v61, v7;
	v2 =	vadd.f32 v3, v2  }
.Ltmp1:
0x137: {  	s30 =	sshll.u32 s28, $0x5;
	v63 =	vmul.f32 v62, v7;
	v0 =	vadd.f32 v60, v0;
	(pc) =	sbr.rel @p0 .LBB2_5-.Ltmp1, $4  }
0x138: {  	s31 =	sshll.u32 s26, $0x5;
	s0 =	sand.u32 $0x3FFFFF00, s30;
	v2 =	vadd.f32 v4, v2  }
0x139: {  	s0 =	sor.u32 s31, s0;
	v0 =	vadd.f32 v63, v0  }
0x13a: {  	s1 =	sadd.s32 $0x1B020, s0;
	[tilespmem:s0+$0x1B020] =	vst v2  }
0x13b: {  	s28 =	sadd.s32 $0x1, s28;
	[tilespmem:s1+$0x10] =	vst v0  }
0x13c: {  	s0 =	sshll.u32 s25, $0x5;
	s24 =	sadd.s32 $0x1, s24  }
0x13d: {  	s0 =	sand.u32 $0x1FFFFF00, s0;
	p0 =	sne.s32 s24, $0x33  }
.Ltmp2:
0x13e: {  	s0 =	sadd.s32 s7, s0;
	(pc) =	sbr.rel @p0 .LBB2_2-.Ltmp2, $4  }
0x13f: {  	[hbm4b:s0+s3] =	stream.linear.scatter [tilespmem:s21], [sflag:$0x3], $0x800, $0x38;
	[tilespmem:$0x1B820] =	vst v63  }
0x140: {  	_ =	swait.ge [sflag:s14], $0x800  }
0x141: {  	[sflag:s14] =	ssyncset.done $0x0  }
0x142: {  	[sflag:s14] =	ssyncadd.s32 $0xFFFFF800  }
0x143: {  	_ =	swait.ge [sflag:s20], $0xC000  }
0x144: {  	[sflag:s20] =	ssyncset.done $0x0  }
0x145: {  	s24 =	simm.s32 $0x0;
	[sflag:s20] =	ssyncadd.s32 $0xFFFF4000  }
.LBB2_8:
0x146: {  	s0 =	sshrl.u32 s24, $0x3  }
0x147: {  	s25 =	sand.u32 $0x7, s24;
	s1 =	smul.u32 $0x180, s0  }
0x148: {  	s30 =	smul.u32 $0xC, s25;
	_ =	sdelay $0x1  }
0x149: {  	s28 =	sor.u32 s30, s1  }
0x14a: {  	s1 =	sshll.u32 s28, $0x4;
	v0 =	vld [tilespmem:s28+$0xC00]  }
0x14b: {  	s26 =	sand.u32 $0x3FFFFFC0, s1  }
0x14c: {  	v1 =	vld [tilespmem:s26+$0x1810]  }
0x14d: {  	v2 =	vld [tilespmem:s26+$0x1820]  }
0x14e: {  	v5 =	vld [tilespmem:s26+$0x1830]  }
0x14f: {  	v7 =	vld [tilespmem:s26+$0x1840];
	v3 =	vbroadcast v0, $0x0  }
0x150: {  	v25 =	vld [tilespmem:s26+$0x1850];
	v6 =	vbroadcast v0, $0x1;
	v8 =	vbroadcast v0, $0x2  }
0x151: {  	v28 =	vld [tilespmem:s26+$0x1860];
	v9 =	vbroadcast v0, $0x3;
	v31 =	vbroadcast v0, $0x4  }
0x152: {  	v33 =	vld [tilespmem:s26+$0x1870];
	v34 =	vbroadcast v0, $0x5;
	v40 =	vbroadcast v0, $0x6  }
0x153: {  	v37 =	vld [tilespmem:s26+$0x1880];
	v43 =	vbroadcast v0, $0x7;
	v49 =	vbroadcast v0, $0x8  }
0x154: {  	v42 =	vld [tilespmem:s26+$0x1890];
	v52 =	vbroadcast v0, $0x9;
	v58 =	vbroadcast v0, $0xA  }
0x155: {  	v46 =	vld [tilespmem:s26+$0x18A0];
	v0 =	vbroadcast v0, $0xB;
	v4 =	vshll.u32 v1, $0x10;
	v1 =	vand.u32 $0xFFFF0000, v1  }
0x156: {  	v51 =	vld [tilespmem:s26+$0x18B0];
	v23 =	vshll.u32 v2, $0x10;
	v2 =	vand.u32 $0xFFFF0000, v2;
	v24 =	vshll.u32 v5, $0x10  }
0x157: {  	v55 =	vld [tilespmem:s26+$0x18C0];
	v5 =	vand.u32 $0xFFFF0000, v5;
	v27 =	vshll.u32 v7, $0x10;
	v30 =	vand.u32 $0xFFFF0000, v7  }
0x158: {  	v32 =	vshll.u32 v25, $0x10;
	v36 =	vshll.u32 v28, $0x10;
	v39 =	vand.u32 $0xFFFF0000, v28  }
0x159: {  	s31 =	sadd.s32 $0x60, s28;
	v63 =	vld [tilespmem:s26+$0x1E20];
	v41 =	vshll.u32 v33, $0x10;
	v7 =	vand.u32 $0xFFFF0000, v33;
	v45 =	vshll.u32 v37, $0x10  }
0x15a: {  	s1 =	sshll.u32 s31, $0x4;
	v48 =	vand.u32 $0xFFFF0000, v37;
	v50 =	vshll.u32 v42, $0x10;
	v54 =	vshll.u32 v46, $0x10  }
0x15b: {  	s1 =	sand.u32 $0x3FFFFFC0, s1;
	v14 =	vld [tilespmem:s26+$0x1E30];
	v57 =	vand.u32 $0xFFFF0000, v46;
	v59 =	vshll.u32 v51, $0x10;
	v4 =	vmul.f32 v4, v3  }
0x15c: {  	v60 =	vld [tilespmem:s1+$0x1810];
	v62 =	vshll.u32 v55, $0x10;
	v1 =	vmul.f32 v1, v3;
	v3 =	vmul.f32 v23, v6  }
0x15d: {  	v19 =	vld [tilespmem:s26+$0x1E40];
	v11 =	vand.u32 $0xFFFF0000, v55;
	v2 =	vmul.f32 v2, v6;
	v26 =	vmul.f32 v5, v8  }
0x15e: {  	v18 =	vshll.u32 v63, $0x10;
	v29 =	vmul.f32 v27, v9;
	v38 =	vmul.f32 v36, v34  }
0x15f: {  	v21 =	vand.u32 $0xFFFF0000, v63;
	v28 =	vld [tilespmem:s26+$0x1E60];
	v44 =	vmul.f32 v7, v40;
	v47 =	vmul.f32 v45, v43  }
0x160: {  	v37 =	vld [tilespmem:s26+$0x1E80];
	v6 =	vand.u32 $0xFFFF0000, v25;
	v56 =	vmul.f32 v54, v52;
	v10 =	vmul.f32 v62, v0  }
0x161: {  	v46 =	vld [tilespmem:s26+$0x1EA0];
	v0 =	vmul.f32 v11, v0;
	v13 =	vshll.u32 v60, $0x10;
	v15 =	vand.u32 $0xFFFF0000, v60  }
0x162: {  	s0 =	sand.u32 $0x4, s30;
	s9 =	sand.u32 $0x1FF8, s31;
	v55 =	vld [tilespmem:s26+$0x1EC0];
	v23 =	vshll.u32 v14, $0x10;
	v27 =	vshll.u32 v19, $0x10;
	v4 =	vadd.f32 $0.0e+00, v4  }
0x163: {  	s9 =	sor.u32 s0, s9;
	v35 =	vmul.f32 v6, v31;
	v6 =	vand.u32 $0xFFFF0000, v51;
	v1 =	vadd.f32 $0.0e+00, v1  }
0x164: {  	v7 =	vld [tilespmem:s9+$0xC00];
	v61 =	vmul.f32 v6, v58;
	v3 =	vadd.f32 v3, v4;
	v4 =	vmul.f32 v24, v8  }
0x165: {  	v1 =	vadd.f32 v2, v1;
	v2 =	vmul.f32 v30, v9;
	v8 =	vand.u32 $0xFFFF0000, v42  }
0x166: {  	s29 =	sadd.s32 $0xC0, s28;
	v33 =	vld [tilespmem:s26+$0x1E70];
	v30 =	vand.u32 $0xFFFF0000, v19;
	v36 =	vshll.u32 v28, $0x10;
	v45 =	vshll.u32 v37, $0x10  }
0x167: {  	s1 =	sshll.u32 s29, $0x4;
	v54 =	vshll.u32 v46, $0x10;
	v62 =	vshll.u32 v55, $0x10;
	v3 =	vadd.f32 v4, v3  }
0x168: {  	s1 =	sand.u32 $0x3FFFFFC0, s1;
	v11 =	vand.u32 $0xFFFF0000, v55;
	v53 =	vmul.f32 v8, v49;
	v1 =	vadd.f32 v26, v1  }
0x169: {  	v60 =	vld [tilespmem:s1+$0x1810];
	v12 =	vbroadcast v7, $0x0;
	v4 =	vmul.f32 v32, v31;
	v3 =	vadd.f32 v29, v3  }
0x16a: {  	v63 =	vld [tilespmem:s26+$0x2420];
	v16 =	vbroadcast v7, $0x1;
	v22 =	vbroadcast v7, $0x2;
	v1 =	vadd.f32 v2, v1  }
0x16b: {  	v25 =	vbroadcast v7, $0x3;
	v8 =	vand.u32 $0xFFFF0000, v33;
	v3 =	vadd.f32 v4, v3  }
0x16c: {  	v24 =	vld [tilespmem:s26+$0x1E50];
	v31 =	vbroadcast v7, $0x4;
	v2 =	vmul.f32 v39, v34;
	v1 =	vadd.f32 v35, v1  }
0x16d: {  	v42 =	vld [tilespmem:s26+$0x1E90];
	v17 =	vmul.f32 v15, v12;
	v4 =	vmul.f32 v41, v40;
	v3 =	vadd.f32 v38, v3  }
0x16e: {  	v19 =	vld [tilespmem:s26+$0x2440];
	v20 =	vmul.f32 v18, v16;
	v15 =	vand.u32 $0xFFFF0000, v60;
	v1 =	vadd.f32 v2, v1  }
0x16f: {  	v18 =	vshll.u32 v63, $0x10;
	v29 =	vmul.f32 v27, v25;
	v3 =	vadd.f32 v4, v3  }
0x170: {  	v34 =	vbroadcast v7, $0x5;
	v2 =	vmul.f32 v48, v43;
	v1 =	vadd.f32 v44, v1  }
0x171: {  	v51 =	vld [tilespmem:s26+$0x1EB0];
	v39 =	vand.u32 $0xFFFF0000, v28;
	v4 =	vmul.f32 v50, v49;
	v3 =	vadd.f32 v47, v3  }
0x172: {  	v32 =	vshll.u32 v24, $0x10;
	v6 =	vand.u32 $0xFFFF0000, v24;
	v1 =	vadd.f32 v2, v1  }
0x173: {  	v28 =	vld [tilespmem:s26+$0x2460];
	v5 =	vand.u32 $0xFFFF0000, v42;
	v27 =	vshll.u32 v19, $0x10;
	v3 =	vadd.f32 v4, v3  }
0x174: {  	v35 =	vmul.f32 v6, v31;
	v2 =	vmul.f32 v57, v52;
	v1 =	vadd.f32 v53, v1  }
0x175: {  	v40 =	vbroadcast v7, $0x6;
	v4 =	vmul.f32 v59, v58;
	v3 =	vadd.f32 v56, v3  }
0x176: {  	v41 =	vshll.u32 v33, $0x10;
	v6 =	vand.u32 $0xFFFF0000, v51;
	v1 =	vadd.f32 v2, v1  }
0x177: {  	v38 =	vmul.f32 v36, v34;
	v43 =	vbroadcast v7, $0x7;
	v3 =	vadd.f32 v4, v3  }
0x178: {  	v48 =	vand.u32 $0xFFFF0000, v37;
	v36 =	vshll.u32 v28, $0x10;
	v1 =	vadd.f32 v61, v1  }
0x179: {  	v37 =	vld [tilespmem:s26+$0x2480];
	v44 =	vmul.f32 v8, v40;
	v2 =	vmul.f32 v13, v12;
	v3 =	vadd.f32 v10, v3  }
0x17a: {  	v49 =	vbroadcast v7, $0x8;
	v50 =	vshll.u32 v42, $0x10;
	v0 =	vadd.f32 v0, v1  }
0x17b: {  	s30 =	sand.u32 $0x1FF8, s29;
	v47 =	vmul.f32 v45, v43;
	v52 =	vbroadcast v7, $0x9;
	v2 =	vadd.f32 v2, v3  }
0x17c: {  	s9 =	sor.u32 s0, s30;
	v57 =	vand.u32 $0xFFFF0000, v46;
	v1 =	vmul.f32 v21, v16;
	v0 =	vadd.f32 v17, v0  }
0x17d: {  	v8 =	vld [tilespmem:s9+$0xC00];
	v4 =	vand.u32 $0xFFFF0000, v14;
	v3 =	vmul.f32 v23, v22;
	v2 =	vadd.f32 v20, v2  }
0x17e: {  	v46 =	vld [tilespmem:s26+$0x24A0];
	v45 =	vshll.u32 v37, $0x10;
	v26 =	vmul.f32 v4, v22;
	v0 =	vadd.f32 v1, v0  }
0x17f: {  	v53 =	vmul.f32 v5, v49;
	v58 =	vbroadcast v7, $0xA;
	v2 =	vadd.f32 v3, v2  }
0x180: {  	v24 =	vld [tilespmem:s26+$0x2450];
	v59 =	vshll.u32 v51, $0x10;
	v1 =	vmul.f32 v30, v25;
	v0 =	vadd.f32 v26, v0  }
0x181: {  	s31 =	sadd.s32 $0x120, s28;
	v7 =	vbroadcast v7, $0xB;
	v3 =	vmul.f32 v32, v31;
	v2 =	vadd.f32 v29, v2  }
0x182: {  	s1 =	sshll.u32 s31, $0x4;
	v55 =	vld [tilespmem:s26+$0x24C0];
	v56 =	vmul.f32 v54, v52;
	v12 =	vbroadcast v8, $0x0;
	v0 =	vadd.f32 v1, v0  }
0x183: {  	s29 =	sand.u32 $0x3FFFFFC0, s1;
	v13 =	vshll.u32 v60, $0x10;
	v54 =	vshll.u32 v46, $0x10;
	v2 =	vadd.f32 v3, v2  }
0x184: {  	v60 =	vld [tilespmem:s29+$0x1810];
	v61 =	vmul.f32 v6, v58;
	v1 =	vmul.f32 v39, v34;
	v0 =	vadd.f32 v35, v0  }
0x185: {  	v14 =	vld [tilespmem:s26+$0x2430];
	v6 =	vand.u32 $0xFFFF0000, v24;
	v3 =	vmul.f32 v41, v40;
	v2 =	vadd.f32 v38, v2  }
0x186: {  	v10 =	vmul.f32 v62, v7;
	v16 =	vbroadcast v8, $0x1;
	v0 =	vadd.f32 v1, v0  }
0x187: {  	v21 =	vand.u32 $0xFFFF0000, v63;
	v62 =	vshll.u32 v55, $0x10;
	v2 =	vadd.f32 v3, v2  }
0x188: {  	v17 =	vmul.f32 v15, v12;
	v1 =	vmul.f32 v48, v43;
	v0 =	vadd.f32 v44, v0  }
0x189: {  	v63 =	vld [tilespmem:s26+$0x2A20];
	v22 =	vbroadcast v8, $0x2;
	v3 =	vmul.f32 v50, v49;
	v2 =	vadd.f32 v47, v2  }
0x18a: {  	v15 =	vand.u32 $0xFFFF0000, v60;
	v23 =	vshll.u32 v14, $0x10;
	v0 =	vadd.f32 v1, v0  }
0x18b: {  	v42 =	vld [tilespmem:s26+$0x2490];
	v5 =	vand.u32 $0xFFFF0000, v14;
	v20 =	vmul.f32 v18, v16;
	v2 =	vadd.f32 v3, v2  }
0x18c: {  	v25 =	vbroadcast v8, $0x3;
	v1 =	vmul.f32 v57, v52;
	v0 =	vadd.f32 v53, v0  }
0x18d: {  	v30 =	vand.u32 $0xFFFF0000, v19;
	v3 =	vmul.f32 v59, v58;
	v2 =	vadd.f32 v56, v2  }
0x18e: {  	v19 =	vld [tilespmem:s26+$0x2A40];
	v18 =	vshll.u32 v63, $0x10;
	v26 =	vmul.f32 v5, v22;
	v0 =	vadd.f32 v1, v0  }
0x18f: {  	v31 =	vbroadcast v8, $0x4;
	v32 =	vshll.u32 v24, $0x10;
	v2 =	vadd.f32 v3, v2  }
0x190: {  	v33 =	vld [tilespmem:s26+$0x2470];
	v5 =	vand.u32 $0xFFFF0000, v42;
	v1 =	vmul.f32 v11, v7;
	v0 =	vadd.f32 v61, v0  }
0x191: {  	v51 =	vld [tilespmem:s26+$0x24B0];
	v29 =	vmul.f32 v27, v25;
	v3 =	vmul.f32 v13, v12;
	v2 =	vadd.f32 v10, v2  }
0x192: {  	v34 =	vbroadcast v8, $0x5;
	v39 =	vand.u32 $0xFFFF0000, v28;
	v0 =	vadd.f32 v1, v0  }
0x193: {  	v28 =	vld [tilespmem:s26+$0x2A60];
	v27 =	vshll.u32 v19, $0x10;
	v35 =	vmul.f32 v6, v31;
	v2 =	vadd.f32 v3, v2  }
0x194: {  	v40 =	vbroadcast v8, $0x6;
	v1 =	vmul.f32 v21, v16;
	v0 =	vadd.f32 v17, v0  }
0x195: {  	v41 =	vshll.u32 v33, $0x10;
	v3 =	vmul.f32 v23, v22;
	v2 =	vadd.f32 v20, v2  }
0x196: {  	v6 =	vand.u32 $0xFFFF0000, v51;
	v38 =	vmul.f32 v36, v34;
	v0 =	vadd.f32 v1, v0  }
0x197: {  	v43 =	vbroadcast v8, $0x7;
	v48 =	vand.u32 $0xFFFF0000, v37;
	v37 =	vld [tilespmem:s26+$0x2A80];
	v2 =	vadd.f32 v3, v2  }
0x198: {  	v36 =	vshll.u32 v28, $0x10;
	v1 =	vmul.f32 v30, v25;
	v0 =	vadd.f32 v26, v0  }
0x199: {  	v49 =	vbroadcast v8, $0x8;
	v3 =	vmul.f32 v32, v31;
	v2 =	vadd.f32 v29, v2  }
0x19a: {  	v50 =	vshll.u32 v42, $0x10;
	v47 =	vmul.f32 v45, v43;
	v0 =	vadd.f32 v1, v0  }
0x19b: {  	v52 =	vbroadcast v8, $0x9;
	v57 =	vand.u32 $0xFFFF0000, v46;
	v2 =	vadd.f32 v3, v2  }
0x19c: {  	v14 =	vld [tilespmem:s26+$0x2A30];
	v45 =	vshll.u32 v37, $0x10;
	v1 =	vmul.f32 v39, v34;
	v0 =	vadd.f32 v35, v0  }
0x19d: {  	v7 =	vand.u32 $0xFFFF0000, v33;
	v3 =	vmul.f32 v41, v40;
	v2 =	vadd.f32 v38, v2  }
0x19e: {  	v46 =	vld [tilespmem:s26+$0x2AA0];
	v53 =	vmul.f32 v5, v49;
	v44 =	vmul.f32 v7, v40;
	v0 =	vadd.f32 v1, v0  }
0x19f: {  	v58 =	vbroadcast v8, $0xA;
	v59 =	vshll.u32 v51, $0x10;
	v2 =	vadd.f32 v3, v2  }
0x1a0: {  	s28 =	sand.u32 $0x1FF8, s31;
	v24 =	vld [tilespmem:s26+$0x2A50];
	v8 =	vbroadcast v8, $0xB;
	v1 =	vmul.f32 v48, v43;
	v0 =	vadd.f32 v44, v0  }
0x1a1: {  	s0 =	sor.u32 s0, s28;
	v5 =	vand.u32 $0xFFFF0000, v14;
	v3 =	vmul.f32 v50, v49;
	v2 =	vadd.f32 v47, v2  }
0x1a2: {  	v56 =	vmul.f32 v54, v52;
	v11 =	vand.u32 $0xFFFF0000, v55;
	v7 =	vld [tilespmem:s0+$0xC00];
	v0 =	vadd.f32 v1, v0  }
0x1a3: {  	v54 =	vshll.u32 v46, $0x10;
	v61 =	vmul.f32 v6, v58;
	v2 =	vadd.f32 v3, v2  }
0x1a4: {  	v13 =	vshll.u32 v60, $0x10;
	v1 =	vmul.f32 v57, v52;
	v0 =	vadd.f32 v53, v0  }
0x1a5: {  	v6 =	vand.u32 $0xFFFF0000, v24;
	v3 =	vmul.f32 v59, v58;
	v2 =	vadd.f32 v56, v2  }
0x1a6: {  	v10 =	vmul.f32 v62, v8;
	v21 =	vand.u32 $0xFFFF0000, v63;
	v0 =	vadd.f32 v1, v0  }
0x1a7: {  	v12 =	vbroadcast v7, $0x0;
	v16 =	vbroadcast v7, $0x1;
	v2 =	vadd.f32 v3, v2  }
0x1a8: {  	v22 =	vbroadcast v7, $0x2;
	v1 =	vmul.f32 v11, v8;
	v0 =	vadd.f32 v61, v0  }
0x1a9: {  	v42 =	vld [tilespmem:s26+$0x2A90];
	v23 =	vshll.u32 v14, $0x10;
	v3 =	vmul.f32 v13, v12;
	v2 =	vadd.f32 v10, v2  }
0x1aa: {  	v17 =	vmul.f32 v15, v12;
	v20 =	vmul.f32 v18, v16;
	v0 =	vadd.f32 v1, v0  }
0x1ab: {  	v25 =	vbroadcast v7, $0x3;
	v30 =	vand.u32 $0xFFFF0000, v19;
	v2 =	vadd.f32 v3, v2  }
0x1ac: {  	v26 =	vmul.f32 v5, v22;
	v1 =	vmul.f32 v21, v16;
	v0 =	vadd.f32 v17, v0  }
0x1ad: {  	v33 =	vld [tilespmem:s26+$0x2A70];
	v31 =	vbroadcast v7, $0x4;
	v3 =	vmul.f32 v23, v22;
	v2 =	vadd.f32 v20, v2  }
0x1ae: {  	v51 =	vld [tilespmem:s26+$0x2AB0];
	v32 =	vshll.u32 v24, $0x10;
	v5 =	vand.u32 $0xFFFF0000, v42;
	v0 =	vadd.f32 v1, v0  }
0x1af: {  	v29 =	vmul.f32 v27, v25;
	v34 =	vbroadcast v7, $0x5;
	v2 =	vadd.f32 v3, v2  }
0x1b0: {  	v39 =	vand.u32 $0xFFFF0000, v28;
	v1 =	vmul.f32 v30, v25;
	v0 =	vadd.f32 v26, v0  }
0x1b1: {  	v35 =	vmul.f32 v6, v31;
	v3 =	vmul.f32 v32, v31;
	v2 =	vadd.f32 v29, v2  }
0x1b2: {  	v40 =	vbroadcast v7, $0x6;
	v41 =	vshll.u32 v33, $0x10;
	v0 =	vadd.f32 v1, v0  }
0x1b3: {  	v6 =	vand.u32 $0xFFFF0000, v51;
	v38 =	vmul.f32 v36, v34;
	v2 =	vadd.f32 v3, v2  }
0x1b4: {  	v43 =	vbroadcast v7, $0x7;
	v1 =	vmul.f32 v39, v34;
	v0 =	vadd.f32 v35, v0  }
0x1b5: {  	v8 =	vand.u32 $0xFFFF0000, v33;
	v3 =	vmul.f32 v41, v40;
	v2 =	vadd.f32 v38, v2  }
0x1b6: {  	v48 =	vand.u32 $0xFFFF0000, v37;
	v44 =	vmul.f32 v8, v40;
	v0 =	vadd.f32 v1, v0  }
0x1b7: {  	v49 =	vbroadcast v7, $0x8;
	v47 =	vmul.f32 v45, v43;
	v2 =	vadd.f32 v3, v2  }
0x1b8: {  	v50 =	vshll.u32 v42, $0x10;
	v1 =	vmul.f32 v48, v43;
	v0 =	vadd.f32 v44, v0  }
0x1b9: {  	v55 =	vld [tilespmem:s26+$0x2AC0];
	v52 =	vbroadcast v7, $0x9;
	v3 =	vmul.f32 v50, v49;
	v2 =	vadd.f32 v47, v2  }
0x1ba: {  	v57 =	vand.u32 $0xFFFF0000, v46;
	v53 =	vmul.f32 v5, v49;
	v0 =	vadd.f32 v1, v0  }
0x1bb: {  	v58 =	vbroadcast v7, $0xA;
	v56 =	vmul.f32 v54, v52;
	v2 =	vadd.f32 v3, v2  }
0x1bc: {  	v59 =	vshll.u32 v51, $0x10;
	v1 =	vmul.f32 v57, v52;
	v0 =	vadd.f32 v53, v0  }
0x1bd: {  	v7 =	vbroadcast v7, $0xB;
	v3 =	vmul.f32 v59, v58;
	v2 =	vadd.f32 v56, v2  }
0x1be: {  	v60 =	vmul.f32 v6, v58;
	v61 =	vshll.u32 v55, $0x10;
	v0 =	vadd.f32 v1, v0  }
0x1bf: {  	p0 =	sne.s32 s24, $0x3F;
	v62 =	vand.u32 $0xFFFF0000, v55;
	v4 =	vmul.f32 v61, v7;
	v2 =	vadd.f32 v3, v2  }
.Ltmp3:
0x1c0: {  	s30 =	sshll.u32 s24, $0x5;
	v63 =	vmul.f32 v62, v7;
	v0 =	vadd.f32 v60, v0;
	(pc) =	sbr.rel @p0 .LBB2_8-.Ltmp3, $4  }
0x1c1: {  	s31 =	sshll.u32 s25, $0x5;
	s0 =	sand.u32 $0x3FFFFF00, s30;
	v2 =	vadd.f32 v4, v2  }
0x1c2: {  	s0 =	sor.u32 s31, s0;
	v0 =	vadd.f32 v63, v0  }
0x1c3: {  	s1 =	sadd.s32 $0x1B020, s0;
	[tilespmem:s0+$0x1B020] =	vst v2  }
0x1c4: {  	s24 =	sadd.s32 $0x1, s24;
	[tilespmem:s1+$0x10] =	vst v0  }
0x1c5: {  	s23 =	sadd.s32 $0x1, s23  }
0x1c6: {  	p0 =	sne.s32 s23, s13  }
.Ltmp4:
0x1c7: {  	_ = 	snop;
	(pc) =	sbr.rel @p0 .LBB2_1-.Ltmp4, $4  }
0x1c8: {  	[hbm4b:s12+s3] =	stream.linear.scatter [tilespmem:s21], [sflag:$0x3], $0x800, $0x38;
	[tilespmem:$0x1B820] =	vst v63  }
0x1c9: {  	_ =	swait.ge [sflag:s14], $0x800  }
0x1ca: {  	[sflag:s14] =	ssyncset.done $0x0  }
0x1cb: {  	[sflag:s14] =	ssyncadd.s32 $0xFFFFF800  }
0x1cc: {  	_ =	sfence.sel $0x180000  }
0x1cd: {  	[bflag:$0x0] =	sbarrier.arrive $0xFFFF  }
0x1ce: {  	_ =	strace $0x90000047  }
0x1cf: {  	s0 =	stileid.u32;
	[bflag:$0x2] =	sbarrier.arrive $0xFFFF  }
0x1d0: {  	p0 =	sne.s32 s0, $0x0;
	s0 =	rddreg [dreg:$0x2]  }
0x1d1: {  	s0 =	sadd.s32 @!p0 $0x100000, s0  }
0x1d2: {  	[sflag:s0] =	ssyncadd.tile.s32 @!p0 $0x1;
	_ =	shalt  }
.Lfunc_end2:
_tile_overlayer_lowered:
.L_overlay_start_2:
0x1d3: {  	(tag) =	ssettag $0x2  }
0x1d4: {  	s0 =	rddreg [dreg:$0x0];
	s2 =	stileid.u32  }
0x1d5: {  	s1 =	rddreg [dreg:$0x1];
	p0 =	sne.s32 s2, $0x0  }
0x1d6: {  	s3 =	rddreg [dreg:$0x2];
	[bflag:$0x3] =	sbarrier.arrive $0xFFFF;
	s2 =	simm.s32 @!p0 $0x1C03  }
0x1d7: {  	[timem:s3], [sflag:s2] =	dma.local @!p0 [hbm:s0], s1  }
0x1d8: {  	s0 =	simm.s32 @!p0 $0x3  }
0x1d9: {  	_ =	swait.ge @!p0 [sflag:s0], s1  }
0x1da: {  	s1 =	ssub.s32 @!p0 $0x0, s1;
	[sflag:s0] =	ssyncset.done @!p0 $0x0  }
0x1db: {  	[sflag:s0] =	ssyncadd.s32 @!p0 s1  }
0x1dc: {  	[bflag:$0x3] =	sbarrier.arrive $0xFFFF  }
0x1dd: {  	_ =	shalt  }

</sc_bundles>
